<compile_context>
chip_gen: v7x
topology: tpu7x:2x2x1
jax: 0.10.2.dev20260603
libtpu: 0.0.44.dev20260713+nightly
codegen_flags: <defaults>
</compile_context>

<pallas_src>
import jax
import jax.numpy as jnp
from jax import lax
from jax.experimental import pallas as pl
from jax.experimental.pallas import tpu as pltpu
from jax.experimental.pallas import tpu_sc as plsc

N = 5000
NPAD = 5120
BB_NUM = 100
THR = 0.5
CLIP_MAX = 511.0
B = 4
L = 16
NSL = 8
SL = NPAD // NSL
SCH = SL // L
UNROLL = 8


def _sc_body(c0, c1, r0, r1, r2, r3, a0, a1, a2, a3, out,
             shared,
             c0v, c1v, x0v, y0v, x1v, y1v, a0v, a1v, a2v, a3v, arv,
             scv, pubv, grpv,
             ob0, ob1, ob2, ob3, ob4):
    cid = lax.axis_index("c")
    sid = lax.axis_index("s")
    img = cid * 2 + sid // NSL
    sl = sid % NSL
    gbase = sl * SL
    iota = lax.iota(jnp.int32, L)

    pltpu.sync_copy(c0.at[img, pl.ds(gbase, SL)], c0v)
    pltpu.sync_copy(c1.at[img, pl.ds(gbase, SL)], c1v)
    pltpu.sync_copy(r0.at[img], x0v)
    pltpu.sync_copy(r1.at[img], y0v)
    pltpu.sync_copy(r2.at[img], x1v)
    pltpu.sync_copy(r3.at[img], y1v)
    pltpu.sync_copy(a0, a0v)
    pltpu.sync_copy(a1, a1v)
    pltpu.sync_copy(a2, a2v)
    pltpu.sync_copy(a3, a3v)

    def decode(i, _):
        for u in range(UNROLL):
            k = i * UNROLL + u
            s = pl.ds(k * L, L)
            xmin = jnp.maximum(a0v[s] - x0v[s], 0.0)
            ymin = jnp.maximum(a1v[s] - y0v[s], 0.0)
            xmax = jnp.minimum(a2v[s] + x1v[s], CLIP_MAX)
            ymax = jnp.minimum(a3v[s] + y1v[s], CLIP_MAX)
            x0v[s] = xmin
            y0v[s] = ymin
            x1v[s] = xmax
            y1v[s] = ymax
            arv[s] = (jnp.maximum(xmax - xmin, 0.0)
                      * jnp.maximum(ymax - ymin, 0.0))
        return 0

    lax.fori_loop(0, (NPAD // L) // UNROLL, decode, 0)

    def sinit(i, carry):
        rm, gi = carry
        for u in range(UNROLL):
            k = i * UNROLL + u
            s = pl.ds(k * L, L)
            e0 = jnp.exp(c0v[s])
            e1 = jnp.exp(c1v[s])
            gidx = gbase + k * L + iota
            v = jnp.where(gidx < N, e0 / (e0 + e1), -1.0)
            scv[s] = v
            gt = v > rm
            rm = jnp.where(gt, v, rm)
            gi = jnp.where(gt, gidx, gi)
        return rm, gi

    rm0, gi0 = lax.fori_loop(0, SCH // UNROLL, sinit,
                             (jnp.full((L,), -2.0, jnp.float32),
                              jnp.zeros((L,), jnp.int32)))

    def step(t, carry):
        rm, gi, l0, l1, l2, l3, ls = carry
        m_loc, s_loc = jnp.float32(-2.0), jnp.int32(NPAD)
        for j in range(L):
            v = rm[j]
            g = gi[j]
            better = (v > m_loc) | ((v == m_loc) & (g < s_loc))
            m_loc = jnp.where(better, v, m_loc)
            s_loc = jnp.where(better, g, s_loc)
        pub = jnp.where(iota == 0, m_loc,
                        jnp.where(iota == 1, s_loc.astype(jnp.float32), 0.0))
        pubv[pl.ds(0, L)] = pub
        boff = (t % 2) * (2 * 16 * L)
        pltpu.sync_copy(pubv,
                        shared.at[pl.ds(boff + (cid * 16 + sid) * L, L)])
        plsc.subcore_barrier()
        g0 = boff + (cid * 16 + (sid // NSL) * NSL) * L
        pltpu.sync_copy(shared.at[pl.ds(g0, NSL * L)], grpv)
        m, sel = jnp.float32(-2.0), jnp.int32(NPAD)
        for j in range(NSL):
            row = grpv[pl.ds(j * L, L)]
            v = row[0]
            g = row[1].astype(jnp.int32)
            better = (v > m) | ((v == m) & (g < sel))
            m = jnp.where(better, v, m)
            sel = jnp.where(better, g, sel)
        valid = m >= 0.0
        sel = jnp.minimum(sel, NPAD - 1)
        cb = (sel // L) * L
        lane = sel % L
        csl = pl.ds(cb, L)

        def pick(ref):
            ch = ref[csl]
            b = ch[0]
            for j in range(1, L):
                b = jnp.where(lane == j, ch[j], b)
            return b

        b0 = pick(x0v)
        b1 = pick(y0v)
        b2 = pick(x1v)
        b3 = pick(y1v)
        pa = jnp.maximum(b2 - b0, 0.0) * jnp.maximum(b3 - b1, 0.0)

        def swp(i, carry):
            nrm, ngi = carry
            for u in range(UNROLL):
                k = i * UNROLL + u
                s = pl.ds(k * L, L)
                gs = pl.ds(gbase + k * L, L)
                iw = jnp.minimum(x1v[gs], b2) - jnp.maximum(x0v[gs], b0)
                ih = jnp.minimum(y1v[gs], b3) - jnp.maximum(y0v[gs], b1)
                inter = jnp.maximum(iw, 0.0) * jnp.maximum(ih, 0.0)
                iou = inter / (arv[gs] + pa - inter + 1e-9)
                gidx = gbase + k * L + iota
                v = jnp.where((iou > THR) | (gidx == sel), -1.0, scv[s])
                scv[s] = v
                gt = v > nrm
                nrm = jnp.where(gt, v, nrm)
                ngi = jnp.where(gt, gidx, ngi)
            return nrm, ngi

        rm, gi = lax.fori_loop(0, SCH // UNROLL, swp,
                               (jnp.full((L,), -2.0, jnp.float32),
                                jnp.zeros((L,), jnp.int32)))
        v0 = jnp.where(valid, b0, l0)
        v1 = jnp.where(valid, b1, l1)
        v2 = jnp.where(valid, b2, l2)
        v3 = jnp.where(valid, b3, l3)
        vs = jnp.where(valid, m, ls)
        ob = pl.ds((t // L) * L, L)
        ot = iota == (t % L)
        ob0[ob] = jnp.where(ot, v0, ob0[ob])
        ob1[ob] = jnp.where(ot, v1, ob1[ob])
        ob2[ob] = jnp.where(ot, v2, ob2[ob])
        ob3[ob] = jnp.where(ot, v3, ob3[ob])
        ob4[ob] = jnp.where(ot, vs, ob4[ob])
        return (rm, gi, v0, v1, v2, v3, vs)

    z = jnp.float32(0.0)
    lax.fori_loop(0, BB_NUM, step, (rm0, gi0, z, z, z, z, z))

    @pl.when(sl == 0)
    def _():
        pltpu.sync_copy(ob0, out.at[img * 5 + 0])
        pltpu.sync_copy(ob1, out.at[img * 5 + 1])
        pltpu.sync_copy(ob2, out.at[img * 5 + 2])
        pltpu.sync_copy(ob3, out.at[img * 5 + 3])
        pltpu.sync_copy(ob4, out.at[img * 5 + 4])


_vm = lambda n: pltpu.VMEM((n,), jnp.float32)

_sc_fn = pl.kernel(
    _sc_body,
    out_type=jax.ShapeDtypeStruct((B * 5, 128), jnp.float32),
    mesh=plsc.VectorSubcoreMesh(core_axis_name="c", subcore_axis_name="s"),
    scratch_types=([pltpu.VMEM_SHARED((2 * 2 * 16 * L,), jnp.float32)]
                   + [_vm(SL)] * 2 + [_vm(NPAD)] * 9
                   + [_vm(SL), _vm(L), _vm(NSL * L)] + [_vm(128)] * 5),
)


def kernel(cl, re, anc):
    pad = NPAD - N

    def prep(x):
        return jnp.pad(x, ((0, 0), (0, pad)))

    def prepa(x):
        return jnp.pad(x, (0, pad))

    out = _sc_fn(
        prep(cl[..., 0]), prep(cl[..., 1]),
        prep(re[..., 0]), prep(re[..., 1]),
        prep(re[..., 2]), prep(re[..., 3]),
        prepa(anc[0, :, 0]), prepa(anc[0, :, 1]),
        prepa(anc[0, :, 2]), prepa(anc[0, :, 3])).reshape(B, 5, 128)

    bb = jnp.stack([out[:, 0, :BB_NUM], out[:, 1, :BB_NUM],
                    out[:, 2, :BB_NUM], out[:, 3, :BB_NUM]], axis=-1)
    ffo = out[:, 4, :BB_NUM]
    return bb, ffo

# --- scband reference (transcript-rebuilt; emitter-appended) ---
"""Pipeline reference for scband-box-module-18056042512998 (READ-ONLY COPY).

The authoritative reference and input builder live on the scoring server;
editing this copy changes nothing except your own understanding.
"""

import jax, jax.numpy as jnp
import numpy as np

IM_SIZE = (512, 512)
BB_THR = 0.5
BB_NUM = 100
N_ANCHORS = 5000
BATCH = 4

def setup_inputs(seed: int = 0) -> dict:
    key = jax.random.key(seed)
    k1, k2, k3, k4 = jax.random.split(key, 4)
    cl = jax.random.normal(k1, (BATCH, N_ANCHORS, 2), dtype=jnp.float32)
    re = jax.random.normal(k2, (BATCH, N_ANCHORS, 4), dtype=jnp.float32) * 4.0
    # anchor buffer (self.anc), analogous to generate_reg_coords(cfg): [1, N, 4] valid boxes
    xy1 = jax.random.uniform(k3, (1, N_ANCHORS, 2), minval=0.0, maxval=440.0)
    wh = jax.random.uniform(k4, (1, N_ANCHORS, 2), minval=8.0, maxval=64.0)
    anc = jnp.concatenate([xy1, xy1 + wh], axis=-1).astype(jnp.float32)
    return {"cl": cl, "re": re, "anc": anc}

def _nms_keep(boxes, thr):
    # greedy NMS on score-sorted boxes; returns bool keep mask (sorted order)
    N = boxes.shape[0]
    x1, y1, x2, y2 = boxes[:, 0], boxes[:, 1], boxes[:, 2], boxes[:, 3]
    areas = jnp.maximum(x2 - x1, 0.0) * jnp.maximum(y2 - y1, 0.0)
    ar = jnp.arange(N)
    def body(i, keep):
        xx1 = jnp.maximum(x1, x1[i]); yy1 = jnp.maximum(y1, y1[i])
        xx2 = jnp.minimum(x2, x2[i]); yy2 = jnp.minimum(y2, y2[i])
        inter = jnp.maximum(xx2 - xx1, 0.0) * jnp.maximum(yy2 - yy1, 0.0)
        iou = inter / (areas + areas[i] - inter + 1e-9)
        suppressed = jnp.any((iou > thr) & keep & (ar < i))
        return keep.at[i].set(~suppressed)
    return jax.lax.fori_loop(0, N, body, jnp.zeros((N,), dtype=bool))

def reference(cl, re, anc):
    # ff = softmax-like foreground score: exp(cl0) / (exp(cl0) + exp(cl1))
    ff = jnp.exp(cl[..., 0]) / (jnp.exp(cl[..., 0]) + jnp.exp(cl[..., 1]))
    B = ff.shape[0]
    ff_f = ff.reshape(B, -1)
    re_f = re.reshape(B, -1, 4)
    bb = jnp.broadcast_to(anc, (B,) + anc.shape[1:])
    xmin = jnp.clip(bb[..., 0] - re_f[..., 0], 0.0, None)
    ymin = jnp.clip(bb[..., 1] - re_f[..., 1], 0.0, None)
    xmax = jnp.clip(bb[..., 2] + re_f[..., 2], None, IM_SIZE[1] - 1.0)
    ymax = jnp.clip(bb[..., 3] + re_f[..., 3], None, IM_SIZE[0] - 1.0)
    bb_f = jnp.stack([xmin, ymin, xmax, ymax], axis=-1)
    out_bb, out_ff = [], []
    for i in range(B):
        order = jnp.argsort(-ff_f[i])
        bs = bb_f[i][order]
        ss = ff_f[i][order]
        keep = _nms_keep(bs, BB_THR)
        idx_kept = jnp.nonzero(keep, size=bs.shape[0], fill_value=0)[0]
        num = jnp.sum(keep)
        b_sel = jnp.minimum(jnp.arange(BB_NUM), num - 1)
        pos = idx_kept[b_sel]
        out_bb.append(bs[pos])
        out_ff.append(ss[pos])
    return (jnp.stack(out_bb, axis=0), jnp.stack(out_ff, axis=0))

if __name__ == "__main__":
    import jax
    _d = setup_inputs()
    print(jax.jit(kernel)(*tuple(_d.values())))

</pallas_src>

<mosaic_0001>
#map = affine_map<(d0, d1) -> (0, 0)>
#map1 = affine_map<(d0, d1) -> (0)>
module attributes {stable_mosaic.version = 14 : i64} {
  func.func @_sc_body(%arg0: i32, %arg1: i32, %arg2: memref<4x5120xf32, #tpu.memory_space<hbm>>, %arg3: memref<4x5120xf32, #tpu.memory_space<hbm>>, %arg4: memref<4x5120xf32, #tpu.memory_space<hbm>>, %arg5: memref<4x5120xf32, #tpu.memory_space<hbm>>, %arg6: memref<4x5120xf32, #tpu.memory_space<hbm>>, %arg7: memref<4x5120xf32, #tpu.memory_space<hbm>>, %arg8: memref<5120xf32, #tpu.memory_space<hbm>>, %arg9: memref<5120xf32, #tpu.memory_space<hbm>>, %arg10: memref<5120xf32, #tpu.memory_space<hbm>>, %arg11: memref<5120xf32, #tpu.memory_space<hbm>>, %arg12: memref<20x128xf32, #tpu.memory_space<hbm>>, %arg13: memref<1024xf32, #tpu.memory_space<vmem_shared>>, %arg14: memref<640xf32, #tpu.memory_space<vmem>>, %arg15: memref<640xf32, #tpu.memory_space<vmem>>, %arg16: memref<5120xf32, #tpu.memory_space<vmem>>, %arg17: memref<5120xf32, #tpu.memory_space<vmem>>, %arg18: memref<5120xf32, #tpu.memory_space<vmem>>, %arg19: memref<5120xf32, #tpu.memory_space<vmem>>, %arg20: memref<5120xf32, #tpu.memory_space<vmem>>, %arg21: memref<5120xf32, #tpu.memory_space<vmem>>, %arg22: memref<5120xf32, #tpu.memory_space<vmem>>, %arg23: memref<5120xf32, #tpu.memory_space<vmem>>, %arg24: memref<5120xf32, #tpu.memory_space<vmem>>, %arg25: memref<640xf32, #tpu.memory_space<vmem>>, %arg26: memref<16xf32, #tpu.memory_space<vmem>>, %arg27: memref<128xf32, #tpu.memory_space<vmem>>, %arg28: memref<128xf32, #tpu.memory_space<vmem>>, %arg29: memref<128xf32, #tpu.memory_space<vmem>>, %arg30: memref<128xf32, #tpu.memory_space<vmem>>, %arg31: memref<128xf32, #tpu.memory_space<vmem>>, %arg32: memref<128xf32, #tpu.memory_space<vmem>>) attributes {dimension_semantics = [#tpu.dimension_semantics<core_parallel>, #tpu.dimension_semantics<subcore_parallel>], iteration_bounds = array<i64: 2, 16>, scalar_prefetch = 0 : i64, scratch_operands = 20 : i64, tpu.core_type = #tpu.core_type<sc_vector_subcore>, window_params = [{transform_indices = #map}, {transform_indices = #map}, {transform_indices = #map}, {transform_indices = #map}, {transform_indices = #map}, {transform_indices = #map}, {transform_indices = #map1}, {transform_indices = #map1}, {transform_indices = #map1}, {transform_indices = #map1}, {transform_indices = #map}]} {
    %mul3A = arith.constant 2 : i32
    %mul3A_0 = arith.muli %arg0, %mul3A : i32
    %jit3A = arith.constant 8 : i32
    %div3A = arith.divsi %arg1, %jit3A : i32
    %sign3A = arith.constant 0 : i32
    %sign3A_1 = arith.cmpi sgt, %arg1, %sign3A : i32
    %sign3A_2 = arith.extui %sign3A_1 : i1 to i32
    %sign3A_3 = arith.constant 0 : i32
    %sign3A_4 = arith.cmpi slt, %arg1, %sign3A_3 : i32
    %sign3A_5 = arith.extui %sign3A_4 : i1 to i32
    %sign3A_6 = arith.subi %sign3A_2, %sign3A_5 : i32
    %sign3A_7 = arith.constant 0 : i32
    %sign3A_8 = arith.cmpi sgt, %jit3A, %sign3A_7 : i32
    %sign3A_9 = arith.extui %sign3A_8 : i1 to i32
    %sign3A_10 = arith.constant 0 : i32
    %sign3A_11 = arith.cmpi slt, %jit3A, %sign3A_10 : i32
    %sign3A_12 = arith.extui %sign3A_11 : i1 to i32
    %sign3A_13 = arith.subi %sign3A_9, %sign3A_12 : i32
    %ne3A = arith.cmpi ne, %sign3A_6, %sign3A_13 : i32
    %rem3A = arith.remsi %arg1, %jit3A : i32
    %ne3A_14 = arith.constant 0 : i32
    %ne3A_15 = arith.cmpi ne, %rem3A, %ne3A_14 : i32
    %and3A = arith.andi %ne3A, %ne3A_15 : i1
    %sub3A = arith.constant 1 : i32
    %sub3A_16 = arith.subi %div3A, %sub3A : i32
    %select_n3A = arith.select %and3A, %sub3A_16, %div3A : i32
    %add3A = arith.addi %mul3A_0, %select_n3A : i32
    %jit3A_17 = arith.constant 8 : i32
    %eq3A = arith.constant 0 : i32
    %eq3A_18 = arith.cmpi eq, %jit3A_17, %eq3A : i32
    %jit3A_19 = arith.constant 1 : i32
    %select_n3A_20 = arith.select %eq3A_18, %jit3A_19, %jit3A_17 : i32
    %rem3A_21 = arith.remsi %arg1, %select_n3A_20 : i32
    %ne3A_22 = arith.constant 0 : i32
    %ne3A_23 = arith.cmpi ne, %rem3A_21, %ne3A_22 : i32
    %lt3A = arith.constant 0 : i32
    %lt3A_24 = arith.cmpi slt, %rem3A_21, %lt3A : i32
    %lt3A_25 = arith.constant 0 : i32
    %lt3A_26 = arith.cmpi slt, %select_n3A_20, %lt3A_25 : i32
    %ne3A_27 = arith.xori %lt3A_24, %lt3A_26 : i1
    %and3A_28 = arith.andi %ne3A_27, %ne3A_23 : i1
    %add3A_29 = arith.addi %rem3A_21, %select_n3A_20 : i32
    %select_n3A_30 = arith.select %and3A_28, %add3A_29, %rem3A_21 : i32
    %mul3A_31 = arith.constant 640 : i32
    %mul3A_32 = arith.muli %select_n3A_30, %mul3A_31 : i32
    %iota3A = tpu.iota {dimensions = array<i32: 0>} : vector<16xi32>
    "tpu.region"() ({
      %run_scoped3A = tpu.sem_alloc : memref<!tpu.dma_semaphore, #tpu.memory_space<semaphore_mem>>
      %dma_start3A = tpu.memref_slice %arg2[%add3A, %mul3A_32] : memref<4x5120xf32, #tpu.memory_space<hbm>> -> memref<1x640xf32, #tpu.memory_space<hbm>>
      %dma_start3A_62 = tpu.memref_squeeze %dma_start3A : memref<1x640xf32, #tpu.memory_space<hbm>> -> memref<640xf32, #tpu.memory_space<hbm>>
      %dma_start3A_63 = tpu.memref_slice %arg2[%add3A, %mul3A_32] : memref<4x5120xf32, #tpu.memory_space<hbm>> -> memref<1x640xf32, #tpu.memory_space<hbm>>
      %dma_start3A_64 = tpu.memref_squeeze %dma_start3A_63 : memref<1x640xf32, #tpu.memory_space<hbm>> -> memref<640xf32, #tpu.memory_space<hbm>>
      tpu.enqueue_dma source(%dma_start3A_64 : memref<640xf32, #tpu.memory_space<hbm>>) target(%arg14 : memref<640xf32, #tpu.memory_space<vmem>>) target_semaphore(%run_scoped3A : memref<!tpu.dma_semaphore, #tpu.memory_space<semaphore_mem>>)
      %dma_wait3A = tpu.memref_slice %arg2[%add3A, %mul3A_32] : memref<4x5120xf32, #tpu.memory_space<hbm>> -> memref<1x640xf32, #tpu.memory_space<hbm>>
      %dma_wait3A_65 = tpu.memref_squeeze %dma_wait3A : memref<1x640xf32, #tpu.memory_space<hbm>> -> memref<640xf32, #tpu.memory_space<hbm>>
      %dma_wait3A_66 = tpu.memref_slice %arg2[%add3A, %mul3A_32] : memref<4x5120xf32, #tpu.memory_space<hbm>> -> memref<1x640xf32, #tpu.memory_space<hbm>>
      %dma_wait3A_67 = tpu.memref_squeeze %dma_wait3A_66 : memref<1x640xf32, #tpu.memory_space<hbm>> -> memref<640xf32, #tpu.memory_space<hbm>>
      tpu.wait_dma2 semaphore(%run_scoped3A : memref<!tpu.dma_semaphore, #tpu.memory_space<semaphore_mem>>) src(%dma_wait3A_67 : memref<640xf32, #tpu.memory_space<hbm>>) dst(%arg14 : memref<640xf32, #tpu.memory_space<vmem>>)
      tpu.yield
    }) : () -> ()
    "tpu.region"() ({
      %run_scoped3A = tpu.sem_alloc : memref<!tpu.dma_semaphore, #tpu.memory_space<semaphore_mem>>
      %dma_start3A = tpu.memref_slice %arg3[%add3A, %mul3A_32] : memref<4x5120xf32, #tpu.memory_space<hbm>> -> memref<1x640xf32, #tpu.memory_space<hbm>>
      %dma_start3A_62 = tpu.memref_squeeze %dma_start3A : memref<1x640xf32, #tpu.memory_space<hbm>> -> memref<640xf32, #tpu.memory_space<hbm>>
      %dma_start3A_63 = tpu.memref_slice %arg3[%add3A, %mul3A_32] : memref<4x5120xf32, #tpu.memory_space<hbm>> -> memref<1x640xf32, #tpu.memory_space<hbm>>
      %dma_start3A_64 = tpu.memref_squeeze %dma_start3A_63 : memref<1x640xf32, #tpu.memory_space<hbm>> -> memref<640xf32, #tpu.memory_space<hbm>>
      tpu.enqueue_dma source(%dma_start3A_64 : memref<640xf32, #tpu.memory_space<hbm>>) target(%arg15 : memref<640xf32, #tpu.memory_space<vmem>>) target_semaphore(%run_scoped3A : memref<!tpu.dma_semaphore, #tpu.memory_space<semaphore_mem>>)
      %dma_wait3A = tpu.memref_slice %arg3[%add3A, %mul3A_32] : memref<4x5120xf32, #tpu.memory_space<hbm>> -> memref<1x640xf32, #tpu.memory_space<hbm>>
      %dma_wait3A_65 = tpu.memref_squeeze %dma_wait3A : memref<1x640xf32, #tpu.memory_space<hbm>> -> memref<640xf32, #tpu.memory_space<hbm>>
      %dma_wait3A_66 = tpu.memref_slice %arg3[%add3A, %mul3A_32] : memref<4x5120xf32, #tpu.memory_space<hbm>> -> memref<1x640xf32, #tpu.memory_space<hbm>>
      %dma_wait3A_67 = tpu.memref_squeeze %dma_wait3A_66 : memref<1x640xf32, #tpu.memory_space<hbm>> -> memref<640xf32, #tpu.memory_space<hbm>>
      tpu.wait_dma2 semaphore(%run_scoped3A : memref<!tpu.dma_semaphore, #tpu.memory_space<semaphore_mem>>) src(%dma_wait3A_67 : memref<640xf32, #tpu.memory_space<hbm>>) dst(%arg15 : memref<640xf32, #tpu.memory_space<vmem>>)
      tpu.yield
    }) : () -> ()
    "tpu.region"() ({
      %run_scoped3A = tpu.sem_alloc : memref<!tpu.dma_semaphore, #tpu.memory_space<semaphore_mem>>
      %dma_start3A = arith.constant 0 : i32
      %dma_start3A_62 = tpu.memref_slice %arg4[%add3A, %dma_start3A] : memref<4x5120xf32, #tpu.memory_space<hbm>> -> memref<1x5120xf32, #tpu.memory_space<hbm>>
      %dma_start3A_63 = tpu.memref_squeeze %dma_start3A_62 : memref<1x5120xf32, #tpu.memory_space<hbm>> -> memref<5120xf32, #tpu.memory_space<hbm>>
      %dma_start3A_64 = arith.constant 0 : i32
      %dma_start3A_65 = tpu.memref_slice %arg4[%add3A, %dma_start3A_64] : memref<4x5120xf32, #tpu.memory_space<hbm>> -> memref<1x5120xf32, #tpu.memory_space<hbm>>
      %dma_start3A_66 = tpu.memref_squeeze %dma_start3A_65 : memref<1x5120xf32, #tpu.memory_space<hbm>> -> memref<5120xf32, #tpu.memory_space<hbm>>
      tpu.enqueue_dma source(%dma_start3A_66 : memref<5120xf32, #tpu.memory_space<hbm>>) target(%arg16 : memref<5120xf32, #tpu.memory_space<vmem>>) target_semaphore(%run_scoped3A : memref<!tpu.dma_semaphore, #tpu.memory_space<semaphore_mem>>)
      %dma_wait3A = arith.constant 0 : i32
      %dma_wait3A_67 = tpu.memref_slice %arg4[%add3A, %dma_wait3A] : memref<4x5120xf32, #tpu.memory_space<hbm>> -> memref<1x5120xf32, #tpu.memory_space<hbm>>
      %dma_wait3A_68 = tpu.memref_squeeze %dma_wait3A_67 : memref<1x5120xf32, #tpu.memory_space<hbm>> -> memref<5120xf32, #tpu.memory_space<hbm>>
      %dma_wait3A_69 = arith.constant 0 : i32
      %dma_wait3A_70 = tpu.memref_slice %arg4[%add3A, %dma_wait3A_69] : memref<4x5120xf32, #tpu.memory_space<hbm>> -> memref<1x5120xf32, #tpu.memory_space<hbm>>
      %dma_wait3A_71 = tpu.memref_squeeze %dma_wait3A_70 : memref<1x5120xf32, #tpu.memory_space<hbm>> -> memref<5120xf32, #tpu.memory_space<hbm>>
      tpu.wait_dma2 semaphore(%run_scoped3A : memref<!tpu.dma_semaphore, #tpu.memory_space<semaphore_mem>>) src(%dma_wait3A_71 : memref<5120xf32, #tpu.memory_space<hbm>>) dst(%arg16 : memref<5120xf32, #tpu.memory_space<vmem>>)
      tpu.yield
    }) : () -> ()
    "tpu.region"() ({
      %run_scoped3A = tpu.sem_alloc : memref<!tpu.dma_semaphore, #tpu.memory_space<semaphore_mem>>
      %dma_start3A = arith.constant 0 : i32
      %dma_start3A_62 = tpu.memref_slice %arg5[%add3A, %dma_start3A] : memref<4x5120xf32, #tpu.memory_space<hbm>> -> memref<1x5120xf32, #tpu.memory_space<hbm>>
      %dma_start3A_63 = tpu.memref_squeeze %dma_start3A_62 : memref<1x5120xf32, #tpu.memory_space<hbm>> -> memref<5120xf32, #tpu.memory_space<hbm>>
      %dma_start3A_64 = arith.constant 0 : i32
      %dma_start3A_65 = tpu.memref_slice %arg5[%add3A, %dma_start3A_64] : memref<4x5120xf32, #tpu.memory_space<hbm>> -> memref<1x5120xf32, #tpu.memory_space<hbm>>
      %dma_start3A_66 = tpu.memref_squeeze %dma_start3A_65 : memref<1x5120xf32, #tpu.memory_space<hbm>> -> memref<5120xf32, #tpu.memory_space<hbm>>
      tpu.enqueue_dma source(%dma_start3A_66 : memref<5120xf32, #tpu.memory_space<hbm>>) target(%arg17 : memref<5120xf32, #tpu.memory_space<vmem>>) target_semaphore(%run_scoped3A : memref<!tpu.dma_semaphore, #tpu.memory_space<semaphore_mem>>)
      %dma_wait3A = arith.constant 0 : i32
      %dma_wait3A_67 = tpu.memref_slice %arg5[%add3A, %dma_wait3A] : memref<4x5120xf32, #tpu.memory_space<hbm>> -> memref<1x5120xf32, #tpu.memory_space<hbm>>
      %dma_wait3A_68 = tpu.memref_squeeze %dma_wait3A_67 : memref<1x5120xf32, #tpu.memory_space<hbm>> -> memref<5120xf32, #tpu.memory_space<hbm>>
      %dma_wait3A_69 = arith.constant 0 : i32
      %dma_wait3A_70 = tpu.memref_slice %arg5[%add3A, %dma_wait3A_69] : memref<4x5120xf32, #tpu.memory_space<hbm>> -> memref<1x5120xf32, #tpu.memory_space<hbm>>
      %dma_wait3A_71 = tpu.memref_squeeze %dma_wait3A_70 : memref<1x5120xf32, #tpu.memory_space<hbm>> -> memref<5120xf32, #tpu.memory_space<hbm>>
      tpu.wait_dma2 semaphore(%run_scoped3A : memref<!tpu.dma_semaphore, #tpu.memory_space<semaphore_mem>>) src(%dma_wait3A_71 : memref<5120xf32, #tpu.memory_space<hbm>>) dst(%arg17 : memref<5120xf32, #tpu.memory_space<vmem>>)
      tpu.yield
    }) : () -> ()
    "tpu.region"() ({
      %run_scoped3A = tpu.sem_alloc : memref<!tpu.dma_semaphore, #tpu.memory_space<semaphore_mem>>
      %dma_start3A = arith.constant 0 : i32
      %dma_start3A_62 = tpu.memref_slice %arg6[%add3A, %dma_start3A] : memref<4x5120xf32, #tpu.memory_space<hbm>> -> memref<1x5120xf32, #tpu.memory_space<hbm>>
      %dma_start3A_63 = tpu.memref_squeeze %dma_start3A_62 : memref<1x5120xf32, #tpu.memory_space<hbm>> -> memref<5120xf32, #tpu.memory_space<hbm>>
      %dma_start3A_64 = arith.constant 0 : i32
      %dma_start3A_65 = tpu.memref_slice %arg6[%add3A, %dma_start3A_64] : memref<4x5120xf32, #tpu.memory_space<hbm>> -> memref<1x5120xf32, #tpu.memory_space<hbm>>
      %dma_start3A_66 = tpu.memref_squeeze %dma_start3A_65 : memref<1x5120xf32, #tpu.memory_space<hbm>> -> memref<5120xf32, #tpu.memory_space<hbm>>
      tpu.enqueue_dma source(%dma_start3A_66 : memref<5120xf32, #tpu.memory_space<hbm>>) target(%arg18 : memref<5120xf32, #tpu.memory_space<vmem>>) target_semaphore(%run_scoped3A : memref<!tpu.dma_semaphore, #tpu.memory_space<semaphore_mem>>)
      %dma_wait3A = arith.constant 0 : i32
      %dma_wait3A_67 = tpu.memref_slice %arg6[%add3A, %dma_wait3A] : memref<4x5120xf32, #tpu.memory_space<hbm>> -> memref<1x5120xf32, #tpu.memory_space<hbm>>
      %dma_wait3A_68 = tpu.memref_squeeze %dma_wait3A_67 : memref<1x5120xf32, #tpu.memory_space<hbm>> -> memref<5120xf32, #tpu.memory_space<hbm>>
      %dma_wait3A_69 = arith.constant 0 : i32
      %dma_wait3A_70 = tpu.memref_slice %arg6[%add3A, %dma_wait3A_69] : memref<4x5120xf32, #tpu.memory_space<hbm>> -> memref<1x5120xf32, #tpu.memory_space<hbm>>
      %dma_wait3A_71 = tpu.memref_squeeze %dma_wait3A_70 : memref<1x5120xf32, #tpu.memory_space<hbm>> -> memref<5120xf32, #tpu.memory_space<hbm>>
      tpu.wait_dma2 semaphore(%run_scoped3A : memref<!tpu.dma_semaphore, #tpu.memory_space<semaphore_mem>>) src(%dma_wait3A_71 : memref<5120xf32, #tpu.memory_space<hbm>>) dst(%arg18 : memref<5120xf32, #tpu.memory_space<vmem>>)
      tpu.yield
    }) : () -> ()
    "tpu.region"() ({
      %run_scoped3A = tpu.sem_alloc : memref<!tpu.dma_semaphore, #tpu.memory_space<semaphore_mem>>
      %dma_start3A = arith.constant 0 : i32
      %dma_start3A_62 = tpu.memref_slice %arg7[%add3A, %dma_start3A] : memref<4x5120xf32, #tpu.memory_space<hbm>> -> memref<1x5120xf32, #tpu.memory_space<hbm>>
      %dma_start3A_63 = tpu.memref_squeeze %dma_start3A_62 : memref<1x5120xf32, #tpu.memory_space<hbm>> -> memref<5120xf32, #tpu.memory_space<hbm>>
      %dma_start3A_64 = arith.constant 0 : i32
      %dma_start3A_65 = tpu.memref_slice %arg7[%add3A, %dma_start3A_64] : memref<4x5120xf32, #tpu.memory_space<hbm>> -> memref<1x5120xf32, #tpu.memory_space<hbm>>
      %dma_start3A_66 = tpu.memref_squeeze %dma_start3A_65 : memref<1x5120xf32, #tpu.memory_space<hbm>> -> memref<5120xf32, #tpu.memory_space<hbm>>
      tpu.enqueue_dma source(%dma_start3A_66 : memref<5120xf32, #tpu.memory_space<hbm>>) target(%arg19 : memref<5120xf32, #tpu.memory_space<vmem>>) target_semaphore(%run_scoped3A : memref<!tpu.dma_semaphore, #tpu.memory_space<semaphore_mem>>)
      %dma_wait3A = arith.constant 0 : i32
      %dma_wait3A_67 = tpu.memref_slice %arg7[%add3A, %dma_wait3A] : memref<4x5120xf32, #tpu.memory_space<hbm>> -> memref<1x5120xf32, #tpu.memory_space<hbm>>
      %dma_wait3A_68 = tpu.memref_squeeze %dma_wait3A_67 : memref<1x5120xf32, #tpu.memory_space<hbm>> -> memref<5120xf32, #tpu.memory_space<hbm>>
      %dma_wait3A_69 = arith.constant 0 : i32
      %dma_wait3A_70 = tpu.memref_slice %arg7[%add3A, %dma_wait3A_69] : memref<4x5120xf32, #tpu.memory_space<hbm>> -> memref<1x5120xf32, #tpu.memory_space<hbm>>
      %dma_wait3A_71 = tpu.memref_squeeze %dma_wait3A_70 : memref<1x5120xf32, #tpu.memory_space<hbm>> -> memref<5120xf32, #tpu.memory_space<hbm>>
      tpu.wait_dma2 semaphore(%run_scoped3A : memref<!tpu.dma_semaphore, #tpu.memory_space<semaphore_mem>>) src(%dma_wait3A_71 : memref<5120xf32, #tpu.memory_space<hbm>>) dst(%arg19 : memref<5120xf32, #tpu.memory_space<vmem>>)
      tpu.yield
    }) : () -> ()
    "tpu.region"() ({
      %run_scoped3A = tpu.sem_alloc : memref<!tpu.dma_semaphore, #tpu.memory_space<semaphore_mem>>
      tpu.enqueue_dma source(%arg8 : memref<5120xf32, #tpu.memory_space<hbm>>) target(%arg20 : memref<5120xf32, #tpu.memory_space<vmem>>) target_semaphore(%run_scoped3A : memref<!tpu.dma_semaphore, #tpu.memory_space<semaphore_mem>>)
      tpu.wait_dma2 semaphore(%run_scoped3A : memref<!tpu.dma_semaphore, #tpu.memory_space<semaphore_mem>>) src(%arg8 : memref<5120xf32, #tpu.memory_space<hbm>>) dst(%arg20 : memref<5120xf32, #tpu.memory_space<vmem>>)
      tpu.yield
    }) : () -> ()
    "tpu.region"() ({
      %run_scoped3A = tpu.sem_alloc : memref<!tpu.dma_semaphore, #tpu.memory_space<semaphore_mem>>
      tpu.enqueue_dma source(%arg9 : memref<5120xf32, #tpu.memory_space<hbm>>) target(%arg21 : memref<5120xf32, #tpu.memory_space<vmem>>) target_semaphore(%run_scoped3A : memref<!tpu.dma_semaphore, #tpu.memory_space<semaphore_mem>>)
      tpu.wait_dma2 semaphore(%run_scoped3A : memref<!tpu.dma_semaphore, #tpu.memory_space<semaphore_mem>>) src(%arg9 : memref<5120xf32, #tpu.memory_space<hbm>>) dst(%arg21 : memref<5120xf32, #tpu.memory_space<vmem>>)
      tpu.yield
    }) : () -> ()
    "tpu.region"() ({
      %run_scoped3A = tpu.sem_alloc : memref<!tpu.dma_semaphore, #tpu.memory_space<semaphore_mem>>
      tpu.enqueue_dma source(%arg10 : memref<5120xf32, #tpu.memory_space<hbm>>) target(%arg22 : memref<5120xf32, #tpu.memory_space<vmem>>) target_semaphore(%run_scoped3A : memref<!tpu.dma_semaphore, #tpu.memory_space<semaphore_mem>>)
      tpu.wait_dma2 semaphore(%run_scoped3A : memref<!tpu.dma_semaphore, #tpu.memory_space<semaphore_mem>>) src(%arg10 : memref<5120xf32, #tpu.memory_space<hbm>>) dst(%arg22 : memref<5120xf32, #tpu.memory_space<vmem>>)
      tpu.yield
    }) : () -> ()
    "tpu.region"() ({
      %run_scoped3A = tpu.sem_alloc : memref<!tpu.dma_semaphore, #tpu.memory_space<semaphore_mem>>
      tpu.enqueue_dma source(%arg11 : memref<5120xf32, #tpu.memory_space<hbm>>) target(%arg23 : memref<5120xf32, #tpu.memory_space<vmem>>) target_semaphore(%run_scoped3A : memref<!tpu.dma_semaphore, #tpu.memory_space<semaphore_mem>>)
      tpu.wait_dma2 semaphore(%run_scoped3A : memref<!tpu.dma_semaphore, #tpu.memory_space<semaphore_mem>>) src(%arg11 : memref<5120xf32, #tpu.memory_space<hbm>>) dst(%arg23 : memref<5120xf32, #tpu.memory_space<vmem>>)
      tpu.yield
    }) : () -> ()
    %scan3A = arith.constant 0 : i32
    %scan3A_33 = arith.constant 0 : i32
    %scan3A_34 = arith.constant 40 : i32
    %scan3A_35 = arith.addi %scan3A_33, %scan3A_34 : i32
    %scan3A_36 = arith.constant 1 : i32
    %scan3A_37 = scf.for %scan3A_62 = %scan3A_33 to %scan3A_35 step %scan3A_36 iter_args(%scan3A_63 = %scan3A) -> (i32)  : i32 {
      %mul3A_64 = arith.constant 8 : i32
      %mul3A_65 = arith.muli %scan3A_62, %mul3A_64 : i32
      %add3A_66 = arith.constant 0 : i32
      %add3A_67 = arith.addi %mul3A_65, %add3A_66 : i32
      %mul3A_68 = arith.constant 16 : i32
      %mul3A_69 = arith.muli %add3A_67, %mul3A_68 : i32
      %get3A = arith.index_cast %mul3A_69 : i32 to index
      %get3A_70 = tpu.vector_load %arg20[%get3A] {strides = array<i32>} : memref<5120xf32, #tpu.memory_space<vmem>>, vector<16xf32>,
      %get3A_71 = vector.shape_cast %get3A_70 : vector<16xf32> to vector<16xf32>
      %get3A_72 = arith.index_cast %mul3A_69 : i32 to index
      %get3A_73 = tpu.vector_load %arg16[%get3A_72] {strides = array<i32>} : memref<5120xf32, #tpu.memory_space<vmem>>, vector<16xf32>,
      %get3A_74 = vector.shape_cast %get3A_73 : vector<16xf32> to vector<16xf32>
      %sub3A_75 = arith.subf %get3A_71, %get3A_74 : vector<16xf32>
      %max3A = arith.constant 0.000000e+00 : f32
      %max3A_76 = vector.broadcast %max3A : f32 to vector<16xf32>
      %max3A_77 = arith.maximumf %sub3A_75, %max3A_76 : vector<16xf32>
      %get3A_78 = arith.index_cast %mul3A_69 : i32 to index
      %get3A_79 = tpu.vector_load %arg21[%get3A_78] {strides = array<i32>} : memref<5120xf32, #tpu.memory_space<vmem>>, vector<16xf32>,
      %get3A_80 = vector.shape_cast %get3A_79 : vector<16xf32> to vector<16xf32>
      %get3A_81 = arith.index_cast %mul3A_69 : i32 to index
      %get3A_82 = tpu.vector_load %arg17[%get3A_81] {strides = array<i32>} : memref<5120xf32, #tpu.memory_space<vmem>>, vector<16xf32>,
      %get3A_83 = vector.shape_cast %get3A_82 : vector<16xf32> to vector<16xf32>
      %sub3A_84 = arith.subf %get3A_80, %get3A_83 : vector<16xf32>
      %max3A_85 = arith.constant 0.000000e+00 : f32
      %max3A_86 = vector.broadcast %max3A_85 : f32 to vector<16xf32>
      %max3A_87 = arith.maximumf %sub3A_84, %max3A_86 : vector<16xf32>
      %get3A_88 = arith.index_cast %mul3A_69 : i32 to index
      %get3A_89 = tpu.vector_load %arg22[%get3A_88] {strides = array<i32>} : memref<5120xf32, #tpu.memory_space<vmem>>, vector<16xf32>,
      %get3A_90 = vector.shape_cast %get3A_89 : vector<16xf32> to vector<16xf32>
      %get3A_91 = arith.index_cast %mul3A_69 : i32 to index
      %get3A_92 = tpu.vector_load %arg18[%get3A_91] {strides = array<i32>} : memref<5120xf32, #tpu.memory_space<vmem>>, vector<16xf32>,
      %get3A_93 = vector.shape_cast %get3A_92 : vector<16xf32> to vector<16xf32>
      %add3A_94 = arith.addf %get3A_90, %get3A_93 : vector<16xf32>
      %min3A = arith.constant 5.110000e+02 : f32
      %min3A_95 = vector.broadcast %min3A : f32 to vector<16xf32>
      %min3A_96 = arith.minimumf %add3A_94, %min3A_95 : vector<16xf32>
      %get3A_97 = arith.index_cast %mul3A_69 : i32 to index
      %get3A_98 = tpu.vector_load %arg23[%get3A_97] {strides = array<i32>} : memref<5120xf32, #tpu.memory_space<vmem>>, vector<16xf32>,
      %get3A_99 = vector.shape_cast %get3A_98 : vector<16xf32> to vector<16xf32>
      %get3A_100 = arith.index_cast %mul3A_69 : i32 to index
      %get3A_101 = tpu.vector_load %arg19[%get3A_100] {strides = array<i32>} : memref<5120xf32, #tpu.memory_space<vmem>>, vector<16xf32>,
      %get3A_102 = vector.shape_cast %get3A_101 : vector<16xf32> to vector<16xf32>
      %add3A_103 = arith.addf %get3A_99, %get3A_102 : vector<16xf32>
      %min3A_104 = arith.constant 5.110000e+02 : f32
      %min3A_105 = vector.broadcast %min3A_104 : f32 to vector<16xf32>
      %min3A_106 = arith.minimumf %add3A_103, %min3A_105 : vector<16xf32>
      %swap3A = arith.index_cast %mul3A_69 : i32 to index
      %swap3A_107 = tpu.vector_load %arg16[%swap3A] {strides = array<i32>} : memref<5120xf32, #tpu.memory_space<vmem>>, vector<16xf32>,
      %swap3A_108 = vector.shape_cast %swap3A_107 : vector<16xf32> to vector<16xf32>
      %swap3A_109 = vector.shape_cast %max3A_77 : vector<16xf32> to vector<16xf32>
      tpu.vector_store %arg16[%swap3A], %swap3A_109 {strides = array<i32>} : memref<5120xf32, #tpu.memory_space<vmem>>, vector<16xf32>,
      %swap3A_110 = arith.index_cast %mul3A_69 : i32 to index
      %swap3A_111 = tpu.vector_load %arg17[%swap3A_110] {strides = array<i32>} : memref<5120xf32, #tpu.memory_space<vmem>>, vector<16xf32>,
      %swap3A_112 = vector.shape_cast %swap3A_111 : vector<16xf32> to vector<16xf32>
      %swap3A_113 = vector.shape_cast %max3A_87 : vector<16xf32> to vector<16xf32>
      tpu.vector_store %arg17[%swap3A_110], %swap3A_113 {strides = array<i32>} : memref<5120xf32, #tpu.memory_space<vmem>>, vector<16xf32>,
      %swap3A_114 = arith.index_cast %mul3A_69 : i32 to index
      %swap3A_115 = tpu.vector_load %arg18[%swap3A_114] {strides = array<i32>} : memref<5120xf32, #tpu.memory_space<vmem>>, vector<16xf32>,
      %swap3A_116 = vector.shape_cast %swap3A_115 : vector<16xf32> to vector<16xf32>
      %swap3A_117 = vector.shape_cast %min3A_96 : vector<16xf32> to vector<16xf32>
      tpu.vector_store %arg18[%swap3A_114], %swap3A_117 {strides = array<i32>} : memref<5120xf32, #tpu.memory_space<vmem>>, vector<16xf32>,
      %swap3A_118 = arith.index_cast %mul3A_69 : i32 to index
      %swap3A_119 = tpu.vector_load %arg19[%swap3A_118] {strides = array<i32>} : memref<5120xf32, #tpu.memory_space<vmem>>, vector<16xf32>,
      %swap3A_120 = vector.shape_cast %swap3A_119 : vector<16xf32> to vector<16xf32>
      %swap3A_121 = vector.shape_cast %min3A_106 : vector<16xf32> to vector<16xf32>
      tpu.vector_store %arg19[%swap3A_118], %swap3A_121 {strides = array<i32>} : memref<5120xf32, #tpu.memory_space<vmem>>, vector<16xf32>,
      %sub3A_122 = arith.subf %min3A_96, %max3A_77 : vector<16xf32>
      %max3A_123 = arith.constant 0.000000e+00 : f32
      %max3A_124 = vector.broadcast %max3A_123 : f32 to vector<16xf32>
      %max3A_125 = arith.maximumf %sub3A_122, %max3A_124 : vector<16xf32>
      %sub3A_126 = arith.subf %min3A_106, %max3A_87 : vector<16xf32>
      %max3A_127 = arith.constant 0.000000e+00 : f32
      %max3A_128 = vector.broadcast %max3A_127 : f32 to vector<16xf32>
      %max3A_129 = arith.maximumf %sub3A_126, %max3A_128 : vector<16xf32>
      %mul3A_130 = arith.mulf %max3A_125, %max3A_129 : vector<16xf32>
      %swap3A_131 = arith.index_cast %mul3A_69 : i32 to index
      %swap3A_132 = tpu.vector_load %arg24[%swap3A_131] {strides = array<i32>} : memref<5120xf32, #tpu.memory_space<vmem>>, vector<16xf32>,
      %swap3A_133 = vector.shape_cast %swap3A_132 : vector<16xf32> to vector<16xf32>
      %swap3A_134 = vector.shape_cast %mul3A_130 : vector<16xf32> to vector<16xf32>
      tpu.vector_store %arg24[%swap3A_131], %swap3A_134 {strides = array<i32>} : memref<5120xf32, #tpu.memory_space<vmem>>, vector<16xf32>,
      %mul3A_135 = arith.constant 8 : i32
      %mul3A_136 = arith.muli %scan3A_62, %mul3A_135 : i32
      %add3A_137 = arith.constant 1 : i32
      %add3A_138 = arith.addi %mul3A_136, %add3A_137 : i32
      %mul3A_139 = arith.constant 16 : i32
      %mul3A_140 = arith.muli %add3A_138, %mul3A_139 : i32
      %get3A_141 = arith.index_cast %mul3A_140 : i32 to index
      %get3A_142 = tpu.vector_load %arg20[%get3A_141] {strides = array<i32>} : memref<5120xf32, #tpu.memory_space<vmem>>, vector<16xf32>,
      %get3A_143 = vector.shape_cast %get3A_142 : vector<16xf32> to vector<16xf32>
      %get3A_144 = arith.index_cast %mul3A_140 : i32 to index
      %get3A_145 = tpu.vector_load %arg16[%get3A_144] {strides = array<i32>} : memref<5120xf32, #tpu.memory_space<vmem>>, vector<16xf32>,
      %get3A_146 = vector.shape_cast %get3A_145 : vector<16xf32> to vector<16xf32>
      %sub3A_147 = arith.subf %get3A_143, %get3A_146 : vector<16xf32>
      %max3A_148 = arith.constant 0.000000e+00 : f32
      %max3A_149 = vector.broadcast %max3A_148 : f32 to vector<16xf32>
      %max3A_150 = arith.maximumf %sub3A_147, %max3A_149 : vector<16xf32>
      %get3A_151 = arith.index_cast %mul3A_140 : i32 to index
      %get3A_152 = tpu.vector_load %arg21[%get3A_151] {strides = array<i32>} : memref<5120xf32, #tpu.memory_space<vmem>>, vector<16xf32>,
      %get3A_153 = vector.shape_cast %get3A_152 : vector<16xf32> to vector<16xf32>
      %get3A_154 = arith.index_cast %mul3A_140 : i32 to index
      %get3A_155 = tpu.vector_load %arg17[%get3A_154] {strides = array<i32>} : memref<5120xf32, #tpu.memory_space<vmem>>, vector<16xf32>,
      %get3A_156 = vector.shape_cast %get3A_155 : vector<16xf32> to vector<16xf32>
      %sub3A_157 = arith.subf %get3A_153, %get3A_156 : vector<16xf32>
      %max3A_158 = arith.constant 0.000000e+00 : f32
      %max3A_159 = vector.broadcast %max3A_158 : f32 to vector<16xf32>
      %max3A_160 = arith.maximumf %sub3A_157, %max3A_159 : vector<16xf32>
      %get3A_161 = arith.index_cast %mul3A_140 : i32 to index
      %get3A_162 = tpu.vector_load %arg22[%get3A_161] {strides = array<i32>} : memref<5120xf32, #tpu.memory_space<vmem>>, vector<16xf32>,
      %get3A_163 = vector.shape_cast %get3A_162 : vector<16xf32> to vector<16xf32>
      %get3A_164 = arith.index_cast %mul3A_140 : i32 to index
      %get3A_165 = tpu.vector_load %arg18[%get3A_164] {strides = array<i32>} : memref<5120xf32, #tpu.memory_space<vmem>>, vector<16xf32>,
      %get3A_166 = vector.shape_cast %get3A_165 : vector<16xf32> to vector<16xf32>
      %add3A_167 = arith.addf %get3A_163, %get3A_166 : vector<16xf32>
      %min3A_168 = arith.constant 5.110000e+02 : f32
      %min3A_169 = vector.broadcast %min3A_168 : f32 to vector<16xf32>
      %min3A_170 = arith.minimumf %add3A_167, %min3A_169 : vector<16xf32>
      %get3A_171 = arith.index_cast %mul3A_140 : i32 to index
      %get3A_172 = tpu.vector_load %arg23[%get3A_171] {strides = array<i32>} : memref<5120xf32, #tpu.memory_space<vmem>>, vector<16xf32>,
      %get3A_173 = vector.shape_cast %get3A_172 : vector<16xf32> to vector<16xf32>
      %get3A_174 = arith.index_cast %mul3A_140 : i32 to index
      %get3A_175 = tpu.vector_load %arg19[%get3A_174] {strides = array<i32>} : memref<5120xf32, #tpu.memory_space<vmem>>, vector<16xf32>,
      %get3A_176 = vector.shape_cast %get3A_175 : vector<16xf32> to vector<16xf32>
      %add3A_177 = arith.addf %get3A_173, %get3A_176 : vector<16xf32>
      %min3A_178 = arith.constant 5.110000e+02 : f32
      %min3A_179 = vector.broadcast %min3A_178 : f32 to vector<16xf32>
      %min3A_180 = arith.minimumf %add3A_177, %min3A_179 : vector<16xf32>
      %swap3A_181 = arith.index_cast %mul3A_140 : i32 to index
      %swap3A_182 = tpu.vector_load %arg16[%swap3A_181] {strides = array<i32>} : memref<5120xf32, #tpu.memory_space<vmem>>, vector<16xf32>,
      %swap3A_183 = vector.shape_cast %swap3A_182 : vector<16xf32> to vector<16xf32>
      %swap3A_184 = vector.shape_cast %max3A_150 : vector<16xf32> to vector<16xf32>
      tpu.vector_store %arg16[%swap3A_181], %swap3A_184 {strides = array<i32>} : memref<5120xf32, #tpu.memory_space<vmem>>, vector<16xf32>,
      %swap3A_185 = arith.index_cast %mul3A_140 : i32 to index
      %swap3A_186 = tpu.vector_load %arg17[%swap3A_185] {strides = array<i32>} : memref<5120xf32, #tpu.memory_space<vmem>>, vector<16xf32>,
      %swap3A_187 = vector.shape_cast %swap3A_186 : vector<16xf32> to vector<16xf32>
      %swap3A_188 = vector.shape_cast %max3A_160 : vector<16xf32> to vector<16xf32>
      tpu.vector_store %arg17[%swap3A_185], %swap3A_188 {strides = array<i32>} : memref<5120xf32, #tpu.memory_space<vmem>>, vector<16xf32>,
      %swap3A_189 = arith.index_cast %mul3A_140 : i32 to index
      %swap3A_190 = tpu.vector_load %arg18[%swap3A_189] {strides = array<i32>} : memref<5120xf32, #tpu.memory_space<vmem>>, vector<16xf32>,
      %swap3A_191 = vector.shape_cast %swap3A_190 : vector<16xf32> to vector<16xf32>
      %swap3A_192 = vector.shape_cast %min3A_170 : vector<16xf32> to vector<16xf32>
      tpu.vector_store %arg18[%swap3A_189], %swap3A_192 {strides = array<i32>} : memref<5120xf32, #tpu.memory_space<vmem>>, vector<16xf32>,
      %swap3A_193 = arith.index_cast %mul3A_140 : i32 to index
      %swap3A_194 = tpu.vector_load %arg19[%swap3A_193] {strides = array<i32>} : memref<5120xf32, #tpu.memory_space<vmem>>, vector<16xf32>,
      %swap3A_195 = vector.shape_cast %swap3A_194 : vector<16xf32> to vector<16xf32>
      %swap3A_196 = vector.shape_cast %min3A_180 : vector<16xf32> to vector<16xf32>
      tpu.vector_store %arg19[%swap3A_193], %swap3A_196 {strides = array<i32>} : memref<5120xf32, #tpu.memory_space<vmem>>, vector<16xf32>,
      %sub3A_197 = arith.subf %min3A_170, %max3A_150 : vector<16xf32>
      %max3A_198 = arith.constant 0.000000e+00 : f32
      %max3A_199 = vector.broadcast %max3A_198 : f32 to vector<16xf32>
      %max3A_200 = arith.maximumf %sub3A_197, %max3A_199 : vector<16xf32>
      %sub3A_201 = arith.subf %min3A_180, %max3A_160 : vector<16xf32>
      %max3A_202 = arith.constant 0.000000e+00 : f32
      %max3A_203 = vector.broadcast %max3A_202 : f32 to vector<16xf32>
      %max3A_204 = arith.maximumf %sub3A_201, %max3A_203 : vector<16xf32>
      %mul3A_205 = arith.mulf %max3A_200, %max3A_204 : vector<16xf32>
      %swap3A_206 = arith.index_cast %mul3A_140 : i32 to index
      %swap3A_207 = tpu.vector_load %arg24[%swap3A_206] {strides = array<i32>} : memref<5120xf32, #tpu.memory_space<vmem>>, vector<16xf32>,
      %swap3A_208 = vector.shape_cast %swap3A_207 : vector<16xf32> to vector<16xf32>
      %swap3A_209 = vector.shape_cast %mul3A_205 : vector<16xf32> to vector<16xf32>
      tpu.vector_store %arg24[%swap3A_206], %swap3A_209 {strides = array<i32>} : memref<5120xf32, #tpu.memory_space<vmem>>, vector<16xf32>,
      %mul3A_210 = arith.constant 8 : i32
      %mul3A_211 = arith.muli %scan3A_62, %mul3A_210 : i32
      %add3A_212 = arith.constant 2 : i32
      %add3A_213 = arith.addi %mul3A_211, %add3A_212 : i32
      %mul3A_214 = arith.constant 16 : i32
      %mul3A_215 = arith.muli %add3A_213, %mul3A_214 : i32
      %get3A_216 = arith.index_cast %mul3A_215 : i32 to index
      %get3A_217 = tpu.vector_load %arg20[%get3A_216] {strides = array<i32>} : memref<5120xf32, #tpu.memory_space<vmem>>, vector<16xf32>,
      %get3A_218 = vector.shape_cast %get3A_217 : vector<16xf32> to vector<16xf32>
      %get3A_219 = arith.index_cast %mul3A_215 : i32 to index
      %get3A_220 = tpu.vector_load %arg16[%get3A_219] {strides = array<i32>} : memref<5120xf32, #tpu.memory_space<vmem>>, vector<16xf32>,
      %get3A_221 = vector.shape_cast %get3A_220 : vector<16xf32> to vector<16xf32>
      %sub3A_222 = arith.subf %get3A_218, %get3A_221 : vector<16xf32>
      %max3A_223 = arith.constant 0.000000e+00 : f32
      %max3A_224 = vector.broadcast %max3A_223 : f32 to vector<16xf32>
      %max3A_225 = arith.maximumf %sub3A_222, %max3A_224 : vector<16xf32>
      %get3A_226 = arith.index_cast %mul3A_215 : i32 to index
      %get3A_227 = tpu.vector_load %arg21[%get3A_226] {strides = array<i32>} : memref<5120xf32, #tpu.memory_space<vmem>>, vector<16xf32>,
      %get3A_228 = vector.shape_cast %get3A_227 : vector<16xf32> to vector<16xf32>
      %get3A_229 = arith.index_cast %mul3A_215 : i32 to index
      %get3A_230 = tpu.vector_load %arg17[%get3A_229] {strides = array<i32>} : memref<5120xf32, #tpu.memory_space<vmem>>, vector<16xf32>,
      %get3A_231 = vector.shape_cast %get3A_230 : vector<16xf32> to vector<16xf32>
      %sub3A_232 = arith.subf %get3A_228, %get3A_231 : vector<16xf32>
      %max3A_233 = arith.constant 0.000000e+00 : f32
      %max3A_234 = vector.broadcast %max3A_233 : f32 to vector<16xf32>
      %max3A_235 = arith.maximumf %sub3A_232, %max3A_234 : vector<16xf32>
      %get3A_236 = arith.index_cast %mul3A_215 : i32 to index
      %get3A_237 = tpu.vector_load %arg22[%get3A_236] {strides = array<i32>} : memref<5120xf32, #tpu.memory_space<vmem>>, vector<16xf32>,
      %get3A_238 = vector.shape_cast %get3A_237 : vector<16xf32> to vector<16xf32>
      %get3A_239 = arith.index_cast %mul3A_215 : i32 to index
      %get3A_240 = tpu.vector_load %arg18[%get3A_239] {strides = array<i32>} : memref<5120xf32, #tpu.memory_space<vmem>>, vector<16xf32>,
      %get3A_241 = vector.shape_cast %get3A_240 : vector<16xf32> to vector<16xf32>
      %add3A_242 = arith.addf %get3A_238, %get3A_241 : vector<16xf32>
      %min3A_243 = arith.constant 5.110000e+02 : f32
      %min3A_244 = vector.broadcast %min3A_243 : f32 to vector<16xf32>
      %min3A_245 = arith.minimumf %add3A_242, %min3A_244 : vector<16xf32>
      %get3A_246 = arith.index_cast %mul3A_215 : i32 to index
      %get3A_247 = tpu.vector_load %arg23[%get3A_246] {strides = array<i32>} : memref<5120xf32, #tpu.memory_space<vmem>>, vector<16xf32>,
      %get3A_248 = vector.shape_cast %get3A_247 : vector<16xf32> to vector<16xf32>
      %get3A_249 = arith.index_cast %mul3A_215 : i32 to index
      %get3A_250 = tpu.vector_load %arg19[%get3A_249] {strides = array<i32>} : memref<5120xf32, #tpu.memory_space<vmem>>, vector<16xf32>,
      %get3A_251 = vector.shape_cast %get3A_250 : vector<16xf32> to vector<16xf32>
      %add3A_252 = arith.addf %get3A_248, %get3A_251 : vector<16xf32>
      %min3A_253 = arith.constant 5.110000e+02 : f32
      %min3A_254 = vector.broadcast %min3A_253 : f32 to vector<16xf32>
      %min3A_255 = arith.minimumf %add3A_252, %min3A_254 : vector<16xf32>
      %swap3A_256 = arith.index_cast %mul3A_215 : i32 to index
      %swap3A_257 = tpu.vector_load %arg16[%swap3A_256] {strides = array<i32>} : memref<5120xf32, #tpu.memory_space<vmem>>, vector<16xf32>,
      %swap3A_258 = vector.shape_cast %swap3A_257 : vector<16xf32> to vector<16xf32>
      %swap3A_259 = vector.shape_cast %max3A_225 : vector<16xf32> to vector<16xf32>
      tpu.vector_store %arg16[%swap3A_256], %swap3A_259 {strides = array<i32>} : memref<5120xf32, #tpu.memory_space<vmem>>, vector<16xf32>,
      %swap3A_260 = arith.index_cast %mul3A_215 : i32 to index
      %swap3A_261 = tpu.vector_load %arg17[%swap3A_260] {strides = array<i32>} : memref<5120xf32, #tpu.memory_space<vmem>>, vector<16xf32>,
      %swap3A_262 = vector.shape_cast %swap3A_261 : vector<16xf32> to vector<16xf32>
      %swap3A_263 = vector.shape_cast %max3A_235 : vector<16xf32> to vector<16xf32>
      tpu.vector_store %arg17[%swap3A_260], %swap3A_263 {strides = array<i32>} : memref<5120xf32, #tpu.memory_space<vmem>>, vector<16xf32>,
      %swap3A_264 = arith.index_cast %mul3A_215 : i32 to index
      %swap3A_265 = tpu.vector_load %arg18[%swap3A_264] {strides = array<i32>} : memref<5120xf32, #tpu.memory_space<vmem>>, vector<16xf32>,
      %swap3A_266 = vector.shape_cast %swap3A_265 : vector<16xf32> to vector<16xf32>
      %swap3A_267 = vector.shape_cast %min3A_245 : vector<16xf32> to vector<16xf32>
      tpu.vector_store %arg18[%swap3A_264], %swap3A_267 {strides = array<i32>} : memref<5120xf32, #tpu.memory_space<vmem>>, vector<16xf32>,
      %swap3A_268 = arith.index_cast %mul3A_215 : i32 to index
      %swap3A_269 = tpu.vector_load %arg19[%swap3A_268] {strides = array<i32>} : memref<5120xf32, #tpu.memory_space<vmem>>, vector<16xf32>,
      %swap3A_270 = vector.shape_cast %swap3A_269 : vector<16xf32> to vector<16xf32>
      %swap3A_271 = vector.shape_cast %min3A_255 : vector<16xf32> to vector<16xf32>
      tpu.vector_store %arg19[%swap3A_268], %swap3A_271 {strides = array<i32>} : memref<5120xf32, #tpu.memory_space<vmem>>, vector<16xf32>,
      %sub3A_272 = arith.subf %min3A_245, %max3A_225 : vector<16xf32>
      %max3A_273 = arith.constant 0.000000e+00 : f32
      %max3A_274 = vector.broadcast %max3A_273 : f32 to vector<16xf32>
      %max3A_275 = arith.maximumf %sub3A_272, %max3A_274 : vector<16xf32>
      %sub3A_276 = arith.subf %min3A_255, %max3A_235 : vector<16xf32>
      %max3A_277 = arith.constant 0.000000e+00 : f32
      %max3A_278 = vector.broadcast %max3A_277 : f32 to vector<16xf32>
      %max3A_279 = arith.maximumf %sub3A_276, %max3A_278 : vector<16xf32>
      %mul3A_280 = arith.mulf %max3A_275, %max3A_279 : vector<16xf32>
      %swap3A_281 = arith.index_cast %mul3A_215 : i32 to index
      %swap3A_282 = tpu.vector_load %arg24[%swap3A_281] {strides = array<i32>} : memref<5120xf32, #tpu.memory_space<vmem>>, vector<16xf32>,
      %swap3A_283 = vector.shape_cast %swap3A_282 : vector<16xf32> to vector<16xf32>
      %swap3A_284 = vector.shape_cast %mul3A_280 : vector<16xf32> to vector<16xf32>
      tpu.vector_store %arg24[%swap3A_281], %swap3A_284 {strides = array<i32>} : memref<5120xf32, #tpu.memory_space<vmem>>, vector<16xf32>,
      %mul3A_285 = arith.constant 8 : i32
      %mul3A_286 = arith.muli %scan3A_62, %mul3A_285 : i32
      %add3A_287 = arith.constant 3 : i32
      %add3A_288 = arith.addi %mul3A_286, %add3A_287 : i32
      %mul3A_289 = arith.constant 16 : i32
      %mul3A_290 = arith.muli %add3A_288, %mul3A_289 : i32
      %get3A_291 = arith.index_cast %mul3A_290 : i32 to index
      %get3A_292 = tpu.vector_load %arg20[%get3A_291] {strides = array<i32>} : memref<5120xf32, #tpu.memory_space<vmem>>, vector<16xf32>,
      %get3A_293 = vector.shape_cast %get3A_292 : vector<16xf32> to vector<16xf32>
      %get3A_294 = arith.index_cast %mul3A_290 : i32 to index
      %get3A_295 = tpu.vector_load %arg16[%get3A_294] {strides = array<i32>} : memref<5120xf32, #tpu.memory_space<vmem>>, vector<16xf32>,
      %get3A_296 = vector.shape_cast %get3A_295 : vector<16xf32> to vector<16xf32>
      %sub3A_297 = arith.subf %get3A_293, %get3A_296 : vector<16xf32>
      %max3A_298 = arith.constant 0.000000e+00 : f32
      %max3A_299 = vector.broadcast %max3A_298 : f32 to vector<16xf32>
      %max3A_300 = arith.maximumf %sub3A_297, %max3A_299 : vector<16xf32>
      %get3A_301 = arith.index_cast %mul3A_290 : i32 to index
      %get3A_302 = tpu.vector_load %arg21[%get3A_301] {strides = array<i32>} : memref<5120xf32, #tpu.memory_space<vmem>>, vector<16xf32>,
      %get3A_303 = vector.shape_cast %get3A_302 : vector<16xf32> to vector<16xf32>
      %get3A_304 = arith.index_cast %mul3A_290 : i32 to index
      %get3A_305 = tpu.vector_load %arg17[%get3A_304] {strides = array<i32>} : memref<5120xf32, #tpu.memory_space<vmem>>, vector<16xf32>,
      %get3A_306 = vector.shape_cast %get3A_305 : vector<16xf32> to vector<16xf32>
      %sub3A_307 = arith.subf %get3A_303, %get3A_306 : vector<16xf32>
      %max3A_308 = arith.constant 0.000000e+00 : f32
      %max3A_309 = vector.broadcast %max3A_308 : f32 to vector<16xf32>
      %max3A_310 = arith.maximumf %sub3A_307, %max3A_309 : vector<16xf32>
      %get3A_311 = arith.index_cast %mul3A_290 : i32 to index
      %get3A_312 = tpu.vector_load %arg22[%get3A_311] {strides = array<i32>} : memref<5120xf32, #tpu.memory_space<vmem>>, vector<16xf32>,
      %get3A_313 = vector.shape_cast %get3A_312 : vector<16xf32> to vector<16xf32>
      %get3A_314 = arith.index_cast %mul3A_290 : i32 to index
      %get3A_315 = tpu.vector_load %arg18[%get3A_314] {strides = array<i32>} : memref<5120xf32, #tpu.memory_space<vmem>>, vector<16xf32>,
      %get3A_316 = vector.shape_cast %get3A_315 : vector<16xf32> to vector<16xf32>
      %add3A_317 = arith.addf %get3A_313, %get3A_316 : vector<16xf32>
      %min3A_318 = arith.constant 5.110000e+02 : f32
      %min3A_319 = vector.broadcast %min3A_318 : f32 to vector<16xf32>
      %min3A_320 = arith.minimumf %add3A_317, %min3A_319 : vector<16xf32>
      %get3A_321 = arith.index_cast %mul3A_290 : i32 to index
      %get3A_322 = tpu.vector_load %arg23[%get3A_321] {strides = array<i32>} : memref<5120xf32, #tpu.memory_space<vmem>>, vector<16xf32>,
      %get3A_323 = vector.shape_cast %get3A_322 : vector<16xf32> to vector<16xf32>
      %get3A_324 = arith.index_cast %mul3A_290 : i32 to index
      %get3A_325 = tpu.vector_load %arg19[%get3A_324] {strides = array<i32>} : memref<5120xf32, #tpu.memory_space<vmem>>, vector<16xf32>,
      %get3A_326 = vector.shape_cast %get3A_325 : vector<16xf32> to vector<16xf32>
      %add3A_327 = arith.addf %get3A_323, %get3A_326 : vector<16xf32>
      %min3A_328 = arith.constant 5.110000e+02 : f32
      %min3A_329 = vector.broadcast %min3A_328 : f32 to vector<16xf32>
      %min3A_330 = arith.minimumf %add3A_327, %min3A_329 : vector<16xf32>
      %swap3A_331 = arith.index_cast %mul3A_290 : i32 to index
      %swap3A_332 = tpu.vector_load %arg16[%swap3A_331] {strides = array<i32>} : memref<5120xf32, #tpu.memory_space<vmem>>, vector<16xf32>,
      %swap3A_333 = vector.shape_cast %swap3A_332 : vector<16xf32> to vector<16xf32>
      %swap3A_334 = vector.shape_cast %max3A_300 : vector<16xf32> to vector<16xf32>
      tpu.vector_store %arg16[%swap3A_331], %swap3A_334 {strides = array<i32>} : memref<5120xf32, #tpu.memory_space<vmem>>, vector<16xf32>,
      %swap3A_335 = arith.index_cast %mul3A_290 : i32 to index
      %swap3A_336 = tpu.vector_load %arg17[%swap3A_335] {strides = array<i32>} : memref<5120xf32, #tpu.memory_space<vmem>>, vector<16xf32>,
      %swap3A_337 = vector.shape_cast %swap3A_336 : vector<16xf32> to vector<16xf32>
      %swap3A_338 = vector.shape_cast %max3A_310 : vector<16xf32> to vector<16xf32>
      tpu.vector_store %arg17[%swap3A_335], %swap3A_338 {strides = array<i32>} : memref<5120xf32, #tpu.memory_space<vmem>>, vector<16xf32>,
      %swap3A_339 = arith.index_cast %mul3A_290 : i32 to index
      %swap3A_340 = tpu.vector_load %arg18[%swap3A_339] {strides = array<i32>} : memref<5120xf32, #tpu.memory_space<vmem>>, vector<16xf32>,
      %swap3A_341 = vector.shape_cast %swap3A_340 : vector<16xf32> to vector<16xf32>
      %swap3A_342 = vector.shape_cast %min3A_320 : vector<16xf32> to vector<16xf32>
      tpu.vector_store %arg18[%swap3A_339], %swap3A_342 {strides = array<i32>} : memref<5120xf32, #tpu.memory_space<vmem>>, vector<16xf32>,
      %swap3A_343 = arith.index_cast %mul3A_290 : i32 to index
      %swap3A_344 = tpu.vector_load %arg19[%swap3A_343] {strides = array<i32>} : memref<5120xf32, #tpu.memory_space<vmem>>, vector<16xf32>,
      %swap3A_345 = vector.shape_cast %swap3A_344 : vector<16xf32> to vector<16xf32>
      %swap3A_346 = vector.shape_cast %min3A_330 : vector<16xf32> to vector<16xf32>
      tpu.vector_store %arg19[%swap3A_343], %swap3A_346 {strides = array<i32>} : memref<5120xf32, #tpu.memory_space<vmem>>, vector<16xf32>,
      %sub3A_347 = arith.subf %min3A_320, %max3A_300 : vector<16xf32>
      %max3A_348 = arith.constant 0.000000e+00 : f32
      %max3A_349 = vector.broadcast %max3A_348 : f32 to vector<16xf32>
      %max3A_350 = arith.maximumf %sub3A_347, %max3A_349 : vector<16xf32>
      %sub3A_351 = arith.subf %min3A_330, %max3A_310 : vector<16xf32>
      %max3A_352 = arith.constant 0.000000e+00 : f32
      %max3A_353 = vector.broadcast %max3A_352 : f32 to vector<16xf32>
      %max3A_354 = arith.maximumf %sub3A_351, %max3A_353 : vector<16xf32>
      %mul3A_355 = arith.mulf %max3A_350, %max3A_354 : vector<16xf32>
      %swap3A_356 = arith.index_cast %mul3A_290 : i32 to index
      %swap3A_357 = tpu.vector_load %arg24[%swap3A_356] {strides = array<i32>} : memref<5120xf32, #tpu.memory_space<vmem>>, vector<16xf32>,
      %swap3A_358 = vector.shape_cast %swap3A_357 : vector<16xf32> to vector<16xf32>
      %swap3A_359 = vector.shape_cast %mul3A_355 : vector<16xf32> to vector<16xf32>
      tpu.vector_store %arg24[%swap3A_356], %swap3A_359 {strides = array<i32>} : memref<5120xf32, #tpu.memory_space<vmem>>, vector<16xf32>,
      %mul3A_360 = arith.constant 8 : i32
      %mul3A_361 = arith.muli %scan3A_62, %mul3A_360 : i32
      %add3A_362 = arith.constant 4 : i32
      %add3A_363 = arith.addi %mul3A_361, %add3A_362 : i32
      %mul3A_364 = arith.constant 16 : i32
      %mul3A_365 = arith.muli %add3A_363, %mul3A_364 : i32
      %get3A_366 = arith.index_cast %mul3A_365 : i32 to index
      %get3A_367 = tpu.vector_load %arg20[%get3A_366] {strides = array<i32>} : memref<5120xf32, #tpu.memory_space<vmem>>, vector<16xf32>,
      %get3A_368 = vector.shape_cast %get3A_367 : vector<16xf32> to vector<16xf32>
      %get3A_369 = arith.index_cast %mul3A_365 : i32 to index
      %get3A_370 = tpu.vector_load %arg16[%get3A_369] {strides = array<i32>} : memref<5120xf32, #tpu.memory_space<vmem>>, vector<16xf32>,
      %get3A_371 = vector.shape_cast %get3A_370 : vector<16xf32> to vector<16xf32>
      %sub3A_372 = arith.subf %get3A_368, %get3A_371 : vector<16xf32>
      %max3A_373 = arith.constant 0.000000e+00 : f32
      %max3A_374 = vector.broadcast %max3A_373 : f32 to vector<16xf32>
      %max3A_375 = arith.maximumf %sub3A_372, %max3A_374 : vector<16xf32>
      %get3A_376 = arith.index_cast %mul3A_365 : i32 to index
      %get3A_377 = tpu.vector_load %arg21[%get3A_376] {strides = array<i32>} : memref<5120xf32, #tpu.memory_space<vmem>>, vector<16xf32>,
      %get3A_378 = vector.shape_cast %get3A_377 : vector<16xf32> to vector<16xf32>
      %get3A_379 = arith.index_cast %mul3A_365 : i32 to index
      %get3A_380 = tpu.vector_load %arg17[%get3A_379] {strides = array<i32>} : memref<5120xf32, #tpu.memory_space<vmem>>, vector<16xf32>,
      %get3A_381 = vector.shape_cast %get3A_380 : vector<16xf32> to vector<16xf32>
      %sub3A_382 = arith.subf %get3A_378, %get3A_381 : vector<16xf32>
      %max3A_383 = arith.constant 0.000000e+00 : f32
      %max3A_384 = vector.broadcast %max3A_383 : f32 to vector<16xf32>
      %max3A_385 = arith.maximumf %sub3A_382, %max3A_384 : vector<16xf32>
      %get3A_386 = arith.index_cast %mul3A_365 : i32 to index
      %get3A_387 = tpu.vector_load %arg22[%get3A_386] {strides = array<i32>} : memref<5120xf32, #tpu.memory_space<vmem>>, vector<16xf32>,
      %get3A_388 = vector.shape_cast %get3A_387 : vector<16xf32> to vector<16xf32>
      %get3A_389 = arith.index_cast %mul3A_365 : i32 to index
      %get3A_390 = tpu.vector_load %arg18[%get3A_389] {strides = array<i32>} : memref<5120xf32, #tpu.memory_space<vmem>>, vector<16xf32>,
      %get3A_391 = vector.shape_cast %get3A_390 : vector<16xf32> to vector<16xf32>
      %add3A_392 = arith.addf %get3A_388, %get3A_391 : vector<16xf32>
      %min3A_393 = arith.constant 5.110000e+02 : f32
      %min3A_394 = vector.broadcast %min3A_393 : f32 to vector<16xf32>
      %min3A_395 = arith.minimumf %add3A_392, %min3A_394 : vector<16xf32>
      %get3A_396 = arith.index_cast %mul3A_365 : i32 to index
      %get3A_397 = tpu.vector_load %arg23[%get3A_396] {strides = array<i32>} : memref<5120xf32, #tpu.memory_space<vmem>>, vector<16xf32>,
      %get3A_398 = vector.shape_cast %get3A_397 : vector<16xf32> to vector<16xf32>
      %get3A_399 = arith.index_cast %mul3A_365 : i32 to index
      %get3A_400 = tpu.vector_load %arg19[%get3A_399] {strides = array<i32>} : memref<5120xf32, #tpu.memory_space<vmem>>, vector<16xf32>,
      %get3A_401 = vector.shape_cast %get3A_400 : vector<16xf32> to vector<16xf32>
      %add3A_402 = arith.addf %get3A_398, %get3A_401 : vector<16xf32>
      %min3A_403 = arith.constant 5.110000e+02 : f32
      %min3A_404 = vector.broadcast %min3A_403 : f32 to vector<16xf32>
      %min3A_405 = arith.minimumf %add3A_402, %min3A_404 : vector<16xf32>
      %swap3A_406 = arith.index_cast %mul3A_365 : i32 to index
      %swap3A_407 = tpu.vector_load %arg16[%swap3A_406] {strides = array<i32>} : memref<5120xf32, #tpu.memory_space<vmem>>, vector<16xf32>,
      %swap3A_408 = vector.shape_cast %swap3A_407 : vector<16xf32> to vector<16xf32>
      %swap3A_409 = vector.shape_cast %max3A_375 : vector<16xf32> to vector<16xf32>
      tpu.vector_store %arg16[%swap3A_406], %swap3A_409 {strides = array<i32>} : memref<5120xf32, #tpu.memory_space<vmem>>, vector<16xf32>,
      %swap3A_410 = arith.index_cast %mul3A_365 : i32 to index
      %swap3A_411 = tpu.vector_load %arg17[%swap3A_410] {strides = array<i32>} : memref<5120xf32, #tpu.memory_space<vmem>>, vector<16xf32>,
      %swap3A_412 = vector.shape_cast %swap3A_411 : vector<16xf32> to vector<16xf32>
      %swap3A_413 = vector.shape_cast %max3A_385 : vector<16xf32> to vector<16xf32>
      tpu.vector_store %arg17[%swap3A_410], %swap3A_413 {strides = array<i32>} : memref<5120xf32, #tpu.memory_space<vmem>>, vector<16xf32>,
      %swap3A_414 = arith.index_cast %mul3A_365 : i32 to index
      %swap3A_415 = tpu.vector_load %arg18[%swap3A_414] {strides = array<i32>} : memref<5120xf32, #tpu.memory_space<vmem>>, vector<16xf32>,
      %swap3A_416 = vector.shape_cast %swap3A_415 : vector<16xf32> to vector<16xf32>
      %swap3A_417 = vector.shape_cast %min3A_395 : vector<16xf32> to vector<16xf32>
      tpu.vector_store %arg18[%swap3A_414], %swap3A_417 {strides = array<i32>} : memref<5120xf32, #tpu.memory_space<vmem>>, vector<16xf32>,
      %swap3A_418 = arith.index_cast %mul3A_365 : i32 to index
      %swap3A_419 = tpu.vector_load %arg19[%swap3A_418] {strides = array<i32>} : memref<5120xf32, #tpu.memory_space<vmem>>, vector<16xf32>,
      %swap3A_420 = vector.shape_cast %swap3A_419 : vector<16xf32> to vector<16xf32>
      %swap3A_421 = vector.shape_cast %min3A_405 : vector<16xf32> to vector<16xf32>
      tpu.vector_store %arg19[%swap3A_418], %swap3A_421 {strides = array<i32>} : memref<5120xf32, #tpu.memory_space<vmem>>, vector<16xf32>,
      %sub3A_422 = arith.subf %min3A_395, %max3A_375 : vector<16xf32>
      %max3A_423 = arith.constant 0.000000e+00 : f32
      %max3A_424 = vector.broadcast %max3A_423 : f32 to vector<16xf32>
      %max3A_425 = arith.maximumf %sub3A_422, %max3A_424 : vector<16xf32>
      %sub3A_426 = arith.subf %min3A_405, %max3A_385 : vector<16xf32>
      %max3A_427 = arith.constant 0.000000e+00 : f32
      %max3A_428 = vector.broadcast %max3A_427 : f32 to vector<16xf32>
      %max3A_429 = arith.maximumf %sub3A_426, %max3A_428 : vector<16xf32>
      %mul3A_430 = arith.mulf %max3A_425, %max3A_429 : vector<16xf32>
      %swap3A_431 = arith.index_cast %mul3A_365 : i32 to index
      %swap3A_432 = tpu.vector_load %arg24[%swap3A_431] {strides = array<i32>} : memref<5120xf32, #tpu.memory_space<vmem>>, vector<16xf32>,
      %swap3A_433 = vector.shape_cast %swap3A_432 : vector<16xf32> to vector<16xf32>
      %swap3A_434 = vector.shape_cast %mul3A_430 : vector<16xf32> to vector<16xf32>
      tpu.vector_store %arg24[%swap3A_431], %swap3A_434 {strides = array<i32>} : memref<5120xf32, #tpu.memory_space<vmem>>, vector<16xf32>,
      %mul3A_435 = arith.constant 8 : i32
      %mul3A_436 = arith.muli %scan3A_62, %mul3A_435 : i32
      %add3A_437 = arith.constant 5 : i32
      %add3A_438 = arith.addi %mul3A_436, %add3A_437 : i32
      %mul3A_439 = arith.constant 16 : i32
      %mul3A_440 = arith.muli %add3A_438, %mul3A_439 : i32
      %get3A_441 = arith.index_cast %mul3A_440 : i32 to index
      %get3A_442 = tpu.vector_load %arg20[%get3A_441] {strides = array<i32>} : memref<5120xf32, #tpu.memory_space<vmem>>, vector<16xf32>,
      %get3A_443 = vector.shape_cast %get3A_442 : vector<16xf32> to vector<16xf32>
      %get3A_444 = arith.index_cast %mul3A_440 : i32 to index
      %get3A_445 = tpu.vector_load %arg16[%get3A_444] {strides = array<i32>} : memref<5120xf32, #tpu.memory_space<vmem>>, vector<16xf32>,
      %get3A_446 = vector.shape_cast %get3A_445 : vector<16xf32> to vector<16xf32>
      %sub3A_447 = arith.subf %get3A_443, %get3A_446 : vector<16xf32>
      %max3A_448 = arith.constant 0.000000e+00 : f32
      %max3A_449 = vector.broadcast %max3A_448 : f32 to vector<16xf32>
      %max3A_450 = arith.maximumf %sub3A_447, %max3A_449 : vector<16xf32>
      %get3A_451 = arith.index_cast %mul3A_440 : i32 to index
      %get3A_452 = tpu.vector_load %arg21[%get3A_451] {strides = array<i32>} : memref<5120xf32, #tpu.memory_space<vmem>>, vector<16xf32>,
      %get3A_453 = vector.shape_cast %get3A_452 : vector<16xf32> to vector<16xf32>
      %get3A_454 = arith.index_cast %mul3A_440 : i32 to index
      %get3A_455 = tpu.vector_load %arg17[%get3A_454] {strides = array<i32>} : memref<5120xf32, #tpu.memory_space<vmem>>, vector<16xf32>,
      %get3A_456 = vector.shape_cast %get3A_455 : vector<16xf32> to vector<16xf32>
      %sub3A_457 = arith.subf %get3A_453, %get3A_456 : vector<16xf32>
      %max3A_458 = arith.constant 0.000000e+00 : f32
      %max3A_459 = vector.broadcast %max3A_458 : f32 to vector<16xf32>
      %max3A_460 = arith.maximumf %sub3A_457, %max3A_459 : vector<16xf32>
      %get3A_461 = arith.index_cast %mul3A_440 : i32 to index
      %get3A_462 = tpu.vector_load %arg22[%get3A_461] {strides = array<i32>} : memref<5120xf32, #tpu.memory_space<vmem>>, vector<16xf32>,
      %get3A_463 = vector.shape_cast %get3A_462 : vector<16xf32> to vector<16xf32>
      %get3A_464 = arith.index_cast %mul3A_440 : i32 to index
      %get3A_465 = tpu.vector_load %arg18[%get3A_464] {strides = array<i32>} : memref<5120xf32, #tpu.memory_space<vmem>>, vector<16xf32>,
      %get3A_466 = vector.shape_cast %get3A_465 : vector<16xf32> to vector<16xf32>
      %add3A_467 = arith.addf %get3A_463, %get3A_466 : vector<16xf32>
      %min3A_468 = arith.constant 5.110000e+02 : f32
      %min3A_469 = vector.broadcast %min3A_468 : f32 to vector<16xf32>
      %min3A_470 = arith.minimumf %add3A_467, %min3A_469 : vector<16xf32>
      %get3A_471 = arith.index_cast %mul3A_440 : i32 to index
      %get3A_472 = tpu.vector_load %arg23[%get3A_471] {strides = array<i32>} : memref<5120xf32, #tpu.memory_space<vmem>>, vector<16xf32>,
      %get3A_473 = vector.shape_cast %get3A_472 : vector<16xf32> to vector<16xf32>
      %get3A_474 = arith.index_cast %mul3A_440 : i32 to index
      %get3A_475 = tpu.vector_load %arg19[%get3A_474] {strides = array<i32>} : memref<5120xf32, #tpu.memory_space<vmem>>, vector<16xf32>,
      %get3A_476 = vector.shape_cast %get3A_475 : vector<16xf32> to vector<16xf32>
      %add3A_477 = arith.addf %get3A_473, %get3A_476 : vector<16xf32>
      %min3A_478 = arith.constant 5.110000e+02 : f32
      %min3A_479 = vector.broadcast %min3A_478 : f32 to vector<16xf32>
      %min3A_480 = arith.minimumf %add3A_477, %min3A_479 : vector<16xf32>
      %swap3A_481 = arith.index_cast %mul3A_440 : i32 to index
      %swap3A_482 = tpu.vector_load %arg16[%swap3A_481] {strides = array<i32>} : memref<5120xf32, #tpu.memory_space<vmem>>, vector<16xf32>,
      %swap3A_483 = vector.shape_cast %swap3A_482 : vector<16xf32> to vector<16xf32>
      %swap3A_484 = vector.shape_cast %max3A_450 : vector<16xf32> to vector<16xf32>
      tpu.vector_store %arg16[%swap3A_481], %swap3A_484 {strides = array<i32>} : memref<5120xf32, #tpu.memory_space<vmem>>, vector<16xf32>,
      %swap3A_485 = arith.index_cast %mul3A_440 : i32 to index
      %swap3A_486 = tpu.vector_load %arg17[%swap3A_485] {strides = array<i32>} : memref<5120xf32, #tpu.memory_space<vmem>>, vector<16xf32>,
      %swap3A_487 = vector.shape_cast %swap3A_486 : vector<16xf32> to vector<16xf32>
      %swap3A_488 = vector.shape_cast %max3A_460 : vector<16xf32> to vector<16xf32>
      tpu.vector_store %arg17[%swap3A_485], %swap3A_488 {strides = array<i32>} : memref<5120xf32, #tpu.memory_space<vmem>>, vector<16xf32>,
      %swap3A_489 = arith.index_cast %mul3A_440 : i32 to index
      %swap3A_490 = tpu.vector_load %arg18[%swap3A_489] {strides = array<i32>} : memref<5120xf32, #tpu.memory_space<vmem>>, vector<16xf32>,
      %swap3A_491 = vector.shape_cast %swap3A_490 : vector<16xf32> to vector<16xf32>
      %swap3A_492 = vector.shape_cast %min3A_470 : vector<16xf32> to vector<16xf32>
      tpu.vector_store %arg18[%swap3A_489], %swap3A_492 {strides = array<i32>} : memref<5120xf32, #tpu.memory_space<vmem>>, vector<16xf32>,
      %swap3A_493 = arith.index_cast %mul3A_440 : i32 to index
      %swap3A_494 = tpu.vector_load %arg19[%swap3A_493] {strides = array<i32>} : memref<5120xf32, #tpu.memory_space<vmem>>, vector<16xf32>,
      %swap3A_495 = vector.shape_cast %swap3A_494 : vector<16xf32> to vector<16xf32>
      %swap3A_496 = vector.shape_cast %min3A_480 : vector<16xf32> to vector<16xf32>
      tpu.vector_store %arg19[%swap3A_493], %swap3A_496 {strides = array<i32>} : memref<5120xf32, #tpu.memory_space<vmem>>, vector<16xf32>,
      %sub3A_497 = arith.subf %min3A_470, %max3A_450 : vector<16xf32>
      %max3A_498 = arith.constant 0.000000e+00 : f32
      %max3A_499 = vector.broadcast %max3A_498 : f32 to vector<16xf32>
      %max3A_500 = arith.maximumf %sub3A_497, %max3A_499 : vector<16xf32>
      %sub3A_501 = arith.subf %min3A_480, %max3A_460 : vector<16xf32>
      %max3A_502 = arith.constant 0.000000e+00 : f32
      %max3A_503 = vector.broadcast %max3A_502 : f32 to vector<16xf32>
      %max3A_504 = arith.maximumf %sub3A_501, %max3A_503 : vector<16xf32>
      %mul3A_505 = arith.mulf %max3A_500, %max3A_504 : vector<16xf32>
      %swap3A_506 = arith.index_cast %mul3A_440 : i32 to index
      %swap3A_507 = tpu.vector_load %arg24[%swap3A_506] {strides = array<i32>} : memref<5120xf32, #tpu.memory_space<vmem>>, vector<16xf32>,
      %swap3A_508 = vector.shape_cast %swap3A_507 : vector<16xf32> to vector<16xf32>
      %swap3A_509 = vector.shape_cast %mul3A_505 : vector<16xf32> to vector<16xf32>
      tpu.vector_store %arg24[%swap3A_506], %swap3A_509 {strides = array<i32>} : memref<5120xf32, #tpu.memory_space<vmem>>, vector<16xf32>,
      %mul3A_510 = arith.constant 8 : i32
      %mul3A_511 = arith.muli %scan3A_62, %mul3A_510 : i32
      %add3A_512 = arith.constant 6 : i32
      %add3A_513 = arith.addi %mul3A_511, %add3A_512 : i32
      %mul3A_514 = arith.constant 16 : i32
      %mul3A_515 = arith.muli %add3A_513, %mul3A_514 : i32
      %get3A_516 = arith.index_cast %mul3A_515 : i32 to index
      %get3A_517 = tpu.vector_load %arg20[%get3A_516] {strides = array<i32>} : memref<5120xf32, #tpu.memory_space<vmem>>, vector<16xf32>,
      %get3A_518 = vector.shape_cast %get3A_517 : vector<16xf32> to vector<16xf32>
      %get3A_519 = arith.index_cast %mul3A_515 : i32 to index
      %get3A_520 = tpu.vector_load %arg16[%get3A_519] {strides = array<i32>} : memref<5120xf32, #tpu.memory_space<vmem>>, vector<16xf32>,
      %get3A_521 = vector.shape_cast %get3A_520 : vector<16xf32> to vector<16xf32>
      %sub3A_522 = arith.subf %get3A_518, %get3A_521 : vector<16xf32>
      %max3A_523 = arith.constant 0.000000e+00 : f32
      %max3A_524 = vector.broadcast %max3A_523 : f32 to vector<16xf32>
      %max3A_525 = arith.maximumf %sub3A_522, %max3A_524 : vector<16xf32>
      %get3A_526 = arith.index_cast %mul3A_515 : i32 to index
      %get3A_527 = tpu.vector_load %arg21[%get3A_526] {strides = array<i32>} : memref<5120xf32, #tpu.memory_space<vmem>>, vector<16xf32>,
      %get3A_528 = vector.shape_cast %get3A_527 : vector<16xf32> to vector<16xf32>
      %get3A_529 = arith.index_cast %mul3A_515 : i32 to index
      %get3A_530 = tpu.vector_load %arg17[%get3A_529] {strides = array<i32>} : memref<5120xf32, #tpu.memory_space<vmem>>, vector<16xf32>,
      %get3A_531 = vector.shape_cast %get3A_530 : vector<16xf32> to vector<16xf32>
      %sub3A_532 = arith.subf %get3A_528, %get3A_531 : vector<16xf32>
      %max3A_533 = arith.constant 0.000000e+00 : f32
      %max3A_534 = vector.broadcast %max3A_533 : f32 to vector<16xf32>
      %max3A_535 = arith.maximumf %sub3A_532, %max3A_534 : vector<16xf32>
      %get3A_536 = arith.index_cast %mul3A_515 : i32 to index
      %get3A_537 = tpu.vector_load %arg22[%get3A_536] {strides = array<i32>} : memref<5120xf32, #tpu.memory_space<vmem>>, vector<16xf32>,
      %get3A_538 = vector.shape_cast %get3A_537 : vector<16xf32> to vector<16xf32>
      %get3A_539 = arith.index_cast %mul3A_515 : i32 to index
      %get3A_540 = tpu.vector_load %arg18[%get3A_539] {strides = array<i32>} : memref<5120xf32, #tpu.memory_space<vmem>>, vector<16xf32>,
      %get3A_541 = vector.shape_cast %get3A_540 : vector<16xf32> to vector<16xf32>
      %add3A_542 = arith.addf %get3A_538, %get3A_541 : vector<16xf32>
      %min3A_543 = arith.constant 5.110000e+02 : f32
      %min3A_544 = vector.broadcast %min3A_543 : f32 to vector<16xf32>
      %min3A_545 = arith.minimumf %add3A_542, %min3A_544 : vector<16xf32>
      %get3A_546 = arith.index_cast %mul3A_515 : i32 to index
      %get3A_547 = tpu.vector_load %arg23[%get3A_546] {strides = array<i32>} : memref<5120xf32, #tpu.memory_space<vmem>>, vector<16xf32>,
      %get3A_548 = vector.shape_cast %get3A_547 : vector<16xf32> to vector<16xf32>
      %get3A_549 = arith.index_cast %mul3A_515 : i32 to index
      %get3A_550 = tpu.vector_load %arg19[%get3A_549] {strides = array<i32>} : memref<5120xf32, #tpu.memory_space<vmem>>, vector<16xf32>,
      %get3A_551 = vector.shape_cast %get3A_550 : vector<16xf32> to vector<16xf32>
      %add3A_552 = arith.addf %get3A_548, %get3A_551 : vector<16xf32>
      %min3A_553 = arith.constant 5.110000e+02 : f32
      %min3A_554 = vector.broadcast %min3A_553 : f32 to vector<16xf32>
      %min3A_555 = arith.minimumf %add3A_552, %min3A_554 : vector<16xf32>
      %swap3A_556 = arith.index_cast %mul3A_515 : i32 to index
      %swap3A_557 = tpu.vector_load %arg16[%swap3A_556] {strides = array<i32>} : memref<5120xf32, #tpu.memory_space<vmem>>, vector<16xf32>,
      %swap3A_558 = vector.shape_cast %swap3A_557 : vector<16xf32> to vector<16xf32>
      %swap3A_559 = vector.shape_cast %max3A_525 : vector<16xf32> to vector<16xf32>
      tpu.vector_store %arg16[%swap3A_556], %swap3A_559 {strides = array<i32>} : memref<5120xf32, #tpu.memory_space<vmem>>, vector<16xf32>,
      %swap3A_560 = arith.index_cast %mul3A_515 : i32 to index
      %swap3A_561 = tpu.vector_load %arg17[%swap3A_560] {strides = array<i32>} : memref<5120xf32, #tpu.memory_space<vmem>>, vector<16xf32>,
      %swap3A_562 = vector.shape_cast %swap3A_561 : vector<16xf32> to vector<16xf32>
      %swap3A_563 = vector.shape_cast %max3A_535 : vector<16xf32> to vector<16xf32>
      tpu.vector_store %arg17[%swap3A_560], %swap3A_563 {strides = array<i32>} : memref<5120xf32, #tpu.memory_space<vmem>>, vector<16xf32>,
      %swap3A_564 = arith.index_cast %mul3A_515 : i32 to index
      %swap3A_565 = tpu.vector_load %arg18[%swap3A_564] {strides = array<i32>} : memref<5120xf32, #tpu.memory_space<vmem>>, vector<16xf32>,
      %swap3A_566 = vector.shape_cast %swap3A_565 : vector<16xf32> to vector<16xf32>
      %swap3A_567 = vector.shape_cast %min3A_545 : vector<16xf32> to vector<16xf32>
      tpu.vector_store %arg18[%swap3A_564], %swap3A_567 {strides = array<i32>} : memref<5120xf32, #tpu.memory_space<vmem>>, vector<16xf32>,
      %swap3A_568 = arith.index_cast %mul3A_515 : i32 to index
      %swap3A_569 = tpu.vector_load %arg19[%swap3A_568] {strides = array<i32>} : memref<5120xf32, #tpu.memory_space<vmem>>, vector<16xf32>,
      %swap3A_570 = vector.shape_cast %swap3A_569 : vector<16xf32> to vector<16xf32>
      %swap3A_571 = vector.shape_cast %min3A_555 : vector<16xf32> to vector<16xf32>
      tpu.vector_store %arg19[%swap3A_568], %swap3A_571 {strides = array<i32>} : memref<5120xf32, #tpu.memory_space<vmem>>, vector<16xf32>,
      %sub3A_572 = arith.subf %min3A_545, %max3A_525 : vector<16xf32>
      %max3A_573 = arith.constant 0.000000e+00 : f32
      %max3A_574 = vector.broadcast %max3A_573 : f32 to vector<16xf32>
      %max3A_575 = arith.maximumf %sub3A_572, %max3A_574 : vector<16xf32>
      %sub3A_576 = arith.subf %min3A_555, %max3A_535 : vector<16xf32>
      %max3A_577 = arith.constant 0.000000e+00 : f32
      %max3A_578 = vector.broadcast %max3A_577 : f32 to vector<16xf32>
      %max3A_579 = arith.maximumf %sub3A_576, %max3A_578 : vector<16xf32>
      %mul3A_580 = arith.mulf %max3A_575, %max3A_579 : vector<16xf32>
      %swap3A_581 = arith.index_cast %mul3A_515 : i32 to index
      %swap3A_582 = tpu.vector_load %arg24[%swap3A_581] {strides = array<i32>} : memref<5120xf32, #tpu.memory_space<vmem>>, vector<16xf32>,
      %swap3A_583 = vector.shape_cast %swap3A_582 : vector<16xf32> to vector<16xf32>
      %swap3A_584 = vector.shape_cast %mul3A_580 : vector<16xf32> to vector<16xf32>
      tpu.vector_store %arg24[%swap3A_581], %swap3A_584 {strides = array<i32>} : memref<5120xf32, #tpu.memory_space<vmem>>, vector<16xf32>,
      %mul3A_585 = arith.constant 8 : i32
      %mul3A_586 = arith.muli %scan3A_62, %mul3A_585 : i32
      %add3A_587 = arith.constant 7 : i32
      %add3A_588 = arith.addi %mul3A_586, %add3A_587 : i32
      %mul3A_589 = arith.constant 16 : i32
      %mul3A_590 = arith.muli %add3A_588, %mul3A_589 : i32
      %get3A_591 = arith.index_cast %mul3A_590 : i32 to index
      %get3A_592 = tpu.vector_load %arg20[%get3A_591] {strides = array<i32>} : memref<5120xf32, #tpu.memory_space<vmem>>, vector<16xf32>,
      %get3A_593 = vector.shape_cast %get3A_592 : vector<16xf32> to vector<16xf32>
      %get3A_594 = arith.index_cast %mul3A_590 : i32 to index
      %get3A_595 = tpu.vector_load %arg16[%get3A_594] {strides = array<i32>} : memref<5120xf32, #tpu.memory_space<vmem>>, vector<16xf32>,
      %get3A_596 = vector.shape_cast %get3A_595 : vector<16xf32> to vector<16xf32>
      %sub3A_597 = arith.subf %get3A_593, %get3A_596 : vector<16xf32>
      %max3A_598 = arith.constant 0.000000e+00 : f32
      %max3A_599 = vector.broadcast %max3A_598 : f32 to vector<16xf32>
      %max3A_600 = arith.maximumf %sub3A_597, %max3A_599 : vector<16xf32>
      %get3A_601 = arith.index_cast %mul3A_590 : i32 to index
      %get3A_602 = tpu.vector_load %arg21[%get3A_601] {strides = array<i32>} : memref<5120xf32, #tpu.memory_space<vmem>>, vector<16xf32>,
      %get3A_603 = vector.shape_cast %get3A_602 : vector<16xf32> to vector<16xf32>
      %get3A_604 = arith.index_cast %mul3A_590 : i32 to index
      %get3A_605 = tpu.vector_load %arg17[%get3A_604] {strides = array<i32>} : memref<5120xf32, #tpu.memory_space<vmem>>, vector<16xf32>,
      %get3A_606 = vector.shape_cast %get3A_605 : vector<16xf32> to vector<16xf32>
      %sub3A_607 = arith.subf %get3A_603, %get3A_606 : vector<16xf32>
      %max3A_608 = arith.constant 0.000000e+00 : f32
      %max3A_609 = vector.broadcast %max3A_608 : f32 to vector<16xf32>
      %max3A_610 = arith.maximumf %sub3A_607, %max3A_609 : vector<16xf32>
      %get3A_611 = arith.index_cast %mul3A_590 : i32 to index
      %get3A_612 = tpu.vector_load %arg22[%get3A_611] {strides = array<i32>} : memref<5120xf32, #tpu.memory_space<vmem>>, vector<16xf32>,
      %get3A_613 = vector.shape_cast %get3A_612 : vector<16xf32> to vector<16xf32>
      %get3A_614 = arith.index_cast %mul3A_590 : i32 to index
      %get3A_615 = tpu.vector_load %arg18[%get3A_614] {strides = array<i32>} : memref<5120xf32, #tpu.memory_space<vmem>>, vector<16xf32>,
      %get3A_616 = vector.shape_cast %get3A_615 : vector<16xf32> to vector<16xf32>
      %add3A_617 = arith.addf %get3A_613, %get3A_616 : vector<16xf32>
      %min3A_618 = arith.constant 5.110000e+02 : f32
      %min3A_619 = vector.broadcast %min3A_618 : f32 to vector<16xf32>
      %min3A_620 = arith.minimumf %add3A_617, %min3A_619 : vector<16xf32>
      %get3A_621 = arith.index_cast %mul3A_590 : i32 to index
      %get3A_622 = tpu.vector_load %arg23[%get3A_621] {strides = array<i32>} : memref<5120xf32, #tpu.memory_space<vmem>>, vector<16xf32>,
      %get3A_623 = vector.shape_cast %get3A_622 : vector<16xf32> to vector<16xf32>
      %get3A_624 = arith.index_cast %mul3A_590 : i32 to index
      %get3A_625 = tpu.vector_load %arg19[%get3A_624] {strides = array<i32>} : memref<5120xf32, #tpu.memory_space<vmem>>, vector<16xf32>,
      %get3A_626 = vector.shape_cast %get3A_625 : vector<16xf32> to vector<16xf32>
      %add3A_627 = arith.addf %get3A_623, %get3A_626 : vector<16xf32>
      %min3A_628 = arith.constant 5.110000e+02 : f32
      %min3A_629 = vector.broadcast %min3A_628 : f32 to vector<16xf32>
      %min3A_630 = arith.minimumf %add3A_627, %min3A_629 : vector<16xf32>
      %swap3A_631 = arith.index_cast %mul3A_590 : i32 to index
      %swap3A_632 = tpu.vector_load %arg16[%swap3A_631] {strides = array<i32>} : memref<5120xf32, #tpu.memory_space<vmem>>, vector<16xf32>,
      %swap3A_633 = vector.shape_cast %swap3A_632 : vector<16xf32> to vector<16xf32>
      %swap3A_634 = vector.shape_cast %max3A_600 : vector<16xf32> to vector<16xf32>
      tpu.vector_store %arg16[%swap3A_631], %swap3A_634 {strides = array<i32>} : memref<5120xf32, #tpu.memory_space<vmem>>, vector<16xf32>,
      %swap3A_635 = arith.index_cast %mul3A_590 : i32 to index
      %swap3A_636 = tpu.vector_load %arg17[%swap3A_635] {strides = array<i32>} : memref<5120xf32, #tpu.memory_space<vmem>>, vector<16xf32>,
      %swap3A_637 = vector.shape_cast %swap3A_636 : vector<16xf32> to vector<16xf32>
      %swap3A_638 = vector.shape_cast %max3A_610 : vector<16xf32> to vector<16xf32>
      tpu.vector_store %arg17[%swap3A_635], %swap3A_638 {strides = array<i32>} : memref<5120xf32, #tpu.memory_space<vmem>>, vector<16xf32>,
      %swap3A_639 = arith.index_cast %mul3A_590 : i32 to index
      %swap3A_640 = tpu.vector_load %arg18[%swap3A_639] {strides = array<i32>} : memref<5120xf32, #tpu.memory_space<vmem>>, vector<16xf32>,
      %swap3A_641 = vector.shape_cast %swap3A_640 : vector<16xf32> to vector<16xf32>
      %swap3A_642 = vector.shape_cast %min3A_620 : vector<16xf32> to vector<16xf32>
      tpu.vector_store %arg18[%swap3A_639], %swap3A_642 {strides = array<i32>} : memref<5120xf32, #tpu.memory_space<vmem>>, vector<16xf32>,
      %swap3A_643 = arith.index_cast %mul3A_590 : i32 to index
      %swap3A_644 = tpu.vector_load %arg19[%swap3A_643] {strides = array<i32>} : memref<5120xf32, #tpu.memory_space<vmem>>, vector<16xf32>,
      %swap3A_645 = vector.shape_cast %swap3A_644 : vector<16xf32> to vector<16xf32>
      %swap3A_646 = vector.shape_cast %min3A_630 : vector<16xf32> to vector<16xf32>
      tpu.vector_store %arg19[%swap3A_643], %swap3A_646 {strides = array<i32>} : memref<5120xf32, #tpu.memory_space<vmem>>, vector<16xf32>,
      %sub3A_647 = arith.subf %min3A_620, %max3A_600 : vector<16xf32>
      %max3A_648 = arith.constant 0.000000e+00 : f32
      %max3A_649 = vector.broadcast %max3A_648 : f32 to vector<16xf32>
      %max3A_650 = arith.maximumf %sub3A_647, %max3A_649 : vector<16xf32>
      %sub3A_651 = arith.subf %min3A_630, %max3A_610 : vector<16xf32>
      %max3A_652 = arith.constant 0.000000e+00 : f32
      %max3A_653 = vector.broadcast %max3A_652 : f32 to vector<16xf32>
      %max3A_654 = arith.maximumf %sub3A_651, %max3A_653 : vector<16xf32>
      %mul3A_655 = arith.mulf %max3A_650, %max3A_654 : vector<16xf32>
      %swap3A_656 = arith.index_cast %mul3A_590 : i32 to index
      %swap3A_657 = tpu.vector_load %arg24[%swap3A_656] {strides = array<i32>} : memref<5120xf32, #tpu.memory_space<vmem>>, vector<16xf32>,
      %swap3A_658 = vector.shape_cast %swap3A_657 : vector<16xf32> to vector<16xf32>
      %swap3A_659 = vector.shape_cast %mul3A_655 : vector<16xf32> to vector<16xf32>
      tpu.vector_store %arg24[%swap3A_656], %swap3A_659 {strides = array<i32>} : memref<5120xf32, #tpu.memory_space<vmem>>, vector<16xf32>,
      %scan3A_660 = arith.constant 0 : i32
      scf.yield %scan3A_660 : i32
    }
    %scan3A_38 = arith.constant 40 : i32
    %broadcast_in_dim3A = arith.constant -2.000000e+00 : f32
    %broadcast_in_dim3A_39 = vector.broadcast %broadcast_in_dim3A : f32 to vector<16xf32>
    %broadcast_in_dim3A_40 = arith.constant 0 : i32
    %broadcast_in_dim3A_41 = vector.broadcast %broadcast_in_dim3A_40 : i32 to vector<16xi32>
    %scan3A_42 = arith.constant 0 : i32
    %scan3A_43 = arith.constant 5 : i32
    %scan3A_44 = arith.addi %scan3A_42, %scan3A_43 : i32
    %scan3A_45 = arith.constant 1 : i32
    %scan3A_46:2 = scf.for %scan3A_62 = %scan3A_42 to %scan3A_44 step %scan3A_45 iter_args(%scan3A_63 = %broadcast_in_dim3A_39, %scan3A_64 = %broadcast_in_dim3A_41) -> (vector<16xf32>, vector<16xi32>)  : i32 {
      %mul3A_65 = arith.constant 8 : i32
      %mul3A_66 = arith.muli %scan3A_62, %mul3A_65 : i32
      %add3A_67 = arith.constant 0 : i32
      %add3A_68 = arith.addi %mul3A_66, %add3A_67 : i32
      %mul3A_69 = arith.constant 16 : i32
      %mul3A_70 = arith.muli %add3A_68, %mul3A_69 : i32
      %get3A = arith.index_cast %mul3A_70 : i32 to index
      %get3A_71 = tpu.vector_load %arg14[%get3A] {strides = array<i32>} : memref<640xf32, #tpu.memory_space<vmem>>, vector<16xf32>,
      %get3A_72 = vector.shape_cast %get3A_71 : vector<16xf32> to vector<16xf32>
      %exp3A = math.exp %get3A_72 : vector<16xf32>
      %get3A_73 = arith.index_cast %mul3A_70 : i32 to index
      %get3A_74 = tpu.vector_load %arg15[%get3A_73] {strides = array<i32>} : memref<640xf32, #tpu.memory_space<vmem>>, vector<16xf32>,
      %get3A_75 = vector.shape_cast %get3A_74 : vector<16xf32> to vector<16xf32>
      %exp3A_76 = math.exp %get3A_75 : vector<16xf32>
      %mul3A_77 = arith.constant 16 : i32
      %mul3A_78 = arith.muli %add3A_68, %mul3A_77 : i32
      %add3A_79 = arith.addi %mul3A_32, %mul3A_78 : i32
      %add3A_80 = vector.broadcast %add3A_79 : i32 to vector<16xi32>
      %add3A_81 = arith.addi %add3A_80, %iota3A : vector<16xi32>
      %lt3A_82 = arith.constant 5000 : i32
      %lt3A_83 = vector.broadcast %lt3A_82 : i32 to vector<16xi32>
      %lt3A_84 = arith.cmpi slt, %add3A_81, %lt3A_83 : vector<16xi32>
      %add3A_85 = arith.addf %exp3A, %exp3A_76 : vector<16xf32>
      %div3A_86 = arith.divf %exp3A, %add3A_85 : vector<16xf32>
      %jit3A_87 = arith.constant -1.000000e+00 : f32
      %broadcast_in_dim3A_88 = vector.broadcast %jit3A_87 : f32 to vector<16xf32>
      %select_n3A_89 = arith.select %lt3A_84, %div3A_86, %broadcast_in_dim3A_88 : vector<16xi1>, vector<16xf32>
      %swap3A = arith.index_cast %mul3A_70 : i32 to index
      %swap3A_90 = tpu.vector_load %arg25[%swap3A] {strides = array<i32>} : memref<640xf32, #tpu.memory_space<vmem>>, vector<16xf32>,
      %swap3A_91 = vector.shape_cast %swap3A_90 : vector<16xf32> to vector<16xf32>
      %swap3A_92 = vector.shape_cast %select_n3A_89 : vector<16xf32> to vector<16xf32>
      tpu.vector_store %arg25[%swap3A], %swap3A_92 {strides = array<i32>} : memref<640xf32, #tpu.memory_space<vmem>>, vector<16xf32>,
      %gt3A = arith.cmpf ogt, %select_n3A_89, %scan3A_63 : vector<16xf32>
      %select_n3A_93 = arith.select %gt3A, %select_n3A_89, %scan3A_63 : vector<16xi1>, vector<16xf32>
      %select_n3A_94 = arith.select %gt3A, %add3A_81, %scan3A_64 : vector<16xi1>, vector<16xi32>
      %mul3A_95 = arith.constant 8 : i32
      %mul3A_96 = arith.muli %scan3A_62, %mul3A_95 : i32
      %add3A_97 = arith.constant 1 : i32
      %add3A_98 = arith.addi %mul3A_96, %add3A_97 : i32
      %mul3A_99 = arith.constant 16 : i32
      %mul3A_100 = arith.muli %add3A_98, %mul3A_99 : i32
      %get3A_101 = arith.index_cast %mul3A_100 : i32 to index
      %get3A_102 = tpu.vector_load %arg14[%get3A_101] {strides = array<i32>} : memref<640xf32, #tpu.memory_space<vmem>>, vector<16xf32>,
      %get3A_103 = vector.shape_cast %get3A_102 : vector<16xf32> to vector<16xf32>
      %exp3A_104 = math.exp %get3A_103 : vector<16xf32>
      %get3A_105 = arith.index_cast %mul3A_100 : i32 to index
      %get3A_106 = tpu.vector_load %arg15[%get3A_105] {strides = array<i32>} : memref<640xf32, #tpu.memory_space<vmem>>, vector<16xf32>,
      %get3A_107 = vector.shape_cast %get3A_106 : vector<16xf32> to vector<16xf32>
      %exp3A_108 = math.exp %get3A_107 : vector<16xf32>
      %mul3A_109 = arith.constant 16 : i32
      %mul3A_110 = arith.muli %add3A_98, %mul3A_109 : i32
      %add3A_111 = arith.addi %mul3A_32, %mul3A_110 : i32
      %add3A_112 = vector.broadcast %add3A_111 : i32 to vector<16xi32>
      %add3A_113 = arith.addi %add3A_112, %iota3A : vector<16xi32>
      %lt3A_114 = arith.constant 5000 : i32
      %lt3A_115 = vector.broadcast %lt3A_114 : i32 to vector<16xi32>
      %lt3A_116 = arith.cmpi slt, %add3A_113, %lt3A_115 : vector<16xi32>
      %add3A_117 = arith.addf %exp3A_104, %exp3A_108 : vector<16xf32>
      %div3A_118 = arith.divf %exp3A_104, %add3A_117 : vector<16xf32>
      %jit3A_119 = arith.constant -1.000000e+00 : f32
      %broadcast_in_dim3A_120 = vector.broadcast %jit3A_119 : f32 to vector<16xf32>
      %select_n3A_121 = arith.select %lt3A_116, %div3A_118, %broadcast_in_dim3A_120 : vector<16xi1>, vector<16xf32>
      %swap3A_122 = arith.index_cast %mul3A_100 : i32 to index
      %swap3A_123 = tpu.vector_load %arg25[%swap3A_122] {strides = array<i32>} : memref<640xf32, #tpu.memory_space<vmem>>, vector<16xf32>,
      %swap3A_124 = vector.shape_cast %swap3A_123 : vector<16xf32> to vector<16xf32>
      %swap3A_125 = vector.shape_cast %select_n3A_121 : vector<16xf32> to vector<16xf32>
      tpu.vector_store %arg25[%swap3A_122], %swap3A_125 {strides = array<i32>} : memref<640xf32, #tpu.memory_space<vmem>>, vector<16xf32>,
      %gt3A_126 = arith.cmpf ogt, %select_n3A_121, %select_n3A_93 : vector<16xf32>
      %select_n3A_127 = arith.select %gt3A_126, %select_n3A_121, %select_n3A_93 : vector<16xi1>, vector<16xf32>
      %select_n3A_128 = arith.select %gt3A_126, %add3A_113, %select_n3A_94 : vector<16xi1>, vector<16xi32>
      %mul3A_129 = arith.constant 8 : i32
      %mul3A_130 = arith.muli %scan3A_62, %mul3A_129 : i32
      %add3A_131 = arith.constant 2 : i32
      %add3A_132 = arith.addi %mul3A_130, %add3A_131 : i32
      %mul3A_133 = arith.constant 16 : i32
      %mul3A_134 = arith.muli %add3A_132, %mul3A_133 : i32
      %get3A_135 = arith.index_cast %mul3A_134 : i32 to index
      %get3A_136 = tpu.vector_load %arg14[%get3A_135] {strides = array<i32>} : memref<640xf32, #tpu.memory_space<vmem>>, vector<16xf32>,
      %get3A_137 = vector.shape_cast %get3A_136 : vector<16xf32> to vector<16xf32>
      %exp3A_138 = math.exp %get3A_137 : vector<16xf32>
      %get3A_139 = arith.index_cast %mul3A_134 : i32 to index
      %get3A_140 = tpu.vector_load %arg15[%get3A_139] {strides = array<i32>} : memref<640xf32, #tpu.memory_space<vmem>>, vector<16xf32>,
      %get3A_141 = vector.shape_cast %get3A_140 : vector<16xf32> to vector<16xf32>
      %exp3A_142 = math.exp %get3A_141 : vector<16xf32>
      %mul3A_143 = arith.constant 16 : i32
      %mul3A_144 = arith.muli %add3A_132, %mul3A_143 : i32
      %add3A_145 = arith.addi %mul3A_32, %mul3A_144 : i32
      %add3A_146 = vector.broadcast %add3A_145 : i32 to vector<16xi32>
      %add3A_147 = arith.addi %add3A_146, %iota3A : vector<16xi32>
      %lt3A_148 = arith.constant 5000 : i32
      %lt3A_149 = vector.broadcast %lt3A_148 : i32 to vector<16xi32>
      %lt3A_150 = arith.cmpi slt, %add3A_147, %lt3A_149 : vector<16xi32>
      %add3A_151 = arith.addf %exp3A_138, %exp3A_142 : vector<16xf32>
      %div3A_152 = arith.divf %exp3A_138, %add3A_151 : vector<16xf32>
      %jit3A_153 = arith.constant -1.000000e+00 : f32
      %broadcast_in_dim3A_154 = vector.broadcast %jit3A_153 : f32 to vector<16xf32>
      %select_n3A_155 = arith.select %lt3A_150, %div3A_152, %broadcast_in_dim3A_154 : vector<16xi1>, vector<16xf32>
      %swap3A_156 = arith.index_cast %mul3A_134 : i32 to index
      %swap3A_157 = tpu.vector_load %arg25[%swap3A_156] {strides = array<i32>} : memref<640xf32, #tpu.memory_space<vmem>>, vector<16xf32>,
      %swap3A_158 = vector.shape_cast %swap3A_157 : vector<16xf32> to vector<16xf32>
      %swap3A_159 = vector.shape_cast %select_n3A_155 : vector<16xf32> to vector<16xf32>
      tpu.vector_store %arg25[%swap3A_156], %swap3A_159 {strides = array<i32>} : memref<640xf32, #tpu.memory_space<vmem>>, vector<16xf32>,
      %gt3A_160 = arith.cmpf ogt, %select_n3A_155, %select_n3A_127 : vector<16xf32>
      %select_n3A_161 = arith.select %gt3A_160, %select_n3A_155, %select_n3A_127 : vector<16xi1>, vector<16xf32>
      %select_n3A_162 = arith.select %gt3A_160, %add3A_147, %select_n3A_128 : vector<16xi1>, vector<16xi32>
      %mul3A_163 = arith.constant 8 : i32
      %mul3A_164 = arith.muli %scan3A_62, %mul3A_163 : i32
      %add3A_165 = arith.constant 3 : i32
      %add3A_166 = arith.addi %mul3A_164, %add3A_165 : i32
      %mul3A_167 = arith.constant 16 : i32
      %mul3A_168 = arith.muli %add3A_166, %mul3A_167 : i32
      %get3A_169 = arith.index_cast %mul3A_168 : i32 to index
      %get3A_170 = tpu.vector_load %arg14[%get3A_169] {strides = array<i32>} : memref<640xf32, #tpu.memory_space<vmem>>, vector<16xf32>,
      %get3A_171 = vector.shape_cast %get3A_170 : vector<16xf32> to vector<16xf32>
      %exp3A_172 = math.exp %get3A_171 : vector<16xf32>
      %get3A_173 = arith.index_cast %mul3A_168 : i32 to index
      %get3A_174 = tpu.vector_load %arg15[%get3A_173] {strides = array<i32>} : memref<640xf32, #tpu.memory_space<vmem>>, vector<16xf32>,
      %get3A_175 = vector.shape_cast %get3A_174 : vector<16xf32> to vector<16xf32>
      %exp3A_176 = math.exp %get3A_175 : vector<16xf32>
      %mul3A_177 = arith.constant 16 : i32
      %mul3A_178 = arith.muli %add3A_166, %mul3A_177 : i32
      %add3A_179 = arith.addi %mul3A_32, %mul3A_178 : i32
      %add3A_180 = vector.broadcast %add3A_179 : i32 to vector<16xi32>
      %add3A_181 = arith.addi %add3A_180, %iota3A : vector<16xi32>
      %lt3A_182 = arith.constant 5000 : i32
      %lt3A_183 = vector.broadcast %lt3A_182 : i32 to vector<16xi32>
      %lt3A_184 = arith.cmpi slt, %add3A_181, %lt3A_183 : vector<16xi32>
      %add3A_185 = arith.addf %exp3A_172, %exp3A_176 : vector<16xf32>
      %div3A_186 = arith.divf %exp3A_172, %add3A_185 : vector<16xf32>
      %jit3A_187 = arith.constant -1.000000e+00 : f32
      %broadcast_in_dim3A_188 = vector.broadcast %jit3A_187 : f32 to vector<16xf32>
      %select_n3A_189 = arith.select %lt3A_184, %div3A_186, %broadcast_in_dim3A_188 : vector<16xi1>, vector<16xf32>
      %swap3A_190 = arith.index_cast %mul3A_168 : i32 to index
      %swap3A_191 = tpu.vector_load %arg25[%swap3A_190] {strides = array<i32>} : memref<640xf32, #tpu.memory_space<vmem>>, vector<16xf32>,
      %swap3A_192 = vector.shape_cast %swap3A_191 : vector<16xf32> to vector<16xf32>
      %swap3A_193 = vector.shape_cast %select_n3A_189 : vector<16xf32> to vector<16xf32>
      tpu.vector_store %arg25[%swap3A_190], %swap3A_193 {strides = array<i32>} : memref<640xf32, #tpu.memory_space<vmem>>, vector<16xf32>,
      %gt3A_194 = arith.cmpf ogt, %select_n3A_189, %select_n3A_161 : vector<16xf32>
      %select_n3A_195 = arith.select %gt3A_194, %select_n3A_189, %select_n3A_161 : vector<16xi1>, vector<16xf32>
      %select_n3A_196 = arith.select %gt3A_194, %add3A_181, %select_n3A_162 : vector<16xi1>, vector<16xi32>
      %mul3A_197 = arith.constant 8 : i32
      %mul3A_198 = arith.muli %scan3A_62, %mul3A_197 : i32
      %add3A_199 = arith.constant 4 : i32
      %add3A_200 = arith.addi %mul3A_198, %add3A_199 : i32
      %mul3A_201 = arith.constant 16 : i32
      %mul3A_202 = arith.muli %add3A_200, %mul3A_201 : i32
      %get3A_203 = arith.index_cast %mul3A_202 : i32 to index
      %get3A_204 = tpu.vector_load %arg14[%get3A_203] {strides = array<i32>} : memref<640xf32, #tpu.memory_space<vmem>>, vector<16xf32>,
      %get3A_205 = vector.shape_cast %get3A_204 : vector<16xf32> to vector<16xf32>
      %exp3A_206 = math.exp %get3A_205 : vector<16xf32>
      %get3A_207 = arith.index_cast %mul3A_202 : i32 to index
      %get3A_208 = tpu.vector_load %arg15[%get3A_207] {strides = array<i32>} : memref<640xf32, #tpu.memory_space<vmem>>, vector<16xf32>,
      %get3A_209 = vector.shape_cast %get3A_208 : vector<16xf32> to vector<16xf32>
      %exp3A_210 = math.exp %get3A_209 : vector<16xf32>
      %mul3A_211 = arith.constant 16 : i32
      %mul3A_212 = arith.muli %add3A_200, %mul3A_211 : i32
      %add3A_213 = arith.addi %mul3A_32, %mul3A_212 : i32
      %add3A_214 = vector.broadcast %add3A_213 : i32 to vector<16xi32>
      %add3A_215 = arith.addi %add3A_214, %iota3A : vector<16xi32>
      %lt3A_216 = arith.constant 5000 : i32
      %lt3A_217 = vector.broadcast %lt3A_216 : i32 to vector<16xi32>
      %lt3A_218 = arith.cmpi slt, %add3A_215, %lt3A_217 : vector<16xi32>
      %add3A_219 = arith.addf %exp3A_206, %exp3A_210 : vector<16xf32>
      %div3A_220 = arith.divf %exp3A_206, %add3A_219 : vector<16xf32>
      %jit3A_221 = arith.constant -1.000000e+00 : f32
      %broadcast_in_dim3A_222 = vector.broadcast %jit3A_221 : f32 to vector<16xf32>
      %select_n3A_223 = arith.select %lt3A_218, %div3A_220, %broadcast_in_dim3A_222 : vector<16xi1>, vector<16xf32>
      %swap3A_224 = arith.index_cast %mul3A_202 : i32 to index
      %swap3A_225 = tpu.vector_load %arg25[%swap3A_224] {strides = array<i32>} : memref<640xf32, #tpu.memory_space<vmem>>, vector<16xf32>,
      %swap3A_226 = vector.shape_cast %swap3A_225 : vector<16xf32> to vector<16xf32>
      %swap3A_227 = vector.shape_cast %select_n3A_223 : vector<16xf32> to vector<16xf32>
      tpu.vector_store %arg25[%swap3A_224], %swap3A_227 {strides = array<i32>} : memref<640xf32, #tpu.memory_space<vmem>>, vector<16xf32>,
      %gt3A_228 = arith.cmpf ogt, %select_n3A_223, %select_n3A_195 : vector<16xf32>
      %select_n3A_229 = arith.select %gt3A_228, %select_n3A_223, %select_n3A_195 : vector<16xi1>, vector<16xf32>
      %select_n3A_230 = arith.select %gt3A_228, %add3A_215, %select_n3A_196 : vector<16xi1>, vector<16xi32>
      %mul3A_231 = arith.constant 8 : i32
      %mul3A_232 = arith.muli %scan3A_62, %mul3A_231 : i32
      %add3A_233 = arith.constant 5 : i32
      %add3A_234 = arith.addi %mul3A_232, %add3A_233 : i32
      %mul3A_235 = arith.constant 16 : i32
      %mul3A_236 = arith.muli %add3A_234, %mul3A_235 : i32
      %get3A_237 = arith.index_cast %mul3A_236 : i32 to index
      %get3A_238 = tpu.vector_load %arg14[%get3A_237] {strides = array<i32>} : memref<640xf32, #tpu.memory_space<vmem>>, vector<16xf32>,
      %get3A_239 = vector.shape_cast %get3A_238 : vector<16xf32> to vector<16xf32>
      %exp3A_240 = math.exp %get3A_239 : vector<16xf32>
      %get3A_241 = arith.index_cast %mul3A_236 : i32 to index
      %get3A_242 = tpu.vector_load %arg15[%get3A_241] {strides = array<i32>} : memref<640xf32, #tpu.memory_space<vmem>>, vector<16xf32>,
      %get3A_243 = vector.shape_cast %get3A_242 : vector<16xf32> to vector<16xf32>
      %exp3A_244 = math.exp %get3A_243 : vector<16xf32>
      %mul3A_245 = arith.constant 16 : i32
      %mul3A_246 = arith.muli %add3A_234, %mul3A_245 : i32
      %add3A_247 = arith.addi %mul3A_32, %mul3A_246 : i32
      %add3A_248 = vector.broadcast %add3A_247 : i32 to vector<16xi32>
      %add3A_249 = arith.addi %add3A_248, %iota3A : vector<16xi32>
      %lt3A_250 = arith.constant 5000 : i32
      %lt3A_251 = vector.broadcast %lt3A_250 : i32 to vector<16xi32>
      %lt3A_252 = arith.cmpi slt, %add3A_249, %lt3A_251 : vector<16xi32>
      %add3A_253 = arith.addf %exp3A_240, %exp3A_244 : vector<16xf32>
      %div3A_254 = arith.divf %exp3A_240, %add3A_253 : vector<16xf32>
      %jit3A_255 = arith.constant -1.000000e+00 : f32
      %broadcast_in_dim3A_256 = vector.broadcast %jit3A_255 : f32 to vector<16xf32>
      %select_n3A_257 = arith.select %lt3A_252, %div3A_254, %broadcast_in_dim3A_256 : vector<16xi1>, vector<16xf32>
      %swap3A_258 = arith.index_cast %mul3A_236 : i32 to index
      %swap3A_259 = tpu.vector_load %arg25[%swap3A_258] {strides = array<i32>} : memref<640xf32, #tpu.memory_space<vmem>>, vector<16xf32>,
      %swap3A_260 = vector.shape_cast %swap3A_259 : vector<16xf32> to vector<16xf32>
      %swap3A_261 = vector.shape_cast %select_n3A_257 : vector<16xf32> to vector<16xf32>
      tpu.vector_store %arg25[%swap3A_258], %swap3A_261 {strides = array<i32>} : memref<640xf32, #tpu.memory_space<vmem>>, vector<16xf32>,
      %gt3A_262 = arith.cmpf ogt, %select_n3A_257, %select_n3A_229 : vector<16xf32>
      %select_n3A_263 = arith.select %gt3A_262, %select_n3A_257, %select_n3A_229 : vector<16xi1>, vector<16xf32>
      %select_n3A_264 = arith.select %gt3A_262, %add3A_249, %select_n3A_230 : vector<16xi1>, vector<16xi32>
      %mul3A_265 = arith.constant 8 : i32
      %mul3A_266 = arith.muli %scan3A_62, %mul3A_265 : i32
      %add3A_267 = arith.constant 6 : i32
      %add3A_268 = arith.addi %mul3A_266, %add3A_267 : i32
      %mul3A_269 = arith.constant 16 : i32
      %mul3A_270 = arith.muli %add3A_268, %mul3A_269 : i32
      %get3A_271 = arith.index_cast %mul3A_270 : i32 to index
      %get3A_272 = tpu.vector_load %arg14[%get3A_271] {strides = array<i32>} : memref<640xf32, #tpu.memory_space<vmem>>, vector<16xf32>,
      %get3A_273 = vector.shape_cast %get3A_272 : vector<16xf32> to vector<16xf32>
      %exp3A_274 = math.exp %get3A_273 : vector<16xf32>
      %get3A_275 = arith.index_cast %mul3A_270 : i32 to index
      %get3A_276 = tpu.vector_load %arg15[%get3A_275] {strides = array<i32>} : memref<640xf32, #tpu.memory_space<vmem>>, vector<16xf32>,
      %get3A_277 = vector.shape_cast %get3A_276 : vector<16xf32> to vector<16xf32>
      %exp3A_278 = math.exp %get3A_277 : vector<16xf32>
      %mul3A_279 = arith.constant 16 : i32
      %mul3A_280 = arith.muli %add3A_268, %mul3A_279 : i32
      %add3A_281 = arith.addi %mul3A_32, %mul3A_280 : i32
      %add3A_282 = vector.broadcast %add3A_281 : i32 to vector<16xi32>
      %add3A_283 = arith.addi %add3A_282, %iota3A : vector<16xi32>
      %lt3A_284 = arith.constant 5000 : i32
      %lt3A_285 = vector.broadcast %lt3A_284 : i32 to vector<16xi32>
      %lt3A_286 = arith.cmpi slt, %add3A_283, %lt3A_285 : vector<16xi32>
      %add3A_287 = arith.addf %exp3A_274, %exp3A_278 : vector<16xf32>
      %div3A_288 = arith.divf %exp3A_274, %add3A_287 : vector<16xf32>
      %jit3A_289 = arith.constant -1.000000e+00 : f32
      %broadcast_in_dim3A_290 = vector.broadcast %jit3A_289 : f32 to vector<16xf32>
      %select_n3A_291 = arith.select %lt3A_286, %div3A_288, %broadcast_in_dim3A_290 : vector<16xi1>, vector<16xf32>
      %swap3A_292 = arith.index_cast %mul3A_270 : i32 to index
      %swap3A_293 = tpu.vector_load %arg25[%swap3A_292] {strides = array<i32>} : memref<640xf32, #tpu.memory_space<vmem>>, vector<16xf32>,
      %swap3A_294 = vector.shape_cast %swap3A_293 : vector<16xf32> to vector<16xf32>
      %swap3A_295 = vector.shape_cast %select_n3A_291 : vector<16xf32> to vector<16xf32>
      tpu.vector_store %arg25[%swap3A_292], %swap3A_295 {strides = array<i32>} : memref<640xf32, #tpu.memory_space<vmem>>, vector<16xf32>,
      %gt3A_296 = arith.cmpf ogt, %select_n3A_291, %select_n3A_263 : vector<16xf32>
      %select_n3A_297 = arith.select %gt3A_296, %select_n3A_291, %select_n3A_263 : vector<16xi1>, vector<16xf32>
      %select_n3A_298 = arith.select %gt3A_296, %add3A_283, %select_n3A_264 : vector<16xi1>, vector<16xi32>
      %mul3A_299 = arith.constant 8 : i32
      %mul3A_300 = arith.muli %scan3A_62, %mul3A_299 : i32
      %add3A_301 = arith.constant 7 : i32
      %add3A_302 = arith.addi %mul3A_300, %add3A_301 : i32
      %mul3A_303 = arith.constant 16 : i32
      %mul3A_304 = arith.muli %add3A_302, %mul3A_303 : i32
      %get3A_305 = arith.index_cast %mul3A_304 : i32 to index
      %get3A_306 = tpu.vector_load %arg14[%get3A_305] {strides = array<i32>} : memref<640xf32, #tpu.memory_space<vmem>>, vector<16xf32>,
      %get3A_307 = vector.shape_cast %get3A_306 : vector<16xf32> to vector<16xf32>
      %exp3A_308 = math.exp %get3A_307 : vector<16xf32>
      %get3A_309 = arith.index_cast %mul3A_304 : i32 to index
      %get3A_310 = tpu.vector_load %arg15[%get3A_309] {strides = array<i32>} : memref<640xf32, #tpu.memory_space<vmem>>, vector<16xf32>,
      %get3A_311 = vector.shape_cast %get3A_310 : vector<16xf32> to vector<16xf32>
      %exp3A_312 = math.exp %get3A_311 : vector<16xf32>
      %mul3A_313 = arith.constant 16 : i32
      %mul3A_314 = arith.muli %add3A_302, %mul3A_313 : i32
      %add3A_315 = arith.addi %mul3A_32, %mul3A_314 : i32
      %add3A_316 = vector.broadcast %add3A_315 : i32 to vector<16xi32>
      %add3A_317 = arith.addi %add3A_316, %iota3A : vector<16xi32>
      %lt3A_318 = arith.constant 5000 : i32
      %lt3A_319 = vector.broadcast %lt3A_318 : i32 to vector<16xi32>
      %lt3A_320 = arith.cmpi slt, %add3A_317, %lt3A_319 : vector<16xi32>
      %add3A_321 = arith.addf %exp3A_308, %exp3A_312 : vector<16xf32>
      %div3A_322 = arith.divf %exp3A_308, %add3A_321 : vector<16xf32>
      %jit3A_323 = arith.constant -1.000000e+00 : f32
      %broadcast_in_dim3A_324 = vector.broadcast %jit3A_323 : f32 to vector<16xf32>
      %select_n3A_325 = arith.select %lt3A_320, %div3A_322, %broadcast_in_dim3A_324 : vector<16xi1>, vector<16xf32>
      %swap3A_326 = arith.index_cast %mul3A_304 : i32 to index
      %swap3A_327 = tpu.vector_load %arg25[%swap3A_326] {strides = array<i32>} : memref<640xf32, #tpu.memory_space<vmem>>, vector<16xf32>,
      %swap3A_328 = vector.shape_cast %swap3A_327 : vector<16xf32> to vector<16xf32>
      %swap3A_329 = vector.shape_cast %select_n3A_325 : vector<16xf32> to vector<16xf32>
      tpu.vector_store %arg25[%swap3A_326], %swap3A_329 {strides = array<i32>} : memref<640xf32, #tpu.memory_space<vmem>>, vector<16xf32>,
      %gt3A_330 = arith.cmpf ogt, %select_n3A_325, %select_n3A_297 : vector<16xf32>
      %select_n3A_331 = arith.select %gt3A_330, %select_n3A_325, %select_n3A_297 : vector<16xi1>, vector<16xf32>
      %select_n3A_332 = arith.select %gt3A_330, %add3A_317, %select_n3A_298 : vector<16xi1>, vector<16xi32>
      scf.yield %select_n3A_331, %select_n3A_332 : vector<16xf32>, vector<16xi32>
    }
    %scan3A_47 = arith.constant 5 : i32
    %scan3A_48 = arith.constant 0.000000e+00 : f32
    %scan3A_49 = arith.constant 0.000000e+00 : f32
    %scan3A_50 = arith.constant 0.000000e+00 : f32
    %scan3A_51 = arith.constant 0.000000e+00 : f32
    %scan3A_52 = arith.constant 0.000000e+00 : f32
    %scan3A_53 = arith.constant 0 : i32
    %scan3A_54 = arith.constant 100 : i32
    %scan3A_55 = arith.addi %scan3A_53, %scan3A_54 : i32
    %scan3A_56 = arith.constant 1 : i32
    %scan3A_57:7 = scf.for %scan3A_62 = %scan3A_53 to %scan3A_55 step %scan3A_56 iter_args(%scan3A_63 = %scan3A_46#0, %scan3A_64 = %scan3A_46#1, %scan3A_65 = %scan3A_48, %scan3A_66 = %scan3A_49, %scan3A_67 = %scan3A_50, %scan3A_68 = %scan3A_51, %scan3A_69 = %scan3A_52) -> (vector<16xf32>, vector<16xi32>, f32, f32, f32, f32, f32)  : i32 {
      %slice3A = vector.extract_strided_slice %scan3A_63 {offsets = [0], sizes = [1], strides = [1]} : vector<16xf32> to vector<1xf32>
      %squeeze3A = vector.extract %slice3A[0] : f32 from vector<1xf32>
      %slice3A_70 = vector.extract_strided_slice %scan3A_64 {offsets = [0], sizes = [1], strides = [1]} : vector<16xi32> to vector<1xi32>
      %squeeze3A_71 = vector.extract %slice3A_70[0] : i32 from vector<1xi32>
      %gt3A = arith.constant -2.000000e+00 : f32
      %gt3A_72 = arith.cmpf ogt, %squeeze3A, %gt3A : f32
      %eq3A_73 = arith.constant -2.000000e+00 : f32
      %eq3A_74 = arith.cmpf oeq, %squeeze3A, %eq3A_73 : f32
      %lt3A_75 = arith.constant 5120 : i32
      %lt3A_76 = arith.cmpi slt, %squeeze3A_71, %lt3A_75 : i32
      %and3A_77 = arith.andi %eq3A_74, %lt3A_76 : i1
      %or3A = arith.ori %gt3A_72, %and3A_77 : i1
      %jit3A_78 = arith.constant -2.000000e+00 : f32
      %select_n3A_79 = arith.select %or3A, %squeeze3A, %jit3A_78 : f32
      %jit3A_80 = arith.constant 5120 : i32
      %select_n3A_81 = arith.select %or3A, %squeeze3A_71, %jit3A_80 : i32
      %slice3A_82 = vector.extract_strided_slice %scan3A_63 {offsets = [1], sizes = [1], strides = [1]} : vector<16xf32> to vector<1xf32>
      %squeeze3A_83 = vector.extract %slice3A_82[0] : f32 from vector<1xf32>
      %slice3A_84 = vector.extract_strided_slice %scan3A_64 {offsets = [1], sizes = [1], strides = [1]} : vector<16xi32> to vector<1xi32>
      %squeeze3A_85 = vector.extract %slice3A_84[0] : i32 from vector<1xi32>
      %gt3A_86 = arith.cmpf ogt, %squeeze3A_83, %select_n3A_79 : f32
      %eq3A_87 = arith.cmpf oeq, %squeeze3A_83, %select_n3A_79 : f32
      %lt3A_88 = arith.cmpi slt, %squeeze3A_85, %select_n3A_81 : i32
      %and3A_89 = arith.andi %eq3A_87, %lt3A_88 : i1
      %or3A_90 = arith.ori %gt3A_86, %and3A_89 : i1
      %select_n3A_91 = arith.select %or3A_90, %squeeze3A_83, %select_n3A_79 : f32
      %select_n3A_92 = arith.select %or3A_90, %squeeze3A_85, %select_n3A_81 : i32
      %slice3A_93 = vector.extract_strided_slice %scan3A_63 {offsets = [2], sizes = [1], strides = [1]} : vector<16xf32> to vector<1xf32>
      %squeeze3A_94 = vector.extract %slice3A_93[0] : f32 from vector<1xf32>
      %slice3A_95 = vector.extract_strided_slice %scan3A_64 {offsets = [2], sizes = [1], strides = [1]} : vector<16xi32> to vector<1xi32>
      %squeeze3A_96 = vector.extract %slice3A_95[0] : i32 from vector<1xi32>
      %gt3A_97 = arith.cmpf ogt, %squeeze3A_94, %select_n3A_91 : f32
      %eq3A_98 = arith.cmpf oeq, %squeeze3A_94, %select_n3A_91 : f32
      %lt3A_99 = arith.cmpi slt, %squeeze3A_96, %select_n3A_92 : i32
      %and3A_100 = arith.andi %eq3A_98, %lt3A_99 : i1
      %or3A_101 = arith.ori %gt3A_97, %and3A_100 : i1
      %select_n3A_102 = arith.select %or3A_101, %squeeze3A_94, %select_n3A_91 : f32
      %select_n3A_103 = arith.select %or3A_101, %squeeze3A_96, %select_n3A_92 : i32
      %slice3A_104 = vector.extract_strided_slice %scan3A_63 {offsets = [3], sizes = [1], strides = [1]} : vector<16xf32> to vector<1xf32>
      %squeeze3A_105 = vector.extract %slice3A_104[0] : f32 from vector<1xf32>
      %slice3A_106 = vector.extract_strided_slice %scan3A_64 {offsets = [3], sizes = [1], strides = [1]} : vector<16xi32> to vector<1xi32>
      %squeeze3A_107 = vector.extract %slice3A_106[0] : i32 from vector<1xi32>
      %gt3A_108 = arith.cmpf ogt, %squeeze3A_105, %select_n3A_102 : f32
      %eq3A_109 = arith.cmpf oeq, %squeeze3A_105, %select_n3A_102 : f32
      %lt3A_110 = arith.cmpi slt, %squeeze3A_107, %select_n3A_103 : i32
      %and3A_111 = arith.andi %eq3A_109, %lt3A_110 : i1
      %or3A_112 = arith.ori %gt3A_108, %and3A_111 : i1
      %select_n3A_113 = arith.select %or3A_112, %squeeze3A_105, %select_n3A_102 : f32
      %select_n3A_114 = arith.select %or3A_112, %squeeze3A_107, %select_n3A_103 : i32
      %slice3A_115 = vector.extract_strided_slice %scan3A_63 {offsets = [4], sizes = [1], strides = [1]} : vector<16xf32> to vector<1xf32>
      %squeeze3A_116 = vector.extract %slice3A_115[0] : f32 from vector<1xf32>
      %slice3A_117 = vector.extract_strided_slice %scan3A_64 {offsets = [4], sizes = [1], strides = [1]} : vector<16xi32> to vector<1xi32>
      %squeeze3A_118 = vector.extract %slice3A_117[0] : i32 from vector<1xi32>
      %gt3A_119 = arith.cmpf ogt, %squeeze3A_116, %select_n3A_113 : f32
      %eq3A_120 = arith.cmpf oeq, %squeeze3A_116, %select_n3A_113 : f32
      %lt3A_121 = arith.cmpi slt, %squeeze3A_118, %select_n3A_114 : i32
      %and3A_122 = arith.andi %eq3A_120, %lt3A_121 : i1
      %or3A_123 = arith.ori %gt3A_119, %and3A_122 : i1
      %select_n3A_124 = arith.select %or3A_123, %squeeze3A_116, %select_n3A_113 : f32
      %select_n3A_125 = arith.select %or3A_123, %squeeze3A_118, %select_n3A_114 : i32
      %slice3A_126 = vector.extract_strided_slice %scan3A_63 {offsets = [5], sizes = [1], strides = [1]} : vector<16xf32> to vector<1xf32>
      %squeeze3A_127 = vector.extract %slice3A_126[0] : f32 from vector<1xf32>
      %slice3A_128 = vector.extract_strided_slice %scan3A_64 {offsets = [5], sizes = [1], strides = [1]} : vector<16xi32> to vector<1xi32>
      %squeeze3A_129 = vector.extract %slice3A_128[0] : i32 from vector<1xi32>
      %gt3A_130 = arith.cmpf ogt, %squeeze3A_127, %select_n3A_124 : f32
      %eq3A_131 = arith.cmpf oeq, %squeeze3A_127, %select_n3A_124 : f32
      %lt3A_132 = arith.cmpi slt, %squeeze3A_129, %select_n3A_125 : i32
      %and3A_133 = arith.andi %eq3A_131, %lt3A_132 : i1
      %or3A_134 = arith.ori %gt3A_130, %and3A_133 : i1
      %select_n3A_135 = arith.select %or3A_134, %squeeze3A_127, %select_n3A_124 : f32
      %select_n3A_136 = arith.select %or3A_134, %squeeze3A_129, %select_n3A_125 : i32
      %slice3A_137 = vector.extract_strided_slice %scan3A_63 {offsets = [6], sizes = [1], strides = [1]} : vector<16xf32> to vector<1xf32>
      %squeeze3A_138 = vector.extract %slice3A_137[0] : f32 from vector<1xf32>
      %slice3A_139 = vector.extract_strided_slice %scan3A_64 {offsets = [6], sizes = [1], strides = [1]} : vector<16xi32> to vector<1xi32>
      %squeeze3A_140 = vector.extract %slice3A_139[0] : i32 from vector<1xi32>
      %gt3A_141 = arith.cmpf ogt, %squeeze3A_138, %select_n3A_135 : f32
      %eq3A_142 = arith.cmpf oeq, %squeeze3A_138, %select_n3A_135 : f32
      %lt3A_143 = arith.cmpi slt, %squeeze3A_140, %select_n3A_136 : i32
      %and3A_144 = arith.andi %eq3A_142, %lt3A_143 : i1
      %or3A_145 = arith.ori %gt3A_141, %and3A_144 : i1
      %select_n3A_146 = arith.select %or3A_145, %squeeze3A_138, %select_n3A_135 : f32
      %select_n3A_147 = arith.select %or3A_145, %squeeze3A_140, %select_n3A_136 : i32
      %slice3A_148 = vector.extract_strided_slice %scan3A_63 {offsets = [7], sizes = [1], strides = [1]} : vector<16xf32> to vector<1xf32>
      %squeeze3A_149 = vector.extract %slice3A_148[0] : f32 from vector<1xf32>
      %slice3A_150 = vector.extract_strided_slice %scan3A_64 {offsets = [7], sizes = [1], strides = [1]} : vector<16xi32> to vector<1xi32>
      %squeeze3A_151 = vector.extract %slice3A_150[0] : i32 from vector<1xi32>
      %gt3A_152 = arith.cmpf ogt, %squeeze3A_149, %select_n3A_146 : f32
      %eq3A_153 = arith.cmpf oeq, %squeeze3A_149, %select_n3A_146 : f32
      %lt3A_154 = arith.cmpi slt, %squeeze3A_151, %select_n3A_147 : i32
      %and3A_155 = arith.andi %eq3A_153, %lt3A_154 : i1
      %or3A_156 = arith.ori %gt3A_152, %and3A_155 : i1
      %select_n3A_157 = arith.select %or3A_156, %squeeze3A_149, %select_n3A_146 : f32
      %select_n3A_158 = arith.select %or3A_156, %squeeze3A_151, %select_n3A_147 : i32
      %slice3A_159 = vector.extract_strided_slice %scan3A_63 {offsets = [8], sizes = [1], strides = [1]} : vector<16xf32> to vector<1xf32>
      %squeeze3A_160 = vector.extract %slice3A_159[0] : f32 from vector<1xf32>
      %slice3A_161 = vector.extract_strided_slice %scan3A_64 {offsets = [8], sizes = [1], strides = [1]} : vector<16xi32> to vector<1xi32>
      %squeeze3A_162 = vector.extract %slice3A_161[0] : i32 from vector<1xi32>
      %gt3A_163 = arith.cmpf ogt, %squeeze3A_160, %select_n3A_157 : f32
      %eq3A_164 = arith.cmpf oeq, %squeeze3A_160, %select_n3A_157 : f32
      %lt3A_165 = arith.cmpi slt, %squeeze3A_162, %select_n3A_158 : i32
      %and3A_166 = arith.andi %eq3A_164, %lt3A_165 : i1
      %or3A_167 = arith.ori %gt3A_163, %and3A_166 : i1
      %select_n3A_168 = arith.select %or3A_167, %squeeze3A_160, %select_n3A_157 : f32
      %select_n3A_169 = arith.select %or3A_167, %squeeze3A_162, %select_n3A_158 : i32
      %slice3A_170 = vector.extract_strided_slice %scan3A_63 {offsets = [9], sizes = [1], strides = [1]} : vector<16xf32> to vector<1xf32>
      %squeeze3A_171 = vector.extract %slice3A_170[0] : f32 from vector<1xf32>
      %slice3A_172 = vector.extract_strided_slice %scan3A_64 {offsets = [9], sizes = [1], strides = [1]} : vector<16xi32> to vector<1xi32>
      %squeeze3A_173 = vector.extract %slice3A_172[0] : i32 from vector<1xi32>
      %gt3A_174 = arith.cmpf ogt, %squeeze3A_171, %select_n3A_168 : f32
      %eq3A_175 = arith.cmpf oeq, %squeeze3A_171, %select_n3A_168 : f32
      %lt3A_176 = arith.cmpi slt, %squeeze3A_173, %select_n3A_169 : i32
      %and3A_177 = arith.andi %eq3A_175, %lt3A_176 : i1
      %or3A_178 = arith.ori %gt3A_174, %and3A_177 : i1
      %select_n3A_179 = arith.select %or3A_178, %squeeze3A_171, %select_n3A_168 : f32
      %select_n3A_180 = arith.select %or3A_178, %squeeze3A_173, %select_n3A_169 : i32
      %slice3A_181 = vector.extract_strided_slice %scan3A_63 {offsets = [10], sizes = [1], strides = [1]} : vector<16xf32> to vector<1xf32>
      %squeeze3A_182 = vector.extract %slice3A_181[0] : f32 from vector<1xf32>
      %slice3A_183 = vector.extract_strided_slice %scan3A_64 {offsets = [10], sizes = [1], strides = [1]} : vector<16xi32> to vector<1xi32>
      %squeeze3A_184 = vector.extract %slice3A_183[0] : i32 from vector<1xi32>
      %gt3A_185 = arith.cmpf ogt, %squeeze3A_182, %select_n3A_179 : f32
      %eq3A_186 = arith.cmpf oeq, %squeeze3A_182, %select_n3A_179 : f32
      %lt3A_187 = arith.cmpi slt, %squeeze3A_184, %select_n3A_180 : i32
      %and3A_188 = arith.andi %eq3A_186, %lt3A_187 : i1
      %or3A_189 = arith.ori %gt3A_185, %and3A_188 : i1
      %select_n3A_190 = arith.select %or3A_189, %squeeze3A_182, %select_n3A_179 : f32
      %select_n3A_191 = arith.select %or3A_189, %squeeze3A_184, %select_n3A_180 : i32
      %slice3A_192 = vector.extract_strided_slice %scan3A_63 {offsets = [11], sizes = [1], strides = [1]} : vector<16xf32> to vector<1xf32>
      %squeeze3A_193 = vector.extract %slice3A_192[0] : f32 from vector<1xf32>
      %slice3A_194 = vector.extract_strided_slice %scan3A_64 {offsets = [11], sizes = [1], strides = [1]} : vector<16xi32> to vector<1xi32>
      %squeeze3A_195 = vector.extract %slice3A_194[0] : i32 from vector<1xi32>
      %gt3A_196 = arith.cmpf ogt, %squeeze3A_193, %select_n3A_190 : f32
      %eq3A_197 = arith.cmpf oeq, %squeeze3A_193, %select_n3A_190 : f32
      %lt3A_198 = arith.cmpi slt, %squeeze3A_195, %select_n3A_191 : i32
      %and3A_199 = arith.andi %eq3A_197, %lt3A_198 : i1
      %or3A_200 = arith.ori %gt3A_196, %and3A_199 : i1
      %select_n3A_201 = arith.select %or3A_200, %squeeze3A_193, %select_n3A_190 : f32
      %select_n3A_202 = arith.select %or3A_200, %squeeze3A_195, %select_n3A_191 : i32
      %slice3A_203 = vector.extract_strided_slice %scan3A_63 {offsets = [12], sizes = [1], strides = [1]} : vector<16xf32> to vector<1xf32>
      %squeeze3A_204 = vector.extract %slice3A_203[0] : f32 from vector<1xf32>
      %slice3A_205 = vector.extract_strided_slice %scan3A_64 {offsets = [12], sizes = [1], strides = [1]} : vector<16xi32> to vector<1xi32>
      %squeeze3A_206 = vector.extract %slice3A_205[0] : i32 from vector<1xi32>
      %gt3A_207 = arith.cmpf ogt, %squeeze3A_204, %select_n3A_201 : f32
      %eq3A_208 = arith.cmpf oeq, %squeeze3A_204, %select_n3A_201 : f32
      %lt3A_209 = arith.cmpi slt, %squeeze3A_206, %select_n3A_202 : i32
      %and3A_210 = arith.andi %eq3A_208, %lt3A_209 : i1
      %or3A_211 = arith.ori %gt3A_207, %and3A_210 : i1
      %select_n3A_212 = arith.select %or3A_211, %squeeze3A_204, %select_n3A_201 : f32
      %select_n3A_213 = arith.select %or3A_211, %squeeze3A_206, %select_n3A_202 : i32
      %slice3A_214 = vector.extract_strided_slice %scan3A_63 {offsets = [13], sizes = [1], strides = [1]} : vector<16xf32> to vector<1xf32>
      %squeeze3A_215 = vector.extract %slice3A_214[0] : f32 from vector<1xf32>
      %slice3A_216 = vector.extract_strided_slice %scan3A_64 {offsets = [13], sizes = [1], strides = [1]} : vector<16xi32> to vector<1xi32>
      %squeeze3A_217 = vector.extract %slice3A_216[0] : i32 from vector<1xi32>
      %gt3A_218 = arith.cmpf ogt, %squeeze3A_215, %select_n3A_212 : f32
      %eq3A_219 = arith.cmpf oeq, %squeeze3A_215, %select_n3A_212 : f32
      %lt3A_220 = arith.cmpi slt, %squeeze3A_217, %select_n3A_213 : i32
      %and3A_221 = arith.andi %eq3A_219, %lt3A_220 : i1
      %or3A_222 = arith.ori %gt3A_218, %and3A_221 : i1
      %select_n3A_223 = arith.select %or3A_222, %squeeze3A_215, %select_n3A_212 : f32
      %select_n3A_224 = arith.select %or3A_222, %squeeze3A_217, %select_n3A_213 : i32
      %slice3A_225 = vector.extract_strided_slice %scan3A_63 {offsets = [14], sizes = [1], strides = [1]} : vector<16xf32> to vector<1xf32>
      %squeeze3A_226 = vector.extract %slice3A_225[0] : f32 from vector<1xf32>
      %slice3A_227 = vector.extract_strided_slice %scan3A_64 {offsets = [14], sizes = [1], strides = [1]} : vector<16xi32> to vector<1xi32>
      %squeeze3A_228 = vector.extract %slice3A_227[0] : i32 from vector<1xi32>
      %gt3A_229 = arith.cmpf ogt, %squeeze3A_226, %select_n3A_223 : f32
      %eq3A_230 = arith.cmpf oeq, %squeeze3A_226, %select_n3A_223 : f32
      %lt3A_231 = arith.cmpi slt, %squeeze3A_228, %select_n3A_224 : i32
      %and3A_232 = arith.andi %eq3A_230, %lt3A_231 : i1
      %or3A_233 = arith.ori %gt3A_229, %and3A_232 : i1
      %select_n3A_234 = arith.select %or3A_233, %squeeze3A_226, %select_n3A_223 : f32
      %select_n3A_235 = arith.select %or3A_233, %squeeze3A_228, %select_n3A_224 : i32
      %slice3A_236 = vector.extract_strided_slice %scan3A_63 {offsets = [15], sizes = [1], strides = [1]} : vector<16xf32> to vector<1xf32>
      %squeeze3A_237 = vector.extract %slice3A_236[0] : f32 from vector<1xf32>
      %slice3A_238 = vector.extract_strided_slice %scan3A_64 {offsets = [15], sizes = [1], strides = [1]} : vector<16xi32> to vector<1xi32>
      %squeeze3A_239 = vector.extract %slice3A_238[0] : i32 from vector<1xi32>
      %gt3A_240 = arith.cmpf ogt, %squeeze3A_237, %select_n3A_234 : f32
      %eq3A_241 = arith.cmpf oeq, %squeeze3A_237, %select_n3A_234 : f32
      %lt3A_242 = arith.cmpi slt, %squeeze3A_239, %select_n3A_235 : i32
      %and3A_243 = arith.andi %eq3A_241, %lt3A_242 : i1
      %or3A_244 = arith.ori %gt3A_240, %and3A_243 : i1
      %select_n3A_245 = arith.select %or3A_244, %squeeze3A_237, %select_n3A_234 : f32
      %select_n3A_246 = arith.select %or3A_244, %squeeze3A_239, %select_n3A_235 : i32
      %eq3A_247 = arith.constant 0 : i32
      %eq3A_248 = vector.broadcast %eq3A_247 : i32 to vector<16xi32>
      %eq3A_249 = arith.cmpi eq, %iota3A, %eq3A_248 : vector<16xi32>
      %eq3A_250 = arith.constant 1 : i32
      %eq3A_251 = vector.broadcast %eq3A_250 : i32 to vector<16xi32>
      %eq3A_252 = arith.cmpi eq, %iota3A, %eq3A_251 : vector<16xi32>
      %convert_element_type3A_253 = arith.sitofp %select_n3A_246 : i32 to f32
      %jit3A_254 = arith.constant 0.000000e+00 : f32
      %broadcast_in_dim3A_255 = vector.broadcast %convert_element_type3A_253 : f32 to vector<16xf32>
      %broadcast_in_dim3A_256 = vector.broadcast %jit3A_254 : f32 to vector<16xf32>
      %select_n3A_257 = arith.select %eq3A_252, %broadcast_in_dim3A_255, %broadcast_in_dim3A_256 : vector<16xi1>, vector<16xf32>
      %broadcast_in_dim3A_258 = vector.broadcast %select_n3A_245 : f32 to vector<16xf32>
      %select_n3A_259 = arith.select %eq3A_249, %broadcast_in_dim3A_258, %select_n3A_257 : vector<16xi1>, vector<16xf32>
      %swap3A = arith.constant 0 : index
      %swap3A_260 = tpu.vector_load %arg26[%swap3A] {strides = array<i32>} : memref<16xf32, #tpu.memory_space<vmem>>, vector<16xf32>,
      %swap3A_261 = vector.shape_cast %swap3A_260 : vector<16xf32> to vector<16xf32>
      %swap3A_262 = vector.shape_cast %select_n3A_259 : vector<16xf32> to vector<16xf32>
      tpu.vector_store %arg26[%swap3A], %swap3A_262 {strides = array<i32>} : memref<16xf32, #tpu.memory_space<vmem>>, vector<16xf32>,
      %jit3A_263 = arith.constant 2 : i32
      %eq3A_264 = arith.constant 0 : i32
      %eq3A_265 = arith.cmpi eq, %jit3A_263, %eq3A_264 : i32
      %jit3A_266 = arith.constant 1 : i32
      %select_n3A_267 = arith.select %eq3A_265, %jit3A_266, %jit3A_263 : i32
      %rem3A_268 = arith.remsi %scan3A_62, %select_n3A_267 : i32
      %ne3A_269 = arith.constant 0 : i32
      %ne3A_270 = arith.cmpi ne, %rem3A_268, %ne3A_269 : i32
      %lt3A_271 = arith.constant 0 : i32
      %lt3A_272 = arith.cmpi slt, %rem3A_268, %lt3A_271 : i32
      %lt3A_273 = arith.constant 0 : i32
      %lt3A_274 = arith.cmpi slt, %select_n3A_267, %lt3A_273 : i32
      %ne3A_275 = arith.xori %lt3A_272, %lt3A_274 : i1
      %and3A_276 = arith.andi %ne3A_275, %ne3A_270 : i1
      %add3A_277 = arith.addi %rem3A_268, %select_n3A_267 : i32
      %select_n3A_278 = arith.select %and3A_276, %add3A_277, %rem3A_268 : i32
      %mul3A_279 = arith.constant 512 : i32
      %mul3A_280 = arith.muli %select_n3A_278, %mul3A_279 : i32
      %mul3A_281 = arith.constant 16 : i32
      %mul3A_282 = arith.muli %arg0, %mul3A_281 : i32
      %add3A_283 = arith.addi %mul3A_282, %arg1 : i32
      %mul3A_284 = arith.constant 16 : i32
      %mul3A_285 = arith.muli %add3A_283, %mul3A_284 : i32
      %add3A_286 = arith.addi %mul3A_280, %mul3A_285 : i32
      "tpu.region"() ({
        %run_scoped3A = tpu.sem_alloc : memref<!tpu.dma_semaphore, #tpu.memory_space<semaphore_mem>>
        %dma_start3A = tpu.memref_slice %arg13[%add3A_286] : memref<1024xf32, #tpu.memory_space<vmem_shared>> -> memref<16xf32, #tpu.memory_space<vmem_shared>>
        %dma_start3A_917 = tpu.memref_slice %arg13[%add3A_286] : memref<1024xf32, #tpu.memory_space<vmem_shared>> -> memref<16xf32, #tpu.memory_space<vmem_shared>>
        tpu.enqueue_dma source(%arg26 : memref<16xf32, #tpu.memory_space<vmem>>) target(%dma_start3A_917 : memref<16xf32, #tpu.memory_space<vmem_shared>>) target_semaphore(%run_scoped3A : memref<!tpu.dma_semaphore, #tpu.memory_space<semaphore_mem>>)
        %dma_wait3A = tpu.memref_slice %arg13[%add3A_286] : memref<1024xf32, #tpu.memory_space<vmem_shared>> -> memref<16xf32, #tpu.memory_space<vmem_shared>>
        %dma_wait3A_918 = tpu.memref_slice %arg13[%add3A_286] : memref<1024xf32, #tpu.memory_space<vmem_shared>> -> memref<16xf32, #tpu.memory_space<vmem_shared>>
        tpu.wait_dma2 semaphore(%run_scoped3A : memref<!tpu.dma_semaphore, #tpu.memory_space<semaphore_mem>>) src(%arg26 : memref<16xf32, #tpu.memory_space<vmem>>) dst(%dma_wait3A_918 : memref<16xf32, #tpu.memory_space<vmem_shared>>)
        tpu.yield
      }) : () -> ()
      %barrier3A = arith.constant 0 : index
      tpu.barrier barrier_id(%barrier3A)
      %mul3A_287 = arith.constant 16 : i32
      %mul3A_288 = arith.muli %arg0, %mul3A_287 : i32
      %jit3A_289 = arith.constant 8 : i32
      %div3A_290 = arith.divsi %arg1, %jit3A_289 : i32
      %sign3A_291 = arith.constant 0 : i32
      %sign3A_292 = arith.cmpi sgt, %arg1, %sign3A_291 : i32
      %sign3A_293 = arith.extui %sign3A_292 : i1 to i32
      %sign3A_294 = arith.constant 0 : i32
      %sign3A_295 = arith.cmpi slt, %arg1, %sign3A_294 : i32
      %sign3A_296 = arith.extui %sign3A_295 : i1 to i32
      %sign3A_297 = arith.subi %sign3A_293, %sign3A_296 : i32
      %sign3A_298 = arith.constant 0 : i32
      %sign3A_299 = arith.cmpi sgt, %jit3A_289, %sign3A_298 : i32
      %sign3A_300 = arith.extui %sign3A_299 : i1 to i32
      %sign3A_301 = arith.constant 0 : i32
      %sign3A_302 = arith.cmpi slt, %jit3A_289, %sign3A_301 : i32
      %sign3A_303 = arith.extui %sign3A_302 : i1 to i32
      %sign3A_304 = arith.subi %sign3A_300, %sign3A_303 : i32
      %ne3A_305 = arith.cmpi ne, %sign3A_297, %sign3A_304 : i32
      %rem3A_306 = arith.remsi %arg1, %jit3A_289 : i32
      %ne3A_307 = arith.constant 0 : i32
      %ne3A_308 = arith.cmpi ne, %rem3A_306, %ne3A_307 : i32
      %and3A_309 = arith.andi %ne3A_305, %ne3A_308 : i1
      %sub3A_310 = arith.constant 1 : i32
      %sub3A_311 = arith.subi %div3A_290, %sub3A_310 : i32
      %select_n3A_312 = arith.select %and3A_309, %sub3A_311, %div3A_290 : i32
      %mul3A_313 = arith.constant 8 : i32
      %mul3A_314 = arith.muli %select_n3A_312, %mul3A_313 : i32
      %add3A_315 = arith.addi %mul3A_288, %mul3A_314 : i32
      %mul3A_316 = arith.constant 16 : i32
      %mul3A_317 = arith.muli %add3A_315, %mul3A_316 : i32
      %add3A_318 = arith.addi %mul3A_280, %mul3A_317 : i32
      "tpu.region"() ({
        %run_scoped3A = tpu.sem_alloc : memref<!tpu.dma_semaphore, #tpu.memory_space<semaphore_mem>>
        %dma_start3A = tpu.memref_slice %arg13[%add3A_318] : memref<1024xf32, #tpu.memory_space<vmem_shared>> -> memref<128xf32, #tpu.memory_space<vmem_shared>>
        %dma_start3A_917 = tpu.memref_slice %arg13[%add3A_318] : memref<1024xf32, #tpu.memory_space<vmem_shared>> -> memref<128xf32, #tpu.memory_space<vmem_shared>>
        tpu.enqueue_dma source(%dma_start3A_917 : memref<128xf32, #tpu.memory_space<vmem_shared>>) target(%arg27 : memref<128xf32, #tpu.memory_space<vmem>>) target_semaphore(%run_scoped3A : memref<!tpu.dma_semaphore, #tpu.memory_space<semaphore_mem>>)
        %dma_wait3A = tpu.memref_slice %arg13[%add3A_318] : memref<1024xf32, #tpu.memory_space<vmem_shared>> -> memref<128xf32, #tpu.memory_space<vmem_shared>>
        %dma_wait3A_918 = tpu.memref_slice %arg13[%add3A_318] : memref<1024xf32, #tpu.memory_space<vmem_shared>> -> memref<128xf32, #tpu.memory_space<vmem_shared>>
        tpu.wait_dma2 semaphore(%run_scoped3A : memref<!tpu.dma_semaphore, #tpu.memory_space<semaphore_mem>>) src(%dma_wait3A_918 : memref<128xf32, #tpu.memory_space<vmem_shared>>) dst(%arg27 : memref<128xf32, #tpu.memory_space<vmem>>)
        tpu.yield
      }) : () -> ()
      %get3A = arith.constant 0 : index
      %get3A_319 = tpu.vector_load %arg27[%get3A] {strides = array<i32>} : memref<128xf32, #tpu.memory_space<vmem>>, vector<16xf32>,
      %get3A_320 = vector.shape_cast %get3A_319 : vector<16xf32> to vector<16xf32>
      %slice3A_321 = vector.extract_strided_slice %get3A_320 {offsets = [0], sizes = [1], strides = [1]} : vector<16xf32> to vector<1xf32>
      %squeeze3A_322 = vector.extract %slice3A_321[0] : f32 from vector<1xf32>
      %slice3A_323 = vector.extract_strided_slice %get3A_320 {offsets = [1], sizes = [1], strides = [1]} : vector<16xf32> to vector<1xf32>
      %squeeze3A_324 = vector.extract %slice3A_323[0] : f32 from vector<1xf32>
      %convert_element_type3A_325 = arith.fptosi %squeeze3A_324 : f32 to i32
      %gt3A_326 = arith.constant -2.000000e+00 : f32
      %gt3A_327 = arith.cmpf ogt, %squeeze3A_322, %gt3A_326 : f32
      %eq3A_328 = arith.constant -2.000000e+00 : f32
      %eq3A_329 = arith.cmpf oeq, %squeeze3A_322, %eq3A_328 : f32
      %lt3A_330 = arith.constant 5120 : i32
      %lt3A_331 = arith.cmpi slt, %convert_element_type3A_325, %lt3A_330 : i32
      %and3A_332 = arith.andi %eq3A_329, %lt3A_331 : i1
      %or3A_333 = arith.ori %gt3A_327, %and3A_332 : i1
      %jit3A_334 = arith.constant -2.000000e+00 : f32
      %select_n3A_335 = arith.select %or3A_333, %squeeze3A_322, %jit3A_334 : f32
      %jit3A_336 = arith.constant 5120 : i32
      %select_n3A_337 = arith.select %or3A_333, %convert_element_type3A_325, %jit3A_336 : i32
      %get3A_338 = arith.constant 16 : index
      %get3A_339 = tpu.vector_load %arg27[%get3A_338] {strides = array<i32>} : memref<128xf32, #tpu.memory_space<vmem>>, vector<16xf32>,
      %get3A_340 = vector.shape_cast %get3A_339 : vector<16xf32> to vector<16xf32>
      %slice3A_341 = vector.extract_strided_slice %get3A_340 {offsets = [0], sizes = [1], strides = [1]} : vector<16xf32> to vector<1xf32>
      %squeeze3A_342 = vector.extract %slice3A_341[0] : f32 from vector<1xf32>
      %slice3A_343 = vector.extract_strided_slice %get3A_340 {offsets = [1], sizes = [1], strides = [1]} : vector<16xf32> to vector<1xf32>
      %squeeze3A_344 = vector.extract %slice3A_343[0] : f32 from vector<1xf32>
      %convert_element_type3A_345 = arith.fptosi %squeeze3A_344 : f32 to i32
      %gt3A_346 = arith.cmpf ogt, %squeeze3A_342, %select_n3A_335 : f32
      %eq3A_347 = arith.cmpf oeq, %squeeze3A_342, %select_n3A_335 : f32
      %lt3A_348 = arith.cmpi slt, %convert_element_type3A_345, %select_n3A_337 : i32
      %and3A_349 = arith.andi %eq3A_347, %lt3A_348 : i1
      %or3A_350 = arith.ori %gt3A_346, %and3A_349 : i1
      %select_n3A_351 = arith.select %or3A_350, %squeeze3A_342, %select_n3A_335 : f32
      %select_n3A_352 = arith.select %or3A_350, %convert_element_type3A_345, %select_n3A_337 : i32
      %get3A_353 = arith.constant 32 : index
      %get3A_354 = tpu.vector_load %arg27[%get3A_353] {strides = array<i32>} : memref<128xf32, #tpu.memory_space<vmem>>, vector<16xf32>,
      %get3A_355 = vector.shape_cast %get3A_354 : vector<16xf32> to vector<16xf32>
      %slice3A_356 = vector.extract_strided_slice %get3A_355 {offsets = [0], sizes = [1], strides = [1]} : vector<16xf32> to vector<1xf32>
      %squeeze3A_357 = vector.extract %slice3A_356[0] : f32 from vector<1xf32>
      %slice3A_358 = vector.extract_strided_slice %get3A_355 {offsets = [1], sizes = [1], strides = [1]} : vector<16xf32> to vector<1xf32>
      %squeeze3A_359 = vector.extract %slice3A_358[0] : f32 from vector<1xf32>
      %convert_element_type3A_360 = arith.fptosi %squeeze3A_359 : f32 to i32
      %gt3A_361 = arith.cmpf ogt, %squeeze3A_357, %select_n3A_351 : f32
      %eq3A_362 = arith.cmpf oeq, %squeeze3A_357, %select_n3A_351 : f32
      %lt3A_363 = arith.cmpi slt, %convert_element_type3A_360, %select_n3A_352 : i32
      %and3A_364 = arith.andi %eq3A_362, %lt3A_363 : i1
      %or3A_365 = arith.ori %gt3A_361, %and3A_364 : i1
      %select_n3A_366 = arith.select %or3A_365, %squeeze3A_357, %select_n3A_351 : f32
      %select_n3A_367 = arith.select %or3A_365, %convert_element_type3A_360, %select_n3A_352 : i32
      %get3A_368 = arith.constant 48 : index
      %get3A_369 = tpu.vector_load %arg27[%get3A_368] {strides = array<i32>} : memref<128xf32, #tpu.memory_space<vmem>>, vector<16xf32>,
      %get3A_370 = vector.shape_cast %get3A_369 : vector<16xf32> to vector<16xf32>
      %slice3A_371 = vector.extract_strided_slice %get3A_370 {offsets = [0], sizes = [1], strides = [1]} : vector<16xf32> to vector<1xf32>
      %squeeze3A_372 = vector.extract %slice3A_371[0] : f32 from vector<1xf32>
      %slice3A_373 = vector.extract_strided_slice %get3A_370 {offsets = [1], sizes = [1], strides = [1]} : vector<16xf32> to vector<1xf32>
      %squeeze3A_374 = vector.extract %slice3A_373[0] : f32 from vector<1xf32>
      %convert_element_type3A_375 = arith.fptosi %squeeze3A_374 : f32 to i32
      %gt3A_376 = arith.cmpf ogt, %squeeze3A_372, %select_n3A_366 : f32
      %eq3A_377 = arith.cmpf oeq, %squeeze3A_372, %select_n3A_366 : f32
      %lt3A_378 = arith.cmpi slt, %convert_element_type3A_375, %select_n3A_367 : i32
      %and3A_379 = arith.andi %eq3A_377, %lt3A_378 : i1
      %or3A_380 = arith.ori %gt3A_376, %and3A_379 : i1
      %select_n3A_381 = arith.select %or3A_380, %squeeze3A_372, %select_n3A_366 : f32
      %select_n3A_382 = arith.select %or3A_380, %convert_element_type3A_375, %select_n3A_367 : i32
      %get3A_383 = arith.constant 64 : index
      %get3A_384 = tpu.vector_load %arg27[%get3A_383] {strides = array<i32>} : memref<128xf32, #tpu.memory_space<vmem>>, vector<16xf32>,
      %get3A_385 = vector.shape_cast %get3A_384 : vector<16xf32> to vector<16xf32>
      %slice3A_386 = vector.extract_strided_slice %get3A_385 {offsets = [0], sizes = [1], strides = [1]} : vector<16xf32> to vector<1xf32>
      %squeeze3A_387 = vector.extract %slice3A_386[0] : f32 from vector<1xf32>
      %slice3A_388 = vector.extract_strided_slice %get3A_385 {offsets = [1], sizes = [1], strides = [1]} : vector<16xf32> to vector<1xf32>
      %squeeze3A_389 = vector.extract %slice3A_388[0] : f32 from vector<1xf32>
      %convert_element_type3A_390 = arith.fptosi %squeeze3A_389 : f32 to i32
      %gt3A_391 = arith.cmpf ogt, %squeeze3A_387, %select_n3A_381 : f32
      %eq3A_392 = arith.cmpf oeq, %squeeze3A_387, %select_n3A_381 : f32
      %lt3A_393 = arith.cmpi slt, %convert_element_type3A_390, %select_n3A_382 : i32
      %and3A_394 = arith.andi %eq3A_392, %lt3A_393 : i1
      %or3A_395 = arith.ori %gt3A_391, %and3A_394 : i1
      %select_n3A_396 = arith.select %or3A_395, %squeeze3A_387, %select_n3A_381 : f32
      %select_n3A_397 = arith.select %or3A_395, %convert_element_type3A_390, %select_n3A_382 : i32
      %get3A_398 = arith.constant 80 : index
      %get3A_399 = tpu.vector_load %arg27[%get3A_398] {strides = array<i32>} : memref<128xf32, #tpu.memory_space<vmem>>, vector<16xf32>,
      %get3A_400 = vector.shape_cast %get3A_399 : vector<16xf32> to vector<16xf32>
      %slice3A_401 = vector.extract_strided_slice %get3A_400 {offsets = [0], sizes = [1], strides = [1]} : vector<16xf32> to vector<1xf32>
      %squeeze3A_402 = vector.extract %slice3A_401[0] : f32 from vector<1xf32>
      %slice3A_403 = vector.extract_strided_slice %get3A_400 {offsets = [1], sizes = [1], strides = [1]} : vector<16xf32> to vector<1xf32>
      %squeeze3A_404 = vector.extract %slice3A_403[0] : f32 from vector<1xf32>
      %convert_element_type3A_405 = arith.fptosi %squeeze3A_404 : f32 to i32
      %gt3A_406 = arith.cmpf ogt, %squeeze3A_402, %select_n3A_396 : f32
      %eq3A_407 = arith.cmpf oeq, %squeeze3A_402, %select_n3A_396 : f32
      %lt3A_408 = arith.cmpi slt, %convert_element_type3A_405, %select_n3A_397 : i32
      %and3A_409 = arith.andi %eq3A_407, %lt3A_408 : i1
      %or3A_410 = arith.ori %gt3A_406, %and3A_409 : i1
      %select_n3A_411 = arith.select %or3A_410, %squeeze3A_402, %select_n3A_396 : f32
      %select_n3A_412 = arith.select %or3A_410, %convert_element_type3A_405, %select_n3A_397 : i32
      %get3A_413 = arith.constant 96 : index
      %get3A_414 = tpu.vector_load %arg27[%get3A_413] {strides = array<i32>} : memref<128xf32, #tpu.memory_space<vmem>>, vector<16xf32>,
      %get3A_415 = vector.shape_cast %get3A_414 : vector<16xf32> to vector<16xf32>
      %slice3A_416 = vector.extract_strided_slice %get3A_415 {offsets = [0], sizes = [1], strides = [1]} : vector<16xf32> to vector<1xf32>
      %squeeze3A_417 = vector.extract %slice3A_416[0] : f32 from vector<1xf32>
      %slice3A_418 = vector.extract_strided_slice %get3A_415 {offsets = [1], sizes = [1], strides = [1]} : vector<16xf32> to vector<1xf32>
      %squeeze3A_419 = vector.extract %slice3A_418[0] : f32 from vector<1xf32>
      %convert_element_type3A_420 = arith.fptosi %squeeze3A_419 : f32 to i32
      %gt3A_421 = arith.cmpf ogt, %squeeze3A_417, %select_n3A_411 : f32
      %eq3A_422 = arith.cmpf oeq, %squeeze3A_417, %select_n3A_411 : f32
      %lt3A_423 = arith.cmpi slt, %convert_element_type3A_420, %select_n3A_412 : i32
      %and3A_424 = arith.andi %eq3A_422, %lt3A_423 : i1
      %or3A_425 = arith.ori %gt3A_421, %and3A_424 : i1
      %select_n3A_426 = arith.select %or3A_425, %squeeze3A_417, %select_n3A_411 : f32
      %select_n3A_427 = arith.select %or3A_425, %convert_element_type3A_420, %select_n3A_412 : i32
      %get3A_428 = arith.constant 112 : index
      %get3A_429 = tpu.vector_load %arg27[%get3A_428] {strides = array<i32>} : memref<128xf32, #tpu.memory_space<vmem>>, vector<16xf32>,
      %get3A_430 = vector.shape_cast %get3A_429 : vector<16xf32> to vector<16xf32>
      %slice3A_431 = vector.extract_strided_slice %get3A_430 {offsets = [0], sizes = [1], strides = [1]} : vector<16xf32> to vector<1xf32>
      %squeeze3A_432 = vector.extract %slice3A_431[0] : f32 from vector<1xf32>
      %slice3A_433 = vector.extract_strided_slice %get3A_430 {offsets = [1], sizes = [1], strides = [1]} : vector<16xf32> to vector<1xf32>
      %squeeze3A_434 = vector.extract %slice3A_433[0] : f32 from vector<1xf32>
      %convert_element_type3A_435 = arith.fptosi %squeeze3A_434 : f32 to i32
      %gt3A_436 = arith.cmpf ogt, %squeeze3A_432, %select_n3A_426 : f32
      %eq3A_437 = arith.cmpf oeq, %squeeze3A_432, %select_n3A_426 : f32
      %lt3A_438 = arith.cmpi slt, %convert_element_type3A_435, %select_n3A_427 : i32
      %and3A_439 = arith.andi %eq3A_437, %lt3A_438 : i1
      %or3A_440 = arith.ori %gt3A_436, %and3A_439 : i1
      %select_n3A_441 = arith.select %or3A_440, %squeeze3A_432, %select_n3A_426 : f32
      %select_n3A_442 = arith.select %or3A_440, %convert_element_type3A_435, %select_n3A_427 : i32
      %ge3A = arith.constant 0.000000e+00 : f32
      %ge3A_443 = arith.cmpf oge, %select_n3A_441, %ge3A : f32
      %min3A = arith.constant 5119 : i32
      %min3A_444 = arith.minsi %select_n3A_442, %min3A : i32
      %jit3A_445 = arith.constant 16 : i32
      %div3A_446 = arith.divsi %min3A_444, %jit3A_445 : i32
      %sign3A_447 = arith.constant 0 : i32
      %sign3A_448 = arith.cmpi sgt, %min3A_444, %sign3A_447 : i32
      %sign3A_449 = arith.extui %sign3A_448 : i1 to i32
      %sign3A_450 = arith.constant 0 : i32
      %sign3A_451 = arith.cmpi slt, %min3A_444, %sign3A_450 : i32
      %sign3A_452 = arith.extui %sign3A_451 : i1 to i32
      %sign3A_453 = arith.subi %sign3A_449, %sign3A_452 : i32
      %sign3A_454 = arith.constant 0 : i32
      %sign3A_455 = arith.cmpi sgt, %jit3A_445, %sign3A_454 : i32
      %sign3A_456 = arith.extui %sign3A_455 : i1 to i32
      %sign3A_457 = arith.constant 0 : i32
      %sign3A_458 = arith.cmpi slt, %jit3A_445, %sign3A_457 : i32
      %sign3A_459 = arith.extui %sign3A_458 : i1 to i32
      %sign3A_460 = arith.subi %sign3A_456, %sign3A_459 : i32
      %ne3A_461 = arith.cmpi ne, %sign3A_453, %sign3A_460 : i32
      %rem3A_462 = arith.remsi %min3A_444, %jit3A_445 : i32
      %ne3A_463 = arith.constant 0 : i32
      %ne3A_464 = arith.cmpi ne, %rem3A_462, %ne3A_463 : i32
      %and3A_465 = arith.andi %ne3A_461, %ne3A_464 : i1
      %sub3A_466 = arith.constant 1 : i32
      %sub3A_467 = arith.subi %div3A_446, %sub3A_466 : i32
      %select_n3A_468 = arith.select %and3A_465, %sub3A_467, %div3A_446 : i32
      %mul3A_469 = arith.constant 16 : i32
      %mul3A_470 = arith.muli %select_n3A_468, %mul3A_469 : i32
      %jit3A_471 = arith.constant 16 : i32
      %eq3A_472 = arith.constant 0 : i32
      %eq3A_473 = arith.cmpi eq, %jit3A_471, %eq3A_472 : i32
      %jit3A_474 = arith.constant 1 : i32
      %select_n3A_475 = arith.select %eq3A_473, %jit3A_474, %jit3A_471 : i32
      %rem3A_476 = arith.remsi %min3A_444, %select_n3A_475 : i32
      %ne3A_477 = arith.constant 0 : i32
      %ne3A_478 = arith.cmpi ne, %rem3A_476, %ne3A_477 : i32
      %lt3A_479 = arith.constant 0 : i32
      %lt3A_480 = arith.cmpi slt, %rem3A_476, %lt3A_479 : i32
      %lt3A_481 = arith.constant 0 : i32
      %lt3A_482 = arith.cmpi slt, %select_n3A_475, %lt3A_481 : i32
      %ne3A_483 = arith.xori %lt3A_480, %lt3A_482 : i1
      %and3A_484 = arith.andi %ne3A_483, %ne3A_478 : i1
      %add3A_485 = arith.addi %rem3A_476, %select_n3A_475 : i32
      %select_n3A_486 = arith.select %and3A_484, %add3A_485, %rem3A_476 : i32
      %get3A_487 = arith.index_cast %mul3A_470 : i32 to index
      %get3A_488 = tpu.vector_load %arg16[%get3A_487] {strides = array<i32>} : memref<5120xf32, #tpu.memory_space<vmem>>, vector<16xf32>,
      %get3A_489 = vector.shape_cast %get3A_488 : vector<16xf32> to vector<16xf32>
      %slice3A_490 = vector.extract_strided_slice %get3A_489 {offsets = [0], sizes = [1], strides = [1]} : vector<16xf32> to vector<1xf32>
      %squeeze3A_491 = vector.extract %slice3A_490[0] : f32 from vector<1xf32>
      %eq3A_492 = arith.constant 1 : i32
      %eq3A_493 = arith.cmpi eq, %select_n3A_486, %eq3A_492 : i32
      %slice3A_494 = vector.extract_strided_slice %get3A_489 {offsets = [1], sizes = [1], strides = [1]} : vector<16xf32> to vector<1xf32>
      %squeeze3A_495 = vector.extract %slice3A_494[0] : f32 from vector<1xf32>
      %select_n3A_496 = arith.select %eq3A_493, %squeeze3A_495, %squeeze3A_491 : f32
      %eq3A_497 = arith.constant 2 : i32
      %eq3A_498 = arith.cmpi eq, %select_n3A_486, %eq3A_497 : i32
      %slice3A_499 = vector.extract_strided_slice %get3A_489 {offsets = [2], sizes = [1], strides = [1]} : vector<16xf32> to vector<1xf32>
      %squeeze3A_500 = vector.extract %slice3A_499[0] : f32 from vector<1xf32>
      %select_n3A_501 = arith.select %eq3A_498, %squeeze3A_500, %select_n3A_496 : f32
      %eq3A_502 = arith.constant 3 : i32
      %eq3A_503 = arith.cmpi eq, %select_n3A_486, %eq3A_502 : i32
      %slice3A_504 = vector.extract_strided_slice %get3A_489 {offsets = [3], sizes = [1], strides = [1]} : vector<16xf32> to vector<1xf32>
      %squeeze3A_505 = vector.extract %slice3A_504[0] : f32 from vector<1xf32>
      %select_n3A_506 = arith.select %eq3A_503, %squeeze3A_505, %select_n3A_501 : f32
      %eq3A_507 = arith.constant 4 : i32
      %eq3A_508 = arith.cmpi eq, %select_n3A_486, %eq3A_507 : i32
      %slice3A_509 = vector.extract_strided_slice %get3A_489 {offsets = [4], sizes = [1], strides = [1]} : vector<16xf32> to vector<1xf32>
      %squeeze3A_510 = vector.extract %slice3A_509[0] : f32 from vector<1xf32>
      %select_n3A_511 = arith.select %eq3A_508, %squeeze3A_510, %select_n3A_506 : f32
      %eq3A_512 = arith.constant 5 : i32
      %eq3A_513 = arith.cmpi eq, %select_n3A_486, %eq3A_512 : i32
      %slice3A_514 = vector.extract_strided_slice %get3A_489 {offsets = [5], sizes = [1], strides = [1]} : vector<16xf32> to vector<1xf32>
      %squeeze3A_515 = vector.extract %slice3A_514[0] : f32 from vector<1xf32>
      %select_n3A_516 = arith.select %eq3A_513, %squeeze3A_515, %select_n3A_511 : f32
      %eq3A_517 = arith.constant 6 : i32
      %eq3A_518 = arith.cmpi eq, %select_n3A_486, %eq3A_517 : i32
      %slice3A_519 = vector.extract_strided_slice %get3A_489 {offsets = [6], sizes = [1], strides = [1]} : vector<16xf32> to vector<1xf32>
      %squeeze3A_520 = vector.extract %slice3A_519[0] : f32 from vector<1xf32>
      %select_n3A_521 = arith.select %eq3A_518, %squeeze3A_520, %select_n3A_516 : f32
      %eq3A_522 = arith.constant 7 : i32
      %eq3A_523 = arith.cmpi eq, %select_n3A_486, %eq3A_522 : i32
      %slice3A_524 = vector.extract_strided_slice %get3A_489 {offsets = [7], sizes = [1], strides = [1]} : vector<16xf32> to vector<1xf32>
      %squeeze3A_525 = vector.extract %slice3A_524[0] : f32 from vector<1xf32>
      %select_n3A_526 = arith.select %eq3A_523, %squeeze3A_525, %select_n3A_521 : f32
      %eq3A_527 = arith.constant 8 : i32
      %eq3A_528 = arith.cmpi eq, %select_n3A_486, %eq3A_527 : i32
      %slice3A_529 = vector.extract_strided_slice %get3A_489 {offsets = [8], sizes = [1], strides = [1]} : vector<16xf32> to vector<1xf32>
      %squeeze3A_530 = vector.extract %slice3A_529[0] : f32 from vector<1xf32>
      %select_n3A_531 = arith.select %eq3A_528, %squeeze3A_530, %select_n3A_526 : f32
      %eq3A_532 = arith.constant 9 : i32
      %eq3A_533 = arith.cmpi eq, %select_n3A_486, %eq3A_532 : i32
      %slice3A_534 = vector.extract_strided_slice %get3A_489 {offsets = [9], sizes = [1], strides = [1]} : vector<16xf32> to vector<1xf32>
      %squeeze3A_535 = vector.extract %slice3A_534[0] : f32 from vector<1xf32>
      %select_n3A_536 = arith.select %eq3A_533, %squeeze3A_535, %select_n3A_531 : f32
      %eq3A_537 = arith.constant 10 : i32
      %eq3A_538 = arith.cmpi eq, %select_n3A_486, %eq3A_537 : i32
      %slice3A_539 = vector.extract_strided_slice %get3A_489 {offsets = [10], sizes = [1], strides = [1]} : vector<16xf32> to vector<1xf32>
      %squeeze3A_540 = vector.extract %slice3A_539[0] : f32 from vector<1xf32>
      %select_n3A_541 = arith.select %eq3A_538, %squeeze3A_540, %select_n3A_536 : f32
      %eq3A_542 = arith.constant 11 : i32
      %eq3A_543 = arith.cmpi eq, %select_n3A_486, %eq3A_542 : i32
      %slice3A_544 = vector.extract_strided_slice %get3A_489 {offsets = [11], sizes = [1], strides = [1]} : vector<16xf32> to vector<1xf32>
      %squeeze3A_545 = vector.extract %slice3A_544[0] : f32 from vector<1xf32>
      %select_n3A_546 = arith.select %eq3A_543, %squeeze3A_545, %select_n3A_541 : f32
      %eq3A_547 = arith.constant 12 : i32
      %eq3A_548 = arith.cmpi eq, %select_n3A_486, %eq3A_547 : i32
      %slice3A_549 = vector.extract_strided_slice %get3A_489 {offsets = [12], sizes = [1], strides = [1]} : vector<16xf32> to vector<1xf32>
      %squeeze3A_550 = vector.extract %slice3A_549[0] : f32 from vector<1xf32>
      %select_n3A_551 = arith.select %eq3A_548, %squeeze3A_550, %select_n3A_546 : f32
      %eq3A_552 = arith.constant 13 : i32
      %eq3A_553 = arith.cmpi eq, %select_n3A_486, %eq3A_552 : i32
      %slice3A_554 = vector.extract_strided_slice %get3A_489 {offsets = [13], sizes = [1], strides = [1]} : vector<16xf32> to vector<1xf32>
      %squeeze3A_555 = vector.extract %slice3A_554[0] : f32 from vector<1xf32>
      %select_n3A_556 = arith.select %eq3A_553, %squeeze3A_555, %select_n3A_551 : f32
      %eq3A_557 = arith.constant 14 : i32
      %eq3A_558 = arith.cmpi eq, %select_n3A_486, %eq3A_557 : i32
      %slice3A_559 = vector.extract_strided_slice %get3A_489 {offsets = [14], sizes = [1], strides = [1]} : vector<16xf32> to vector<1xf32>
      %squeeze3A_560 = vector.extract %slice3A_559[0] : f32 from vector<1xf32>
      %select_n3A_561 = arith.select %eq3A_558, %squeeze3A_560, %select_n3A_556 : f32
      %eq3A_562 = arith.constant 15 : i32
      %eq3A_563 = arith.cmpi eq, %select_n3A_486, %eq3A_562 : i32
      %slice3A_564 = vector.extract_strided_slice %get3A_489 {offsets = [15], sizes = [1], strides = [1]} : vector<16xf32> to vector<1xf32>
      %squeeze3A_565 = vector.extract %slice3A_564[0] : f32 from vector<1xf32>
      %select_n3A_566 = arith.select %eq3A_563, %squeeze3A_565, %select_n3A_561 : f32
      %get3A_567 = arith.index_cast %mul3A_470 : i32 to index
      %get3A_568 = tpu.vector_load %arg17[%get3A_567] {strides = array<i32>} : memref<5120xf32, #tpu.memory_space<vmem>>, vector<16xf32>,
      %get3A_569 = vector.shape_cast %get3A_568 : vector<16xf32> to vector<16xf32>
      %slice3A_570 = vector.extract_strided_slice %get3A_569 {offsets = [0], sizes = [1], strides = [1]} : vector<16xf32> to vector<1xf32>
      %squeeze3A_571 = vector.extract %slice3A_570[0] : f32 from vector<1xf32>
      %eq3A_572 = arith.constant 1 : i32
      %eq3A_573 = arith.cmpi eq, %select_n3A_486, %eq3A_572 : i32
      %slice3A_574 = vector.extract_strided_slice %get3A_569 {offsets = [1], sizes = [1], strides = [1]} : vector<16xf32> to vector<1xf32>
      %squeeze3A_575 = vector.extract %slice3A_574[0] : f32 from vector<1xf32>
      %select_n3A_576 = arith.select %eq3A_573, %squeeze3A_575, %squeeze3A_571 : f32
      %eq3A_577 = arith.constant 2 : i32
      %eq3A_578 = arith.cmpi eq, %select_n3A_486, %eq3A_577 : i32
      %slice3A_579 = vector.extract_strided_slice %get3A_569 {offsets = [2], sizes = [1], strides = [1]} : vector<16xf32> to vector<1xf32>
      %squeeze3A_580 = vector.extract %slice3A_579[0] : f32 from vector<1xf32>
      %select_n3A_581 = arith.select %eq3A_578, %squeeze3A_580, %select_n3A_576 : f32
      %eq3A_582 = arith.constant 3 : i32
      %eq3A_583 = arith.cmpi eq, %select_n3A_486, %eq3A_582 : i32
      %slice3A_584 = vector.extract_strided_slice %get3A_569 {offsets = [3], sizes = [1], strides = [1]} : vector<16xf32> to vector<1xf32>
      %squeeze3A_585 = vector.extract %slice3A_584[0] : f32 from vector<1xf32>
      %select_n3A_586 = arith.select %eq3A_583, %squeeze3A_585, %select_n3A_581 : f32
      %eq3A_587 = arith.constant 4 : i32
      %eq3A_588 = arith.cmpi eq, %select_n3A_486, %eq3A_587 : i32
      %slice3A_589 = vector.extract_strided_slice %get3A_569 {offsets = [4], sizes = [1], strides = [1]} : vector<16xf32> to vector<1xf32>
      %squeeze3A_590 = vector.extract %slice3A_589[0] : f32 from vector<1xf32>
      %select_n3A_591 = arith.select %eq3A_588, %squeeze3A_590, %select_n3A_586 : f32
      %eq3A_592 = arith.constant 5 : i32
      %eq3A_593 = arith.cmpi eq, %select_n3A_486, %eq3A_592 : i32
      %slice3A_594 = vector.extract_strided_slice %get3A_569 {offsets = [5], sizes = [1], strides = [1]} : vector<16xf32> to vector<1xf32>
      %squeeze3A_595 = vector.extract %slice3A_594[0] : f32 from vector<1xf32>
      %select_n3A_596 = arith.select %eq3A_593, %squeeze3A_595, %select_n3A_591 : f32
      %eq3A_597 = arith.constant 6 : i32
      %eq3A_598 = arith.cmpi eq, %select_n3A_486, %eq3A_597 : i32
      %slice3A_599 = vector.extract_strided_slice %get3A_569 {offsets = [6], sizes = [1], strides = [1]} : vector<16xf32> to vector<1xf32>
      %squeeze3A_600 = vector.extract %slice3A_599[0] : f32 from vector<1xf32>
      %select_n3A_601 = arith.select %eq3A_598, %squeeze3A_600, %select_n3A_596 : f32
      %eq3A_602 = arith.constant 7 : i32
      %eq3A_603 = arith.cmpi eq, %select_n3A_486, %eq3A_602 : i32
      %slice3A_604 = vector.extract_strided_slice %get3A_569 {offsets = [7], sizes = [1], strides = [1]} : vector<16xf32> to vector<1xf32>
      %squeeze3A_605 = vector.extract %slice3A_604[0] : f32 from vector<1xf32>
      %select_n3A_606 = arith.select %eq3A_603, %squeeze3A_605, %select_n3A_601 : f32
      %eq3A_607 = arith.constant 8 : i32
      %eq3A_608 = arith.cmpi eq, %select_n3A_486, %eq3A_607 : i32
      %slice3A_609 = vector.extract_strided_slice %get3A_569 {offsets = [8], sizes = [1], strides = [1]} : vector<16xf32> to vector<1xf32>
      %squeeze3A_610 = vector.extract %slice3A_609[0] : f32 from vector<1xf32>
      %select_n3A_611 = arith.select %eq3A_608, %squeeze3A_610, %select_n3A_606 : f32
      %eq3A_612 = arith.constant 9 : i32
      %eq3A_613 = arith.cmpi eq, %select_n3A_486, %eq3A_612 : i32
      %slice3A_614 = vector.extract_strided_slice %get3A_569 {offsets = [9], sizes = [1], strides = [1]} : vector<16xf32> to vector<1xf32>
      %squeeze3A_615 = vector.extract %slice3A_614[0] : f32 from vector<1xf32>
      %select_n3A_616 = arith.select %eq3A_613, %squeeze3A_615, %select_n3A_611 : f32
      %eq3A_617 = arith.constant 10 : i32
      %eq3A_618 = arith.cmpi eq, %select_n3A_486, %eq3A_617 : i32
      %slice3A_619 = vector.extract_strided_slice %get3A_569 {offsets = [10], sizes = [1], strides = [1]} : vector<16xf32> to vector<1xf32>
      %squeeze3A_620 = vector.extract %slice3A_619[0] : f32 from vector<1xf32>
      %select_n3A_621 = arith.select %eq3A_618, %squeeze3A_620, %select_n3A_616 : f32
      %eq3A_622 = arith.constant 11 : i32
      %eq3A_623 = arith.cmpi eq, %select_n3A_486, %eq3A_622 : i32
      %slice3A_624 = vector.extract_strided_slice %get3A_569 {offsets = [11], sizes = [1], strides = [1]} : vector<16xf32> to vector<1xf32>
      %squeeze3A_625 = vector.extract %slice3A_624[0] : f32 from vector<1xf32>
      %select_n3A_626 = arith.select %eq3A_623, %squeeze3A_625, %select_n3A_621 : f32
      %eq3A_627 = arith.constant 12 : i32
      %eq3A_628 = arith.cmpi eq, %select_n3A_486, %eq3A_627 : i32
      %slice3A_629 = vector.extract_strided_slice %get3A_569 {offsets = [12], sizes = [1], strides = [1]} : vector<16xf32> to vector<1xf32>
      %squeeze3A_630 = vector.extract %slice3A_629[0] : f32 from vector<1xf32>
      %select_n3A_631 = arith.select %eq3A_628, %squeeze3A_630, %select_n3A_626 : f32
      %eq3A_632 = arith.constant 13 : i32
      %eq3A_633 = arith.cmpi eq, %select_n3A_486, %eq3A_632 : i32
      %slice3A_634 = vector.extract_strided_slice %get3A_569 {offsets = [13], sizes = [1], strides = [1]} : vector<16xf32> to vector<1xf32>
      %squeeze3A_635 = vector.extract %slice3A_634[0] : f32 from vector<1xf32>
      %select_n3A_636 = arith.select %eq3A_633, %squeeze3A_635, %select_n3A_631 : f32
      %eq3A_637 = arith.constant 14 : i32
      %eq3A_638 = arith.cmpi eq, %select_n3A_486, %eq3A_637 : i32
      %slice3A_639 = vector.extract_strided_slice %get3A_569 {offsets = [14], sizes = [1], strides = [1]} : vector<16xf32> to vector<1xf32>
      %squeeze3A_640 = vector.extract %slice3A_639[0] : f32 from vector<1xf32>
      %select_n3A_641 = arith.select %eq3A_638, %squeeze3A_640, %select_n3A_636 : f32
      %eq3A_642 = arith.constant 15 : i32
      %eq3A_643 = arith.cmpi eq, %select_n3A_486, %eq3A_642 : i32
      %slice3A_644 = vector.extract_strided_slice %get3A_569 {offsets = [15], sizes = [1], strides = [1]} : vector<16xf32> to vector<1xf32>
      %squeeze3A_645 = vector.extract %slice3A_644[0] : f32 from vector<1xf32>
      %select_n3A_646 = arith.select %eq3A_643, %squeeze3A_645, %select_n3A_641 : f32
      %get3A_647 = arith.index_cast %mul3A_470 : i32 to index
      %get3A_648 = tpu.vector_load %arg18[%get3A_647] {strides = array<i32>} : memref<5120xf32, #tpu.memory_space<vmem>>, vector<16xf32>,
      %get3A_649 = vector.shape_cast %get3A_648 : vector<16xf32> to vector<16xf32>
      %slice3A_650 = vector.extract_strided_slice %get3A_649 {offsets = [0], sizes = [1], strides = [1]} : vector<16xf32> to vector<1xf32>
      %squeeze3A_651 = vector.extract %slice3A_650[0] : f32 from vector<1xf32>
      %eq3A_652 = arith.constant 1 : i32
      %eq3A_653 = arith.cmpi eq, %select_n3A_486, %eq3A_652 : i32
      %slice3A_654 = vector.extract_strided_slice %get3A_649 {offsets = [1], sizes = [1], strides = [1]} : vector<16xf32> to vector<1xf32>
      %squeeze3A_655 = vector.extract %slice3A_654[0] : f32 from vector<1xf32>
      %select_n3A_656 = arith.select %eq3A_653, %squeeze3A_655, %squeeze3A_651 : f32
      %eq3A_657 = arith.constant 2 : i32
      %eq3A_658 = arith.cmpi eq, %select_n3A_486, %eq3A_657 : i32
      %slice3A_659 = vector.extract_strided_slice %get3A_649 {offsets = [2], sizes = [1], strides = [1]} : vector<16xf32> to vector<1xf32>
      %squeeze3A_660 = vector.extract %slice3A_659[0] : f32 from vector<1xf32>
      %select_n3A_661 = arith.select %eq3A_658, %squeeze3A_660, %select_n3A_656 : f32
      %eq3A_662 = arith.constant 3 : i32
      %eq3A_663 = arith.cmpi eq, %select_n3A_486, %eq3A_662 : i32
      %slice3A_664 = vector.extract_strided_slice %get3A_649 {offsets = [3], sizes = [1], strides = [1]} : vector<16xf32> to vector<1xf32>
      %squeeze3A_665 = vector.extract %slice3A_664[0] : f32 from vector<1xf32>
      %select_n3A_666 = arith.select %eq3A_663, %squeeze3A_665, %select_n3A_661 : f32
      %eq3A_667 = arith.constant 4 : i32
      %eq3A_668 = arith.cmpi eq, %select_n3A_486, %eq3A_667 : i32
      %slice3A_669 = vector.extract_strided_slice %get3A_649 {offsets = [4], sizes = [1], strides = [1]} : vector<16xf32> to vector<1xf32>
      %squeeze3A_670 = vector.extract %slice3A_669[0] : f32 from vector<1xf32>
      %select_n3A_671 = arith.select %eq3A_668, %squeeze3A_670, %select_n3A_666 : f32
      %eq3A_672 = arith.constant 5 : i32
      %eq3A_673 = arith.cmpi eq, %select_n3A_486, %eq3A_672 : i32
      %slice3A_674 = vector.extract_strided_slice %get3A_649 {offsets = [5], sizes = [1], strides = [1]} : vector<16xf32> to vector<1xf32>
      %squeeze3A_675 = vector.extract %slice3A_674[0] : f32 from vector<1xf32>
      %select_n3A_676 = arith.select %eq3A_673, %squeeze3A_675, %select_n3A_671 : f32
      %eq3A_677 = arith.constant 6 : i32
      %eq3A_678 = arith.cmpi eq, %select_n3A_486, %eq3A_677 : i32
      %slice3A_679 = vector.extract_strided_slice %get3A_649 {offsets = [6], sizes = [1], strides = [1]} : vector<16xf32> to vector<1xf32>
      %squeeze3A_680 = vector.extract %slice3A_679[0] : f32 from vector<1xf32>
      %select_n3A_681 = arith.select %eq3A_678, %squeeze3A_680, %select_n3A_676 : f32
      %eq3A_682 = arith.constant 7 : i32
      %eq3A_683 = arith.cmpi eq, %select_n3A_486, %eq3A_682 : i32
      %slice3A_684 = vector.extract_strided_slice %get3A_649 {offsets = [7], sizes = [1], strides = [1]} : vector<16xf32> to vector<1xf32>
      %squeeze3A_685 = vector.extract %slice3A_684[0] : f32 from vector<1xf32>
      %select_n3A_686 = arith.select %eq3A_683, %squeeze3A_685, %select_n3A_681 : f32
      %eq3A_687 = arith.constant 8 : i32
      %eq3A_688 = arith.cmpi eq, %select_n3A_486, %eq3A_687 : i32
      %slice3A_689 = vector.extract_strided_slice %get3A_649 {offsets = [8], sizes = [1], strides = [1]} : vector<16xf32> to vector<1xf32>
      %squeeze3A_690 = vector.extract %slice3A_689[0] : f32 from vector<1xf32>
      %select_n3A_691 = arith.select %eq3A_688, %squeeze3A_690, %select_n3A_686 : f32
      %eq3A_692 = arith.constant 9 : i32
      %eq3A_693 = arith.cmpi eq, %select_n3A_486, %eq3A_692 : i32
      %slice3A_694 = vector.extract_strided_slice %get3A_649 {offsets = [9], sizes = [1], strides = [1]} : vector<16xf32> to vector<1xf32>
      %squeeze3A_695 = vector.extract %slice3A_694[0] : f32 from vector<1xf32>
      %select_n3A_696 = arith.select %eq3A_693, %squeeze3A_695, %select_n3A_691 : f32
      %eq3A_697 = arith.constant 10 : i32
      %eq3A_698 = arith.cmpi eq, %select_n3A_486, %eq3A_697 : i32
      %slice3A_699 = vector.extract_strided_slice %get3A_649 {offsets = [10], sizes = [1], strides = [1]} : vector<16xf32> to vector<1xf32>
      %squeeze3A_700 = vector.extract %slice3A_699[0] : f32 from vector<1xf32>
      %select_n3A_701 = arith.select %eq3A_698, %squeeze3A_700, %select_n3A_696 : f32
      %eq3A_702 = arith.constant 11 : i32
      %eq3A_703 = arith.cmpi eq, %select_n3A_486, %eq3A_702 : i32
      %slice3A_704 = vector.extract_strided_slice %get3A_649 {offsets = [11], sizes = [1], strides = [1]} : vector<16xf32> to vector<1xf32>
      %squeeze3A_705 = vector.extract %slice3A_704[0] : f32 from vector<1xf32>
      %select_n3A_706 = arith.select %eq3A_703, %squeeze3A_705, %select_n3A_701 : f32
      %eq3A_707 = arith.constant 12 : i32
      %eq3A_708 = arith.cmpi eq, %select_n3A_486, %eq3A_707 : i32
      %slice3A_709 = vector.extract_strided_slice %get3A_649 {offsets = [12], sizes = [1], strides = [1]} : vector<16xf32> to vector<1xf32>
      %squeeze3A_710 = vector.extract %slice3A_709[0] : f32 from vector<1xf32>
      %select_n3A_711 = arith.select %eq3A_708, %squeeze3A_710, %select_n3A_706 : f32
      %eq3A_712 = arith.constant 13 : i32
      %eq3A_713 = arith.cmpi eq, %select_n3A_486, %eq3A_712 : i32
      %slice3A_714 = vector.extract_strided_slice %get3A_649 {offsets = [13], sizes = [1], strides = [1]} : vector<16xf32> to vector<1xf32>
      %squeeze3A_715 = vector.extract %slice3A_714[0] : f32 from vector<1xf32>
      %select_n3A_716 = arith.select %eq3A_713, %squeeze3A_715, %select_n3A_711 : f32
      %eq3A_717 = arith.constant 14 : i32
      %eq3A_718 = arith.cmpi eq, %select_n3A_486, %eq3A_717 : i32
      %slice3A_719 = vector.extract_strided_slice %get3A_649 {offsets = [14], sizes = [1], strides = [1]} : vector<16xf32> to vector<1xf32>
      %squeeze3A_720 = vector.extract %slice3A_719[0] : f32 from vector<1xf32>
      %select_n3A_721 = arith.select %eq3A_718, %squeeze3A_720, %select_n3A_716 : f32
      %eq3A_722 = arith.constant 15 : i32
      %eq3A_723 = arith.cmpi eq, %select_n3A_486, %eq3A_722 : i32
      %slice3A_724 = vector.extract_strided_slice %get3A_649 {offsets = [15], sizes = [1], strides = [1]} : vector<16xf32> to vector<1xf32>
      %squeeze3A_725 = vector.extract %slice3A_724[0] : f32 from vector<1xf32>
      %select_n3A_726 = arith.select %eq3A_723, %squeeze3A_725, %select_n3A_721 : f32
      %get3A_727 = arith.index_cast %mul3A_470 : i32 to index
      %get3A_728 = tpu.vector_load %arg19[%get3A_727] {strides = array<i32>} : memref<5120xf32, #tpu.memory_space<vmem>>, vector<16xf32>,
      %get3A_729 = vector.shape_cast %get3A_728 : vector<16xf32> to vector<16xf32>
      %slice3A_730 = vector.extract_strided_slice %get3A_729 {offsets = [0], sizes = [1], strides = [1]} : vector<16xf32> to vector<1xf32>
      %squeeze3A_731 = vector.extract %slice3A_730[0] : f32 from vector<1xf32>
      %eq3A_732 = arith.constant 1 : i32
      %eq3A_733 = arith.cmpi eq, %select_n3A_486, %eq3A_732 : i32
      %slice3A_734 = vector.extract_strided_slice %get3A_729 {offsets = [1], sizes = [1], strides = [1]} : vector<16xf32> to vector<1xf32>
      %squeeze3A_735 = vector.extract %slice3A_734[0] : f32 from vector<1xf32>
      %select_n3A_736 = arith.select %eq3A_733, %squeeze3A_735, %squeeze3A_731 : f32
      %eq3A_737 = arith.constant 2 : i32
      %eq3A_738 = arith.cmpi eq, %select_n3A_486, %eq3A_737 : i32
      %slice3A_739 = vector.extract_strided_slice %get3A_729 {offsets = [2], sizes = [1], strides = [1]} : vector<16xf32> to vector<1xf32>
      %squeeze3A_740 = vector.extract %slice3A_739[0] : f32 from vector<1xf32>
      %select_n3A_741 = arith.select %eq3A_738, %squeeze3A_740, %select_n3A_736 : f32
      %eq3A_742 = arith.constant 3 : i32
      %eq3A_743 = arith.cmpi eq, %select_n3A_486, %eq3A_742 : i32
      %slice3A_744 = vector.extract_strided_slice %get3A_729 {offsets = [3], sizes = [1], strides = [1]} : vector<16xf32> to vector<1xf32>
      %squeeze3A_745 = vector.extract %slice3A_744[0] : f32 from vector<1xf32>
      %select_n3A_746 = arith.select %eq3A_743, %squeeze3A_745, %select_n3A_741 : f32
      %eq3A_747 = arith.constant 4 : i32
      %eq3A_748 = arith.cmpi eq, %select_n3A_486, %eq3A_747 : i32
      %slice3A_749 = vector.extract_strided_slice %get3A_729 {offsets = [4], sizes = [1], strides = [1]} : vector<16xf32> to vector<1xf32>
      %squeeze3A_750 = vector.extract %slice3A_749[0] : f32 from vector<1xf32>
      %select_n3A_751 = arith.select %eq3A_748, %squeeze3A_750, %select_n3A_746 : f32
      %eq3A_752 = arith.constant 5 : i32
      %eq3A_753 = arith.cmpi eq, %select_n3A_486, %eq3A_752 : i32
      %slice3A_754 = vector.extract_strided_slice %get3A_729 {offsets = [5], sizes = [1], strides = [1]} : vector<16xf32> to vector<1xf32>
      %squeeze3A_755 = vector.extract %slice3A_754[0] : f32 from vector<1xf32>
      %select_n3A_756 = arith.select %eq3A_753, %squeeze3A_755, %select_n3A_751 : f32
      %eq3A_757 = arith.constant 6 : i32
      %eq3A_758 = arith.cmpi eq, %select_n3A_486, %eq3A_757 : i32
      %slice3A_759 = vector.extract_strided_slice %get3A_729 {offsets = [6], sizes = [1], strides = [1]} : vector<16xf32> to vector<1xf32>
      %squeeze3A_760 = vector.extract %slice3A_759[0] : f32 from vector<1xf32>
      %select_n3A_761 = arith.select %eq3A_758, %squeeze3A_760, %select_n3A_756 : f32
      %eq3A_762 = arith.constant 7 : i32
      %eq3A_763 = arith.cmpi eq, %select_n3A_486, %eq3A_762 : i32
      %slice3A_764 = vector.extract_strided_slice %get3A_729 {offsets = [7], sizes = [1], strides = [1]} : vector<16xf32> to vector<1xf32>
      %squeeze3A_765 = vector.extract %slice3A_764[0] : f32 from vector<1xf32>
      %select_n3A_766 = arith.select %eq3A_763, %squeeze3A_765, %select_n3A_761 : f32
      %eq3A_767 = arith.constant 8 : i32
      %eq3A_768 = arith.cmpi eq, %select_n3A_486, %eq3A_767 : i32
      %slice3A_769 = vector.extract_strided_slice %get3A_729 {offsets = [8], sizes = [1], strides = [1]} : vector<16xf32> to vector<1xf32>
      %squeeze3A_770 = vector.extract %slice3A_769[0] : f32 from vector<1xf32>
      %select_n3A_771 = arith.select %eq3A_768, %squeeze3A_770, %select_n3A_766 : f32
      %eq3A_772 = arith.constant 9 : i32
      %eq3A_773 = arith.cmpi eq, %select_n3A_486, %eq3A_772 : i32
      %slice3A_774 = vector.extract_strided_slice %get3A_729 {offsets = [9], sizes = [1], strides = [1]} : vector<16xf32> to vector<1xf32>
      %squeeze3A_775 = vector.extract %slice3A_774[0] : f32 from vector<1xf32>
      %select_n3A_776 = arith.select %eq3A_773, %squeeze3A_775, %select_n3A_771 : f32
      %eq3A_777 = arith.constant 10 : i32
      %eq3A_778 = arith.cmpi eq, %select_n3A_486, %eq3A_777 : i32
      %slice3A_779 = vector.extract_strided_slice %get3A_729 {offsets = [10], sizes = [1], strides = [1]} : vector<16xf32> to vector<1xf32>
      %squeeze3A_780 = vector.extract %slice3A_779[0] : f32 from vector<1xf32>
      %select_n3A_781 = arith.select %eq3A_778, %squeeze3A_780, %select_n3A_776 : f32
      %eq3A_782 = arith.constant 11 : i32
      %eq3A_783 = arith.cmpi eq, %select_n3A_486, %eq3A_782 : i32
      %slice3A_784 = vector.extract_strided_slice %get3A_729 {offsets = [11], sizes = [1], strides = [1]} : vector<16xf32> to vector<1xf32>
      %squeeze3A_785 = vector.extract %slice3A_784[0] : f32 from vector<1xf32>
      %select_n3A_786 = arith.select %eq3A_783, %squeeze3A_785, %select_n3A_781 : f32
      %eq3A_787 = arith.constant 12 : i32
      %eq3A_788 = arith.cmpi eq, %select_n3A_486, %eq3A_787 : i32
      %slice3A_789 = vector.extract_strided_slice %get3A_729 {offsets = [12], sizes = [1], strides = [1]} : vector<16xf32> to vector<1xf32>
      %squeeze3A_790 = vector.extract %slice3A_789[0] : f32 from vector<1xf32>
      %select_n3A_791 = arith.select %eq3A_788, %squeeze3A_790, %select_n3A_786 : f32
      %eq3A_792 = arith.constant 13 : i32
      %eq3A_793 = arith.cmpi eq, %select_n3A_486, %eq3A_792 : i32
      %slice3A_794 = vector.extract_strided_slice %get3A_729 {offsets = [13], sizes = [1], strides = [1]} : vector<16xf32> to vector<1xf32>
      %squeeze3A_795 = vector.extract %slice3A_794[0] : f32 from vector<1xf32>
      %select_n3A_796 = arith.select %eq3A_793, %squeeze3A_795, %select_n3A_791 : f32
      %eq3A_797 = arith.constant 14 : i32
      %eq3A_798 = arith.cmpi eq, %select_n3A_486, %eq3A_797 : i32
      %slice3A_799 = vector.extract_strided_slice %get3A_729 {offsets = [14], sizes = [1], strides = [1]} : vector<16xf32> to vector<1xf32>
      %squeeze3A_800 = vector.extract %slice3A_799[0] : f32 from vector<1xf32>
      %select_n3A_801 = arith.select %eq3A_798, %squeeze3A_800, %select_n3A_796 : f32
      %eq3A_802 = arith.constant 15 : i32
      %eq3A_803 = arith.cmpi eq, %select_n3A_486, %eq3A_802 : i32
      %slice3A_804 = vector.extract_strided_slice %get3A_729 {offsets = [15], sizes = [1], strides = [1]} : vector<16xf32> to vector<1xf32>
      %squeeze3A_805 = vector.extract %slice3A_804[0] : f32 from vector<1xf32>
      %select_n3A_806 = arith.select %eq3A_803, %squeeze3A_805, %select_n3A_801 : f32
      %sub3A_807 = arith.subf %select_n3A_726, %select_n3A_566 : f32
      %max3A = arith.constant 0.000000e+00 : f32
      %max3A_808 = arith.maximumf %sub3A_807, %max3A : f32
      %sub3A_809 = arith.subf %select_n3A_806, %select_n3A_646 : f32
      %max3A_810 = arith.constant 0.000000e+00 : f32
      %max3A_811 = arith.maximumf %sub3A_809, %max3A_810 : f32
      %mul3A_812 = arith.mulf %max3A_808, %max3A_811 : f32
      %broadcast_in_dim3A_813 = arith.constant -2.000000e+00 : f32
      %broadcast_in_dim3A_814 = vector.broadcast %broadcast_in_dim3A_813 : f32 to vector<16xf32>
      %broadcast_in_dim3A_815 = arith.constant 0 : i32
      %broadcast_in_dim3A_816 = vector.broadcast %broadcast_in_dim3A_815 : i32 to vector<16xi32>
      %scan3A_817 = arith.constant 0 : i32
      %scan3A_818 = arith.constant 5 : i32
      %scan3A_819 = arith.addi %scan3A_817, %scan3A_818 : i32
      %scan3A_820 = arith.constant 1 : i32
      %scan3A_821:2 = scf.for %scan3A_917 = %scan3A_817 to %scan3A_819 step %scan3A_820 iter_args(%scan3A_918 = %broadcast_in_dim3A_814, %scan3A_919 = %broadcast_in_dim3A_816) -> (vector<16xf32>, vector<16xi32>)  : i32 {
        %mul3A_920 = arith.constant 8 : i32
        %mul3A_921 = arith.muli %scan3A_917, %mul3A_920 : i32
        %add3A_922 = arith.constant 0 : i32
        %add3A_923 = arith.addi %mul3A_921, %add3A_922 : i32
        %mul3A_924 = arith.constant 16 : i32
        %mul3A_925 = arith.muli %add3A_923, %mul3A_924 : i32
        %mul3A_926 = arith.constant 16 : i32
        %mul3A_927 = arith.muli %add3A_923, %mul3A_926 : i32
        %add3A_928 = arith.addi %mul3A_32, %mul3A_927 : i32
        %get3A_929 = arith.index_cast %add3A_928 : i32 to index
        %get3A_930 = tpu.vector_load %arg18[%get3A_929] {strides = array<i32>} : memref<5120xf32, #tpu.memory_space<vmem>>, vector<16xf32>,
        %get3A_931 = vector.shape_cast %get3A_930 : vector<16xf32> to vector<16xf32>
        %min3A_932 = vector.broadcast %select_n3A_726 : f32 to vector<16xf32>
        %min3A_933 = arith.minimumf %get3A_931, %min3A_932 : vector<16xf32>
        %get3A_934 = arith.index_cast %add3A_928 : i32 to index
        %get3A_935 = tpu.vector_load %arg16[%get3A_934] {strides = array<i32>} : memref<5120xf32, #tpu.memory_space<vmem>>, vector<16xf32>,
        %get3A_936 = vector.shape_cast %get3A_935 : vector<16xf32> to vector<16xf32>
        %max3A_937 = vector.broadcast %select_n3A_566 : f32 to vector<16xf32>
        %max3A_938 = arith.maximumf %get3A_936, %max3A_937 : vector<16xf32>
        %sub3A_939 = arith.subf %min3A_933, %max3A_938 : vector<16xf32>
        %get3A_940 = arith.index_cast %add3A_928 : i32 to index
        %get3A_941 = tpu.vector_load %arg19[%get3A_940] {strides = array<i32>} : memref<5120xf32, #tpu.memory_space<vmem>>, vector<16xf32>,
        %get3A_942 = vector.shape_cast %get3A_941 : vector<16xf32> to vector<16xf32>
        %min3A_943 = vector.broadcast %select_n3A_806 : f32 to vector<16xf32>
        %min3A_944 = arith.minimumf %get3A_942, %min3A_943 : vector<16xf32>
        %get3A_945 = arith.index_cast %add3A_928 : i32 to index
        %get3A_946 = tpu.vector_load %arg17[%get3A_945] {strides = array<i32>} : memref<5120xf32, #tpu.memory_space<vmem>>, vector<16xf32>,
        %get3A_947 = vector.shape_cast %get3A_946 : vector<16xf32> to vector<16xf32>
        %max3A_948 = vector.broadcast %select_n3A_646 : f32 to vector<16xf32>
        %max3A_949 = arith.maximumf %get3A_947, %max3A_948 : vector<16xf32>
        %sub3A_950 = arith.subf %min3A_944, %max3A_949 : vector<16xf32>
        %max3A_951 = arith.constant 0.000000e+00 : f32
        %max3A_952 = vector.broadcast %max3A_951 : f32 to vector<16xf32>
        %max3A_953 = arith.maximumf %sub3A_939, %max3A_952 : vector<16xf32>
        %max3A_954 = arith.constant 0.000000e+00 : f32
        %max3A_955 = vector.broadcast %max3A_954 : f32 to vector<16xf32>
        %max3A_956 = arith.maximumf %sub3A_950, %max3A_955 : vector<16xf32>
        %mul3A_957 = arith.mulf %max3A_953, %max3A_956 : vector<16xf32>
        %get3A_958 = arith.index_cast %add3A_928 : i32 to index
        %get3A_959 = tpu.vector_load %arg24[%get3A_958] {strides = array<i32>} : memref<5120xf32, #tpu.memory_space<vmem>>, vector<16xf32>,
        %get3A_960 = vector.shape_cast %get3A_959 : vector<16xf32> to vector<16xf32>
        %add3A_961 = vector.broadcast %mul3A_812 : f32 to vector<16xf32>
        %add3A_962 = arith.addf %get3A_960, %add3A_961 : vector<16xf32>
        %sub3A_963 = arith.subf %add3A_962, %mul3A_957 : vector<16xf32>
        %add3A_964 = arith.constant 9.99999971E-10 : f32
        %add3A_965 = vector.broadcast %add3A_964 : f32 to vector<16xf32>
        %add3A_966 = arith.addf %sub3A_963, %add3A_965 : vector<16xf32>
        %div3A_967 = arith.divf %mul3A_957, %add3A_966 : vector<16xf32>
        %mul3A_968 = arith.constant 16 : i32
        %mul3A_969 = arith.muli %add3A_923, %mul3A_968 : i32
        %add3A_970 = arith.addi %mul3A_32, %mul3A_969 : i32
        %add3A_971 = vector.broadcast %add3A_970 : i32 to vector<16xi32>
        %add3A_972 = arith.addi %add3A_971, %iota3A : vector<16xi32>
        %gt3A_973 = arith.constant 5.000000e-01 : f32
        %gt3A_974 = vector.broadcast %gt3A_973 : f32 to vector<16xf32>
        %gt3A_975 = arith.cmpf ogt, %div3A_967, %gt3A_974 : vector<16xf32>
        %eq3A_976 = vector.broadcast %min3A_444 : i32 to vector<16xi32>
        %eq3A_977 = arith.cmpi eq, %add3A_972, %eq3A_976 : vector<16xi32>
        %or3A_978 = arith.ori %gt3A_975, %eq3A_977 : vector<16xi1>
        %get3A_979 = arith.index_cast %mul3A_925 : i32 to index
        %get3A_980 = tpu.vector_load %arg25[%get3A_979] {strides = array<i32>} : memref<640xf32, #tpu.memory_space<vmem>>, vector<16xf32>,
        %get3A_981 = vector.shape_cast %get3A_980 : vector<16xf32> to vector<16xf32>
        %jit3A_982 = arith.constant -1.000000e+00 : f32
        %broadcast_in_dim3A_983 = vector.broadcast %jit3A_982 : f32 to vector<16xf32>
        %select_n3A_984 = arith.select %or3A_978, %broadcast_in_dim3A_983, %get3A_981 : vector<16xi1>, vector<16xf32>
        %swap3A_985 = arith.index_cast %mul3A_925 : i32 to index
        %swap3A_986 = tpu.vector_load %arg25[%swap3A_985] {strides = array<i32>} : memref<640xf32, #tpu.memory_space<vmem>>, vector<16xf32>,
        %swap3A_987 = vector.shape_cast %swap3A_986 : vector<16xf32> to vector<16xf32>
        %swap3A_988 = vector.shape_cast %select_n3A_984 : vector<16xf32> to vector<16xf32>
        tpu.vector_store %arg25[%swap3A_985], %swap3A_988 {strides = array<i32>} : memref<640xf32, #tpu.memory_space<vmem>>, vector<16xf32>,
        %gt3A_989 = arith.cmpf ogt, %select_n3A_984, %scan3A_918 : vector<16xf32>
        %select_n3A_990 = arith.select %gt3A_989, %select_n3A_984, %scan3A_918 : vector<16xi1>, vector<16xf32>
        %select_n3A_991 = arith.select %gt3A_989, %add3A_972, %scan3A_919 : vector<16xi1>, vector<16xi32>
        %mul3A_992 = arith.constant 8 : i32
        %mul3A_993 = arith.muli %scan3A_917, %mul3A_992 : i32
        %add3A_994 = arith.constant 1 : i32
        %add3A_995 = arith.addi %mul3A_993, %add3A_994 : i32
        %mul3A_996 = arith.constant 16 : i32
        %mul3A_997 = arith.muli %add3A_995, %mul3A_996 : i32
        %mul3A_998 = arith.constant 16 : i32
        %mul3A_999 = arith.muli %add3A_995, %mul3A_998 : i32
        %add3A_1000 = arith.addi %mul3A_32, %mul3A_999 : i32
        %get3A_1001 = arith.index_cast %add3A_1000 : i32 to index
        %get3A_1002 = tpu.vector_load %arg18[%get3A_1001] {strides = array<i32>} : memref<5120xf32, #tpu.memory_space<vmem>>, vector<16xf32>,
        %get3A_1003 = vector.shape_cast %get3A_1002 : vector<16xf32> to vector<16xf32>
        %min3A_1004 = vector.broadcast %select_n3A_726 : f32 to vector<16xf32>
        %min3A_1005 = arith.minimumf %get3A_1003, %min3A_1004 : vector<16xf32>
        %get3A_1006 = arith.index_cast %add3A_1000 : i32 to index
        %get3A_1007 = tpu.vector_load %arg16[%get3A_1006] {strides = array<i32>} : memref<5120xf32, #tpu.memory_space<vmem>>, vector<16xf32>,
        %get3A_1008 = vector.shape_cast %get3A_1007 : vector<16xf32> to vector<16xf32>
        %max3A_1009 = vector.broadcast %select_n3A_566 : f32 to vector<16xf32>
        %max3A_1010 = arith.maximumf %get3A_1008, %max3A_1009 : vector<16xf32>
        %sub3A_1011 = arith.subf %min3A_1005, %max3A_1010 : vector<16xf32>
        %get3A_1012 = arith.index_cast %add3A_1000 : i32 to index
        %get3A_1013 = tpu.vector_load %arg19[%get3A_1012] {strides = array<i32>} : memref<5120xf32, #tpu.memory_space<vmem>>, vector<16xf32>,
        %get3A_1014 = vector.shape_cast %get3A_1013 : vector<16xf32> to vector<16xf32>
        %min3A_1015 = vector.broadcast %select_n3A_806 : f32 to vector<16xf32>
        %min3A_1016 = arith.minimumf %get3A_1014, %min3A_1015 : vector<16xf32>
        %get3A_1017 = arith.index_cast %add3A_1000 : i32 to index
        %get3A_1018 = tpu.vector_load %arg17[%get3A_1017] {strides = array<i32>} : memref<5120xf32, #tpu.memory_space<vmem>>, vector<16xf32>,
        %get3A_1019 = vector.shape_cast %get3A_1018 : vector<16xf32> to vector<16xf32>
        %max3A_1020 = vector.broadcast %select_n3A_646 : f32 to vector<16xf32>
        %max3A_1021 = arith.maximumf %get3A_1019, %max3A_1020 : vector<16xf32>
        %sub3A_1022 = arith.subf %min3A_1016, %max3A_1021 : vector<16xf32>
        %max3A_1023 = arith.constant 0.000000e+00 : f32
        %max3A_1024 = vector.broadcast %max3A_1023 : f32 to vector<16xf32>
        %max3A_1025 = arith.maximumf %sub3A_1011, %max3A_1024 : vector<16xf32>
        %max3A_1026 = arith.constant 0.000000e+00 : f32
        %max3A_1027 = vector.broadcast %max3A_1026 : f32 to vector<16xf32>
        %max3A_1028 = arith.maximumf %sub3A_1022, %max3A_1027 : vector<16xf32>
        %mul3A_1029 = arith.mulf %max3A_1025, %max3A_1028 : vector<16xf32>
        %get3A_1030 = arith.index_cast %add3A_1000 : i32 to index
        %get3A_1031 = tpu.vector_load %arg24[%get3A_1030] {strides = array<i32>} : memref<5120xf32, #tpu.memory_space<vmem>>, vector<16xf32>,
        %get3A_1032 = vector.shape_cast %get3A_1031 : vector<16xf32> to vector<16xf32>
        %add3A_1033 = vector.broadcast %mul3A_812 : f32 to vector<16xf32>
        %add3A_1034 = arith.addf %get3A_1032, %add3A_1033 : vector<16xf32>
        %sub3A_1035 = arith.subf %add3A_1034, %mul3A_1029 : vector<16xf32>
        %add3A_1036 = arith.constant 9.99999971E-10 : f32
        %add3A_1037 = vector.broadcast %add3A_1036 : f32 to vector<16xf32>
        %add3A_1038 = arith.addf %sub3A_1035, %add3A_1037 : vector<16xf32>
        %div3A_1039 = arith.divf %mul3A_1029, %add3A_1038 : vector<16xf32>
        %mul3A_1040 = arith.constant 16 : i32
        %mul3A_1041 = arith.muli %add3A_995, %mul3A_1040 : i32
        %add3A_1042 = arith.addi %mul3A_32, %mul3A_1041 : i32
        %add3A_1043 = vector.broadcast %add3A_1042 : i32 to vector<16xi32>
        %add3A_1044 = arith.addi %add3A_1043, %iota3A : vector<16xi32>
        %gt3A_1045 = arith.constant 5.000000e-01 : f32
        %gt3A_1046 = vector.broadcast %gt3A_1045 : f32 to vector<16xf32>
        %gt3A_1047 = arith.cmpf ogt, %div3A_1039, %gt3A_1046 : vector<16xf32>
        %eq3A_1048 = vector.broadcast %min3A_444 : i32 to vector<16xi32>
        %eq3A_1049 = arith.cmpi eq, %add3A_1044, %eq3A_1048 : vector<16xi32>
        %or3A_1050 = arith.ori %gt3A_1047, %eq3A_1049 : vector<16xi1>
        %get3A_1051 = arith.index_cast %mul3A_997 : i32 to index
        %get3A_1052 = tpu.vector_load %arg25[%get3A_1051] {strides = array<i32>} : memref<640xf32, #tpu.memory_space<vmem>>, vector<16xf32>,
        %get3A_1053 = vector.shape_cast %get3A_1052 : vector<16xf32> to vector<16xf32>
        %jit3A_1054 = arith.constant -1.000000e+00 : f32
        %broadcast_in_dim3A_1055 = vector.broadcast %jit3A_1054 : f32 to vector<16xf32>
        %select_n3A_1056 = arith.select %or3A_1050, %broadcast_in_dim3A_1055, %get3A_1053 : vector<16xi1>, vector<16xf32>
        %swap3A_1057 = arith.index_cast %mul3A_997 : i32 to index
        %swap3A_1058 = tpu.vector_load %arg25[%swap3A_1057] {strides = array<i32>} : memref<640xf32, #tpu.memory_space<vmem>>, vector<16xf32>,
        %swap3A_1059 = vector.shape_cast %swap3A_1058 : vector<16xf32> to vector<16xf32>
        %swap3A_1060 = vector.shape_cast %select_n3A_1056 : vector<16xf32> to vector<16xf32>
        tpu.vector_store %arg25[%swap3A_1057], %swap3A_1060 {strides = array<i32>} : memref<640xf32, #tpu.memory_space<vmem>>, vector<16xf32>,
        %gt3A_1061 = arith.cmpf ogt, %select_n3A_1056, %select_n3A_990 : vector<16xf32>
        %select_n3A_1062 = arith.select %gt3A_1061, %select_n3A_1056, %select_n3A_990 : vector<16xi1>, vector<16xf32>
        %select_n3A_1063 = arith.select %gt3A_1061, %add3A_1044, %select_n3A_991 : vector<16xi1>, vector<16xi32>
        %mul3A_1064 = arith.constant 8 : i32
        %mul3A_1065 = arith.muli %scan3A_917, %mul3A_1064 : i32
        %add3A_1066 = arith.constant 2 : i32
        %add3A_1067 = arith.addi %mul3A_1065, %add3A_1066 : i32
        %mul3A_1068 = arith.constant 16 : i32
        %mul3A_1069 = arith.muli %add3A_1067, %mul3A_1068 : i32
        %mul3A_1070 = arith.constant 16 : i32
        %mul3A_1071 = arith.muli %add3A_1067, %mul3A_1070 : i32
        %add3A_1072 = arith.addi %mul3A_32, %mul3A_1071 : i32
        %get3A_1073 = arith.index_cast %add3A_1072 : i32 to index
        %get3A_1074 = tpu.vector_load %arg18[%get3A_1073] {strides = array<i32>} : memref<5120xf32, #tpu.memory_space<vmem>>, vector<16xf32>,
        %get3A_1075 = vector.shape_cast %get3A_1074 : vector<16xf32> to vector<16xf32>
        %min3A_1076 = vector.broadcast %select_n3A_726 : f32 to vector<16xf32>
        %min3A_1077 = arith.minimumf %get3A_1075, %min3A_1076 : vector<16xf32>
        %get3A_1078 = arith.index_cast %add3A_1072 : i32 to index
        %get3A_1079 = tpu.vector_load %arg16[%get3A_1078] {strides = array<i32>} : memref<5120xf32, #tpu.memory_space<vmem>>, vector<16xf32>,
        %get3A_1080 = vector.shape_cast %get3A_1079 : vector<16xf32> to vector<16xf32>
        %max3A_1081 = vector.broadcast %select_n3A_566 : f32 to vector<16xf32>
        %max3A_1082 = arith.maximumf %get3A_1080, %max3A_1081 : vector<16xf32>
        %sub3A_1083 = arith.subf %min3A_1077, %max3A_1082 : vector<16xf32>
        %get3A_1084 = arith.index_cast %add3A_1072 : i32 to index
        %get3A_1085 = tpu.vector_load %arg19[%get3A_1084] {strides = array<i32>} : memref<5120xf32, #tpu.memory_space<vmem>>, vector<16xf32>,
        %get3A_1086 = vector.shape_cast %get3A_1085 : vector<16xf32> to vector<16xf32>
        %min3A_1087 = vector.broadcast %select_n3A_806 : f32 to vector<16xf32>
        %min3A_1088 = arith.minimumf %get3A_1086, %min3A_1087 : vector<16xf32>
        %get3A_1089 = arith.index_cast %add3A_1072 : i32 to index
        %get3A_1090 = tpu.vector_load %arg17[%get3A_1089] {strides = array<i32>} : memref<5120xf32, #tpu.memory_space<vmem>>, vector<16xf32>,
        %get3A_1091 = vector.shape_cast %get3A_1090 : vector<16xf32> to vector<16xf32>
        %max3A_1092 = vector.broadcast %select_n3A_646 : f32 to vector<16xf32>
        %max3A_1093 = arith.maximumf %get3A_1091, %max3A_1092 : vector<16xf32>
        %sub3A_1094 = arith.subf %min3A_1088, %max3A_1093 : vector<16xf32>
        %max3A_1095 = arith.constant 0.000000e+00 : f32
        %max3A_1096 = vector.broadcast %max3A_1095 : f32 to vector<16xf32>
        %max3A_1097 = arith.maximumf %sub3A_1083, %max3A_1096 : vector<16xf32>
        %max3A_1098 = arith.constant 0.000000e+00 : f32
        %max3A_1099 = vector.broadcast %max3A_1098 : f32 to vector<16xf32>
        %max3A_1100 = arith.maximumf %sub3A_1094, %max3A_1099 : vector<16xf32>
        %mul3A_1101 = arith.mulf %max3A_1097, %max3A_1100 : vector<16xf32>
        %get3A_1102 = arith.index_cast %add3A_1072 : i32 to index
        %get3A_1103 = tpu.vector_load %arg24[%get3A_1102] {strides = array<i32>} : memref<5120xf32, #tpu.memory_space<vmem>>, vector<16xf32>,
        %get3A_1104 = vector.shape_cast %get3A_1103 : vector<16xf32> to vector<16xf32>
        %add3A_1105 = vector.broadcast %mul3A_812 : f32 to vector<16xf32>
        %add3A_1106 = arith.addf %get3A_1104, %add3A_1105 : vector<16xf32>
        %sub3A_1107 = arith.subf %add3A_1106, %mul3A_1101 : vector<16xf32>
        %add3A_1108 = arith.constant 9.99999971E-10 : f32
        %add3A_1109 = vector.broadcast %add3A_1108 : f32 to vector<16xf32>
        %add3A_1110 = arith.addf %sub3A_1107, %add3A_1109 : vector<16xf32>
        %div3A_1111 = arith.divf %mul3A_1101, %add3A_1110 : vector<16xf32>
        %mul3A_1112 = arith.constant 16 : i32
        %mul3A_1113 = arith.muli %add3A_1067, %mul3A_1112 : i32
        %add3A_1114 = arith.addi %mul3A_32, %mul3A_1113 : i32
        %add3A_1115 = vector.broadcast %add3A_1114 : i32 to vector<16xi32>
        %add3A_1116 = arith.addi %add3A_1115, %iota3A : vector<16xi32>
        %gt3A_1117 = arith.constant 5.000000e-01 : f32
        %gt3A_1118 = vector.broadcast %gt3A_1117 : f32 to vector<16xf32>
        %gt3A_1119 = arith.cmpf ogt, %div3A_1111, %gt3A_1118 : vector<16xf32>
        %eq3A_1120 = vector.broadcast %min3A_444 : i32 to vector<16xi32>
        %eq3A_1121 = arith.cmpi eq, %add3A_1116, %eq3A_1120 : vector<16xi32>
        %or3A_1122 = arith.ori %gt3A_1119, %eq3A_1121 : vector<16xi1>
        %get3A_1123 = arith.index_cast %mul3A_1069 : i32 to index
        %get3A_1124 = tpu.vector_load %arg25[%get3A_1123] {strides = array<i32>} : memref<640xf32, #tpu.memory_space<vmem>>, vector<16xf32>,
        %get3A_1125 = vector.shape_cast %get3A_1124 : vector<16xf32> to vector<16xf32>
        %jit3A_1126 = arith.constant -1.000000e+00 : f32
        %broadcast_in_dim3A_1127 = vector.broadcast %jit3A_1126 : f32 to vector<16xf32>
        %select_n3A_1128 = arith.select %or3A_1122, %broadcast_in_dim3A_1127, %get3A_1125 : vector<16xi1>, vector<16xf32>
        %swap3A_1129 = arith.index_cast %mul3A_1069 : i32 to index
        %swap3A_1130 = tpu.vector_load %arg25[%swap3A_1129] {strides = array<i32>} : memref<640xf32, #tpu.memory_space<vmem>>, vector<16xf32>,
        %swap3A_1131 = vector.shape_cast %swap3A_1130 : vector<16xf32> to vector<16xf32>
        %swap3A_1132 = vector.shape_cast %select_n3A_1128 : vector<16xf32> to vector<16xf32>
        tpu.vector_store %arg25[%swap3A_1129], %swap3A_1132 {strides = array<i32>} : memref<640xf32, #tpu.memory_space<vmem>>, vector<16xf32>,
        %gt3A_1133 = arith.cmpf ogt, %select_n3A_1128, %select_n3A_1062 : vector<16xf32>
        %select_n3A_1134 = arith.select %gt3A_1133, %select_n3A_1128, %select_n3A_1062 : vector<16xi1>, vector<16xf32>
        %select_n3A_1135 = arith.select %gt3A_1133, %add3A_1116, %select_n3A_1063 : vector<16xi1>, vector<16xi32>
        %mul3A_1136 = arith.constant 8 : i32
        %mul3A_1137 = arith.muli %scan3A_917, %mul3A_1136 : i32
        %add3A_1138 = arith.constant 3 : i32
        %add3A_1139 = arith.addi %mul3A_1137, %add3A_1138 : i32
        %mul3A_1140 = arith.constant 16 : i32
        %mul3A_1141 = arith.muli %add3A_1139, %mul3A_1140 : i32
        %mul3A_1142 = arith.constant 16 : i32
        %mul3A_1143 = arith.muli %add3A_1139, %mul3A_1142 : i32
        %add3A_1144 = arith.addi %mul3A_32, %mul3A_1143 : i32
        %get3A_1145 = arith.index_cast %add3A_1144 : i32 to index
        %get3A_1146 = tpu.vector_load %arg18[%get3A_1145] {strides = array<i32>} : memref<5120xf32, #tpu.memory_space<vmem>>, vector<16xf32>,
        %get3A_1147 = vector.shape_cast %get3A_1146 : vector<16xf32> to vector<16xf32>
        %min3A_1148 = vector.broadcast %select_n3A_726 : f32 to vector<16xf32>
        %min3A_1149 = arith.minimumf %get3A_1147, %min3A_1148 : vector<16xf32>
        %get3A_1150 = arith.index_cast %add3A_1144 : i32 to index
        %get3A_1151 = tpu.vector_load %arg16[%get3A_1150] {strides = array<i32>} : memref<5120xf32, #tpu.memory_space<vmem>>, vector<16xf32>,
        %get3A_1152 = vector.shape_cast %get3A_1151 : vector<16xf32> to vector<16xf32>
        %max3A_1153 = vector.broadcast %select_n3A_566 : f32 to vector<16xf32>
        %max3A_1154 = arith.maximumf %get3A_1152, %max3A_1153 : vector<16xf32>
        %sub3A_1155 = arith.subf %min3A_1149, %max3A_1154 : vector<16xf32>
        %get3A_1156 = arith.index_cast %add3A_1144 : i32 to index
        %get3A_1157 = tpu.vector_load %arg19[%get3A_1156] {strides = array<i32>} : memref<5120xf32, #tpu.memory_space<vmem>>, vector<16xf32>,
        %get3A_1158 = vector.shape_cast %get3A_1157 : vector<16xf32> to vector<16xf32>
        %min3A_1159 = vector.broadcast %select_n3A_806 : f32 to vector<16xf32>
        %min3A_1160 = arith.minimumf %get3A_1158, %min3A_1159 : vector<16xf32>
        %get3A_1161 = arith.index_cast %add3A_1144 : i32 to index
        %get3A_1162 = tpu.vector_load %arg17[%get3A_1161] {strides = array<i32>} : memref<5120xf32, #tpu.memory_space<vmem>>, vector<16xf32>,
        %get3A_1163 = vector.shape_cast %get3A_1162 : vector<16xf32> to vector<16xf32>
        %max3A_1164 = vector.broadcast %select_n3A_646 : f32 to vector<16xf32>
        %max3A_1165 = arith.maximumf %get3A_1163, %max3A_1164 : vector<16xf32>
        %sub3A_1166 = arith.subf %min3A_1160, %max3A_1165 : vector<16xf32>
        %max3A_1167 = arith.constant 0.000000e+00 : f32
        %max3A_1168 = vector.broadcast %max3A_1167 : f32 to vector<16xf32>
        %max3A_1169 = arith.maximumf %sub3A_1155, %max3A_1168 : vector<16xf32>
        %max3A_1170 = arith.constant 0.000000e+00 : f32
        %max3A_1171 = vector.broadcast %max3A_1170 : f32 to vector<16xf32>
        %max3A_1172 = arith.maximumf %sub3A_1166, %max3A_1171 : vector<16xf32>
        %mul3A_1173 = arith.mulf %max3A_1169, %max3A_1172 : vector<16xf32>
        %get3A_1174 = arith.index_cast %add3A_1144 : i32 to index
        %get3A_1175 = tpu.vector_load %arg24[%get3A_1174] {strides = array<i32>} : memref<5120xf32, #tpu.memory_space<vmem>>, vector<16xf32>,
        %get3A_1176 = vector.shape_cast %get3A_1175 : vector<16xf32> to vector<16xf32>
        %add3A_1177 = vector.broadcast %mul3A_812 : f32 to vector<16xf32>
        %add3A_1178 = arith.addf %get3A_1176, %add3A_1177 : vector<16xf32>
        %sub3A_1179 = arith.subf %add3A_1178, %mul3A_1173 : vector<16xf32>
        %add3A_1180 = arith.constant 9.99999971E-10 : f32
        %add3A_1181 = vector.broadcast %add3A_1180 : f32 to vector<16xf32>
        %add3A_1182 = arith.addf %sub3A_1179, %add3A_1181 : vector<16xf32>
        %div3A_1183 = arith.divf %mul3A_1173, %add3A_1182 : vector<16xf32>
        %mul3A_1184 = arith.constant 16 : i32
        %mul3A_1185 = arith.muli %add3A_1139, %mul3A_1184 : i32
        %add3A_1186 = arith.addi %mul3A_32, %mul3A_1185 : i32
        %add3A_1187 = vector.broadcast %add3A_1186 : i32 to vector<16xi32>
        %add3A_1188 = arith.addi %add3A_1187, %iota3A : vector<16xi32>
        %gt3A_1189 = arith.constant 5.000000e-01 : f32
        %gt3A_1190 = vector.broadcast %gt3A_1189 : f32 to vector<16xf32>
        %gt3A_1191 = arith.cmpf ogt, %div3A_1183, %gt3A_1190 : vector<16xf32>
        %eq3A_1192 = vector.broadcast %min3A_444 : i32 to vector<16xi32>
        %eq3A_1193 = arith.cmpi eq, %add3A_1188, %eq3A_1192 : vector<16xi32>
        %or3A_1194 = arith.ori %gt3A_1191, %eq3A_1193 : vector<16xi1>
        %get3A_1195 = arith.index_cast %mul3A_1141 : i32 to index
        %get3A_1196 = tpu.vector_load %arg25[%get3A_1195] {strides = array<i32>} : memref<640xf32, #tpu.memory_space<vmem>>, vector<16xf32>,
        %get3A_1197 = vector.shape_cast %get3A_1196 : vector<16xf32> to vector<16xf32>
        %jit3A_1198 = arith.constant -1.000000e+00 : f32
        %broadcast_in_dim3A_1199 = vector.broadcast %jit3A_1198 : f32 to vector<16xf32>
        %select_n3A_1200 = arith.select %or3A_1194, %broadcast_in_dim3A_1199, %get3A_1197 : vector<16xi1>, vector<16xf32>
        %swap3A_1201 = arith.index_cast %mul3A_1141 : i32 to index
        %swap3A_1202 = tpu.vector_load %arg25[%swap3A_1201] {strides = array<i32>} : memref<640xf32, #tpu.memory_space<vmem>>, vector<16xf32>,
        %swap3A_1203 = vector.shape_cast %swap3A_1202 : vector<16xf32> to vector<16xf32>
        %swap3A_1204 = vector.shape_cast %select_n3A_1200 : vector<16xf32> to vector<16xf32>
        tpu.vector_store %arg25[%swap3A_1201], %swap3A_1204 {strides = array<i32>} : memref<640xf32, #tpu.memory_space<vmem>>, vector<16xf32>,
        %gt3A_1205 = arith.cmpf ogt, %select_n3A_1200, %select_n3A_1134 : vector<16xf32>
        %select_n3A_1206 = arith.select %gt3A_1205, %select_n3A_1200, %select_n3A_1134 : vector<16xi1>, vector<16xf32>
        %select_n3A_1207 = arith.select %gt3A_1205, %add3A_1188, %select_n3A_1135 : vector<16xi1>, vector<16xi32>
        %mul3A_1208 = arith.constant 8 : i32
        %mul3A_1209 = arith.muli %scan3A_917, %mul3A_1208 : i32
        %add3A_1210 = arith.constant 4 : i32
        %add3A_1211 = arith.addi %mul3A_1209, %add3A_1210 : i32
        %mul3A_1212 = arith.constant 16 : i32
        %mul3A_1213 = arith.muli %add3A_1211, %mul3A_1212 : i32
        %mul3A_1214 = arith.constant 16 : i32
        %mul3A_1215 = arith.muli %add3A_1211, %mul3A_1214 : i32
        %add3A_1216 = arith.addi %mul3A_32, %mul3A_1215 : i32
        %get3A_1217 = arith.index_cast %add3A_1216 : i32 to index
        %get3A_1218 = tpu.vector_load %arg18[%get3A_1217] {strides = array<i32>} : memref<5120xf32, #tpu.memory_space<vmem>>, vector<16xf32>,
        %get3A_1219 = vector.shape_cast %get3A_1218 : vector<16xf32> to vector<16xf32>
        %min3A_1220 = vector.broadcast %select_n3A_726 : f32 to vector<16xf32>
        %min3A_1221 = arith.minimumf %get3A_1219, %min3A_1220 : vector<16xf32>
        %get3A_1222 = arith.index_cast %add3A_1216 : i32 to index
        %get3A_1223 = tpu.vector_load %arg16[%get3A_1222] {strides = array<i32>} : memref<5120xf32, #tpu.memory_space<vmem>>, vector<16xf32>,
        %get3A_1224 = vector.shape_cast %get3A_1223 : vector<16xf32> to vector<16xf32>
        %max3A_1225 = vector.broadcast %select_n3A_566 : f32 to vector<16xf32>
        %max3A_1226 = arith.maximumf %get3A_1224, %max3A_1225 : vector<16xf32>
        %sub3A_1227 = arith.subf %min3A_1221, %max3A_1226 : vector<16xf32>
        %get3A_1228 = arith.index_cast %add3A_1216 : i32 to index
        %get3A_1229 = tpu.vector_load %arg19[%get3A_1228] {strides = array<i32>} : memref<5120xf32, #tpu.memory_space<vmem>>, vector<16xf32>,
        %get3A_1230 = vector.shape_cast %get3A_1229 : vector<16xf32> to vector<16xf32>
        %min3A_1231 = vector.broadcast %select_n3A_806 : f32 to vector<16xf32>
        %min3A_1232 = arith.minimumf %get3A_1230, %min3A_1231 : vector<16xf32>
        %get3A_1233 = arith.index_cast %add3A_1216 : i32 to index
        %get3A_1234 = tpu.vector_load %arg17[%get3A_1233] {strides = array<i32>} : memref<5120xf32, #tpu.memory_space<vmem>>, vector<16xf32>,
        %get3A_1235 = vector.shape_cast %get3A_1234 : vector<16xf32> to vector<16xf32>
        %max3A_1236 = vector.broadcast %select_n3A_646 : f32 to vector<16xf32>
        %max3A_1237 = arith.maximumf %get3A_1235, %max3A_1236 : vector<16xf32>
        %sub3A_1238 = arith.subf %min3A_1232, %max3A_1237 : vector<16xf32>
        %max3A_1239 = arith.constant 0.000000e+00 : f32
        %max3A_1240 = vector.broadcast %max3A_1239 : f32 to vector<16xf32>
        %max3A_1241 = arith.maximumf %sub3A_1227, %max3A_1240 : vector<16xf32>
        %max3A_1242 = arith.constant 0.000000e+00 : f32
        %max3A_1243 = vector.broadcast %max3A_1242 : f32 to vector<16xf32>
        %max3A_1244 = arith.maximumf %sub3A_1238, %max3A_1243 : vector<16xf32>
        %mul3A_1245 = arith.mulf %max3A_1241, %max3A_1244 : vector<16xf32>
        %get3A_1246 = arith.index_cast %add3A_1216 : i32 to index
        %get3A_1247 = tpu.vector_load %arg24[%get3A_1246] {strides = array<i32>} : memref<5120xf32, #tpu.memory_space<vmem>>, vector<16xf32>,
        %get3A_1248 = vector.shape_cast %get3A_1247 : vector<16xf32> to vector<16xf32>
        %add3A_1249 = vector.broadcast %mul3A_812 : f32 to vector<16xf32>
        %add3A_1250 = arith.addf %get3A_1248, %add3A_1249 : vector<16xf32>
        %sub3A_1251 = arith.subf %add3A_1250, %mul3A_1245 : vector<16xf32>
        %add3A_1252 = arith.constant 9.99999971E-10 : f32
        %add3A_1253 = vector.broadcast %add3A_1252 : f32 to vector<16xf32>
        %add3A_1254 = arith.addf %sub3A_1251, %add3A_1253 : vector<16xf32>
        %div3A_1255 = arith.divf %mul3A_1245, %add3A_1254 : vector<16xf32>
        %mul3A_1256 = arith.constant 16 : i32
        %mul3A_1257 = arith.muli %add3A_1211, %mul3A_1256 : i32
        %add3A_1258 = arith.addi %mul3A_32, %mul3A_1257 : i32
        %add3A_1259 = vector.broadcast %add3A_1258 : i32 to vector<16xi32>
        %add3A_1260 = arith.addi %add3A_1259, %iota3A : vector<16xi32>
        %gt3A_1261 = arith.constant 5.000000e-01 : f32
        %gt3A_1262 = vector.broadcast %gt3A_1261 : f32 to vector<16xf32>
        %gt3A_1263 = arith.cmpf ogt, %div3A_1255, %gt3A_1262 : vector<16xf32>
        %eq3A_1264 = vector.broadcast %min3A_444 : i32 to vector<16xi32>
        %eq3A_1265 = arith.cmpi eq, %add3A_1260, %eq3A_1264 : vector<16xi32>
        %or3A_1266 = arith.ori %gt3A_1263, %eq3A_1265 : vector<16xi1>
        %get3A_1267 = arith.index_cast %mul3A_1213 : i32 to index
        %get3A_1268 = tpu.vector_load %arg25[%get3A_1267] {strides = array<i32>} : memref<640xf32, #tpu.memory_space<vmem>>, vector<16xf32>,
        %get3A_1269 = vector.shape_cast %get3A_1268 : vector<16xf32> to vector<16xf32>
        %jit3A_1270 = arith.constant -1.000000e+00 : f32
        %broadcast_in_dim3A_1271 = vector.broadcast %jit3A_1270 : f32 to vector<16xf32>
        %select_n3A_1272 = arith.select %or3A_1266, %broadcast_in_dim3A_1271, %get3A_1269 : vector<16xi1>, vector<16xf32>
        %swap3A_1273 = arith.index_cast %mul3A_1213 : i32 to index
        %swap3A_1274 = tpu.vector_load %arg25[%swap3A_1273] {strides = array<i32>} : memref<640xf32, #tpu.memory_space<vmem>>, vector<16xf32>,
        %swap3A_1275 = vector.shape_cast %swap3A_1274 : vector<16xf32> to vector<16xf32>
        %swap3A_1276 = vector.shape_cast %select_n3A_1272 : vector<16xf32> to vector<16xf32>
        tpu.vector_store %arg25[%swap3A_1273], %swap3A_1276 {strides = array<i32>} : memref<640xf32, #tpu.memory_space<vmem>>, vector<16xf32>,
        %gt3A_1277 = arith.cmpf ogt, %select_n3A_1272, %select_n3A_1206 : vector<16xf32>
        %select_n3A_1278 = arith.select %gt3A_1277, %select_n3A_1272, %select_n3A_1206 : vector<16xi1>, vector<16xf32>
        %select_n3A_1279 = arith.select %gt3A_1277, %add3A_1260, %select_n3A_1207 : vector<16xi1>, vector<16xi32>
        %mul3A_1280 = arith.constant 8 : i32
        %mul3A_1281 = arith.muli %scan3A_917, %mul3A_1280 : i32
        %add3A_1282 = arith.constant 5 : i32
        %add3A_1283 = arith.addi %mul3A_1281, %add3A_1282 : i32
        %mul3A_1284 = arith.constant 16 : i32
        %mul3A_1285 = arith.muli %add3A_1283, %mul3A_1284 : i32
        %mul3A_1286 = arith.constant 16 : i32
        %mul3A_1287 = arith.muli %add3A_1283, %mul3A_1286 : i32
        %add3A_1288 = arith.addi %mul3A_32, %mul3A_1287 : i32
        %get3A_1289 = arith.index_cast %add3A_1288 : i32 to index
        %get3A_1290 = tpu.vector_load %arg18[%get3A_1289] {strides = array<i32>} : memref<5120xf32, #tpu.memory_space<vmem>>, vector<16xf32>,
        %get3A_1291 = vector.shape_cast %get3A_1290 : vector<16xf32> to vector<16xf32>
        %min3A_1292 = vector.broadcast %select_n3A_726 : f32 to vector<16xf32>
        %min3A_1293 = arith.minimumf %get3A_1291, %min3A_1292 : vector<16xf32>
        %get3A_1294 = arith.index_cast %add3A_1288 : i32 to index
        %get3A_1295 = tpu.vector_load %arg16[%get3A_1294] {strides = array<i32>} : memref<5120xf32, #tpu.memory_space<vmem>>, vector<16xf32>,
        %get3A_1296 = vector.shape_cast %get3A_1295 : vector<16xf32> to vector<16xf32>
        %max3A_1297 = vector.broadcast %select_n3A_566 : f32 to vector<16xf32>
        %max3A_1298 = arith.maximumf %get3A_1296, %max3A_1297 : vector<16xf32>
        %sub3A_1299 = arith.subf %min3A_1293, %max3A_1298 : vector<16xf32>
        %get3A_1300 = arith.index_cast %add3A_1288 : i32 to index
        %get3A_1301 = tpu.vector_load %arg19[%get3A_1300] {strides = array<i32>} : memref<5120xf32, #tpu.memory_space<vmem>>, vector<16xf32>,
        %get3A_1302 = vector.shape_cast %get3A_1301 : vector<16xf32> to vector<16xf32>
        %min3A_1303 = vector.broadcast %select_n3A_806 : f32 to vector<16xf32>
        %min3A_1304 = arith.minimumf %get3A_1302, %min3A_1303 : vector<16xf32>
        %get3A_1305 = arith.index_cast %add3A_1288 : i32 to index
        %get3A_1306 = tpu.vector_load %arg17[%get3A_1305] {strides = array<i32>} : memref<5120xf32, #tpu.memory_space<vmem>>, vector<16xf32>,
        %get3A_1307 = vector.shape_cast %get3A_1306 : vector<16xf32> to vector<16xf32>
        %max3A_1308 = vector.broadcast %select_n3A_646 : f32 to vector<16xf32>
        %max3A_1309 = arith.maximumf %get3A_1307, %max3A_1308 : vector<16xf32>
        %sub3A_1310 = arith.subf %min3A_1304, %max3A_1309 : vector<16xf32>
        %max3A_1311 = arith.constant 0.000000e+00 : f32
        %max3A_1312 = vector.broadcast %max3A_1311 : f32 to vector<16xf32>
        %max3A_1313 = arith.maximumf %sub3A_1299, %max3A_1312 : vector<16xf32>
        %max3A_1314 = arith.constant 0.000000e+00 : f32
        %max3A_1315 = vector.broadcast %max3A_1314 : f32 to vector<16xf32>
        %max3A_1316 = arith.maximumf %sub3A_1310, %max3A_1315 : vector<16xf32>
        %mul3A_1317 = arith.mulf %max3A_1313, %max3A_1316 : vector<16xf32>
        %get3A_1318 = arith.index_cast %add3A_1288 : i32 to index
        %get3A_1319 = tpu.vector_load %arg24[%get3A_1318] {strides = array<i32>} : memref<5120xf32, #tpu.memory_space<vmem>>, vector<16xf32>,
        %get3A_1320 = vector.shape_cast %get3A_1319 : vector<16xf32> to vector<16xf32>
        %add3A_1321 = vector.broadcast %mul3A_812 : f32 to vector<16xf32>
        %add3A_1322 = arith.addf %get3A_1320, %add3A_1321 : vector<16xf32>
        %sub3A_1323 = arith.subf %add3A_1322, %mul3A_1317 : vector<16xf32>
        %add3A_1324 = arith.constant 9.99999971E-10 : f32
        %add3A_1325 = vector.broadcast %add3A_1324 : f32 to vector<16xf32>
        %add3A_1326 = arith.addf %sub3A_1323, %add3A_1325 : vector<16xf32>
        %div3A_1327 = arith.divf %mul3A_1317, %add3A_1326 : vector<16xf32>
        %mul3A_1328 = arith.constant 16 : i32
        %mul3A_1329 = arith.muli %add3A_1283, %mul3A_1328 : i32
        %add3A_1330 = arith.addi %mul3A_32, %mul3A_1329 : i32
        %add3A_1331 = vector.broadcast %add3A_1330 : i32 to vector<16xi32>
        %add3A_1332 = arith.addi %add3A_1331, %iota3A : vector<16xi32>
        %gt3A_1333 = arith.constant 5.000000e-01 : f32
        %gt3A_1334 = vector.broadcast %gt3A_1333 : f32 to vector<16xf32>
        %gt3A_1335 = arith.cmpf ogt, %div3A_1327, %gt3A_1334 : vector<16xf32>
        %eq3A_1336 = vector.broadcast %min3A_444 : i32 to vector<16xi32>
        %eq3A_1337 = arith.cmpi eq, %add3A_1332, %eq3A_1336 : vector<16xi32>
        %or3A_1338 = arith.ori %gt3A_1335, %eq3A_1337 : vector<16xi1>
        %get3A_1339 = arith.index_cast %mul3A_1285 : i32 to index
        %get3A_1340 = tpu.vector_load %arg25[%get3A_1339] {strides = array<i32>} : memref<640xf32, #tpu.memory_space<vmem>>, vector<16xf32>,
        %get3A_1341 = vector.shape_cast %get3A_1340 : vector<16xf32> to vector<16xf32>
        %jit3A_1342 = arith.constant -1.000000e+00 : f32
        %broadcast_in_dim3A_1343 = vector.broadcast %jit3A_1342 : f32 to vector<16xf32>
        %select_n3A_1344 = arith.select %or3A_1338, %broadcast_in_dim3A_1343, %get3A_1341 : vector<16xi1>, vector<16xf32>
        %swap3A_1345 = arith.index_cast %mul3A_1285 : i32 to index
        %swap3A_1346 = tpu.vector_load %arg25[%swap3A_1345] {strides = array<i32>} : memref<640xf32, #tpu.memory_space<vmem>>, vector<16xf32>,
        %swap3A_1347 = vector.shape_cast %swap3A_1346 : vector<16xf32> to vector<16xf32>
        %swap3A_1348 = vector.shape_cast %select_n3A_1344 : vector<16xf32> to vector<16xf32>
        tpu.vector_store %arg25[%swap3A_1345], %swap3A_1348 {strides = array<i32>} : memref<640xf32, #tpu.memory_space<vmem>>, vector<16xf32>,
        %gt3A_1349 = arith.cmpf ogt, %select_n3A_1344, %select_n3A_1278 : vector<16xf32>
        %select_n3A_1350 = arith.select %gt3A_1349, %select_n3A_1344, %select_n3A_1278 : vector<16xi1>, vector<16xf32>
        %select_n3A_1351 = arith.select %gt3A_1349, %add3A_1332, %select_n3A_1279 : vector<16xi1>, vector<16xi32>
        %mul3A_1352 = arith.constant 8 : i32
        %mul3A_1353 = arith.muli %scan3A_917, %mul3A_1352 : i32
        %add3A_1354 = arith.constant 6 : i32
        %add3A_1355 = arith.addi %mul3A_1353, %add3A_1354 : i32
        %mul3A_1356 = arith.constant 16 : i32
        %mul3A_1357 = arith.muli %add3A_1355, %mul3A_1356 : i32
        %mul3A_1358 = arith.constant 16 : i32
        %mul3A_1359 = arith.muli %add3A_1355, %mul3A_1358 : i32
        %add3A_1360 = arith.addi %mul3A_32, %mul3A_1359 : i32
        %get3A_1361 = arith.index_cast %add3A_1360 : i32 to index
        %get3A_1362 = tpu.vector_load %arg18[%get3A_1361] {strides = array<i32>} : memref<5120xf32, #tpu.memory_space<vmem>>, vector<16xf32>,
        %get3A_1363 = vector.shape_cast %get3A_1362 : vector<16xf32> to vector<16xf32>
        %min3A_1364 = vector.broadcast %select_n3A_726 : f32 to vector<16xf32>
        %min3A_1365 = arith.minimumf %get3A_1363, %min3A_1364 : vector<16xf32>
        %get3A_1366 = arith.index_cast %add3A_1360 : i32 to index
        %get3A_1367 = tpu.vector_load %arg16[%get3A_1366] {strides = array<i32>} : memref<5120xf32, #tpu.memory_space<vmem>>, vector<16xf32>,
        %get3A_1368 = vector.shape_cast %get3A_1367 : vector<16xf32> to vector<16xf32>
        %max3A_1369 = vector.broadcast %select_n3A_566 : f32 to vector<16xf32>
        %max3A_1370 = arith.maximumf %get3A_1368, %max3A_1369 : vector<16xf32>
        %sub3A_1371 = arith.subf %min3A_1365, %max3A_1370 : vector<16xf32>
        %get3A_1372 = arith.index_cast %add3A_1360 : i32 to index
        %get3A_1373 = tpu.vector_load %arg19[%get3A_1372] {strides = array<i32>} : memref<5120xf32, #tpu.memory_space<vmem>>, vector<16xf32>,
        %get3A_1374 = vector.shape_cast %get3A_1373 : vector<16xf32> to vector<16xf32>
        %min3A_1375 = vector.broadcast %select_n3A_806 : f32 to vector<16xf32>
        %min3A_1376 = arith.minimumf %get3A_1374, %min3A_1375 : vector<16xf32>
        %get3A_1377 = arith.index_cast %add3A_1360 : i32 to index
        %get3A_1378 = tpu.vector_load %arg17[%get3A_1377] {strides = array<i32>} : memref<5120xf32, #tpu.memory_space<vmem>>, vector<16xf32>,
        %get3A_1379 = vector.shape_cast %get3A_1378 : vector<16xf32> to vector<16xf32>
        %max3A_1380 = vector.broadcast %select_n3A_646 : f32 to vector<16xf32>
        %max3A_1381 = arith.maximumf %get3A_1379, %max3A_1380 : vector<16xf32>
        %sub3A_1382 = arith.subf %min3A_1376, %max3A_1381 : vector<16xf32>
        %max3A_1383 = arith.constant 0.000000e+00 : f32
        %max3A_1384 = vector.broadcast %max3A_1383 : f32 to vector<16xf32>
        %max3A_1385 = arith.maximumf %sub3A_1371, %max3A_1384 : vector<16xf32>
        %max3A_1386 = arith.constant 0.000000e+00 : f32
        %max3A_1387 = vector.broadcast %max3A_1386 : f32 to vector<16xf32>
        %max3A_1388 = arith.maximumf %sub3A_1382, %max3A_1387 : vector<16xf32>
        %mul3A_1389 = arith.mulf %max3A_1385, %max3A_1388 : vector<16xf32>
        %get3A_1390 = arith.index_cast %add3A_1360 : i32 to index
        %get3A_1391 = tpu.vector_load %arg24[%get3A_1390] {strides = array<i32>} : memref<5120xf32, #tpu.memory_space<vmem>>, vector<16xf32>,
        %get3A_1392 = vector.shape_cast %get3A_1391 : vector<16xf32> to vector<16xf32>
        %add3A_1393 = vector.broadcast %mul3A_812 : f32 to vector<16xf32>
        %add3A_1394 = arith.addf %get3A_1392, %add3A_1393 : vector<16xf32>
        %sub3A_1395 = arith.subf %add3A_1394, %mul3A_1389 : vector<16xf32>
        %add3A_1396 = arith.constant 9.99999971E-10 : f32
        %add3A_1397 = vector.broadcast %add3A_1396 : f32 to vector<16xf32>
        %add3A_1398 = arith.addf %sub3A_1395, %add3A_1397 : vector<16xf32>
        %div3A_1399 = arith.divf %mul3A_1389, %add3A_1398 : vector<16xf32>
        %mul3A_1400 = arith.constant 16 : i32
        %mul3A_1401 = arith.muli %add3A_1355, %mul3A_1400 : i32
        %add3A_1402 = arith.addi %mul3A_32, %mul3A_1401 : i32
        %add3A_1403 = vector.broadcast %add3A_1402 : i32 to vector<16xi32>
        %add3A_1404 = arith.addi %add3A_1403, %iota3A : vector<16xi32>
        %gt3A_1405 = arith.constant 5.000000e-01 : f32
        %gt3A_1406 = vector.broadcast %gt3A_1405 : f32 to vector<16xf32>
        %gt3A_1407 = arith.cmpf ogt, %div3A_1399, %gt3A_1406 : vector<16xf32>
        %eq3A_1408 = vector.broadcast %min3A_444 : i32 to vector<16xi32>
        %eq3A_1409 = arith.cmpi eq, %add3A_1404, %eq3A_1408 : vector<16xi32>
        %or3A_1410 = arith.ori %gt3A_1407, %eq3A_1409 : vector<16xi1>
        %get3A_1411 = arith.index_cast %mul3A_1357 : i32 to index
        %get3A_1412 = tpu.vector_load %arg25[%get3A_1411] {strides = array<i32>} : memref<640xf32, #tpu.memory_space<vmem>>, vector<16xf32>,
        %get3A_1413 = vector.shape_cast %get3A_1412 : vector<16xf32> to vector<16xf32>
        %jit3A_1414 = arith.constant -1.000000e+00 : f32
        %broadcast_in_dim3A_1415 = vector.broadcast %jit3A_1414 : f32 to vector<16xf32>
        %select_n3A_1416 = arith.select %or3A_1410, %broadcast_in_dim3A_1415, %get3A_1413 : vector<16xi1>, vector<16xf32>
        %swap3A_1417 = arith.index_cast %mul3A_1357 : i32 to index
        %swap3A_1418 = tpu.vector_load %arg25[%swap3A_1417] {strides = array<i32>} : memref<640xf32, #tpu.memory_space<vmem>>, vector<16xf32>,
        %swap3A_1419 = vector.shape_cast %swap3A_1418 : vector<16xf32> to vector<16xf32>
        %swap3A_1420 = vector.shape_cast %select_n3A_1416 : vector<16xf32> to vector<16xf32>
        tpu.vector_store %arg25[%swap3A_1417], %swap3A_1420 {strides = array<i32>} : memref<640xf32, #tpu.memory_space<vmem>>, vector<16xf32>,
        %gt3A_1421 = arith.cmpf ogt, %select_n3A_1416, %select_n3A_1350 : vector<16xf32>
        %select_n3A_1422 = arith.select %gt3A_1421, %select_n3A_1416, %select_n3A_1350 : vector<16xi1>, vector<16xf32>
        %select_n3A_1423 = arith.select %gt3A_1421, %add3A_1404, %select_n3A_1351 : vector<16xi1>, vector<16xi32>
        %mul3A_1424 = arith.constant 8 : i32
        %mul3A_1425 = arith.muli %scan3A_917, %mul3A_1424 : i32
        %add3A_1426 = arith.constant 7 : i32
        %add3A_1427 = arith.addi %mul3A_1425, %add3A_1426 : i32
        %mul3A_1428 = arith.constant 16 : i32
        %mul3A_1429 = arith.muli %add3A_1427, %mul3A_1428 : i32
        %mul3A_1430 = arith.constant 16 : i32
        %mul3A_1431 = arith.muli %add3A_1427, %mul3A_1430 : i32
        %add3A_1432 = arith.addi %mul3A_32, %mul3A_1431 : i32
        %get3A_1433 = arith.index_cast %add3A_1432 : i32 to index
        %get3A_1434 = tpu.vector_load %arg18[%get3A_1433] {strides = array<i32>} : memref<5120xf32, #tpu.memory_space<vmem>>, vector<16xf32>,
        %get3A_1435 = vector.shape_cast %get3A_1434 : vector<16xf32> to vector<16xf32>
        %min3A_1436 = vector.broadcast %select_n3A_726 : f32 to vector<16xf32>
        %min3A_1437 = arith.minimumf %get3A_1435, %min3A_1436 : vector<16xf32>
        %get3A_1438 = arith.index_cast %add3A_1432 : i32 to index
        %get3A_1439 = tpu.vector_load %arg16[%get3A_1438] {strides = array<i32>} : memref<5120xf32, #tpu.memory_space<vmem>>, vector<16xf32>,
        %get3A_1440 = vector.shape_cast %get3A_1439 : vector<16xf32> to vector<16xf32>
        %max3A_1441 = vector.broadcast %select_n3A_566 : f32 to vector<16xf32>
        %max3A_1442 = arith.maximumf %get3A_1440, %max3A_1441 : vector<16xf32>
        %sub3A_1443 = arith.subf %min3A_1437, %max3A_1442 : vector<16xf32>
        %get3A_1444 = arith.index_cast %add3A_1432 : i32 to index
        %get3A_1445 = tpu.vector_load %arg19[%get3A_1444] {strides = array<i32>} : memref<5120xf32, #tpu.memory_space<vmem>>, vector<16xf32>,
        %get3A_1446 = vector.shape_cast %get3A_1445 : vector<16xf32> to vector<16xf32>
        %min3A_1447 = vector.broadcast %select_n3A_806 : f32 to vector<16xf32>
        %min3A_1448 = arith.minimumf %get3A_1446, %min3A_1447 : vector<16xf32>
        %get3A_1449 = arith.index_cast %add3A_1432 : i32 to index
        %get3A_1450 = tpu.vector_load %arg17[%get3A_1449] {strides = array<i32>} : memref<5120xf32, #tpu.memory_space<vmem>>, vector<16xf32>,
        %get3A_1451 = vector.shape_cast %get3A_1450 : vector<16xf32> to vector<16xf32>
        %max3A_1452 = vector.broadcast %select_n3A_646 : f32 to vector<16xf32>
        %max3A_1453 = arith.maximumf %get3A_1451, %max3A_1452 : vector<16xf32>
        %sub3A_1454 = arith.subf %min3A_1448, %max3A_1453 : vector<16xf32>
        %max3A_1455 = arith.constant 0.000000e+00 : f32
        %max3A_1456 = vector.broadcast %max3A_1455 : f32 to vector<16xf32>
        %max3A_1457 = arith.maximumf %sub3A_1443, %max3A_1456 : vector<16xf32>
        %max3A_1458 = arith.constant 0.000000e+00 : f32
        %max3A_1459 = vector.broadcast %max3A_1458 : f32 to vector<16xf32>
        %max3A_1460 = arith.maximumf %sub3A_1454, %max3A_1459 : vector<16xf32>
        %mul3A_1461 = arith.mulf %max3A_1457, %max3A_1460 : vector<16xf32>
        %get3A_1462 = arith.index_cast %add3A_1432 : i32 to index
        %get3A_1463 = tpu.vector_load %arg24[%get3A_1462] {strides = array<i32>} : memref<5120xf32, #tpu.memory_space<vmem>>, vector<16xf32>,
        %get3A_1464 = vector.shape_cast %get3A_1463 : vector<16xf32> to vector<16xf32>
        %add3A_1465 = vector.broadcast %mul3A_812 : f32 to vector<16xf32>
        %add3A_1466 = arith.addf %get3A_1464, %add3A_1465 : vector<16xf32>
        %sub3A_1467 = arith.subf %add3A_1466, %mul3A_1461 : vector<16xf32>
        %add3A_1468 = arith.constant 9.99999971E-10 : f32
        %add3A_1469 = vector.broadcast %add3A_1468 : f32 to vector<16xf32>
        %add3A_1470 = arith.addf %sub3A_1467, %add3A_1469 : vector<16xf32>
        %div3A_1471 = arith.divf %mul3A_1461, %add3A_1470 : vector<16xf32>
        %mul3A_1472 = arith.constant 16 : i32
        %mul3A_1473 = arith.muli %add3A_1427, %mul3A_1472 : i32
        %add3A_1474 = arith.addi %mul3A_32, %mul3A_1473 : i32
        %add3A_1475 = vector.broadcast %add3A_1474 : i32 to vector<16xi32>
        %add3A_1476 = arith.addi %add3A_1475, %iota3A : vector<16xi32>
        %gt3A_1477 = arith.constant 5.000000e-01 : f32
        %gt3A_1478 = vector.broadcast %gt3A_1477 : f32 to vector<16xf32>
        %gt3A_1479 = arith.cmpf ogt, %div3A_1471, %gt3A_1478 : vector<16xf32>
        %eq3A_1480 = vector.broadcast %min3A_444 : i32 to vector<16xi32>
        %eq3A_1481 = arith.cmpi eq, %add3A_1476, %eq3A_1480 : vector<16xi32>
        %or3A_1482 = arith.ori %gt3A_1479, %eq3A_1481 : vector<16xi1>
        %get3A_1483 = arith.index_cast %mul3A_1429 : i32 to index
        %get3A_1484 = tpu.vector_load %arg25[%get3A_1483] {strides = array<i32>} : memref<640xf32, #tpu.memory_space<vmem>>, vector<16xf32>,
        %get3A_1485 = vector.shape_cast %get3A_1484 : vector<16xf32> to vector<16xf32>
        %jit3A_1486 = arith.constant -1.000000e+00 : f32
        %broadcast_in_dim3A_1487 = vector.broadcast %jit3A_1486 : f32 to vector<16xf32>
        %select_n3A_1488 = arith.select %or3A_1482, %broadcast_in_dim3A_1487, %get3A_1485 : vector<16xi1>, vector<16xf32>
        %swap3A_1489 = arith.index_cast %mul3A_1429 : i32 to index
        %swap3A_1490 = tpu.vector_load %arg25[%swap3A_1489] {strides = array<i32>} : memref<640xf32, #tpu.memory_space<vmem>>, vector<16xf32>,
        %swap3A_1491 = vector.shape_cast %swap3A_1490 : vector<16xf32> to vector<16xf32>
        %swap3A_1492 = vector.shape_cast %select_n3A_1488 : vector<16xf32> to vector<16xf32>
        tpu.vector_store %arg25[%swap3A_1489], %swap3A_1492 {strides = array<i32>} : memref<640xf32, #tpu.memory_space<vmem>>, vector<16xf32>,
        %gt3A_1493 = arith.cmpf ogt, %select_n3A_1488, %select_n3A_1422 : vector<16xf32>
        %select_n3A_1494 = arith.select %gt3A_1493, %select_n3A_1488, %select_n3A_1422 : vector<16xi1>, vector<16xf32>
        %select_n3A_1495 = arith.select %gt3A_1493, %add3A_1476, %select_n3A_1423 : vector<16xi1>, vector<16xi32>
        scf.yield %select_n3A_1494, %select_n3A_1495 : vector<16xf32>, vector<16xi32>
      }
      %scan3A_822 = arith.constant 5 : i32
      %select_n3A_823 = arith.select %ge3A_443, %select_n3A_566, %scan3A_65 : f32
      %select_n3A_824 = arith.select %ge3A_443, %select_n3A_646, %scan3A_66 : f32
      %select_n3A_825 = arith.select %ge3A_443, %select_n3A_726, %scan3A_67 : f32
      %select_n3A_826 = arith.select %ge3A_443, %select_n3A_806, %scan3A_68 : f32
      %select_n3A_827 = arith.select %ge3A_443, %select_n3A_441, %scan3A_69 : f32
      %jit3A_828 = arith.constant 16 : i32
      %div3A_829 = arith.divsi %scan3A_62, %jit3A_828 : i32
      %sign3A_830 = arith.constant 0 : i32
      %sign3A_831 = arith.cmpi sgt, %scan3A_62, %sign3A_830 : i32
      %sign3A_832 = arith.extui %sign3A_831 : i1 to i32
      %sign3A_833 = arith.constant 0 : i32
      %sign3A_834 = arith.cmpi slt, %scan3A_62, %sign3A_833 : i32
      %sign3A_835 = arith.extui %sign3A_834 : i1 to i32
      %sign3A_836 = arith.subi %sign3A_832, %sign3A_835 : i32
      %sign3A_837 = arith.constant 0 : i32
      %sign3A_838 = arith.cmpi sgt, %jit3A_828, %sign3A_837 : i32
      %sign3A_839 = arith.extui %sign3A_838 : i1 to i32
      %sign3A_840 = arith.constant 0 : i32
      %sign3A_841 = arith.cmpi slt, %jit3A_828, %sign3A_840 : i32
      %sign3A_842 = arith.extui %sign3A_841 : i1 to i32
      %sign3A_843 = arith.subi %sign3A_839, %sign3A_842 : i32
      %ne3A_844 = arith.cmpi ne, %sign3A_836, %sign3A_843 : i32
      %rem3A_845 = arith.remsi %scan3A_62, %jit3A_828 : i32
      %ne3A_846 = arith.constant 0 : i32
      %ne3A_847 = arith.cmpi ne, %rem3A_845, %ne3A_846 : i32
      %and3A_848 = arith.andi %ne3A_844, %ne3A_847 : i1
      %sub3A_849 = arith.constant 1 : i32
      %sub3A_850 = arith.subi %div3A_829, %sub3A_849 : i32
      %select_n3A_851 = arith.select %and3A_848, %sub3A_850, %div3A_829 : i32
      %mul3A_852 = arith.constant 16 : i32
      %mul3A_853 = arith.muli %select_n3A_851, %mul3A_852 : i32
      %jit3A_854 = arith.constant 16 : i32
      %eq3A_855 = arith.constant 0 : i32
      %eq3A_856 = arith.cmpi eq, %jit3A_854, %eq3A_855 : i32
      %jit3A_857 = arith.constant 1 : i32
      %select_n3A_858 = arith.select %eq3A_856, %jit3A_857, %jit3A_854 : i32
      %rem3A_859 = arith.remsi %scan3A_62, %select_n3A_858 : i32
      %ne3A_860 = arith.constant 0 : i32
      %ne3A_861 = arith.cmpi ne, %rem3A_859, %ne3A_860 : i32
      %lt3A_862 = arith.constant 0 : i32
      %lt3A_863 = arith.cmpi slt, %rem3A_859, %lt3A_862 : i32
      %lt3A_864 = arith.constant 0 : i32
      %lt3A_865 = arith.cmpi slt, %select_n3A_858, %lt3A_864 : i32
      %ne3A_866 = arith.xori %lt3A_863, %lt3A_865 : i1
      %and3A_867 = arith.andi %ne3A_866, %ne3A_861 : i1
      %add3A_868 = arith.addi %rem3A_859, %select_n3A_858 : i32
      %select_n3A_869 = arith.select %and3A_867, %add3A_868, %rem3A_859 : i32
      %eq3A_870 = vector.broadcast %select_n3A_869 : i32 to vector<16xi32>
      %eq3A_871 = arith.cmpi eq, %iota3A, %eq3A_870 : vector<16xi32>
      %get3A_872 = arith.index_cast %mul3A_853 : i32 to index
      %get3A_873 = tpu.vector_load %arg28[%get3A_872] {strides = array<i32>} : memref<128xf32, #tpu.memory_space<vmem>>, vector<16xf32>,
      %get3A_874 = vector.shape_cast %get3A_873 : vector<16xf32> to vector<16xf32>
      %broadcast_in_dim3A_875 = vector.broadcast %select_n3A_823 : f32 to vector<16xf32>
      %select_n3A_876 = arith.select %eq3A_871, %broadcast_in_dim3A_875, %get3A_874 : vector<16xi1>, vector<16xf32>
      %swap3A_877 = arith.index_cast %mul3A_853 : i32 to index
      %swap3A_878 = tpu.vector_load %arg28[%swap3A_877] {strides = array<i32>} : memref<128xf32, #tpu.memory_space<vmem>>, vector<16xf32>,
      %swap3A_879 = vector.shape_cast %swap3A_878 : vector<16xf32> to vector<16xf32>
      %swap3A_880 = vector.shape_cast %select_n3A_876 : vector<16xf32> to vector<16xf32>
      tpu.vector_store %arg28[%swap3A_877], %swap3A_880 {strides = array<i32>} : memref<128xf32, #tpu.memory_space<vmem>>, vector<16xf32>,
      %get3A_881 = arith.index_cast %mul3A_853 : i32 to index
      %get3A_882 = tpu.vector_load %arg29[%get3A_881] {strides = array<i32>} : memref<128xf32, #tpu.memory_space<vmem>>, vector<16xf32>,
      %get3A_883 = vector.shape_cast %get3A_882 : vector<16xf32> to vector<16xf32>
      %broadcast_in_dim3A_884 = vector.broadcast %select_n3A_824 : f32 to vector<16xf32>
      %select_n3A_885 = arith.select %eq3A_871, %broadcast_in_dim3A_884, %get3A_883 : vector<16xi1>, vector<16xf32>
      %swap3A_886 = arith.index_cast %mul3A_853 : i32 to index
      %swap3A_887 = tpu.vector_load %arg29[%swap3A_886] {strides = array<i32>} : memref<128xf32, #tpu.memory_space<vmem>>, vector<16xf32>,
      %swap3A_888 = vector.shape_cast %swap3A_887 : vector<16xf32> to vector<16xf32>
      %swap3A_889 = vector.shape_cast %select_n3A_885 : vector<16xf32> to vector<16xf32>
      tpu.vector_store %arg29[%swap3A_886], %swap3A_889 {strides = array<i32>} : memref<128xf32, #tpu.memory_space<vmem>>, vector<16xf32>,
      %get3A_890 = arith.index_cast %mul3A_853 : i32 to index
      %get3A_891 = tpu.vector_load %arg30[%get3A_890] {strides = array<i32>} : memref<128xf32, #tpu.memory_space<vmem>>, vector<16xf32>,
      %get3A_892 = vector.shape_cast %get3A_891 : vector<16xf32> to vector<16xf32>
      %broadcast_in_dim3A_893 = vector.broadcast %select_n3A_825 : f32 to vector<16xf32>
      %select_n3A_894 = arith.select %eq3A_871, %broadcast_in_dim3A_893, %get3A_892 : vector<16xi1>, vector<16xf32>
      %swap3A_895 = arith.index_cast %mul3A_853 : i32 to index
      %swap3A_896 = tpu.vector_load %arg30[%swap3A_895] {strides = array<i32>} : memref<128xf32, #tpu.memory_space<vmem>>, vector<16xf32>,
      %swap3A_897 = vector.shape_cast %swap3A_896 : vector<16xf32> to vector<16xf32>
      %swap3A_898 = vector.shape_cast %select_n3A_894 : vector<16xf32> to vector<16xf32>
      tpu.vector_store %arg30[%swap3A_895], %swap3A_898 {strides = array<i32>} : memref<128xf32, #tpu.memory_space<vmem>>, vector<16xf32>,
      %get3A_899 = arith.index_cast %mul3A_853 : i32 to index
      %get3A_900 = tpu.vector_load %arg31[%get3A_899] {strides = array<i32>} : memref<128xf32, #tpu.memory_space<vmem>>, vector<16xf32>,
      %get3A_901 = vector.shape_cast %get3A_900 : vector<16xf32> to vector<16xf32>
      %broadcast_in_dim3A_902 = vector.broadcast %select_n3A_826 : f32 to vector<16xf32>
      %select_n3A_903 = arith.select %eq3A_871, %broadcast_in_dim3A_902, %get3A_901 : vector<16xi1>, vector<16xf32>
      %swap3A_904 = arith.index_cast %mul3A_853 : i32 to index
      %swap3A_905 = tpu.vector_load %arg31[%swap3A_904] {strides = array<i32>} : memref<128xf32, #tpu.memory_space<vmem>>, vector<16xf32>,
      %swap3A_906 = vector.shape_cast %swap3A_905 : vector<16xf32> to vector<16xf32>
      %swap3A_907 = vector.shape_cast %select_n3A_903 : vector<16xf32> to vector<16xf32>
      tpu.vector_store %arg31[%swap3A_904], %swap3A_907 {strides = array<i32>} : memref<128xf32, #tpu.memory_space<vmem>>, vector<16xf32>,
      %get3A_908 = arith.index_cast %mul3A_853 : i32 to index
      %get3A_909 = tpu.vector_load %arg32[%get3A_908] {strides = array<i32>} : memref<128xf32, #tpu.memory_space<vmem>>, vector<16xf32>,
      %get3A_910 = vector.shape_cast %get3A_909 : vector<16xf32> to vector<16xf32>
      %broadcast_in_dim3A_911 = vector.broadcast %select_n3A_827 : f32 to vector<16xf32>
      %select_n3A_912 = arith.select %eq3A_871, %broadcast_in_dim3A_911, %get3A_910 : vector<16xi1>, vector<16xf32>
      %swap3A_913 = arith.index_cast %mul3A_853 : i32 to index
      %swap3A_914 = tpu.vector_load %arg32[%swap3A_913] {strides = array<i32>} : memref<128xf32, #tpu.memory_space<vmem>>, vector<16xf32>,
      %swap3A_915 = vector.shape_cast %swap3A_914 : vector<16xf32> to vector<16xf32>
      %swap3A_916 = vector.shape_cast %select_n3A_912 : vector<16xf32> to vector<16xf32>
      tpu.vector_store %arg32[%swap3A_913], %swap3A_916 {strides = array<i32>} : memref<128xf32, #tpu.memory_space<vmem>>, vector<16xf32>,
      scf.yield %scan3A_821#0, %scan3A_821#1, %select_n3A_823, %select_n3A_824, %select_n3A_825, %select_n3A_826, %select_n3A_827 : vector<16xf32>, vector<16xi32>, f32, f32, f32, f32, f32
    }
    %scan3A_58 = arith.constant 100 : i32
    %eq3A_59 = arith.constant 0 : i32
    %eq3A_60 = arith.cmpi eq, %select_n3A_30, %eq3A_59 : i32
    %convert_element_type3A = arith.extui %eq3A_60 : i1 to i32
    %cond3A = arith.constant 0 : i32
    %cond3A_61 = arith.cmpi ne, %convert_element_type3A, %cond3A : i32
    scf.if %cond3A_61 {
      %mul3A_62 = arith.constant 5 : i32
      %mul3A_63 = arith.muli %add3A, %mul3A_62 : i32
      %add3A_64 = arith.constant 0 : i32
      %add3A_65 = arith.addi %mul3A_63, %add3A_64 : i32
      "tpu.region"() ({
        %run_scoped3A = tpu.sem_alloc : memref<!tpu.dma_semaphore, #tpu.memory_space<semaphore_mem>>
        %dma_start3A = arith.constant 0 : i32
        %dma_start3A_82 = tpu.memref_slice %arg12[%add3A_65, %dma_start3A] : memref<20x128xf32, #tpu.memory_space<hbm>> -> memref<1x128xf32, #tpu.memory_space<hbm>>
        %dma_start3A_83 = tpu.memref_squeeze %dma_start3A_82 : memref<1x128xf32, #tpu.memory_space<hbm>> -> memref<128xf32, #tpu.memory_space<hbm>>
        %dma_start3A_84 = arith.constant 0 : i32
        %dma_start3A_85 = tpu.memref_slice %arg12[%add3A_65, %dma_start3A_84] : memref<20x128xf32, #tpu.memory_space<hbm>> -> memref<1x128xf32, #tpu.memory_space<hbm>>
        %dma_start3A_86 = tpu.memref_squeeze %dma_start3A_85 : memref<1x128xf32, #tpu.memory_space<hbm>> -> memref<128xf32, #tpu.memory_space<hbm>>
        tpu.enqueue_dma source(%arg28 : memref<128xf32, #tpu.memory_space<vmem>>) target(%dma_start3A_86 : memref<128xf32, #tpu.memory_space<hbm>>) target_semaphore(%run_scoped3A : memref<!tpu.dma_semaphore, #tpu.memory_space<semaphore_mem>>)
        %dma_wait3A = arith.constant 0 : i32
        %dma_wait3A_87 = tpu.memref_slice %arg12[%add3A_65, %dma_wait3A] : memref<20x128xf32, #tpu.memory_space<hbm>> -> memref<1x128xf32, #tpu.memory_space<hbm>>
        %dma_wait3A_88 = tpu.memref_squeeze %dma_wait3A_87 : memref<1x128xf32, #tpu.memory_space<hbm>> -> memref<128xf32, #tpu.memory_space<hbm>>
        %dma_wait3A_89 = arith.constant 0 : i32
        %dma_wait3A_90 = tpu.memref_slice %arg12[%add3A_65, %dma_wait3A_89] : memref<20x128xf32, #tpu.memory_space<hbm>> -> memref<1x128xf32, #tpu.memory_space<hbm>>
        %dma_wait3A_91 = tpu.memref_squeeze %dma_wait3A_90 : memref<1x128xf32, #tpu.memory_space<hbm>> -> memref<128xf32, #tpu.memory_space<hbm>>
        tpu.wait_dma2 semaphore(%run_scoped3A : memref<!tpu.dma_semaphore, #tpu.memory_space<semaphore_mem>>) src(%arg28 : memref<128xf32, #tpu.memory_space<vmem>>) dst(%dma_wait3A_91 : memref<128xf32, #tpu.memory_space<hbm>>)
        tpu.yield
      }) : () -> ()
      %mul3A_66 = arith.constant 5 : i32
      %mul3A_67 = arith.muli %add3A, %mul3A_66 : i32
      %add3A_68 = arith.constant 1 : i32
      %add3A_69 = arith.addi %mul3A_67, %add3A_68 : i32
      "tpu.region"() ({
        %run_scoped3A = tpu.sem_alloc : memref<!tpu.dma_semaphore, #tpu.memory_space<semaphore_mem>>
        %dma_start3A = arith.constant 0 : i32
        %dma_start3A_82 = tpu.memref_slice %arg12[%add3A_69, %dma_start3A] : memref<20x128xf32, #tpu.memory_space<hbm>> -> memref<1x128xf32, #tpu.memory_space<hbm>>
        %dma_start3A_83 = tpu.memref_squeeze %dma_start3A_82 : memref<1x128xf32, #tpu.memory_space<hbm>> -> memref<128xf32, #tpu.memory_space<hbm>>
        %dma_start3A_84 = arith.constant 0 : i32
        %dma_start3A_85 = tpu.memref_slice %arg12[%add3A_69, %dma_start3A_84] : memref<20x128xf32, #tpu.memory_space<hbm>> -> memref<1x128xf32, #tpu.memory_space<hbm>>
        %dma_start3A_86 = tpu.memref_squeeze %dma_start3A_85 : memref<1x128xf32, #tpu.memory_space<hbm>> -> memref<128xf32, #tpu.memory_space<hbm>>
        tpu.enqueue_dma source(%arg29 : memref<128xf32, #tpu.memory_space<vmem>>) target(%dma_start3A_86 : memref<128xf32, #tpu.memory_space<hbm>>) target_semaphore(%run_scoped3A : memref<!tpu.dma_semaphore, #tpu.memory_space<semaphore_mem>>)
        %dma_wait3A = arith.constant 0 : i32
        %dma_wait3A_87 = tpu.memref_slice %arg12[%add3A_69, %dma_wait3A] : memref<20x128xf32, #tpu.memory_space<hbm>> -> memref<1x128xf32, #tpu.memory_space<hbm>>
        %dma_wait3A_88 = tpu.memref_squeeze %dma_wait3A_87 : memref<1x128xf32, #tpu.memory_space<hbm>> -> memref<128xf32, #tpu.memory_space<hbm>>
        %dma_wait3A_89 = arith.constant 0 : i32
        %dma_wait3A_90 = tpu.memref_slice %arg12[%add3A_69, %dma_wait3A_89] : memref<20x128xf32, #tpu.memory_space<hbm>> -> memref<1x128xf32, #tpu.memory_space<hbm>>
        %dma_wait3A_91 = tpu.memref_squeeze %dma_wait3A_90 : memref<1x128xf32, #tpu.memory_space<hbm>> -> memref<128xf32, #tpu.memory_space<hbm>>
        tpu.wait_dma2 semaphore(%run_scoped3A : memref<!tpu.dma_semaphore, #tpu.memory_space<semaphore_mem>>) src(%arg29 : memref<128xf32, #tpu.memory_space<vmem>>) dst(%dma_wait3A_91 : memref<128xf32, #tpu.memory_space<hbm>>)
        tpu.yield
      }) : () -> ()
      %mul3A_70 = arith.constant 5 : i32
      %mul3A_71 = arith.muli %add3A, %mul3A_70 : i32
      %add3A_72 = arith.constant 2 : i32
      %add3A_73 = arith.addi %mul3A_71, %add3A_72 : i32
      "tpu.region"() ({
        %run_scoped3A = tpu.sem_alloc : memref<!tpu.dma_semaphore, #tpu.memory_space<semaphore_mem>>
        %dma_start3A = arith.constant 0 : i32
        %dma_start3A_82 = tpu.memref_slice %arg12[%add3A_73, %dma_start3A] : memref<20x128xf32, #tpu.memory_space<hbm>> -> memref<1x128xf32, #tpu.memory_space<hbm>>
        %dma_start3A_83 = tpu.memref_squeeze %dma_start3A_82 : memref<1x128xf32, #tpu.memory_space<hbm>> -> memref<128xf32, #tpu.memory_space<hbm>>
        %dma_start3A_84 = arith.constant 0 : i32
        %dma_start3A_85 = tpu.memref_slice %arg12[%add3A_73, %dma_start3A_84] : memref<20x128xf32, #tpu.memory_space<hbm>> -> memref<1x128xf32, #tpu.memory_space<hbm>>
        %dma_start3A_86 = tpu.memref_squeeze %dma_start3A_85 : memref<1x128xf32, #tpu.memory_space<hbm>> -> memref<128xf32, #tpu.memory_space<hbm>>
        tpu.enqueue_dma source(%arg30 : memref<128xf32, #tpu.memory_space<vmem>>) target(%dma_start3A_86 : memref<128xf32, #tpu.memory_space<hbm>>) target_semaphore(%run_scoped3A : memref<!tpu.dma_semaphore, #tpu.memory_space<semaphore_mem>>)
        %dma_wait3A = arith.constant 0 : i32
        %dma_wait3A_87 = tpu.memref_slice %arg12[%add3A_73, %dma_wait3A] : memref<20x128xf32, #tpu.memory_space<hbm>> -> memref<1x128xf32, #tpu.memory_space<hbm>>
        %dma_wait3A_88 = tpu.memref_squeeze %dma_wait3A_87 : memref<1x128xf32, #tpu.memory_space<hbm>> -> memref<128xf32, #tpu.memory_space<hbm>>
        %dma_wait3A_89 = arith.constant 0 : i32
        %dma_wait3A_90 = tpu.memref_slice %arg12[%add3A_73, %dma_wait3A_89] : memref<20x128xf32, #tpu.memory_space<hbm>> -> memref<1x128xf32, #tpu.memory_space<hbm>>
        %dma_wait3A_91 = tpu.memref_squeeze %dma_wait3A_90 : memref<1x128xf32, #tpu.memory_space<hbm>> -> memref<128xf32, #tpu.memory_space<hbm>>
        tpu.wait_dma2 semaphore(%run_scoped3A : memref<!tpu.dma_semaphore, #tpu.memory_space<semaphore_mem>>) src(%arg30 : memref<128xf32, #tpu.memory_space<vmem>>) dst(%dma_wait3A_91 : memref<128xf32, #tpu.memory_space<hbm>>)
        tpu.yield
      }) : () -> ()
      %mul3A_74 = arith.constant 5 : i32
      %mul3A_75 = arith.muli %add3A, %mul3A_74 : i32
      %add3A_76 = arith.constant 3 : i32
      %add3A_77 = arith.addi %mul3A_75, %add3A_76 : i32
      "tpu.region"() ({
        %run_scoped3A = tpu.sem_alloc : memref<!tpu.dma_semaphore, #tpu.memory_space<semaphore_mem>>
        %dma_start3A = arith.constant 0 : i32
        %dma_start3A_82 = tpu.memref_slice %arg12[%add3A_77, %dma_start3A] : memref<20x128xf32, #tpu.memory_space<hbm>> -> memref<1x128xf32, #tpu.memory_space<hbm>>
        %dma_start3A_83 = tpu.memref_squeeze %dma_start3A_82 : memref<1x128xf32, #tpu.memory_space<hbm>> -> memref<128xf32, #tpu.memory_space<hbm>>
        %dma_start3A_84 = arith.constant 0 : i32
        %dma_start3A_85 = tpu.memref_slice %arg12[%add3A_77, %dma_start3A_84] : memref<20x128xf32, #tpu.memory_space<hbm>> -> memref<1x128xf32, #tpu.memory_space<hbm>>
        %dma_start3A_86 = tpu.memref_squeeze %dma_start3A_85 : memref<1x128xf32, #tpu.memory_space<hbm>> -> memref<128xf32, #tpu.memory_space<hbm>>
        tpu.enqueue_dma source(%arg31 : memref<128xf32, #tpu.memory_space<vmem>>) target(%dma_start3A_86 : memref<128xf32, #tpu.memory_space<hbm>>) target_semaphore(%run_scoped3A : memref<!tpu.dma_semaphore, #tpu.memory_space<semaphore_mem>>)
        %dma_wait3A = arith.constant 0 : i32
        %dma_wait3A_87 = tpu.memref_slice %arg12[%add3A_77, %dma_wait3A] : memref<20x128xf32, #tpu.memory_space<hbm>> -> memref<1x128xf32, #tpu.memory_space<hbm>>
        %dma_wait3A_88 = tpu.memref_squeeze %dma_wait3A_87 : memref<1x128xf32, #tpu.memory_space<hbm>> -> memref<128xf32, #tpu.memory_space<hbm>>
        %dma_wait3A_89 = arith.constant 0 : i32
        %dma_wait3A_90 = tpu.memref_slice %arg12[%add3A_77, %dma_wait3A_89] : memref<20x128xf32, #tpu.memory_space<hbm>> -> memref<1x128xf32, #tpu.memory_space<hbm>>
        %dma_wait3A_91 = tpu.memref_squeeze %dma_wait3A_90 : memref<1x128xf32, #tpu.memory_space<hbm>> -> memref<128xf32, #tpu.memory_space<hbm>>
        tpu.wait_dma2 semaphore(%run_scoped3A : memref<!tpu.dma_semaphore, #tpu.memory_space<semaphore_mem>>) src(%arg31 : memref<128xf32, #tpu.memory_space<vmem>>) dst(%dma_wait3A_91 : memref<128xf32, #tpu.memory_space<hbm>>)
        tpu.yield
      }) : () -> ()
      %mul3A_78 = arith.constant 5 : i32
      %mul3A_79 = arith.muli %add3A, %mul3A_78 : i32
      %add3A_80 = arith.constant 4 : i32
      %add3A_81 = arith.addi %mul3A_79, %add3A_80 : i32
      "tpu.region"() ({
        %run_scoped3A = tpu.sem_alloc : memref<!tpu.dma_semaphore, #tpu.memory_space<semaphore_mem>>
        %dma_start3A = arith.constant 0 : i32
        %dma_start3A_82 = tpu.memref_slice %arg12[%add3A_81, %dma_start3A] : memref<20x128xf32, #tpu.memory_space<hbm>> -> memref<1x128xf32, #tpu.memory_space<hbm>>
        %dma_start3A_83 = tpu.memref_squeeze %dma_start3A_82 : memref<1x128xf32, #tpu.memory_space<hbm>> -> memref<128xf32, #tpu.memory_space<hbm>>
        %dma_start3A_84 = arith.constant 0 : i32
        %dma_start3A_85 = tpu.memref_slice %arg12[%add3A_81, %dma_start3A_84] : memref<20x128xf32, #tpu.memory_space<hbm>> -> memref<1x128xf32, #tpu.memory_space<hbm>>
        %dma_start3A_86 = tpu.memref_squeeze %dma_start3A_85 : memref<1x128xf32, #tpu.memory_space<hbm>> -> memref<128xf32, #tpu.memory_space<hbm>>
        tpu.enqueue_dma source(%arg32 : memref<128xf32, #tpu.memory_space<vmem>>) target(%dma_start3A_86 : memref<128xf32, #tpu.memory_space<hbm>>) target_semaphore(%run_scoped3A : memref<!tpu.dma_semaphore, #tpu.memory_space<semaphore_mem>>)
        %dma_wait3A = arith.constant 0 : i32
        %dma_wait3A_87 = tpu.memref_slice %arg12[%add3A_81, %dma_wait3A] : memref<20x128xf32, #tpu.memory_space<hbm>> -> memref<1x128xf32, #tpu.memory_space<hbm>>
        %dma_wait3A_88 = tpu.memref_squeeze %dma_wait3A_87 : memref<1x128xf32, #tpu.memory_space<hbm>> -> memref<128xf32, #tpu.memory_space<hbm>>
        %dma_wait3A_89 = arith.constant 0 : i32
        %dma_wait3A_90 = tpu.memref_slice %arg12[%add3A_81, %dma_wait3A_89] : memref<20x128xf32, #tpu.memory_space<hbm>> -> memref<1x128xf32, #tpu.memory_space<hbm>>
        %dma_wait3A_91 = tpu.memref_squeeze %dma_wait3A_90 : memref<1x128xf32, #tpu.memory_space<hbm>> -> memref<128xf32, #tpu.memory_space<hbm>>
        tpu.wait_dma2 semaphore(%run_scoped3A : memref<!tpu.dma_semaphore, #tpu.memory_space<semaphore_mem>>) src(%arg32 : memref<128xf32, #tpu.memory_space<vmem>>) dst(%dma_wait3A_91 : memref<128xf32, #tpu.memory_space<hbm>>)
        tpu.yield
      }) : () -> ()
    } else {
    }
    return
  }
}

</mosaic_0001>

<sc_bundles>
// kernel: kernel.3.cloned.1.call-start
scs
__scs_entry_jumppad:
0x0: {  	(pc) =	sbr.rel $0x88, $3  }
0x1: {  	(tag) =	ssettag $0x0;
	lr =	simm.s32 $0x1  }
0x2: {  	[smem:$0x3F9E] =	sst lr;
	_ =	strace $0xD0000000  }
0x3: {  	_ = 	snop  }
0x4: {  	_ = 	snop  }
0x5: {  	_ = 	snop  }
0x6: {  	_ = 	snop  }
0x7: {  	_ = 	snop  }
__scs_overlays_trampoline_lowered:
0x8: {  	[smem:$0x3FAD] =	sst s0  }
0x9: {  	[smem:$0x3FAE] =	sst s1  }
0xa: {  	[smem:$0x3FAF] =	sst s2  }
0xb: {  	[smem:$0x3FB0] =	sst s3  }
0xc: {  	[smem:$0x3FB1] =	sst s4  }
0xd: {  	[smem:$0x3FB2] =	sst s5  }
0xe: {  	[smem:$0x3FB3] =	sst s6  }
0xf: {  	[smem:$0x3FB4] =	sst s7  }
0x10: {  	[smem:$0x3FB5] =	sst s8  }
0x11: {  	[smem:$0x3FB6] =	sst s9;
	s0 =	simm.s32 @!p0 $0x0  }
0x12: {  	s1 =	sld [smem:$0x3F9C];
	s0 =	simm.s32 @p0 $0x1  }
0x13: {  	[smem:$0x3FB7] =	sst s0;
	s0 =	simm.s32 @!p1 $0x0  }
0x14: {  	s2 =	sld [smem:$0x3F9B];
	s0 =	simm.s32 @p1 $0x1  }
0x15: {  	[smem:$0x3FB8] =	sst s0;
	s0 =	simm.s32 @!p2 $0x0  }
0x16: {  	s3 =	sld [smem:$0x3FDB];
	s0 =	simm.s32 @p2 $0x1  }
0x17: {  	s4 =	simm.s32 $0x1BF5;
	[smem:$0x3FBA] =	sst s0  }
0x18: {  	s0 =	sld [smem:$0x3F9D];
	_ =	swait.ge [sflag:s4], $0x0  }
0x19: {  	s7 =	sld [smem:$0x3F9E]  }
0x1a: {  	s8 =	sadd.s32 $0xFFFFE003, lr  }
0x1b: {  	s9 =	sadd.s32 $0xFFFFFEF7, lr;
	s5 =	simm.s32 $0xFFFFFFFF;
	p2 =	slt.u32 s8, $0xFFFFF086  }
0x1c: {  	p1 =	slt.u32 s9, $0xF7A;
	s5 =	simm.s32 @!p2 $0x0  }
0x1d: {  	s5 =	simm.s32 @p1 $0x1;
	p0 =	seq.s32 s7, s2  }
0x1e: {  	s7 =	smul.u32 @!p0 $0xF7A, s2;
	p2 =	seq.s32 @!p0 s5, $0x0  }
0x1f: {  	s9 =	smul.u32 $0xF7A, s1;
	s8 =	simm.s32 @!p0 $0x1BF5;
	p2 =	por !p2, p0  }
0x20: {  	[sflag:s8] =	ssyncset.s32 @!p0 $0xFFFFF086;
	s6 =	sadd.s32 @!p0 s3, s7;
	s7 =	simm.s32 @!p0 $0x108  }
0x21: {  	s3 =	sadd.s32 s3, s9;
	s6 =	sadd.s32 @!p0 $0x88, s6;
	s7 =	simm.s32 @p2 $0x1082  }
0x22: {  	[simem:s7], [sflag:s8] =	dma.local @!p0 [hbm:s6], $0xF7A  }
0x23: {  	s9 =	sor.u32 $0xD0000000, s2;
	s6 =	simm.s32 $0x108;
	_ =	swait.ge @!p0 [sflag:s8], $0x0  }
0x24: {  	s3 =	sadd.s32 $0x88, s3;
	s6 =	simm.s32 @!p1 $0x1082;
	[sflag:s4] =	ssyncset.s32 $0xFFFFF086  }
0x25: {  	[simem:s6], [sflag:s4] =	dma.local [hbm:s3], $0xF7A  }
0x26: {  	[smem:$0x3F9E] =	sst s1;
	(tag) =	ssettag s2;
	_ =	strace s9  }
0x27: {  	s1 =	sld [smem:$0x3FAE]  }
0x28: {  	s2 =	sld [smem:$0x3FAF]  }
0x29: {  	s4 =	sld [smem:$0x3FB1]  }
0x2a: {  	p0 =	seq.s32 s5, $0x0;
	s5 =	sld [smem:$0x3FB2]  }
0x2b: {  	s6 =	sld [smem:$0x3FB3]  }
0x2c: {  	s7 =	sld [smem:$0x3FB4]  }
0x2d: {  	s3 =	simm.s32 $0x108;
	s8 =	sld [smem:$0x3FB5]  }
0x2e: {  	s3 =	simm.s32 @!p0 $0x1082;
	s9 =	sld [smem:$0x3FB6]  }
0x2f: {  	lr =	sadd.s32 s0, s3;
	s0 =	sld [smem:$0x3FAD]  }
0x30: {  	s3 =	sld [smem:$0x3FB0]  }
0x31: {  	[smem:$0x3FB9] =	sst s10  }
0x32: {  	s10 =	sld [smem:$0x3FB7];
	_ =	sdelay $0x3  }
0x33: {  	p0 =	seq.s32 s10, $0x1;
	s10 =	sld [smem:$0x3FB9];
	_ =	sdelay $0x3  }
0x34: {  	[smem:$0x3FB9] =	sst s10  }
0x35: {  	s10 =	sld [smem:$0x3FB8];
	_ =	sdelay $0x3  }
0x36: {  	p1 =	seq.s32 s10, $0x1;
	s10 =	sld [smem:$0x3FB9];
	_ =	sdelay $0x3  }
0x37: {  	[smem:$0x3FB9] =	sst s10  }
0x38: {  	s10 =	sld [smem:$0x3FBA]  }
0x39: {  	_ = 	snop;
	(pc) =	sbr.ind lr, $3  }
0x3a: {  	_ = 	snop  }
0x3b: {  	_ = 	snop  }
0x3c: {  	p2 =	seq.s32 s10, $0x1;
	s10 =	sld [smem:$0x3FB9]  }
0x3d: {  	_ =	shalt  }
0x3e: {  	_ =	shalt  }
0x3f: {  	_ =	shalt  }
0x40: {  	_ =	shalt  }
0x41: {  	_ =	shalt  }
0x42: {  	_ =	shalt  }
0x43: {  	_ =	shalt  }
0x44: {  	_ =	shalt  }
0x45: {  	_ =	shalt  }
0x46: {  	_ =	shalt  }
0x47: {  	_ =	shalt  }
0x48: {  	_ =	shalt  }
0x49: {  	_ =	shalt  }
0x4a: {  	_ =	shalt  }
0x4b: {  	_ =	shalt  }
0x4c: {  	_ =	shalt  }
0x4d: {  	_ =	shalt  }
0x4e: {  	_ =	shalt  }
0x4f: {  	_ =	shalt  }
0x50: {  	_ =	shalt  }
0x51: {  	_ =	shalt  }
0x52: {  	_ =	shalt  }
0x53: {  	_ =	shalt  }
0x54: {  	_ =	shalt  }
0x55: {  	_ =	shalt  }
0x56: {  	_ =	shalt  }
0x57: {  	_ =	shalt  }
0x58: {  	_ =	shalt  }
0x59: {  	_ =	shalt  }
0x5a: {  	_ =	shalt  }
0x5b: {  	_ =	shalt  }
0x5c: {  	_ =	shalt  }
0x5d: {  	_ =	shalt  }
0x5e: {  	_ =	shalt  }
0x5f: {  	_ =	shalt  }
0x60: {  	_ =	shalt  }
0x61: {  	_ =	shalt  }
0x62: {  	_ =	shalt  }
0x63: {  	_ =	shalt  }
0x64: {  	_ =	shalt  }
0x65: {  	_ =	shalt  }
0x66: {  	_ =	shalt  }
0x67: {  	_ =	shalt  }
0x68: {  	_ =	shalt  }
0x69: {  	_ =	shalt  }
0x6a: {  	_ =	shalt  }
0x6b: {  	_ =	shalt  }
0x6c: {  	_ =	shalt  }
0x6d: {  	_ =	shalt  }
0x6e: {  	_ =	shalt  }
0x6f: {  	_ =	shalt  }
0x70: {  	_ =	shalt  }
0x71: {  	_ =	shalt  }
0x72: {  	_ =	shalt  }
0x73: {  	_ =	shalt  }
0x74: {  	_ =	shalt  }
0x75: {  	_ =	shalt  }
0x76: {  	_ =	shalt  }
0x77: {  	_ =	shalt  }
0x78: {  	_ =	shalt  }
0x79: {  	_ =	shalt  }
0x7a: {  	_ =	shalt  }
0x7b: {  	_ =	shalt  }
0x7c: {  	_ =	shalt  }
0x7d: {  	_ =	shalt  }
0x7e: {  	_ =	shalt  }
0x7f: {  	_ =	shalt  }
0x80: {  	_ =	shalt  }
0x81: {  	_ =	shalt  }
0x82: {  	_ =	shalt  }
0x83: {  	_ =	shalt  }
0x84: {  	_ =	shalt  }
0x85: {  	_ =	shalt  }
0x86: {  	_ =	shalt  }
0x87: {  	_ =	shalt  }
.Lfunc_end0:
.L_simem_size_0:
called_computation_lowered:
.L_overlay_start_0:
0x88: {  	s2 =	sld [smem:$0x3FD9]  }
0x89: {  	s3 =	sld [smem:$0x3FFE];
	_ =	sdelay $0x1  }
0x8a: {  	s1 =	srdreg.scid  }
0x8b: {  	s0 =	sand.u32 $0x1, s1  }
0x8c: {  	s16 =	sshll.u32 s0, $0xA;
	s2 =	sadd.s32 s3, s2  }
0x8d: {  	s2 =	sadd.s32 s2, s16  }
0x8e: {  	[smem:$0x3FC5] =	sst s2  }
0x8f: {  	_ = 	snop  }
0x90: {  	(tm) =	ssettm $0x1  }
0x91: {  	s17 =	sld [smem:$0x3FFB];
	_ =	sdelay $0x3  }
0x92: {  	_ =	strace s17  }
0x93: {  	s2 =	sld [smem:$0x3FFC];
	_ =	sdelay $0x3  }
0x94: {  	_ =	strace s2  }
0x95: {  	s2 =	sld [smem:$0x3FFD];
	_ =	sdelay $0x3  }
0x96: {  	_ =	strace s2  }
0x97: {  	_ =	strace $0x8FFFFFFF  }
0x98: {  	s18 =	sld [smem:$0x3FDB];
	_ =	sdelay $0x1  }
0x99: {  	s19 =	simm.s32 $_scs_section_size  }
0x9a: {  	s4 =	simm.s32 $_size__tile_overlayer_lowered;
	s5 =	simm.s32 $_tile_overlayer_lowered  }
0x9b: {  	s22 =	simm.s32 $0x1BFF;
	s21 =	sshll.u32 s5, $0x1;
	s2 =	sadd.s32 s19, s18  }
0x9c: {  	s6 =	simm.s32 $0x0;
	s20 =	sshll.u32 s4, $0x1;
	s4 =	sadd.s32 s21, s2  }
0x9d: {  	[timem:s6], [sflag:s22] =	dma.local [hbm:s4], s20  }
0x9e: {  	_ =	swait.ge [sflag:s22], s20  }
0x9f: {  	s3 =	ssub.s32 $0x0, s20;
	[sflag:s22] =	ssyncset.done $0x0  }
0xa0: {  	[sflag:s22] =	ssyncadd.s32 s3;
	_ =	sdelay $0x1  }
0xa1: {  	s23 =	simm.s32 $0x1B8B  }
0xa2: {  	_ =	swait.ge [sflag:s23], $0x1  }
0xa3: {  	[sflag:s23] =	ssyncset.done $0x0  }
0xa4: {  	s25 =	simm.s32 $0x1B8E;
	s24 =	sld [smem:$0x3FFE];
	[sflag:s23] =	ssyncadd.s32 $0xFFFFFFFF  }
0xa5: {  	s26 =	simm.s32 $execute0_lowered;
	[smem:$0x3FD2] =	sst s25  }
0xa6: {  	s4 =	sshll.u32 s26, $0x1;
	_ =	strace $0x80000046;
	[dreg:$0x1] =	wrdreg $0xFFFFFFFF  }
0xa7: {  	s28 =	simm.s32 $_size_execute0_lowered;
	s2 =	sadd.s32 s2, s4;
	[dreg:$0x0] =	wrdreg $0x0  }
0xa8: {  	s4 =	sshll.u32 s28, $0x1;
	[dreg:$0x2] =	wrdreg s2  }
0xa9: {  	[dreg:$0x3] =	wrdreg s4  }
0xaa: {  	[dreg:$0x4] =	wrdreg $0xC0  }
0xab: {  	_ =	task [dreg:s6], $0x5FFFF  }
0xac: {  	[dreg:$0x1] =	wrdreg $0xFFFFFFFF  }
0xad: {  	[dreg:$0x0] =	wrdreg $0x60  }
0xae: {  	[dreg:$0x2] =	wrdreg s24  }
0xaf: {  	[dreg:$0x3] =	wrdreg $0x0  }
0xb0: {  	[dreg:$0x4] =	wrdreg $0x9  }
0xb1: {  	_ =	task.clear_ibuf [dreg:s6], $0x5FFFF;
	_ =	strace $0x90000046  }
0xb2: {  	s29 =	simm.s32 $0x9;
	_ =	strace $0x80000048  }
0xb3: {  	_ =	swait.ge [sflag:s29], $0x1  }
0xb4: {  	[sflag:s29] =	ssyncadd.s32 $0xFFFFFFFF  }
0xb5: {  	_ =	strace $0x90000048  }
0xb6: {  	_ =	sfence  }
0xb7: {  	s30 =	sld [smem:$0x0];
	_ =	sdelay $0x2  }
0xb8: {  	s31 =	sshll.u32 s1, $0xD;
	s1 =	sshrl.u32 s1, $0x2  }
0xb9: {  	s3 =	sand.u32 $0x4000, s31;
	s1 =	sadd.s32 s1, s30  }
0xba: {  	s0 =	sor.u32 s3, s0;
	s1 =	sshll.u32 s1, $0x11  }
0xbb: {  	s0 =	sor.u32 s1, s0  }
0xbc: {  	s0 =	sadd.s32 $0x8F2B, s0  }
0xbd: {  	[sflag:s0] =	ssyncadd.remote.s32 $0x1  }
0xbe: {  	_ =	sfence.sel $0xFFFF  }
0xbf: {  	[dreg:$0x0] =	wrdreg $0xFFFFFFFF;
	(pc) =	sbr.abs _section_cstart, $3  }
0xc0: {  	[dreg:$0x1] =	wrdreg $0xFFFFFFFF  }
0xc1: {  	_ =	task.clear_ibuf [dreg:s6], $0x2FFFF;
	_ =	strace $0x9FFFFFFF  }
0xc2: {  	(tm) =	ssettm $0x7FFFFFFF  }
0xc3: {  	_ =	shalt  }
tec
execute0_lowered:
.L_overlay_start_1:
0x0: {  	(tag) =	ssettag $0x1  }
0x1: {  	s0 =	srdreg.scid  }
0x2: {  	s9 =	stileid.u32;
	s3 =	rddreg [dreg:$0x0];
	s6 =	simm.s32 $0x0  }
0x3: {  	s0 =	sand.u32 $0x1, s0;
	s2 =	sshrl.u32 s9, $0x3;
	s10 =	sand.u32 $0x7, s9  }
0x4: {  	[smem:$0x7FF] =	sst s6;
	s7 =	sadd.s32 $0x5A00, s3;
	s8 =	sadd.s32 $0x5E00, s3  }
0x5: {  	s12 =	sadd.s32 $0x5200, s3;
	_ =	strace $0x80000047;
	[dreg:$0x4] =	wrdreg s7  }
0x6: {  	s11 =	sadd.s32 $0x5600, s3;
	s19 =	sshll.u32 s9, $0x6;
	[dreg:$0x5] =	wrdreg s8  }
0x7: {  	s1 =	sshll.u32 s0, $0x1;
	s4 =	smul.u32 $0xA00, s10;
	[dreg:$0x6] =	wrdreg s12  }
0x8: {  	s31 =	ssub.s32 $0x2, s0;
	[dreg:$0x7] =	wrdreg s11;
	s0 =	sshll.u32 s0, $0xA  }
0x9: {  	[dreg:$0x3] =	wrdreg s10;
	s1 =	sor.u32 s2, s1;
	s13 =	sshrl.u32 s31, $0x1  }
0xa: {  	s2 =	sshll.u32 s2, $0x9;
	s0 =	sshrl.u32 s0, $0x2;
	s5 =	sshll.u32 s1, $0x7  }
0xb: {  	s30 =	sshll.u32 s1, $0x4;
	s7 =	ssub.s32 s31, s13;
	s15 =	smul.u32 $0x280, s1  }
0xc: {  	s1 =	smul.u32 $0x50, s1;
	[dreg:$0x14] =	wrdreg s0;
	s31 =	sshrl.u32 s2, $0x2  }
0xd: {  	s23 =	sshrl.u32 s4, $0x2;
	s25 =	smax.u32 s7, $0x1;
	[dreg:$0x16] =	wrdreg s31  }
0xe: {  	s6 =	sadd.s32 s30, s3;
	s30 =	sshrl.u32 s19, $0x2;
	[dreg:$0x13] =	wrdreg s25  }
0xf: {  	s5 =	sor.u32 s4, s5;
	s16 =	sadd.s32 $0x1600, s6;
	[dreg:$0x15] =	wrdreg s30  }
0x10: {  	s26 =	sadd.s32 $0x2D80, s23;
	s17 =	sadd.s32 $0x2000, s6;
	[dreg:$0xa] =	wrdreg s16  }
0x11: {  	s5 =	sshrl.u32 s5, $0x3;
	s18 =	sadd.s32 $0x2A00, s6;
	[dreg:$0xb] =	wrdreg s17  }
0x12: {  	s6 =	sadd.s32 $0x3400, s6;
	s5 =	sadd.s32 s5, s3;
	[dreg:$0xc] =	wrdreg s18  }
0x13: {  	[dreg:$0xd] =	wrdreg s6;
	s14 =	sadd.s32 $0x3E00, s5;
	s5 =	sadd.s32 $0x4800, s5  }
0x14: {  	s3 =	sadd.s32 $0x6200, s3;
	[dreg:$0x9] =	wrdreg s5;
	s5 =	sshrl.u32 s15, $0x3  }
0x15: {  	s1 =	sadd.s32 s3, s1;
	[dreg:$0x8] =	wrdreg s14;
	s5 =	sadd.s32 s3, s5  }
0x16: {  	s4 =	sadd.s32 $0x580, s23;
	[dreg:$0xe] =	wrdreg s1;
	s20 =	sadd.s32 $0x10, s5  }
0x17: {  	s28 =	sadd.s32 $0x4180, s23;
	s21 =	sadd.s32 $0x20, s5;
	[dreg:$0xf] =	wrdreg s20  }
0x18: {  	v5 =	vlaneseq.u32;
	vm0 =	vcmask $0x300;
	s29 =	sadd.s32 $0x1980, s23;
	s22 =	sadd.s32 $0x30, s5;
	[dreg:$0x10] =	wrdreg s21  }
0x19: {  	vm1 =	vcmask $0x704;
	v0 =	vmov s26;
	v1 =	vmov s4;
	s1 =	sadd.s32 $0xA580, s23;
	s24 =	sadd.s32 $0x40, s5;
	[dreg:$0x11] =	wrdreg s22  }
0x1a: {  	s2 =	simm.s32 $0x0;
	v2 =	vmov s28;
	v3 =	vmov s29;
	v4 =	vmov s1;
	[dreg:$0x12] =	wrdreg s24;
	s24 =	smul.u32 $0x280, s10  }
.LBB2_1:
0x1b: {  	[dreg:$0x17] =	wrdreg s2  }
0x1c: {  	s0 =	rddreg [dreg:$0x8];
	s1 =	simm.s32 $0x80  }
0x1d: {  	s10 =	simm.s32 $0x200;
	s3 =	simm.s32 $0x40;
	s11 =	simm.s32 $0x1  }
0x1e: {  	[tilespmem:s3], [sflag:$0x1] =	stream.strided.gather [hbm4b:s0+s1], $0x280, s10, s1, $0x38;
	[tilespmem:$0xBF40] =	vst v63  }
0x1f: {  	_ =	swait.ge [sflag:s11], $0x280  }
0x20: {  	[sflag:s11] =	ssyncset.done $0x0  }
0x21: {  	s4 =	simm.s32 $0x2C0;
	s12 =	rddreg [dreg:$0x9];
	[sflag:s11] =	ssyncadd.s32 $0xFFFFFD80  }
0x22: {  	[tilespmem:s4], [sflag:$0x1] =	stream.strided.gather [hbm4b:s12+s1], $0x280, s10, s1, $0x38;
	[tilespmem:$0xBF40] =	vst v63  }
0x23: {  	_ =	swait.ge [sflag:s11], $0x280  }
0x24: {  	[sflag:s11] =	ssyncset.done $0x0  }
0x25: {  	s14 =	simm.s32 $0x540;
	s13 =	rddreg [dreg:$0xa];
	[sflag:s11] =	ssyncadd.s32 $0xFFFFFD80  }
0x26: {  	[tilespmem:s14], [sflag:$0x1] =	stream.strided.gather [hbm4b:s13+s1], $0x1400, s10, s1, $0x38;
	[tilespmem:$0xBF40] =	vst v63  }
0x27: {  	_ =	swait.ge [sflag:s11], $0x1400  }
0x28: {  	[sflag:s11] =	ssyncset.done $0x0  }
0x29: {  	s16 =	simm.s32 $0x1940;
	s15 =	rddreg [dreg:$0xb];
	[sflag:s11] =	ssyncadd.s32 $0xFFFFEC00  }
0x2a: {  	[tilespmem:s16], [sflag:$0x1] =	stream.strided.gather [hbm4b:s15+s1], $0x1400, s10, s1, $0x38;
	[tilespmem:$0xBF40] =	vst v63  }
0x2b: {  	_ =	swait.ge [sflag:s11], $0x1400  }
0x2c: {  	[sflag:s11] =	ssyncset.done $0x0  }
0x2d: {  	s18 =	simm.s32 $0x2D40;
	s17 =	rddreg [dreg:$0xc];
	[sflag:s11] =	ssyncadd.s32 $0xFFFFEC00  }
0x2e: {  	[tilespmem:s18], [sflag:$0x1] =	stream.strided.gather [hbm4b:s17+s1], $0x1400, s10, s1, $0x38;
	[tilespmem:$0xBF40] =	vst v63  }
0x2f: {  	_ =	swait.ge [sflag:s11], $0x1400  }
0x30: {  	[sflag:s11] =	ssyncset.done $0x0  }
0x31: {  	s20 =	simm.s32 $0x4140;
	s19 =	rddreg [dreg:$0xd];
	[sflag:s11] =	ssyncadd.s32 $0xFFFFEC00  }
0x32: {  	[tilespmem:s20], [sflag:$0x1] =	stream.strided.gather [hbm4b:s19+s1], $0x1400, s10, s1, $0x38;
	[tilespmem:$0xBF40] =	vst v63  }
0x33: {  	_ =	swait.ge [sflag:s11], $0x1400  }
0x34: {  	s21 =	simm.s32 $0x0;
	[sflag:s11] =	ssyncset.done $0x0  }
0x35: {  	s23 =	simm.s32 $0x5540;
	s22 =	rddreg [dreg:$0x4];
	[sflag:s11] =	ssyncadd.s32 $0xFFFFEC00  }
0x36: {  	[tilespmem:s23], [sflag:$0x1] =	stream.linear.gather [hbm4b:s22+s21], $0x1400, $0x38;
	[tilespmem:$0xBF40] =	vst v63  }
0x37: {  	_ =	swait.ge [sflag:s11], $0x1400  }
0x38: {  	[sflag:s11] =	ssyncset.done $0x0  }
0x39: {  	s26 =	simm.s32 $0x6940;
	s25 =	rddreg [dreg:$0x5];
	[sflag:s11] =	ssyncadd.s32 $0xFFFFEC00  }
0x3a: {  	[tilespmem:s26], [sflag:$0x1] =	stream.linear.gather [hbm4b:s25+s21], $0x1400, $0x38;
	[tilespmem:$0xBF40] =	vst v63  }
0x3b: {  	_ =	swait.ge [sflag:s11], $0x1400  }
0x3c: {  	[sflag:s11] =	ssyncset.done $0x0  }
0x3d: {  	s29 =	simm.s32 $0x7D40;
	s28 =	rddreg [dreg:$0x6];
	[sflag:s11] =	ssyncadd.s32 $0xFFFFEC00  }
0x3e: {  	[tilespmem:s29], [sflag:$0x1] =	stream.linear.gather [hbm4b:s28+s21], $0x1400, $0x38;
	[tilespmem:$0xBF40] =	vst v63  }
0x3f: {  	_ =	swait.ge [sflag:s11], $0x1400  }
0x40: {  	[sflag:s11] =	ssyncset.done $0x0  }
0x41: {  	s31 =	simm.s32 $0x9140;
	s30 =	rddreg [dreg:$0x7];
	[sflag:s11] =	ssyncadd.s32 $0xFFFFEC00  }
0x42: {  	[tilespmem:s31], [sflag:$0x1] =	stream.linear.gather [hbm4b:s30+s21], $0x1400, $0x38;
	[tilespmem:$0xBF40] =	vst v63  }
0x43: {  	_ =	swait.ge [sflag:s11], $0x1400  }
0x44: {  	[sflag:s11] =	ssyncset.done $0x0  }
0x45: {  	s0 =	simm.s32 $0x0;
	[sflag:s11] =	ssyncadd.s32 $0xFFFFEC00  }
0x46: {  	v17 =	vld [tilespmem:s0+$0x5540]  }
0x47: {  	v18 =	vld [tilespmem:s0+$0x6940]  }
0x48: {  	v19 =	vld [tilespmem:s0+$0x7D40]  }
0x49: {  	v20 =	vld [tilespmem:s0+$0x9140]  }
0x4a: {  	v21 =	vld [tilespmem:s0+$0x5550]  }
0x4b: {  	v22 =	vld [tilespmem:s0+$0x6950]  }
0x4c: {  	v23 =	vld [tilespmem:s0+$0x7D50]  }
0x4d: {  	v24 =	vld [tilespmem:s0+$0x9150]  }
0x4e: {  	v25 =	vld [tilespmem:s0+$0x5560]  }
0x4f: {  	v26 =	vld [tilespmem:s0+$0x6960]  }
0x50: {  	v27 =	vld [tilespmem:s0+$0x7D60]  }
0x51: {  	v28 =	vld [tilespmem:s0+$0x9160]  }
0x52: {  	v29 =	vld [tilespmem:s0+$0x5570]  }
0x53: {  	v30 =	vld [tilespmem:s0+$0x6970]  }
0x54: {  	v31 =	vld [tilespmem:s0+$0x7D70]  }
0x55: {  	v32 =	vld [tilespmem:s0+$0x9170]  }
0x56: {  	v33 =	vld [tilespmem:s0+$0x5580]  }
0x57: {  	v34 =	vld [tilespmem:s0+$0x6980]  }
0x58: {  	v35 =	vld [tilespmem:s0+$0x7D80]  }
0x59: {  	v36 =	vld [tilespmem:s0+$0x9180]  }
0x5a: {  	v37 =	vld [tilespmem:s0+$0x5590]  }
0x5b: {  	v16 =	vld [tilespmem:s0+$0x6990]  }
0x5c: {  	v15 =	vld [tilespmem:s0+$0x7D90]  }
0x5d: {  	v14 =	vld [tilespmem:s0+$0x9190]  }
0x5e: {  	v13 =	vld [tilespmem:s0+$0x55A0]  }
0x5f: {  	v12 =	vld [tilespmem:s0+$0x69A0]  }
0x60: {  	v11 =	vld [tilespmem:s0+$0x7DA0]  }
0x61: {  	v38 =	vld [tilespmem:s0+$0x540]  }
0x62: {  	v39 =	vld [tilespmem:s0+$0x1940]  }
0x63: {  	v40 =	vld [tilespmem:s0+$0x2D40]  }
0x64: {  	v41 =	vld [tilespmem:s0+$0x4140]  }
0x65: {  	v42 =	vld [tilespmem:s0+$0x550]  }
0x66: {  	v46 =	vld [tilespmem:s0+$0x1950]  }
0x67: {  	v43 =	vld [tilespmem:s0+$0x2D50]  }
0x68: {  	v47 =	vld [tilespmem:s0+$0x4150]  }
0x69: {  	v48 =	vld [tilespmem:s0+$0x560]  }
0x6a: {  	v49 =	vld [tilespmem:s0+$0x1960]  }
0x6b: {  	v50 =	vld [tilespmem:s0+$0x2D60];
	v17 =	vsub.f32 v17, v38  }
0x6c: {  	v51 =	vld [tilespmem:s0+$0x4160];
	v18 =	vsub.f32 v18, v39  }
0x6d: {  	v52 =	vld [tilespmem:s0+$0x570];
	v19 =	vadd.f32 v40, v19;
	v17 =	vmax.f32 v17, $0.0e+00  }
0x6e: {  	v44 =	vld [tilespmem:s0+$0x2D80];
	v20 =	vadd.f32 v41, v20;
	v18 =	vmax.f32 v18, $0.0e+00;
	[tilespmem:s0+$0x540] =	vst v17  }
0x6f: {  	v53 =	vld [tilespmem:s0+$0x1970];
	v21 =	vsub.f32 v21, v42;
	v22 =	vsub.f32 v22, v46;
	v19 =	vmin.f32 v19, $5.110000000e+02;
	[tilespmem:s0+$0x1940] =	vst v18  }
0x70: {  	v54 =	vld [tilespmem:s0+$0x2D70];
	v23 =	vadd.f32 v43, v23;
	v24 =	vadd.f32 v47, v24;
	v20 =	vmin.f32 v20, $5.110000000e+02;
	[tilespmem:s0+$0x2D40] =	vst v19  }
0x71: {  	v55 =	vld [tilespmem:s0+$0x4170];
	v25 =	vsub.f32 v25, v48;
	v26 =	vsub.f32 v26, v49;
	v21 =	vmax.f32 v21, $0.0e+00;
	[tilespmem:s0+$0x4140] =	vst v20  }
0x72: {  	v10 =	vld [tilespmem:s0+$0x91A0];
	v27 =	vadd.f32 v50, v27;
	v28 =	vadd.f32 v51, v28;
	v22 =	vmax.f32 v22, $0.0e+00;
	[tilespmem:s0+$0x550] =	vst v21  }
0x73: {  	v57 =	vld [tilespmem:s0+$0x1980];
	v29 =	vsub.f32 v29, v52;
	v63 =	vadd.f32 v44, v35;
	v23 =	vmin.f32 v23, $5.110000000e+02;
	[tilespmem:s0+$0x1950] =	vst v22  }
0x74: {  	v45 =	vld [tilespmem:s0+$0x4180];
	v24 =	vmin.f32 v24, $5.110000000e+02;
	v25 =	vmax.f32 v25, $0.0e+00;
	v58 =	vmin.f32 v28, $5.110000000e+02;
	[tilespmem:s0+$0x2D50] =	vst v23  }
0x75: {  	v9 =	vld [tilespmem:s0+$0x55B0];
	v28 =	vsub.f32 v30, v53;
	v59 =	vmax.f32 v29, $0.0e+00;
	v29 =	vadd.f32 v54, v31;
	[tilespmem:s0+$0x4150] =	vst v24  }
0x76: {  	v56 =	vmax.f32 v26, $0.0e+00;
	v26 =	vld [tilespmem:s0+$0x580];
	[tilespmem:s0+$0x560] =	vst v25;
	v17 =	vsub.f32 v19, v17;
	v19 =	vadd.f32 v55, v32  }
0x77: {  	v8 =	vld [tilespmem:s0+$0x69B0];
	v27 =	vmin.f32 v27, $5.110000000e+02;
	[tilespmem:s0+$0x1960] =	vst v56;
	v18 =	vsub.f32 v20, v18;
	v20 =	vsub.f32 v23, v21  }
0x78: {  	v7 =	vld [tilespmem:s0+$0x7DB0];
	[tilespmem:s0+$0x2D60] =	vst v27;
	v21 =	vsub.f32 v24, v22;
	v24 =	vsub.f32 v27, v25  }
0x79: {  	v6 =	vld [tilespmem:s0+$0x91B0];
	[tilespmem:s0+$0x4160] =	vst v58;
	v25 =	vsub.f32 v34, v57;
	v34 =	vadd.f32 v45, v36;
	v32 =	vmin.f32 v63, $5.110000000e+02  }
0x7a: {  	v60 =	vld [tilespmem:s0+$0x590];
	[tilespmem:s0+$0x570] =	vst v59;
	v31 =	vmax.f32 v28, $0.0e+00;
	v61 =	vmin.f32 v29, $5.110000000e+02;
	v23 =	vmin.f32 v19, $5.110000000e+02  }
0x7b: {  	v28 =	vld [tilespmem:s0+$0x1990];
	[tilespmem:s0+$0x1970] =	vst v31;
	v19 =	vmax.f32 v20, $0.0e+00;
	v20 =	vmax.f32 v21, $0.0e+00;
	v22 =	vsub.f32 v33, v26  }
0x7c: {  	v29 =	vld [tilespmem:s0+$0x2D90];
	[tilespmem:s0+$0x2D70] =	vst v61;
	v21 =	vmax.f32 v24, $0.0e+00;
	v24 =	vsub.f32 v61, v59;
	v27 =	vmax.f32 v25, $0.0e+00  }
0x7d: {  	v30 =	vld [tilespmem:s0+$0x4190];
	[tilespmem:s0+$0x4170] =	vst v23;
	v62 =	vsub.f32 v23, v31;
	v26 =	vmax.f32 v22, $0.0e+00;
	v22 =	vsub.f32 v58, v56  }
0x7e: {  	v17 =	vmax.f32 v17, $0.0e+00;
	v18 =	vmax.f32 v18, $0.0e+00;
	v31 =	vld [tilespmem:s0+$0x5A0];
	[tilespmem:s0+$0x1980] =	vst v27;
	v23 =	vmax.f32 v24, $0.0e+00  }
0x7f: {  	s1 =	simm.s32 $0x200;
	v25 =	vld [tilespmem:s0+$0x19A0];
	v33 =	vsub.f32 v37, v60;
	v24 =	vmax.f32 v62, $0.0e+00;
	[tilespmem:s0+$0x580] =	vst v26;
	v22 =	vmax.f32 v22, $0.0e+00  }
.LBB2_2:
0x80: {  	p0 =	sne.s32 s1, $0x4E00;
	v34 =	vmin.f32 v34, $5.110000000e+02;
	[tilespmem:s0+$0x2D80] =	vst v32;
	v26 =	vsub.f32 v32, v26;
	v16 =	vsub.f32 v16, v28;
	v28 =	vld [tilespmem:s0+$0x2DA0]  }
0x81: {  	[tilespmem:s0+$0x4180] =	vst v34;
	v27 =	vsub.f32 v34, v27;
	v32 =	vmax.f32 v33, $0.0e+00;
	v15 =	vadd.f32 v29, v15;
	v29 =	vld [tilespmem:s0+$0x41A0]  }
0x82: {  	v26 =	vmax.f32 v26, $0.0e+00;
	v16 =	vmax.f32 v16, $0.0e+00;
	v14 =	vadd.f32 v30, v14;
	[tilespmem:s0+$0x590] =	vst v32;
	v30 =	vld [tilespmem:s0+$0x5B0]  }
0x83: {  	v27 =	vmax.f32 v27, $0.0e+00;
	v15 =	vmin.f32 v15, $5.110000000e+02;
	[tilespmem:s0+$0x1990] =	vst v16;
	v13 =	vsub.f32 v13, v31;
	v31 =	vld [tilespmem:s0+$0x19B0]  }
0x84: {  	v14 =	vmin.f32 v14, $5.110000000e+02;
	[tilespmem:s0+$0x2D90] =	vst v15;
	v15 =	vsub.f32 v15, v32;
	v12 =	vsub.f32 v12, v25;
	v25 =	vld [tilespmem:s0+$0x2DB0]  }
0x85: {  	s2 =	sshra.s32 s1, $0x2;
	[tilespmem:s0+$0x4190] =	vst v14;
	v14 =	vsub.f32 v14, v16;
	v13 =	vmax.f32 v13, $0.0e+00;
	v11 =	vadd.f32 v28, v11;
	v16 =	vld [tilespmem:s0+$0x41B0]  }
0x86: {  	v28 =	vld [tilespmem:s2+$0x5540];
	v15 =	vmax.f32 v15, $0.0e+00;
	v12 =	vmax.f32 v12, $0.0e+00;
	v10 =	vadd.f32 v29, v10;
	[tilespmem:s0+$0x5A0] =	vst v13  }
0x87: {  	v29 =	vld [tilespmem:s2+$0x6940];
	v14 =	vmax.f32 v14, $0.0e+00;
	v11 =	vmin.f32 v11, $5.110000000e+02;
	[tilespmem:s0+$0x19A0] =	vst v12;
	v9 =	vsub.f32 v9, v30  }
0x88: {  	v30 =	vld [tilespmem:s2+$0x7D40];
	v10 =	vmin.f32 v10, $5.110000000e+02;
	[tilespmem:s0+$0x2DA0] =	vst v11;
	v11 =	vsub.f32 v11, v13;
	v8 =	vsub.f32 v8, v31  }
0x89: {  	v31 =	vld [tilespmem:s2+$0x9140];
	[tilespmem:s0+$0x41A0] =	vst v10;
	v10 =	vsub.f32 v10, v12;
	v9 =	vmax.f32 v9, $0.0e+00;
	v7 =	vadd.f32 v25, v7  }
0x8a: {  	v32 =	vld [tilespmem:s2+$0x5550];
	v11 =	vmax.f32 v11, $0.0e+00;
	v8 =	vmax.f32 v8, $0.0e+00;
	v6 =	vadd.f32 v16, v6;
	[tilespmem:s0+$0x5B0] =	vst v9  }
0x8b: {  	v12 =	vmul.f32 v18, v17;
	v33 =	vld [tilespmem:s2+$0x6950];
	v10 =	vmax.f32 v10, $0.0e+00;
	v7 =	vmin.f32 v7, $5.110000000e+02;
	[tilespmem:s0+$0x19B0] =	vst v8  }
0x8c: {  	v13 =	vmul.f32 v20, v19;
	v17 =	vld [tilespmem:s2+$0x7D50];
	v6 =	vmin.f32 v6, $5.110000000e+02;
	[tilespmem:s0+$0x2DB0] =	vst v7;
	v7 =	vsub.f32 v7, v9  }
0x8d: {  	v16 =	vmul.f32 v24, v23;
	v9 =	vmul.f32 v22, v21;
	v18 =	vld [tilespmem:s2+$0x9150];
	[tilespmem:s0+$0x41B0] =	vst v6;
	v6 =	vsub.f32 v6, v8  }
0x8e: {  	v8 =	vmul.f32 v27, v26;
	v19 =	vld [tilespmem:s2+$0x5560];
	[tilespmem:s0+$0xA540] =	vst v12;
	v12 =	vmul.f32 v14, v15;
	v7 =	vmax.f32 v7, $0.0e+00  }
0x8f: {  	v10 =	vmul.f32 v10, v11;
	v20 =	vld [tilespmem:s2+$0x6960];
	[tilespmem:s0+$0xA550] =	vst v13;
	v6 =	vmax.f32 v6, $0.0e+00  }
0x90: {  	v21 =	vld [tilespmem:s2+$0x7D60];
	[tilespmem:s0+$0xA560] =	vst v9;
	v6 =	vmul.f32 v6, v7  }
0x91: {  	v22 =	vld [tilespmem:s2+$0x9160];
	[tilespmem:s0+$0xA570] =	vst v16  }
0x92: {  	v34 =	vld [tilespmem:s2+$0x5570];
	[tilespmem:s0+$0xA580] =	vst v8  }
0x93: {  	v35 =	vld [tilespmem:s2+$0x6970];
	[tilespmem:s0+$0xA590] =	vst v12  }
0x94: {  	v36 =	vld [tilespmem:s2+$0x7D70];
	[tilespmem:s0+$0xA5A0] =	vst v10  }
0x95: {  	v37 =	vld [tilespmem:s2+$0x9170];
	[tilespmem:s0+$0xA5B0] =	vst v6;
	s0 =	smov.u32 s2  }
0x96: {  	v27 =	vld [tilespmem:s0+$0x5580]  }
0x97: {  	v26 =	vld [tilespmem:s0+$0x6980]  }
0x98: {  	v23 =	vld [tilespmem:s0+$0x7D80]  }
0x99: {  	v24 =	vld [tilespmem:s0+$0x9180]  }
0x9a: {  	v25 =	vld [tilespmem:s0+$0x5590]  }
0x9b: {  	v16 =	vld [tilespmem:s0+$0x6990]  }
0x9c: {  	v15 =	vld [tilespmem:s0+$0x7D90]  }
0x9d: {  	v14 =	vld [tilespmem:s0+$0x9190]  }
0x9e: {  	v13 =	vld [tilespmem:s0+$0x55A0]  }
0x9f: {  	v12 =	vld [tilespmem:s0+$0x69A0]  }
0xa0: {  	v11 =	vld [tilespmem:s0+$0x7DA0]  }
0xa1: {  	v10 =	vld [tilespmem:s0+$0x91A0]  }
0xa2: {  	v9 =	vld [tilespmem:s0+$0x55B0]  }
0xa3: {  	v8 =	vld [tilespmem:s0+$0x69B0]  }
0xa4: {  	v7 =	vld [tilespmem:s0+$0x7DB0]  }
0xa5: {  	v6 =	vld [tilespmem:s0+$0x91B0]  }
0xa6: {  	v38 =	vld [tilespmem:s0+$0x540]  }
0xa7: {  	v39 =	vld [tilespmem:s0+$0x1940]  }
0xa8: {  	v40 =	vld [tilespmem:s0+$0x2D40]  }
0xa9: {  	v41 =	vld [tilespmem:s0+$0x4140]  }
0xaa: {  	v42 =	vld [tilespmem:s0+$0x550]  }
0xab: {  	v28 =	vsub.f32 v28, v38;
	v38 =	vld [tilespmem:s0+$0x1950]  }
0xac: {  	v29 =	vsub.f32 v29, v39;
	v39 =	vld [tilespmem:s0+$0x2D50]  }
0xad: {  	v28 =	vmax.f32 v28, $0.0e+00;
	v30 =	vadd.f32 v40, v30;
	v40 =	vld [tilespmem:s0+$0x4150]  }
0xae: {  	v29 =	vmax.f32 v29, $0.0e+00;
	v31 =	vadd.f32 v41, v31;
	[tilespmem:s0+$0x540] =	vst v28;
	v41 =	vld [tilespmem:s0+$0x560]  }
0xaf: {  	v30 =	vmin.f32 v30, $5.110000000e+02;
	[tilespmem:s0+$0x1940] =	vst v29;
	v32 =	vsub.f32 v32, v42;
	v42 =	vld [tilespmem:s0+$0x1960]  }
0xb0: {  	v31 =	vmin.f32 v31, $5.110000000e+02;
	[tilespmem:s0+$0x2D40] =	vst v30;
	v28 =	vsub.f32 v30, v28;
	v30 =	vsub.f32 v33, v38;
	v33 =	vld [tilespmem:s0+$0x2D60]  }
0xb1: {  	[tilespmem:s0+$0x4140] =	vst v31;
	v29 =	vsub.f32 v31, v29;
	v31 =	vmax.f32 v32, $0.0e+00;
	v32 =	vadd.f32 v39, v17;
	v38 =	vld [tilespmem:s0+$0x4160]  }
0xb2: {  	v17 =	vmax.f32 v28, $0.0e+00;
	v28 =	vmax.f32 v30, $0.0e+00;
	v30 =	vadd.f32 v40, v18;
	[tilespmem:s0+$0x550] =	vst v31;
	v39 =	vld [tilespmem:s0+$0x570]  }
0xb3: {  	v18 =	vmax.f32 v29, $0.0e+00;
	v29 =	vmin.f32 v32, $5.110000000e+02;
	[tilespmem:s0+$0x1950] =	vst v28;
	v19 =	vsub.f32 v19, v41;
	v32 =	vld [tilespmem:s0+$0x1970]  }
0xb4: {  	v30 =	vmin.f32 v30, $5.110000000e+02;
	[tilespmem:s0+$0x2D50] =	vst v29;
	v29 =	vsub.f32 v29, v31;
	v20 =	vsub.f32 v20, v42;
	v31 =	vld [tilespmem:s0+$0x2D70]  }
0xb5: {  	[tilespmem:s0+$0x4150] =	vst v30;
	v28 =	vsub.f32 v30, v28;
	v30 =	vmax.f32 v19, $0.0e+00;
	v21 =	vadd.f32 v33, v21;
	v33 =	vld [tilespmem:s0+$0x4170]  }
0xb6: {  	v19 =	vmax.f32 v29, $0.0e+00;
	v29 =	vmax.f32 v20, $0.0e+00;
	v22 =	vadd.f32 v38, v22;
	[tilespmem:s0+$0x560] =	vst v30;
	v38 =	vld [tilespmem:s0+$0x580]  }
0xb7: {  	v20 =	vmax.f32 v28, $0.0e+00;
	v21 =	vmin.f32 v21, $5.110000000e+02;
	[tilespmem:s0+$0x1960] =	vst v29;
	v28 =	vsub.f32 v34, v39;
	v34 =	vld [tilespmem:s0+$0x1980]  }
0xb8: {  	v22 =	vmin.f32 v22, $5.110000000e+02;
	[tilespmem:s0+$0x2D60] =	vst v21;
	v21 =	vsub.f32 v21, v30;
	v30 =	vsub.f32 v35, v32;
	v32 =	vld [tilespmem:s0+$0x2D80]  }
0xb9: {  	[tilespmem:s0+$0x4160] =	vst v22;
	v22 =	vsub.f32 v22, v29;
	v29 =	vmax.f32 v28, $0.0e+00;
	v28 =	vadd.f32 v31, v36;
	v31 =	vld [tilespmem:s0+$0x4180]  }
0xba: {  	v21 =	vmax.f32 v21, $0.0e+00;
	v30 =	vmax.f32 v30, $0.0e+00;
	v33 =	vadd.f32 v33, v37;
	[tilespmem:s0+$0x570] =	vst v29;
	v35 =	vld [tilespmem:s0+$0x590]  }
.Ltmp0:
0xbb: {  	v22 =	vmax.f32 v22, $0.0e+00;
	v36 =	vmin.f32 v28, $5.110000000e+02;
	[tilespmem:s0+$0x1970] =	vst v30;
	v27 =	vsub.f32 v27, v38;
	v28 =	vld [tilespmem:s0+$0x1990];
	(pc) =	sbr.rel @p0 .LBB2_2-.Ltmp0, $4  }
0xbc: {  	v33 =	vmin.f32 v33, $5.110000000e+02;
	[tilespmem:s0+$0x2D70] =	vst v36;
	v36 =	vsub.f32 v36, v29;
	v34 =	vsub.f32 v26, v34;
	v29 =	vld [tilespmem:s0+$0x2D90]  }
0xbd: {  	[tilespmem:s0+$0x4170] =	vst v33;
	v33 =	vsub.f32 v33, v30;
	v26 =	vmax.f32 v27, $0.0e+00;
	v32 =	vadd.f32 v32, v23;
	v30 =	vld [tilespmem:s0+$0x4190]  }
0xbe: {  	v23 =	vmax.f32 v36, $0.0e+00;
	v27 =	vmax.f32 v34, $0.0e+00;
	v34 =	vadd.f32 v31, v24;
	[tilespmem:s0+$0x580] =	vst v26;
	v31 =	vld [tilespmem:s0+$0x5A0]  }
0xbf: {  	s1 =	sadd.s32 $0x200, s1;
	v24 =	vmax.f32 v33, $0.0e+00;
	v32 =	vmin.f32 v32, $5.110000000e+02;
	[tilespmem:s0+$0x1980] =	vst v27;
	v33 =	vsub.f32 v25, v35;
	v25 =	vld [tilespmem:s0+$0x19A0]  }
0xc0: {  	[tilespmem:s0+$0x2D80] =	vst v32;
	v34 =	vmin.f32 v34, $5.110000000e+02  }
0xc1: {  	v45 =	vmul.f32 v18, v17;
	[tilespmem:s0+$0x4180] =	vst v34;
	v38 =	vmax.f32 v33, $0.0e+00  }
0xc2: {  	v35 =	vld [tilespmem:s0+$0x2DA0];
	v19 =	vmul.f32 v20, v19;
	[tilespmem:s0+$0x590] =	vst v38  }
0xc3: {  	v39 =	vld [tilespmem:s0+$0x41A0];
	v48 =	vmul.f32 v22, v21;
	[tilespmem:s0+$0xA540] =	vst v45  }
0xc4: {  	v16 =	vsub.f32 v16, v28;
	v40 =	vld [tilespmem:s0+$0x5B0];
	v49 =	vmul.f32 v24, v23;
	[tilespmem:s0+$0xA550] =	vst v19  }
0xc5: {  	v41 =	vld [tilespmem:s0+$0x19B0];
	v15 =	vadd.f32 v29, v15;
	[tilespmem:s0+$0xA560] =	vst v48  }
0xc6: {  	v42 =	vld [tilespmem:s0+$0x2DB0];
	v26 =	vsub.f32 v32, v26;
	v16 =	vmax.f32 v16, $0.0e+00;
	v14 =	vadd.f32 v30, v14;
	[tilespmem:s0+$0xA570] =	vst v49  }
0xc7: {  	v43 =	vld [tilespmem:s0+$0x41B0];
	v44 =	vsub.f32 v34, v27;
	[tilespmem:s0+$0x1990] =	vst v16;
	v15 =	vmin.f32 v15, $5.110000000e+02;
	v13 =	vsub.f32 v13, v31  }
0xc8: {  	v46 =	vmax.f32 v26, $0.0e+00;
	[tilespmem:s0+$0x2D90] =	vst v15;
	v14 =	vmin.f32 v14, $5.110000000e+02;
	v12 =	vsub.f32 v12, v25  }
0xc9: {  	v47 =	vmax.f32 v44, $0.0e+00;
	[tilespmem:s0+$0x4190] =	vst v14;
	v13 =	vmax.f32 v13, $0.0e+00;
	v11 =	vadd.f32 v35, v11  }
0xca: {  	v15 =	vsub.f32 v15, v38;
	v10 =	vadd.f32 v39, v10;
	v12 =	vmax.f32 v12, $0.0e+00;
	[tilespmem:s0+$0x5A0] =	vst v13  }
0xcb: {  	v9 =	vsub.f32 v9, v40;
	v8 =	vsub.f32 v8, v41;
	v11 =	vmin.f32 v11, $5.110000000e+02;
	[tilespmem:s0+$0x19A0] =	vst v12  }
0xcc: {  	v7 =	vadd.f32 v42, v7;
	v6 =	vadd.f32 v43, v6;
	v10 =	vmin.f32 v10, $5.110000000e+02;
	[tilespmem:s0+$0x2DA0] =	vst v11  }
0xcd: {  	v14 =	vsub.f32 v14, v16;
	v15 =	vmax.f32 v15, $0.0e+00;
	v8 =	vmax.f32 v8, $0.0e+00;
	[tilespmem:s0+$0x41A0] =	vst v10  }
0xce: {  	v9 =	vmax.f32 v9, $0.0e+00;
	v7 =	vmin.f32 v7, $5.110000000e+02;
	v6 =	vmin.f32 v6, $5.110000000e+02;
	[tilespmem:s0+$0x19B0] =	vst v8  }
0xcf: {  	v14 =	vmax.f32 v14, $0.0e+00;
	[tilespmem:s0+$0x2DB0] =	vst v7;
	v11 =	vsub.f32 v11, v13;
	v10 =	vsub.f32 v10, v12  }
0xd0: {  	[tilespmem:s0+$0x41B0] =	vst v6;
	v7 =	vsub.f32 v7, v9;
	v6 =	vsub.f32 v6, v8;
	v8 =	vmul.f32 v47, v46  }
0xd1: {  	[tilespmem:s0+$0x5B0] =	vst v9;
	v9 =	vmax.f32 v11, $0.0e+00;
	v10 =	vmax.f32 v10, $0.0e+00;
	v11 =	vmul.f32 v14, v15  }
0xd2: {  	v7 =	vmax.f32 v7, $0.0e+00;
	v6 =	vmax.f32 v6, $0.0e+00;
	[tilespmem:s0+$0xA580] =	vst v8;
	v9 =	vmul.f32 v10, v9  }
0xd3: {  	v6 =	vmul.f32 v6, v7;
	[tilespmem:s0+$0xA590] =	vst v11  }
0xd4: {  	[tilespmem:s0+$0xA5A0] =	vst v9  }
0xd5: {  	[tilespmem:s0+$0xA5B0] =	vst v6;
	s0 =	simm.s32 $0x80  }
0xd6: {  	s5 =	simm.s32 $0x300;
	v6 =	vld [tilespmem:s0+$0xFFFFFFC0]  }
0xd7: {  	v7 =	vld [tilespmem:s5+$0xFFFFFFC0];
	_ =	sdelay $0x3  }
0xd8: {  	v6 =	vmul.f32 $1.442695020e+00, v6  }
0xd9: {  	v7 =	vmul.f32 $1.442695020e+00, v7  }
0xda: {  	(erf) = vpow2.f32 v6  }
0xdb: {  	(erf) = vpow2.f32 v7;
	_ =	sdelay $0x7  }
0xdc: {  	v6 =	vpop (erf)  }
0xdd: {  	v7 =	vpop (erf)  }
0xde: {  	v7 =	vadd.f32 v7, v6;
	_ =	sdelay $0x1  }
0xdf: {  	(erf) = vrcp.f32 v7;
	_ =	sdelay $0x8  }
0xe0: {  	s1 =	sadd.s32 $0x0, s24;
	v7 =	vpop (erf)  }
0xe1: {  	v8 =	vor.u32 s1, v5;
	v6 =	vmul.f32 v7, v6  }
0xe2: {  	vm2 =	vlt.u32 v8, $0x1388  }
0xe3: {  	s6 =	simm.s32 $0xB980;
	v6 =	vnsel vm2, $0xBF800000, v6  }
0xe4: {  	[tilespmem:s6+$0xFFFFFFC0] =	vst v6  }
0xe5: {  	v7 =	vld [tilespmem:s5+$0xFFFFFFD0]  }
0xe6: {  	v9 =	vld [tilespmem:s0+$0xFFFFFFD0];
	_ =	sdelay $0x3  }
0xe7: {  	v7 =	vmul.f32 $1.442695020e+00, v7  }
0xe8: {  	v9 =	vmul.f32 $1.442695020e+00, v9  }
0xe9: {  	(erf) = vpow2.f32 v7  }
0xea: {  	(erf) = vpow2.f32 v9;
	_ =	sdelay $0x7  }
0xeb: {  	v7 =	vpop (erf)  }
0xec: {  	v9 =	vpop (erf)  }
0xed: {  	v7 =	vadd.f32 v7, v9;
	_ =	sdelay $0x1  }
0xee: {  	(erf) = vrcp.f32 v7;
	_ =	sdelay $0x8  }
0xef: {  	s2 =	sadd.s32 $0x10, s1;
	v7 =	vpop (erf)  }
0xf0: {  	v10 =	vor.u32 s2, v5;
	v7 =	vmul.f32 v7, v9  }
0xf1: {  	vm2 =	vlt.u32 v10, $0x1388  }
0xf2: {  	v7 =	vnsel vm2, $0xBF800000, v7  }
0xf3: {  	[tilespmem:s6+$0xFFFFFFD0] =	vst v7  }
0xf4: {  	v9 =	vld [tilespmem:s0+$0xFFFFFFE0]  }
0xf5: {  	v11 =	vld [tilespmem:s5+$0xFFFFFFE0];
	_ =	sdelay $0x3  }
0xf6: {  	v9 =	vmul.f32 $1.442695020e+00, v9  }
0xf7: {  	v11 =	vmul.f32 $1.442695020e+00, v11  }
0xf8: {  	(erf) = vpow2.f32 v9  }
0xf9: {  	(erf) = vpow2.f32 v11;
	_ =	sdelay $0x7  }
0xfa: {  	v9 =	vpop (erf)  }
0xfb: {  	v11 =	vpop (erf)  }
0xfc: {  	v11 =	vadd.f32 v11, v9;
	_ =	sdelay $0x1  }
0xfd: {  	(erf) = vrcp.f32 v11;
	_ =	sdelay $0x8  }
0xfe: {  	s26 =	sadd.s32 $0x20, s1;
	v11 =	vpop (erf)  }
0xff: {  	v50 =	vor.u32 s26, v5;
	v9 =	vmul.f32 v11, v9  }
0x100: {  	vm2 =	vlt.u32 v50, $0x1388  }
0x101: {  	v9 =	vnsel vm2, $0xBF800000, v9  }
0x102: {  	[tilespmem:s6+$0xFFFFFFE0] =	vst v9  }
0x103: {  	v11 =	vld [tilespmem:s0+$0xFFFFFFF0]  }
0x104: {  	v51 =	vld [tilespmem:s5+$0xFFFFFFF0];
	_ =	sdelay $0x3  }
0x105: {  	v11 =	vmul.f32 $1.442695020e+00, v11  }
0x106: {  	v13 =	vmul.f32 $1.442695020e+00, v51  }
0x107: {  	(erf) = vpow2.f32 v11  }
0x108: {  	(erf) = vpow2.f32 v13;
	_ =	sdelay $0x7  }
0x109: {  	v11 =	vpop (erf)  }
0x10a: {  	v13 =	vpop (erf)  }
0x10b: {  	v13 =	vadd.f32 v13, v11;
	_ =	sdelay $0x1  }
0x10c: {  	(erf) = vrcp.f32 v13;
	_ =	sdelay $0x8  }
0x10d: {  	s28 =	sadd.s32 $0x30, s1;
	v13 =	vpop (erf)  }
0x10e: {  	v52 =	vor.u32 s28, v5;
	v11 =	vmul.f32 v13, v11  }
0x10f: {  	vm2 =	vlt.u32 v52, $0x1388  }
0x110: {  	v11 =	vnsel vm2, $0xBF800000, v11  }
0x111: {  	[tilespmem:s6+$0xFFFFFFF0] =	vst v11  }
0x112: {  	v53 =	vld [tilespmem:s0+$0x0]  }
0x113: {  	v54 =	vld [tilespmem:s5+$0x0];
	_ =	sdelay $0x3  }
0x114: {  	v13 =	vmul.f32 $1.442695020e+00, v53  }
0x115: {  	v15 =	vmul.f32 $1.442695020e+00, v54  }
0x116: {  	(erf) = vpow2.f32 v13  }
0x117: {  	(erf) = vpow2.f32 v15;
	_ =	sdelay $0x7  }
0x118: {  	v13 =	vpop (erf)  }
0x119: {  	v15 =	vpop (erf)  }
0x11a: {  	v15 =	vadd.f32 v15, v13;
	_ =	sdelay $0x1  }
0x11b: {  	(erf) = vrcp.f32 v15;
	_ =	sdelay $0x8  }
0x11c: {  	s29 =	sadd.s32 $0x40, s1;
	v15 =	vpop (erf)  }
0x11d: {  	v55 =	vor.u32 s29, v5;
	v13 =	vmul.f32 v15, v13  }
0x11e: {  	vm2 =	vlt.u32 v55, $0x1388  }
0x11f: {  	v13 =	vnsel vm2, $0xBF800000, v13  }
0x120: {  	[tilespmem:s6+$0x0] =	vst v13  }
0x121: {  	v56 =	vld [tilespmem:s0+$0x10]  }
0x122: {  	v57 =	vld [tilespmem:s5+$0x10];
	_ =	sdelay $0x3  }
0x123: {  	v15 =	vmul.f32 $1.442695020e+00, v56  }
0x124: {  	v17 =	vmul.f32 $1.442695020e+00, v57  }
0x125: {  	(erf) = vpow2.f32 v15  }
0x126: {  	(erf) = vpow2.f32 v17;
	_ =	sdelay $0x7  }
0x127: {  	v15 =	vpop (erf)  }
0x128: {  	v17 =	vpop (erf)  }
0x129: {  	v17 =	vadd.f32 v17, v15;
	_ =	sdelay $0x1  }
0x12a: {  	(erf) = vrcp.f32 v17;
	_ =	sdelay $0x8  }
0x12b: {  	s30 =	sadd.s32 $0x50, s1;
	v17 =	vpop (erf)  }
0x12c: {  	v58 =	vor.u32 s30, v5;
	v15 =	vmul.f32 v17, v15  }
0x12d: {  	vm2 =	vlt.u32 v58, $0x1388  }
0x12e: {  	v15 =	vnsel vm2, $0xBF800000, v15  }
0x12f: {  	[tilespmem:s6+$0x10] =	vst v15  }
0x130: {  	v59 =	vld [tilespmem:s0+$0x20]  }
0x131: {  	v19 =	vld [tilespmem:s5+$0x20];
	_ =	sdelay $0x3  }
0x132: {  	v17 =	vmul.f32 $1.442695020e+00, v59  }
0x133: {  	v19 =	vmul.f32 $1.442695020e+00, v19  }
0x134: {  	(erf) = vpow2.f32 v17  }
0x135: {  	(erf) = vpow2.f32 v19;
	_ =	sdelay $0x7  }
0x136: {  	v17 =	vpop (erf)  }
0x137: {  	v19 =	vpop (erf)  }
0x138: {  	v19 =	vadd.f32 v19, v17;
	_ =	sdelay $0x1  }
0x139: {  	(erf) = vrcp.f32 v19;
	_ =	sdelay $0x8  }
0x13a: {  	s31 =	sadd.s32 $0x60, s1;
	v19 =	vpop (erf)  }
0x13b: {  	v60 =	vor.u32 s31, v5;
	v17 =	vmul.f32 v19, v17  }
0x13c: {  	vm2 =	vlt.u32 v60, $0x1388  }
0x13d: {  	v17 =	vnsel vm2, $0xBF800000, v17  }
0x13e: {  	[tilespmem:s6+$0x20] =	vst v17  }
0x13f: {  	v61 =	vld [tilespmem:s0+$0x30]  }
0x140: {  	v62 =	vld [tilespmem:s5+$0x30];
	_ =	sdelay $0x3  }
0x141: {  	v19 =	vmul.f32 $1.442695020e+00, v61  }
0x142: {  	v21 =	vmul.f32 $1.442695020e+00, v62  }
0x143: {  	(erf) = vpow2.f32 v19  }
0x144: {  	(erf) = vpow2.f32 v21;
	_ =	sdelay $0x2  }
0x145: {  	v63 =	vimm.f32 $-2.000000000e+00  }
0x146: {  	vm2 =	vgt.f32 v6, v63  }
0x147: {  	v6 =	vsel vm2, v6, v63  }
0x148: {  	vm3 =	vgt.f32 v7, v6  }
0x149: {  	v6 =	vsel vm3, v7, v6;
	v7 =	vimm.s32 $0x0  }
0x14a: {  	vm4 =	vgt.f32 v9, v6;
	v7 =	vsel vm2, v8, v7;
	v8 =	vpop (erf)  }
0x14b: {  	v6 =	vsel vm4, v9, v6;
	v9 =	vpop (erf)  }
0x14c: {  	v9 =	vadd.f32 v9, v8  }
0x14d: {  	vm5 =	vgt.f32 v11, v6  }
0x14e: {  	v6 =	vsel vm5, v11, v6;
	(erf) = vrcp.f32 v9  }
0x14f: {  	v7 =	vsel vm3, v10, v7;
	vm2 =	vgt.f32 v13, v6  }
0x150: {  	v7 =	vsel vm4, v50, v7;
	v6 =	vsel vm2, v13, v6  }
0x151: {  	v7 =	vsel vm5, v52, v7;
	vm3 =	vgt.f32 v15, v6  }
0x152: {  	s1 =	sadd.s32 $0x70, s1;
	v7 =	vsel vm2, v55, v7;
	v6 =	vsel vm3, v15, v6  }
0x153: {  	v7 =	vsel vm3, v58, v7;
	vm15 =	vgt.f32 v17, v6;
	v9 =	vor.u32 s1, v5  }
0x154: {  	s15 =	simm.s32 $0x0;
	s8 =	simm.s32 $0x80;
	s7 =	simm.s32 $0xB980;
	v6 =	vsel vm15, v17, v6;
	v10 =	vsel vm15, v60, v7;
	vm2 =	vlt.u32 v9, $0x1388  }
.LBB2_4:
0x155: {  	s6 =	sadd.s32 $0x80, s6;
	s5 =	sadd.s32 $0x80, s5;
	s0 =	sadd.s32 $0x80, s0  }
0x156: {  	p0 =	sne.s32 s8, $0x200;
	s1 =	smov.u32 s8;
	s8 =	sadd.s32 $0x80, s8  }
0x157: {  	v7 =	vpop (erf)  }
0x158: {  	v7 =	vmul.f32 v7, v8;
	_ =	sdelay $0x1  }
0x159: {  	v7 =	vnsel vm2, $0xBF800000, v7  }
0x15a: {  	[tilespmem:s7+$0x30] =	vst v7;
	vm2 =	vgt.f32 v7, v6;
	s7 =	smov.u32 s6  }
0x15b: {  	v8 =	vld [tilespmem:s0+$0xFFFFFFC0];
	v7 =	vsel vm2, v7, v6;
	v9 =	vsel vm2, v9, v10  }
0x15c: {  	v6 =	vld [tilespmem:s5+$0xFFFFFFC0];
	_ =	sdelay $0x3  }
0x15d: {  	v8 =	vmul.f32 $1.442695020e+00, v8  }
0x15e: {  	v6 =	vmul.f32 $1.442695020e+00, v6  }
0x15f: {  	(erf) = vpow2.f32 v8  }
0x160: {  	(erf) = vpow2.f32 v6;
	_ =	sdelay $0x7  }
0x161: {  	v6 =	vpop (erf)  }
0x162: {  	v8 =	vpop (erf)  }
0x163: {  	v8 =	vadd.f32 v8, v6;
	_ =	sdelay $0x1  }
0x164: {  	(erf) = vrcp.f32 v8;
	_ =	sdelay $0x8  }
0x165: {  	s1 =	sadd.s32 s1, s24;
	v8 =	vpop (erf)  }
0x166: {  	s2 =	sadd.s32 $0x10, s1;
	s3 =	sadd.s32 $0x20, s1;
	s4 =	sadd.s32 $0x30, s1;
	v10 =	vor.u32 s1, v5;
	v6 =	vmul.f32 v8, v6  }
0x167: {  	s11 =	sadd.s32 $0x40, s1;
	s10 =	sadd.s32 $0x60, s1;
	v11 =	vor.u32 s3, v5;
	vm2 =	vlt.u32 v10, $0x1388;
	v8 =	vor.u32 s2, v5;
	s2 =	sadd.s32 $0x50, s1  }
0x168: {  	s9 =	sadd.s32 $0x70, s1;
	v12 =	vnsel vm2, $0xBF800000, v6;
	v6 =	vor.u32 s4, v5  }
0x169: {  	[tilespmem:s6+$0xFFFFFFC0] =	vst v12;
	vm2 =	vgt.f32 v12, v7  }
0x16a: {  	v9 =	vsel vm2, v10, v9;
	v10 =	vld [tilespmem:s5+$0xFFFFFFD0]  }
0x16b: {  	v13 =	vld [tilespmem:s0+$0xFFFFFFD0];
	_ =	sdelay $0x3  }
0x16c: {  	v10 =	vmul.f32 $1.442695020e+00, v10  }
0x16d: {  	v13 =	vmul.f32 $1.442695020e+00, v13  }
0x16e: {  	(erf) = vpow2.f32 v10  }
0x16f: {  	(erf) = vpow2.f32 v13;
	_ =	sdelay $0x7  }
0x170: {  	v10 =	vpop (erf)  }
0x171: {  	v13 =	vpop (erf)  }
0x172: {  	v10 =	vadd.f32 v10, v13;
	_ =	sdelay $0x1  }
0x173: {  	(erf) = vrcp.f32 v10;
	_ =	sdelay $0x8  }
0x174: {  	v10 =	vpop (erf)  }
0x175: {  	vm3 =	vlt.u32 v8, $0x1388;
	v10 =	vmul.f32 v10, v13;
	_ =	sdelay $0x1  }
0x176: {  	v7 =	vsel vm2, v12, v7;
	v10 =	vnsel vm3, $0xBF800000, v10  }
0x177: {  	[tilespmem:s6+$0xFFFFFFD0] =	vst v10;
	vm2 =	vgt.f32 v10, v7  }
0x178: {  	v8 =	vsel vm2, v8, v9;
	v9 =	vld [tilespmem:s0+$0xFFFFFFE0]  }
0x179: {  	v12 =	vld [tilespmem:s5+$0xFFFFFFE0];
	_ =	sdelay $0x3  }
0x17a: {  	v9 =	vmul.f32 $1.442695020e+00, v9  }
0x17b: {  	v12 =	vmul.f32 $1.442695020e+00, v12  }
0x17c: {  	(erf) = vpow2.f32 v9  }
0x17d: {  	(erf) = vpow2.f32 v12;
	_ =	sdelay $0x7  }
0x17e: {  	v9 =	vpop (erf)  }
0x17f: {  	v12 =	vpop (erf)  }
0x180: {  	v12 =	vadd.f32 v12, v9;
	_ =	sdelay $0x1  }
0x181: {  	(erf) = vrcp.f32 v12;
	_ =	sdelay $0x8  }
0x182: {  	vm3 =	vlt.u32 v11, $0x1388;
	v12 =	vpop (erf)  }
0x183: {  	v9 =	vmul.f32 v12, v9;
	_ =	sdelay $0x1  }
0x184: {  	v7 =	vsel vm2, v10, v7;
	v9 =	vnsel vm3, $0xBF800000, v9  }
0x185: {  	[tilespmem:s6+$0xFFFFFFE0] =	vst v9;
	vm2 =	vgt.f32 v9, v7  }
0x186: {  	v8 =	vsel vm2, v11, v8;
	v10 =	vld [tilespmem:s0+$0xFFFFFFF0]  }
0x187: {  	v11 =	vld [tilespmem:s5+$0xFFFFFFF0];
	_ =	sdelay $0x3  }
0x188: {  	v10 =	vmul.f32 $1.442695020e+00, v10  }
0x189: {  	v11 =	vmul.f32 $1.442695020e+00, v11  }
0x18a: {  	(erf) = vpow2.f32 v10  }
0x18b: {  	(erf) = vpow2.f32 v11;
	_ =	sdelay $0x7  }
0x18c: {  	v10 =	vpop (erf)  }
0x18d: {  	v11 =	vpop (erf)  }
0x18e: {  	v11 =	vadd.f32 v11, v10;
	_ =	sdelay $0x1  }
0x18f: {  	(erf) = vrcp.f32 v11;
	_ =	sdelay $0x7  }
0x190: {  	vm3 =	vlt.u32 v6, $0x1388  }
0x191: {  	v11 =	vpop (erf)  }
0x192: {  	v10 =	vmul.f32 v11, v10;
	_ =	sdelay $0x1  }
0x193: {  	v9 =	vsel vm2, v9, v7;
	v10 =	vnsel vm3, $0xBF800000, v10  }
0x194: {  	[tilespmem:s6+$0xFFFFFFF0] =	vst v10;
	vm2 =	vgt.f32 v10, v9  }
0x195: {  	v6 =	vsel vm2, v6, v8;
	v7 =	vld [tilespmem:s0+$0x0]  }
0x196: {  	v8 =	vld [tilespmem:s5+$0x0];
	_ =	sdelay $0x3  }
0x197: {  	v7 =	vmul.f32 $1.442695020e+00, v7  }
0x198: {  	v8 =	vmul.f32 $1.442695020e+00, v8  }
0x199: {  	(erf) = vpow2.f32 v7  }
0x19a: {  	(erf) = vpow2.f32 v8;
	_ =	sdelay $0x7  }
0x19b: {  	v8 =	vpop (erf)  }
0x19c: {  	v7 =	vpop (erf)  }
0x19d: {  	v7 =	vadd.f32 v7, v8;
	_ =	sdelay $0x1  }
0x19e: {  	(erf) = vrcp.f32 v7;
	_ =	sdelay $0x5  }
0x19f: {  	v7 =	vor.u32 s11, v5  }
0x1a0: {  	vm3 =	vlt.u32 v7, $0x1388;
	_ =	sdelay $0x1  }
0x1a1: {  	v11 =	vpop (erf)  }
0x1a2: {  	v8 =	vmul.f32 v11, v8;
	_ =	sdelay $0x1  }
0x1a3: {  	v9 =	vsel vm2, v10, v9;
	v8 =	vnsel vm3, $0xBF800000, v8  }
0x1a4: {  	[tilespmem:s6+$0x0] =	vst v8;
	vm2 =	vgt.f32 v8, v9  }
0x1a5: {  	v8 =	vsel vm2, v8, v9;
	v9 =	vld [tilespmem:s0+$0x10]  }
0x1a6: {  	v10 =	vld [tilespmem:s5+$0x10];
	_ =	sdelay $0x3  }
0x1a7: {  	v9 =	vmul.f32 $1.442695020e+00, v9  }
0x1a8: {  	v10 =	vmul.f32 $1.442695020e+00, v10  }
0x1a9: {  	(erf) = vpow2.f32 v9  }
0x1aa: {  	(erf) = vpow2.f32 v10;
	_ =	sdelay $0x7  }
0x1ab: {  	v9 =	vpop (erf)  }
0x1ac: {  	v10 =	vpop (erf)  }
0x1ad: {  	v10 =	vadd.f32 v10, v9;
	_ =	sdelay $0x1  }
0x1ae: {  	(erf) = vrcp.f32 v10;
	_ =	sdelay $0x4  }
0x1af: {  	v10 =	vor.u32 s2, v5  }
0x1b0: {  	vm3 =	vlt.u32 v10, $0x1388;
	_ =	sdelay $0x2  }
0x1b1: {  	v11 =	vpop (erf)  }
0x1b2: {  	v9 =	vmul.f32 v11, v9;
	_ =	sdelay $0x1  }
0x1b3: {  	v9 =	vnsel vm3, $0xBF800000, v9  }
0x1b4: {  	[tilespmem:s6+$0x10] =	vst v9;
	vm3 =	vgt.f32 v9, v8  }
0x1b5: {  	v11 =	vsel vm3, v9, v8;
	v8 =	vld [tilespmem:s0+$0x20]  }
0x1b6: {  	v9 =	vld [tilespmem:s5+$0x20];
	_ =	sdelay $0x3  }
0x1b7: {  	v8 =	vmul.f32 $1.442695020e+00, v8  }
0x1b8: {  	v9 =	vmul.f32 $1.442695020e+00, v9  }
0x1b9: {  	(erf) = vpow2.f32 v8  }
0x1ba: {  	(erf) = vpow2.f32 v9;
	_ =	sdelay $0x7  }
0x1bb: {  	v8 =	vpop (erf)  }
0x1bc: {  	v9 =	vpop (erf)  }
0x1bd: {  	v9 =	vadd.f32 v9, v8;
	_ =	sdelay $0x1  }
0x1be: {  	(erf) = vrcp.f32 v9;
	_ =	sdelay $0x3  }
0x1bf: {  	v12 =	vor.u32 s10, v5  }
0x1c0: {  	vm4 =	vlt.u32 v12, $0x1388;
	_ =	sdelay $0x3  }
0x1c1: {  	v9 =	vpop (erf)  }
0x1c2: {  	v8 =	vmul.f32 v9, v8;
	_ =	sdelay $0x1  }
0x1c3: {  	v13 =	vnsel vm4, $0xBF800000, v8  }
0x1c4: {  	[tilespmem:s6+$0x20] =	vst v13;
	vm4 =	vgt.f32 v13, v11  }
0x1c5: {  	v8 =	vld [tilespmem:s0+$0x30]  }
0x1c6: {  	v9 =	vld [tilespmem:s5+$0x30];
	_ =	sdelay $0x3  }
0x1c7: {  	v8 =	vmul.f32 $1.442695020e+00, v8  }
0x1c8: {  	v9 =	vmul.f32 $1.442695020e+00, v9  }
0x1c9: {  	(erf) = vpow2.f32 v8  }
0x1ca: {  	(erf) = vpow2.f32 v9;
	_ =	sdelay $0x7  }
0x1cb: {  	v8 =	vpop (erf)  }
0x1cc: {  	v9 =	vpop (erf)  }
0x1cd: {  	v9 =	vadd.f32 v9, v8;
	_ =	sdelay $0x1  }
0x1ce: {  	(erf) = vrcp.f32 v9;
	_ =	sdelay $0x1  }
.Ltmp1:
0x1cf: {  	(pc) =	sbr.rel @p0 .LBB2_4-.Ltmp1, $4  }
0x1d0: {  	v9 =	vor.u32 s9, v5  }
0x1d1: {  	v6 =	vsel vm2, v7, v6;
	vm2 =	vlt.u32 v9, $0x1388  }
0x1d2: {  	v7 =	vsel vm3, v10, v6;
	v6 =	vsel vm4, v13, v11  }
0x1d3: {  	v10 =	vsel vm4, v12, v7  }
0x1d4: {  	_ =	sdelay $0x1  }
0x1d5: {  	v7 =	vpop (erf)  }
0x1d6: {  	v7 =	vmul.f32 v7, v8;
	_ =	sdelay $0x1  }
0x1d7: {  	v7 =	vnsel vm2, $0xBF800000, v7  }
0x1d8: {  	s1 =	simm.f32 $0.0e+00;
	s2 =	simm.f32 $0.0e+00;
	vm2 =	vgt.f32 v7, v6  }
0x1d9: {  	s3 =	simm.f32 $0.0e+00;
	s4 =	simm.f32 $0.0e+00;
	s5 =	simm.f32 $0.0e+00;
	[tilespmem:s7+$0x30] =	vst v7;
	v7 =	vsel vm2, v7, v6;
	v6 =	vsel vm2, v9, v10  }
.LBB2_6:
0x1da: {  	(v2sf) =	vpush v7, $0x0  }
0x1db: {  	(v2sf) =	vpush v6, $0x0;
	_ =	sdelay $0x4  }
0x1dc: {  	(v2sf) =	vpush v7, $0x1  }
0x1dd: {  	(v2sf) =	vpush v6, $0x1;
	_ =	sdelay $0x4  }
0x1de: {  	(v2sf) =	vpush v7, $0x2  }
0x1df: {  	(v2sf) =	vpush v6, $0x2;
	_ =	sdelay $0x1  }
0x1e0: {  	[dreg:$0x1a] =	wrdreg s2;
	s2 =	spop (v2sf)  }
0x1e1: {  	s9 =	spop (v2sf);
	p0 =	seq.f32 s2, $-2.000000000e+00  }
0x1e2: {  	p1 =	slt.s32 s9, $0x1400  }
0x1e3: {  	(v2sf) =	vpush v7, $0x3;
	p2 =	sgt.f32 s2, $-2.000000000e+00;
	p0 =	por !p0, !p1  }
0x1e4: {  	(v2sf) =	vpush v6, $0x3;
	p0 =	por !p0, !p0  }
0x1e5: {  	p0 =	por p2, p0  }
0x1e6: {  	[dreg:$0x19] =	wrdreg s1;
	s0 =	spop (v2sf);
	s2 =	simm.s32 @!p0 $0xC0000000  }
0x1e7: {  	s1 =	spop (v2sf);
	s9 =	simm.s32 @!p0 $0x1400;
	p1 =	seq.f32 s0, s2  }
0x1e8: {  	p2 =	slt.s32 s1, s9  }
0x1e9: {  	(v2sf) =	vpush v7, $0x4;
	p3 =	sgt.f32 s0, s2;
	p0 =	por !p1, !p2  }
0x1ea: {  	(v2sf) =	vpush v6, $0x4;
	p0 =	por !p0, !p0  }
0x1eb: {  	p0 =	por p3, p0  }
0x1ec: {  	s2 =	smov.u32 @p0 s0;
	s0 =	spop (v2sf)  }
0x1ed: {  	s9 =	smov.u32 @p0 s1;
	s1 =	spop (v2sf);
	p4 =	seq.f32 s0, s2  }
0x1ee: {  	p5 =	slt.s32 s1, s9  }
0x1ef: {  	(v2sf) =	vpush v7, $0x5;
	p6 =	sgt.f32 s0, s2;
	p0 =	por !p4, !p5  }
0x1f0: {  	(v2sf) =	vpush v6, $0x5;
	p0 =	por !p0, !p0  }
0x1f1: {  	p0 =	por p6, p0  }
0x1f2: {  	s2 =	smov.u32 @p0 s0;
	s0 =	spop (v2sf)  }
0x1f3: {  	s9 =	smov.u32 @p0 s1;
	s1 =	spop (v2sf);
	p1 =	seq.f32 s0, s2  }
0x1f4: {  	p2 =	slt.s32 s1, s9  }
0x1f5: {  	(v2sf) =	vpush v7, $0x6;
	p3 =	sgt.f32 s0, s2;
	p0 =	por !p1, !p2  }
0x1f6: {  	(v2sf) =	vpush v6, $0x6;
	p0 =	por !p0, !p0  }
0x1f7: {  	p0 =	por p3, p0  }
0x1f8: {  	s2 =	smov.u32 @p0 s0;
	s0 =	spop (v2sf)  }
0x1f9: {  	s9 =	smov.u32 @p0 s1;
	s1 =	spop (v2sf);
	p4 =	seq.f32 s0, s2  }
0x1fa: {  	p5 =	slt.s32 s1, s9  }
0x1fb: {  	(v2sf) =	vpush v7, $0x7;
	p6 =	sgt.f32 s0, s2;
	p0 =	por !p4, !p5  }
0x1fc: {  	(v2sf) =	vpush v6, $0x7;
	p0 =	por !p0, !p0  }
0x1fd: {  	p0 =	por p6, p0  }
0x1fe: {  	s2 =	smov.u32 @p0 s0;
	s0 =	spop (v2sf)  }
0x1ff: {  	s9 =	smov.u32 @p0 s1;
	s1 =	spop (v2sf);
	p1 =	seq.f32 s0, s2  }
0x200: {  	p2 =	slt.s32 s1, s9  }
0x201: {  	(v2sf) =	vpush v7, $0x8;
	p3 =	sgt.f32 s0, s2;
	p0 =	por !p1, !p2  }
0x202: {  	(v2sf) =	vpush v6, $0x8;
	p0 =	por !p0, !p0  }
0x203: {  	p0 =	por p3, p0  }
0x204: {  	s2 =	smov.u32 @p0 s0;
	s0 =	spop (v2sf)  }
0x205: {  	s9 =	smov.u32 @p0 s1;
	s1 =	spop (v2sf);
	p4 =	seq.f32 s0, s2  }
0x206: {  	p5 =	slt.s32 s1, s9  }
0x207: {  	(v2sf) =	vpush v7, $0x9;
	p6 =	sgt.f32 s0, s2;
	p0 =	por !p4, !p5  }
0x208: {  	(v2sf) =	vpush v6, $0x9;
	p0 =	por !p0, !p0  }
0x209: {  	p0 =	por p6, p0  }
0x20a: {  	s2 =	smov.u32 @p0 s0;
	s0 =	spop (v2sf)  }
0x20b: {  	s9 =	smov.u32 @p0 s1;
	s1 =	spop (v2sf);
	p1 =	seq.f32 s0, s2  }
0x20c: {  	p2 =	slt.s32 s1, s9  }
0x20d: {  	(v2sf) =	vpush v7, $0xA;
	p3 =	sgt.f32 s0, s2;
	p0 =	por !p1, !p2  }
0x20e: {  	(v2sf) =	vpush v6, $0xA;
	p0 =	por !p0, !p0  }
0x20f: {  	p0 =	por p3, p0  }
0x210: {  	s2 =	smov.u32 @p0 s0;
	s0 =	spop (v2sf)  }
0x211: {  	s9 =	smov.u32 @p0 s1;
	s1 =	spop (v2sf);
	p4 =	seq.f32 s0, s2  }
0x212: {  	p5 =	slt.s32 s1, s9  }
0x213: {  	(v2sf) =	vpush v7, $0xB;
	p6 =	sgt.f32 s0, s2;
	p0 =	por !p4, !p5  }
0x214: {  	(v2sf) =	vpush v6, $0xB;
	p0 =	por !p0, !p0  }
0x215: {  	p0 =	por p6, p0  }
0x216: {  	s2 =	smov.u32 @p0 s0;
	s0 =	spop (v2sf)  }
0x217: {  	s9 =	smov.u32 @p0 s1;
	s1 =	spop (v2sf);
	p1 =	seq.f32 s0, s2  }
0x218: {  	p2 =	slt.s32 s1, s9  }
0x219: {  	(v2sf) =	vpush v7, $0xC;
	p3 =	sgt.f32 s0, s2;
	p0 =	por !p1, !p2  }
0x21a: {  	(v2sf) =	vpush v6, $0xC;
	p0 =	por !p0, !p0  }
0x21b: {  	p0 =	por p3, p0  }
0x21c: {  	s2 =	smov.u32 @p0 s0;
	s0 =	spop (v2sf)  }
0x21d: {  	s9 =	smov.u32 @p0 s1;
	s1 =	spop (v2sf);
	p4 =	seq.f32 s0, s2  }
0x21e: {  	p5 =	slt.s32 s1, s9  }
0x21f: {  	(v2sf) =	vpush v7, $0xD;
	p6 =	sgt.f32 s0, s2;
	p0 =	por !p4, !p5  }
0x220: {  	(v2sf) =	vpush v6, $0xD;
	p0 =	por !p0, !p0  }
0x221: {  	p0 =	por p6, p0  }
0x222: {  	s2 =	smov.u32 @p0 s0;
	s0 =	spop (v2sf)  }
0x223: {  	s9 =	smov.u32 @p0 s1;
	s1 =	spop (v2sf);
	p1 =	seq.f32 s0, s2  }
0x224: {  	p2 =	slt.s32 s1, s9  }
0x225: {  	(v2sf) =	vpush v7, $0xE;
	p3 =	sgt.f32 s0, s2;
	p0 =	por !p1, !p2  }
0x226: {  	(v2sf) =	vpush v6, $0xE;
	p0 =	por !p0, !p0  }
0x227: {  	p0 =	por p3, p0  }
0x228: {  	s2 =	smov.u32 @p0 s0;
	s0 =	spop (v2sf)  }
0x229: {  	s9 =	smov.u32 @p0 s1;
	s1 =	spop (v2sf);
	p4 =	seq.f32 s0, s2  }
0x22a: {  	p5 =	slt.s32 s1, s9  }
0x22b: {  	(v2sf) =	vpush v7, $0xF;
	p6 =	sgt.f32 s0, s2;
	p0 =	por !p4, !p5  }
0x22c: {  	(v2sf) =	vpush v6, $0xF;
	p0 =	por !p0, !p0  }
0x22d: {  	p0 =	por p6, p0  }
0x22e: {  	s2 =	smov.u32 @p0 s0;
	s0 =	spop (v2sf)  }
0x22f: {  	s9 =	smov.u32 @p0 s1;
	s1 =	spop (v2sf);
	p1 =	seq.f32 s0, s2  }
0x230: {  	p2 =	slt.s32 s1, s9  }
0x231: {  	p3 =	sgt.f32 s0, s2;
	p0 =	por !p1, !p2  }
0x232: {  	p0 =	por !p0, !p0  }
0x233: {  	p0 =	por p3, p0  }
0x234: {  	s2 =	smov.u32 @p0 s0;
	s0 =	spop (v2sf)  }
0x235: {  	s9 =	smov.u32 @p0 s1;
	s1 =	spop (v2sf);
	p4 =	seq.f32 s0, s2  }
0x236: {  	p5 =	slt.s32 s1, s9  }
0x237: {  	p6 =	sgt.f32 s0, s2;
	p0 =	por !p4, !p5  }
0x238: {  	p0 =	por !p0, !p0  }
0x239: {  	p0 =	por p6, p0  }
0x23a: {  	s2 =	smov.u32 @p0 s0;
	s0 =	spop (v2sf)  }
0x23b: {  	s9 =	smov.u32 @p0 s1;
	s1 =	spop (v2sf);
	p1 =	seq.f32 s0, s2  }
0x23c: {  	[dreg:$0x1d] =	wrdreg s5;
	p2 =	slt.s32 s1, s9  }
0x23d: {  	[dreg:$0x1c] =	wrdreg s4;
	p3 =	sgt.f32 s0, s2;
	p0 =	por !p1, !p2  }
0x23e: {  	[dreg:$0x1b] =	wrdreg s3;
	p0 =	por !p0, !p0  }
0x23f: {  	[dreg:$0x18] =	wrdreg s15;
	p0 =	por p3, p0  }
0x240: {  	s25 =	sshll.u32 s15, $0x9;
	s2 =	smov.u32 @p0 s0;
	s9 =	smov.u32 @p0 s1  }
0x241: {  	s26 =	rddreg [dreg:$0x1];
	s0 =	sand.u32 $0x200, s25;
	s1 =	scvt.s32.f32 s9;
	v6 =	vmov s2  }
0x242: {  	s28 =	rddreg [dreg:$0x14];
	s0 =	sadd.s32 s0, s26;
	v6 =	vnsel vm0, $0x0, v6  }
0x243: {  	s29 =	rddreg [dreg:$0x15];
	s0 =	sadd.s32 s28, s0;
	v6 =	vsel vm1, s1, v6  }
0x244: {  	s30 =	simm.s32 $0xBBC0;
	s31 =	simm.s32 $0x1;
	s1 =	sadd.s32 s29, s0;
	[tilespmem:$0xBBC0] =	vst v6  }
0x245: {  	[spmem:s1] =	stream.linear.scatter [tilespmem:s30], [sflag:$0x1], $0x10, $0x38;
	[tilespmem:$0xBF40] =	vst v63  }
0x246: {  	_ =	swait.ge [sflag:s31], $0x10  }
0x247: {  	[sflag:s31] =	ssyncset.done $0x0  }
0x248: {  	[sflag:s31] =	ssyncadd.s32 $0xFFFFFFF0  }
0x249: {  	[bflag:$0x0] =	sbarrier.arrive $0xFFFF  }
0x24a: {  	s3 =	rddreg [dreg:$0x16]  }
0x24b: {  	s4 =	simm.s32 $0xBC40;
	s0 =	sadd.s32 s3, s0  }
0x24c: {  	[tilespmem:s4], [sflag:$0x1] =	stream.linear.gather [spmem:s0], $0x80, $0x38;
	[tilespmem:$0xBF40] =	vst v63  }
0x24d: {  	_ =	swait.ge [sflag:s31], $0x80  }
0x24e: {  	[sflag:s31] =	ssyncset.done $0x0  }
0x24f: {  	[sflag:s31] =	ssyncadd.s32 $0xFFFFFF80  }
0x250: {  	v6 =	vld [tilespmem:$0xBC40];
	_ =	sdelay $0x4  }
0x251: {  	(v2sf) =	vpush v6, $0x0  }
0x252: {  	(v2sf) =	vpush v6, $0x1;
	v6 =	vld [tilespmem:$0xBC50];
	_ =	sdelay $0x4  }
0x253: {  	(v2sf) =	vpush v6, $0x0  }
0x254: {  	(v2sf) =	vpush v6, $0x1;
	v6 =	vld [tilespmem:$0xBC60];
	_ =	sdelay $0x4  }
0x255: {  	(v2sf) =	vpush v6, $0x0  }
0x256: {  	(v2sf) =	vpush v6, $0x1;
	v6 =	vld [tilespmem:$0xBC70];
	_ =	sdelay $0x1  }
0x257: {  	s9 =	spop (v2sf)  }
0x258: {  	s5 =	spop (v2sf)  }
0x259: {  	s16 =	scvt.f32.s32 s5  }
0x25a: {  	p4 =	seq.f32 s9, $-2.000000000e+00;
	(v2sf) =	vpush v6, $0x0  }
0x25b: {  	p5 =	slt.s32 s16, $0x1400;
	(v2sf) =	vpush v6, $0x1;
	v6 =	vld [tilespmem:$0xBC80]  }
0x25c: {  	p6 =	sgt.f32 s9, $-2.000000000e+00;
	p0 =	por !p4, !p5  }
0x25d: {  	p0 =	por !p0, !p0;
	s0 =	spop (v2sf)  }
0x25e: {  	p0 =	por p6, p0;
	s6 =	spop (v2sf)  }
0x25f: {  	s9 =	simm.s32 @!p0 $0xC0000000;
	s1 =	scvt.f32.s32 s6  }
0x260: {  	s16 =	simm.s32 @!p0 $0x1400;
	p1 =	seq.f32 s0, s9;
	(v2sf) =	vpush v6, $0x0  }
0x261: {  	p2 =	sgt.s32 s16, s1;
	(v2sf) =	vpush v6, $0x1;
	v6 =	vld [tilespmem:$0xBC90]  }
0x262: {  	p3 =	sgt.f32 s0, s9;
	p0 =	por !p1, !p2  }
0x263: {  	p0 =	por !p0, !p0;
	s2 =	spop (v2sf)  }
0x264: {  	p0 =	por p3, p0;
	s7 =	spop (v2sf)  }
0x265: {  	s9 =	smov.u32 @p0 s0;
	s0 =	scvt.f32.s32 s7  }
0x266: {  	s16 =	smov.u32 @p0 s1;
	p4 =	seq.f32 s2, s9;
	(v2sf) =	vpush v6, $0x0  }
0x267: {  	p5 =	sgt.s32 s16, s0;
	(v2sf) =	vpush v6, $0x1;
	v6 =	vld [tilespmem:$0xBCA0]  }
0x268: {  	p6 =	sgt.f32 s2, s9;
	p0 =	por !p4, !p5  }
0x269: {  	p0 =	por !p0, !p0;
	s1 =	spop (v2sf)  }
0x26a: {  	p0 =	por p6, p0;
	s8 =	spop (v2sf)  }
0x26b: {  	s9 =	smov.u32 @p0 s2;
	s2 =	scvt.f32.s32 s8  }
0x26c: {  	s16 =	smov.u32 @p0 s0;
	p1 =	seq.f32 s1, s9;
	(v2sf) =	vpush v6, $0x0  }
0x26d: {  	p2 =	sgt.s32 s16, s2;
	(v2sf) =	vpush v6, $0x1;
	v6 =	vld [tilespmem:$0xBCB0]  }
0x26e: {  	p3 =	sgt.f32 s1, s9;
	p0 =	por !p1, !p2  }
0x26f: {  	p0 =	por !p0, !p0;
	s0 =	spop (v2sf)  }
0x270: {  	p0 =	por p3, p0;
	s10 =	spop (v2sf)  }
0x271: {  	s9 =	smov.u32 @p0 s1;
	s1 =	scvt.f32.s32 s10  }
0x272: {  	s16 =	smov.u32 @p0 s2;
	p4 =	seq.f32 s0, s9;
	(v2sf) =	vpush v6, $0x0  }
0x273: {  	p5 =	sgt.s32 s16, s1;
	(v2sf) =	vpush v6, $0x1  }
0x274: {  	p6 =	sgt.f32 s0, s9;
	p0 =	por !p4, !p5  }
0x275: {  	p0 =	por !p0, !p0;
	s2 =	spop (v2sf)  }
0x276: {  	p0 =	por p6, p0;
	s11 =	spop (v2sf)  }
0x277: {  	s9 =	smov.u32 @p0 s0;
	s0 =	scvt.f32.s32 s11  }
0x278: {  	s16 =	smov.u32 @p0 s1;
	p1 =	seq.f32 s2, s9  }
0x279: {  	p2 =	sgt.s32 s16, s0  }
0x27a: {  	p3 =	sgt.f32 s2, s9;
	p0 =	por !p1, !p2  }
0x27b: {  	p0 =	por !p0, !p0;
	s1 =	spop (v2sf)  }
0x27c: {  	p0 =	por p3, p0;
	s12 =	spop (v2sf)  }
0x27d: {  	s9 =	smov.u32 @p0 s2;
	s2 =	scvt.f32.s32 s12  }
0x27e: {  	s16 =	smov.u32 @p0 s0;
	p4 =	seq.f32 s1, s9  }
0x27f: {  	p5 =	sgt.s32 s16, s2  }
0x280: {  	p6 =	sgt.f32 s1, s9;
	p0 =	por !p4, !p5  }
0x281: {  	p0 =	por !p0, !p0;
	s13 =	spop (v2sf)  }
0x282: {  	p0 =	por p6, p0;
	s14 =	spop (v2sf)  }
0x283: {  	s9 =	smov.u32 @p0 s1;
	s0 =	scvt.f32.s32 s14  }
0x284: {  	s16 =	smov.u32 @p0 s2;
	p3 =	seq.f32 s13, s9  }
0x285: {  	p4 =	sgt.s32 s16, s0  }
0x286: {  	p5 =	sgt.f32 s13, s9;
	p0 =	por !p3, !p4  }
0x287: {  	p0 =	por !p0, !p0  }
0x288: {  	p0 =	por p5, p0  }
0x289: {  	s16 =	smov.u32 @p0 s0  }
0x28a: {  	p1 =	slt.s32 s16, $0x13FF  }
0x28b: {  	p6 =	slt.s32 s16, $0x1;
	s16 =	simm.s32 @!p1 $0x13FF  }
0x28c: {  	s15 =	sshra.s32 s16, $0x1F  }
0x28d: {  	s0 =	sshrl.u32 s15, $0x1C  }
0x28e: {  	s0 =	sadd.s32 s0, s16  }
0x28f: {  	s17 =	sand.u32 $0xFFFFFFF0, s0  }
0x290: {  	p1 =	sne.s32 s16, s17  }
0x291: {  	p1 =	por !p6, !p1  }
0x292: {  	s1 =	simm.s32 $0x1;
	p1 =	por !p1, !p1  }
0x293: {  	s0 =	sshrl.u32 s0, $0x4;
	s1 =	simm.s32 @!p1 $0x0  }
0x294: {  	s0 =	ssub.s32 s0, s1  }
0x295: {  	s0 =	sshll.u32 s0, $0x4  }
0x296: {  	v6 =	vld [tilespmem:s0+$0x540];
	_ =	sdelay $0x4  }
0x297: {  	(v2sf) =	vpush v6, $0x0  }
0x298: {  	(v2sf) =	vpush v6, $0x1  }
0x299: {  	(v2sf) =	vpush v6, $0x2  }
0x29a: {  	(v2sf) =	vpush v6, $0x3  }
0x29b: {  	(v2sf) =	vpush v6, $0x4  }
0x29c: {  	(v2sf) =	vpush v6, $0x5  }
0x29d: {  	(v2sf) =	vpush v6, $0x6  }
0x29e: {  	(v2sf) =	vpush v6, $0x7  }
0x29f: {  	(v2sf) =	vpush v6, $0x8  }
0x2a0: {  	(v2sf) =	vpush v6, $0x9  }
0x2a1: {  	(v2sf) =	vpush v6, $0xA  }
0x2a2: {  	v7 =	vld [tilespmem:s0+$0x1940];
	(v2sf) =	vpush v6, $0xB  }
0x2a3: {  	(v2sf) =	vpush v6, $0xC  }
0x2a4: {  	(v2sf) =	vpush v6, $0xD  }
0x2a5: {  	(v2sf) =	vpush v6, $0xE  }
0x2a6: {  	s11 =	spop (v2sf);
	(v2sf) =	vpush v6, $0xF  }
0x2a7: {  	s26 =	spop (v2sf);
	(v2sf) =	vpush v7, $0x0  }
0x2a8: {  	s23 =	spop (v2sf);
	(v2sf) =	vpush v7, $0x1  }
0x2a9: {  	s28 =	spop (v2sf);
	(v2sf) =	vpush v7, $0x2  }
0x2aa: {  	s30 =	spop (v2sf);
	(v2sf) =	vpush v7, $0x3  }
0x2ab: {  	s14 =	spop (v2sf);
	(v2sf) =	vpush v7, $0x4  }
0x2ac: {  	s31 =	spop (v2sf);
	(v2sf) =	vpush v7, $0x5  }
0x2ad: {  	s18 =	spop (v2sf);
	(v2sf) =	vpush v7, $0x6  }
0x2ae: {  	s19 =	spop (v2sf);
	(v2sf) =	vpush v7, $0x7  }
0x2af: {  	s20 =	spop (v2sf);
	(v2sf) =	vpush v7, $0x8  }
0x2b0: {  	s21 =	spop (v2sf);
	(v2sf) =	vpush v7, $0x9  }
0x2b1: {  	s22 =	spop (v2sf);
	(v2sf) =	vpush v7, $0xA  }
0x2b2: {  	v6 =	vld [tilespmem:s0+$0x2D40];
	s25 =	spop (v2sf);
	(v2sf) =	vpush v7, $0xB  }
0x2b3: {  	s29 =	spop (v2sf);
	(v2sf) =	vpush v7, $0xC  }
0x2b4: {  	s2 =	spop (v2sf);
	(v2sf) =	vpush v7, $0xD  }
0x2b5: {  	s3 =	spop (v2sf);
	(v2sf) =	vpush v7, $0xE  }
0x2b6: {  	s12 =	spop (v2sf);
	(v2sf) =	vpush v7, $0xF  }
0x2b7: {  	s7 =	spop (v2sf);
	(v2sf) =	vpush v6, $0x0  }
0x2b8: {  	s10 =	spop (v2sf);
	(v2sf) =	vpush v6, $0x1  }
0x2b9: {  	s8 =	spop (v2sf);
	(v2sf) =	vpush v6, $0x2  }
0x2ba: {  	[smem:$0x7EF] =	sst s19;
	s19 =	spop (v2sf);
	(v2sf) =	vpush v6, $0x3  }
0x2bb: {  	[smem:$0x7F6] =	sst s25;
	s25 =	spop (v2sf);
	(v2sf) =	vpush v6, $0x4  }
0x2bc: {  	[smem:$0x7F1] =	sst s21;
	(v2sf) =	vpush v6, $0x5;
	s21 =	spop (v2sf)  }
0x2bd: {  	[smem:$0x7F9] =	sst s29;
	(v2sf) =	vpush v6, $0x6;
	s29 =	spop (v2sf)  }
0x2be: {  	(v2sf) =	vpush v6, $0x7;
	s4 =	spop (v2sf)  }
0x2bf: {  	(v2sf) =	vpush v6, $0x8;
	s5 =	spop (v2sf)  }
0x2c0: {  	(v2sf) =	vpush v6, $0x9;
	s6 =	spop (v2sf)  }
0x2c1: {  	[dreg:$0x1e] =	wrdreg s13;
	(v2sf) =	vpush v6, $0xA;
	s13 =	spop (v2sf)  }
0x2c2: {  	v7 =	vld [tilespmem:s0+$0x4140];
	(v2sf) =	vpush v6, $0xB;
	s15 =	spop (v2sf)  }
0x2c3: {  	(v2sf) =	vpush v6, $0xC;
	s17 =	spop (v2sf)  }
0x2c4: {  	[smem:$0x7EE] =	sst s18;
	(v2sf) =	vpush v6, $0xD;
	s18 =	spop (v2sf)  }
0x2c5: {  	[smem:$0x7F0] =	sst s20;
	(v2sf) =	vpush v6, $0xE;
	s20 =	spop (v2sf)  }
0x2c6: {  	[smem:$0x7F7] =	sst s13;
	(v2sf) =	vpush v6, $0xF;
	s13 =	spop (v2sf)  }
0x2c7: {  	(v2sf) =	vpush v7, $0x0;
	s0 =	spop (v2sf)  }
0x2c8: {  	[smem:$0x7F4] =	sst s22;
	(v2sf) =	vpush v7, $0x1;
	s1 =	spop (v2sf)  }
0x2c9: {  	[smem:$0x7FB] =	sst s2;
	s2 =	spop (v2sf);
	(v2sf) =	vpush v7, $0x2  }
0x2ca: {  	[dreg:$0x1f] =	wrdreg s3;
	s3 =	spop (v2sf);
	(v2sf) =	vpush v7, $0x3  }
0x2cb: {  	[smem:$0x7F3] =	sst s5;
	s5 =	spop (v2sf)  }
0x2cc: {  	[smem:$0x7F2] =	sst s4;
	s4 =	spop (v2sf)  }
0x2cd: {  	[smem:$0x7F5] =	sst s6;
	s6 =	spop (v2sf)  }
0x2ce: {  	[smem:$0x7F8] =	sst s15;
	(v2sf) =	vpush v7, $0x4;
	s15 =	spop (v2sf)  }
0x2cf: {  	[smem:$0x7FA] =	sst s17;
	s17 =	spop (v2sf)  }
0x2d0: {  	s22 =	sand.u32 $0xF, s16;
	[smem:$0x7FC] =	sst s18;
	s18 =	spop (v2sf)  }
0x2d1: {  	p3 =	seq.s32 s22, $0x1;
	[smem:$0x7FD] =	sst s20;
	s20 =	spop (v2sf)  }
0x2d2: {  	p4 =	seq.s32 s22, $0x2;
	s11 =	smov.u32 @p3 s26;
	(v2sf) =	vpush v7, $0x5;
	s26 =	spop (v2sf)  }
0x2d3: {  	p5 =	seq.s32 s22, $0x3;
	s11 =	smov.u32 @p4 s23;
	(v2sf) =	vpush v7, $0x6;
	s23 =	spop (v2sf)  }
0x2d4: {  	p2 =	seq.s32 s22, $0x4;
	s11 =	smov.u32 @p5 s28;
	s28 =	spop (v2sf)  }
0x2d5: {  	p1 =	seq.s32 s22, $0x5;
	s11 =	smov.u32 @p2 s30;
	s30 =	spop (v2sf)  }
0x2d6: {  	s11 =	smov.u32 @p1 s14;
	s14 =	spop (v2sf)  }
0x2d7: {  	s12 =	smov.u32 @p3 s7;
	(v2sf) =	vpush v7, $0x7;
	s7 =	spop (v2sf)  }
0x2d8: {  	s13 =	smov.u32 @p3 s0;
	s14 =	smov.u32 @p3 s7;
	s0 =	spop (v2sf)  }
0x2d9: {  	s14 =	smov.u32 @p4 s0;
	s0 =	spop (v2sf)  }
0x2da: {  	s14 =	smov.u32 @p5 s0;
	s0 =	sld [smem:$0x7EE]  }
0x2db: {  	s12 =	smov.u32 @p4 s10;
	p3 =	seq.s32 s22, $0x6  }
0x2dc: {  	s13 =	smov.u32 @p4 s1;
	s11 =	smov.u32 @p3 s31;
	p4 =	seq.s32 s22, $0x7  }
0x2dd: {  	s11 =	smov.u32 @p4 s0;
	s0 =	spop (v2sf)  }
0x2de: {  	s14 =	smov.u32 @p2 s0;
	s0 =	sld [smem:$0x7EF]  }
0x2df: {  	s12 =	smov.u32 @p5 s8;
	s13 =	smov.u32 @p5 s2  }
0x2e0: {  	s12 =	smov.u32 @p2 s19;
	s13 =	smov.u32 @p2 s3;
	p2 =	seq.s32 s22, $0x8  }
0x2e1: {  	(v2sf) =	vpush v7, $0x8;
	s11 =	smov.u32 @p2 s0;
	s0 =	spop (v2sf)  }
0x2e2: {  	(v2sf) =	vpush v7, $0x9;
	s14 =	smov.u32 @p1 s0;
	s0 =	spop (v2sf)  }
0x2e3: {  	s14 =	smov.u32 @p3 s0;
	s0 =	sld [smem:$0x7F0];
	_ =	sdelay $0x1  }
0x2e4: {  	s12 =	smov.u32 @p1 s25;
	s13 =	smov.u32 @p1 s5;
	p1 =	seq.s32 s22, $0x9  }
0x2e5: {  	s11 =	smov.u32 @p1 s0;
	s0 =	spop (v2sf)  }
0x2e6: {  	s14 =	smov.u32 @p4 s0;
	s0 =	sld [smem:$0x7F1];
	_ =	sdelay $0x1  }
0x2e7: {  	(v2sf) =	vpush v7, $0xA;
	s12 =	smov.u32 @p3 s21;
	s13 =	smov.u32 @p3 s4;
	p3 =	seq.s32 s22, $0xA  }
0x2e8: {  	s11 =	smov.u32 @p3 s0;
	s0 =	sld [smem:$0x7F2];
	_ =	sdelay $0x1  }
0x2e9: {  	s12 =	smov.u32 @p4 s29  }
0x2ea: {  	s12 =	smov.u32 @p2 s0;
	s0 =	sld [smem:$0x7F3];
	_ =	sdelay $0x2  }
0x2eb: {  	s12 =	smov.u32 @p1 s0;
	s0 =	spop (v2sf)  }
0x2ec: {  	s14 =	smov.u32 @p2 s0;
	s0 =	spop (v2sf)  }
0x2ed: {  	s14 =	smov.u32 @p1 s0;
	s0 =	sld [smem:$0x7F4]  }
0x2ee: {  	(v2sf) =	vpush v7, $0xB;
	s13 =	smov.u32 @p4 s6  }
0x2ef: {  	s13 =	smov.u32 @p2 s15;
	p2 =	seq.s32 s22, $0xB  }
0x2f0: {  	s11 =	smov.u32 @p2 s0;
	s0 =	sld [smem:$0x7F5];
	_ =	sdelay $0x2  }
0x2f1: {  	s12 =	smov.u32 @p3 s0;
	s0 =	spop (v2sf)  }
0x2f2: {  	s14 =	smov.u32 @p3 s0;
	s0 =	sld [smem:$0x7F6]  }
0x2f3: {  	(v2sf) =	vpush v7, $0xC  }
0x2f4: {  	(v2sf) =	vpush v7, $0xD;
	s13 =	smov.u32 @p1 s17;
	p1 =	seq.s32 s22, $0xC  }
0x2f5: {  	s11 =	smov.u32 @p1 s0;
	s0 =	sld [smem:$0x7F7];
	_ =	sdelay $0x2  }
0x2f6: {  	(v2sf) =	vpush v7, $0xE;
	s12 =	smov.u32 @p2 s0;
	s0 =	sld [smem:$0x7F8];
	_ =	sdelay $0x2  }
0x2f7: {  	s12 =	smov.u32 @p1 s0;
	s0 =	spop (v2sf)  }
0x2f8: {  	s14 =	smov.u32 @p2 s0;
	s0 =	sld [smem:$0x7F9]  }
0x2f9: {  	s13 =	smov.u32 @p3 s18;
	(v2sf) =	vpush v7, $0xF  }
0x2fa: {  	s13 =	smov.u32 @p2 s20;
	p2 =	seq.s32 s22, $0xD  }
0x2fb: {  	s11 =	smov.u32 @p2 s0;
	s0 =	sld [smem:$0x7FA];
	_ =	sdelay $0x2  }
0x2fc: {  	s12 =	smov.u32 @p2 s0;
	s0 =	spop (v2sf)  }
0x2fd: {  	s1 =	sld [smem:$0x7FC];
	s14 =	smov.u32 @p1 s0;
	s0 =	spop (v2sf)  }
0x2fe: {  	s14 =	smov.u32 @p2 s0;
	s0 =	sld [smem:$0x7FB]  }
0x2ff: {  	s13 =	smov.u32 @p1 s26;
	p1 =	seq.s32 s22, $0xE  }
0x300: {  	s15 =	simm.s32 $0x0;
	s13 =	smov.u32 @p2 s23;
	s12 =	smov.u32 @p1 s1  }
0x301: {  	s13 =	smov.u32 @p1 s28;
	s11 =	smov.u32 @p1 s0;
	s0 =	spop (v2sf)  }
0x302: {  	v10 =	vld.idx.msk [tilespmem:v3+s15+$0xFFFFFFC0 ss:$0x1], $0xffff;
	s14 =	smov.u32 @p1 s0;
	p1 =	seq.s32 s22, $0xF;
	s0 =	rddreg [dreg:$0x1f]  }
0x303: {  	v11 =	vld.idx.msk [tilespmem:v2+s15+$0xFFFFFFC0 ss:$0x1], $0xffff;
	s11 =	smov.u32 @p1 s0;
	s0 =	sld [smem:$0x7FD]  }
0x304: {  	v12 =	vld.idx.msk [tilespmem:v1+s15+$0xFFFFFFC0 ss:$0x1], $0xffff  }
0x305: {  	v13 =	vld.idx.msk [tilespmem:v0+s15+$0xFFFFFFC0 ss:$0x1], $0xffff  }
0x306: {  	s13 =	smov.u32 @p1 s30;
	s12 =	smov.u32 @p1 s0;
	s0 =	spop (v2sf)  }
0x307: {  	s21 =	ssub.f32 s13, s11;
	s14 =	smov.u32 @p1 s0  }
0x308: {  	v6 =	vmov s13;
	v8 =	vmov s11;
	s22 =	ssub.f32 s14, s12  }
0x309: {  	v14 =	vld.idx.msk [tilespmem:v4+s15+$0xFFFFFFC0 ss:$0x1], $0xffff;
	v12 =	vmax.f32 v12, v8;
	v7 =	vmov s12;
	v9 =	vmov s14  }
0x30a: {  	v13 =	vmin.f32 v13, v6;
	s0 =	smax.f32 s21, $0.0e+00;
	v10 =	vmax.f32 v10, v7;
	v11 =	vmin.f32 v11, v9;
	s1 =	smax.f32 s22, $0.0e+00  }
0x30b: {  	v12 =	vsub.f32 v13, v12;
	v11 =	vsub.f32 v11, v10;
	s0 =	smul.f32 s1, s0;
	_ =	sdelay $0x1  }
0x30c: {  	v12 =	vmax.f32 v12, $0.0e+00;
	v11 =	vmax.f32 v11, $0.0e+00;
	v10 =	vmov s0  }
0x30d: {  	v11 =	vmul.f32 v11, v12;
	v12 =	vadd.f32 v14, v10;
	_ =	sdelay $0x1  }
0x30e: {  	v12 =	vsub.f32 v12, v11;
	_ =	sdelay $0x1  }
0x30f: {  	v12 =	vadd.f32 $9.999999710e-10, v12;
	_ =	sdelay $0x1  }
0x310: {  	(erf) = vrcp.f32 v12;
	_ =	sdelay $0x8  }
0x311: {  	v12 =	vld [tilespmem:s15+$0xB940];
	v13 =	vpop (erf)  }
0x312: {  	s23 =	sadd.s32 $0x0, s24;
	v14 =	vmul.f32 v13, v11  }
0x313: {  	v11 =	vmov s16;
	v13 =	vor.u32 s23, v5  }
0x314: {  	vm3 =	veq.s32 v13, v11;
	vm2 =	vgt.f32 v14, $5.000000000e-01  }
0x315: {  	vm2 =	vmor vm3, vm2  }
0x316: {  	v15 =	vsel vm2, $0xBF800000, v12  }
0x317: {  	[tilespmem:s15+$0xB940] =	vst v15  }
0x318: {  	v12 =	vld.idx.msk [tilespmem:v0+s15+$0xFFFFFFD0 ss:$0x1], $0xffff  }
0x319: {  	v14 =	vld.idx.msk [tilespmem:v2+s15+$0xFFFFFFD0 ss:$0x1], $0xffff  }
0x31a: {  	v16 =	vld.idx.msk [tilespmem:v1+s15+$0xFFFFFFD0 ss:$0x1], $0xffff  }
0x31b: {  	v17 =	vld.idx.msk [tilespmem:v3+s15+$0xFFFFFFD0 ss:$0x1], $0xffff;
	_ =	sdelay $0x3  }
0x31c: {  	v18 =	vld.idx.msk [tilespmem:v4+s15+$0xFFFFFFD0 ss:$0x1], $0xffff;
	v12 =	vmin.f32 v12, v6  }
0x31d: {  	v16 =	vmax.f32 v16, v8;
	v14 =	vmin.f32 v14, v9;
	v17 =	vmax.f32 v17, v7  }
0x31e: {  	v12 =	vsub.f32 v12, v16;
	v14 =	vsub.f32 v14, v17;
	_ =	sdelay $0x1  }
0x31f: {  	v12 =	vmax.f32 v12, $0.0e+00;
	v14 =	vmax.f32 v14, $0.0e+00  }
0x320: {  	v12 =	vmul.f32 v14, v12;
	v14 =	vadd.f32 v18, v10;
	_ =	sdelay $0x1  }
0x321: {  	v14 =	vsub.f32 v14, v12;
	_ =	sdelay $0x1  }
0x322: {  	v14 =	vadd.f32 $9.999999710e-10, v14;
	_ =	sdelay $0x1  }
0x323: {  	(erf) = vrcp.f32 v14;
	_ =	sdelay $0x8  }
0x324: {  	v14 =	vld [tilespmem:s15+$0xB950];
	v16 =	vpop (erf)  }
0x325: {  	s25 =	sadd.s32 $0x10, s23;
	v12 =	vmul.f32 v16, v12  }
0x326: {  	v17 =	vor.u32 s25, v5  }
0x327: {  	vm3 =	veq.s32 v17, v11;
	vm2 =	vgt.f32 v12, $5.000000000e-01  }
0x328: {  	vm2 =	vmor vm3, vm2  }
0x329: {  	v18 =	vsel vm2, $0xBF800000, v14  }
0x32a: {  	[tilespmem:s15+$0xB950] =	vst v18  }
0x32b: {  	v12 =	vld.idx.msk [tilespmem:v3+s15+$0xFFFFFFE0 ss:$0x1], $0xffff  }
0x32c: {  	v14 =	vld.idx.msk [tilespmem:v1+s15+$0xFFFFFFE0 ss:$0x1], $0xffff  }
0x32d: {  	v16 =	vld.idx.msk [tilespmem:v0+s15+$0xFFFFFFE0 ss:$0x1], $0xffff  }
0x32e: {  	v19 =	vld.idx.msk [tilespmem:v2+s15+$0xFFFFFFE0 ss:$0x1], $0xffff;
	_ =	sdelay $0x3  }
0x32f: {  	v20 =	vld.idx.msk [tilespmem:v4+s15+$0xFFFFFFE0 ss:$0x1], $0xffff;
	v14 =	vmax.f32 v14, v8  }
0x330: {  	v16 =	vmin.f32 v16, v6;
	v12 =	vmax.f32 v12, v7;
	v19 =	vmin.f32 v19, v9  }
0x331: {  	v14 =	vsub.f32 v16, v14;
	v12 =	vsub.f32 v19, v12;
	_ =	sdelay $0x1  }
0x332: {  	v14 =	vmax.f32 v14, $0.0e+00;
	v12 =	vmax.f32 v12, $0.0e+00  }
0x333: {  	v12 =	vmul.f32 v12, v14;
	v14 =	vadd.f32 v20, v10;
	_ =	sdelay $0x1  }
0x334: {  	v14 =	vsub.f32 v14, v12;
	_ =	sdelay $0x1  }
0x335: {  	v14 =	vadd.f32 $9.999999710e-10, v14;
	_ =	sdelay $0x1  }
0x336: {  	(erf) = vrcp.f32 v14;
	_ =	sdelay $0x8  }
0x337: {  	v14 =	vld [tilespmem:s15+$0xB960];
	v16 =	vpop (erf)  }
0x338: {  	s26 =	sadd.s32 $0x20, s23;
	v12 =	vmul.f32 v16, v12  }
0x339: {  	v19 =	vor.u32 s26, v5  }
0x33a: {  	vm3 =	veq.s32 v19, v11;
	vm2 =	vgt.f32 v12, $5.000000000e-01  }
0x33b: {  	vm2 =	vmor vm3, vm2  }
0x33c: {  	v20 =	vsel vm2, $0xBF800000, v14  }
0x33d: {  	[tilespmem:s15+$0xB960] =	vst v20  }
0x33e: {  	v12 =	vld.idx.msk [tilespmem:v2+s15+$0xFFFFFFF0 ss:$0x1], $0xffff  }
0x33f: {  	v14 =	vld.idx.msk [tilespmem:v3+s15+$0xFFFFFFF0 ss:$0x1], $0xffff  }
0x340: {  	v16 =	vld.idx.msk [tilespmem:v0+s15+$0xFFFFFFF0 ss:$0x1], $0xffff  }
0x341: {  	v21 =	vld.idx.msk [tilespmem:v1+s15+$0xFFFFFFF0 ss:$0x1], $0xffff;
	_ =	sdelay $0x3  }
0x342: {  	v22 =	vld.idx.msk [tilespmem:v4+s15+$0xFFFFFFF0 ss:$0x1], $0xffff;
	v16 =	vmin.f32 v16, v6  }
0x343: {  	v12 =	vmin.f32 v12, v9;
	v14 =	vmax.f32 v14, v7;
	v21 =	vmax.f32 v21, v8  }
0x344: {  	v12 =	vsub.f32 v12, v14;
	v14 =	vsub.f32 v16, v21;
	_ =	sdelay $0x1  }
0x345: {  	v12 =	vmax.f32 v12, $0.0e+00;
	v14 =	vmax.f32 v14, $0.0e+00  }
0x346: {  	v12 =	vmul.f32 v12, v14;
	v14 =	vadd.f32 v22, v10;
	_ =	sdelay $0x1  }
0x347: {  	v14 =	vsub.f32 v14, v12;
	_ =	sdelay $0x1  }
0x348: {  	v14 =	vadd.f32 $9.999999710e-10, v14;
	_ =	sdelay $0x1  }
0x349: {  	(erf) = vrcp.f32 v14;
	_ =	sdelay $0x8  }
0x34a: {  	v14 =	vld [tilespmem:s15+$0xB970];
	v16 =	vpop (erf)  }
0x34b: {  	s28 =	sadd.s32 $0x30, s23;
	v12 =	vmul.f32 v16, v12  }
0x34c: {  	v21 =	vor.u32 s28, v5  }
0x34d: {  	vm3 =	veq.s32 v21, v11;
	vm2 =	vgt.f32 v12, $5.000000000e-01  }
0x34e: {  	vm2 =	vmor vm3, vm2  }
0x34f: {  	v22 =	vsel vm2, $0xBF800000, v14  }
0x350: {  	[tilespmem:s15+$0xB970] =	vst v22  }
0x351: {  	v12 =	vld.idx.msk [tilespmem:v3+s15+$0x0 ss:$0x1], $0xffff  }
0x352: {  	v14 =	vld.idx.msk [tilespmem:v0+s15+$0x0 ss:$0x1], $0xffff  }
0x353: {  	v16 =	vld.idx.msk [tilespmem:v1+s15+$0x0 ss:$0x1], $0xffff  }
0x354: {  	v23 =	vld.idx.msk [tilespmem:v2+s15+$0x0 ss:$0x1], $0xffff;
	_ =	sdelay $0x3  }
0x355: {  	v24 =	vld.idx.msk [tilespmem:v4+s15+$0x0 ss:$0x1], $0xffff;
	v14 =	vmin.f32 v14, v6  }
0x356: {  	v16 =	vmax.f32 v16, v8;
	v23 =	vmin.f32 v23, v9;
	v12 =	vmax.f32 v12, v7  }
0x357: {  	v14 =	vsub.f32 v14, v16;
	v12 =	vsub.f32 v23, v12;
	_ =	sdelay $0x1  }
0x358: {  	v14 =	vmax.f32 v14, $0.0e+00;
	v12 =	vmax.f32 v12, $0.0e+00  }
0x359: {  	v12 =	vmul.f32 v12, v14;
	v14 =	vadd.f32 v24, v10;
	_ =	sdelay $0x1  }
0x35a: {  	v14 =	vsub.f32 v14, v12;
	_ =	sdelay $0x1  }
0x35b: {  	v14 =	vadd.f32 $9.999999710e-10, v14;
	_ =	sdelay $0x1  }
0x35c: {  	(erf) = vrcp.f32 v14;
	_ =	sdelay $0x8  }
0x35d: {  	v14 =	vld [tilespmem:s15+$0xB980];
	v16 =	vpop (erf)  }
0x35e: {  	s29 =	sadd.s32 $0x40, s23;
	v16 =	vmul.f32 v16, v12  }
0x35f: {  	v12 =	vor.u32 s29, v5  }
0x360: {  	vm3 =	veq.s32 v12, v11;
	vm2 =	vgt.f32 v16, $5.000000000e-01  }
0x361: {  	vm2 =	vmor vm3, vm2  }
0x362: {  	v23 =	vsel vm2, $0xBF800000, v14  }
0x363: {  	[tilespmem:s15+$0xB980] =	vst v23  }
0x364: {  	v14 =	vld.idx.msk [tilespmem:v1+s15+$0x10 ss:$0x1], $0xffff  }
0x365: {  	v16 =	vld.idx.msk [tilespmem:v3+s15+$0x10 ss:$0x1], $0xffff  }
0x366: {  	v50 =	vld.idx.msk [tilespmem:v0+s15+$0x10 ss:$0x1], $0xffff  }
0x367: {  	v25 =	vld.idx.msk [tilespmem:v2+s15+$0x10 ss:$0x1], $0xffff;
	_ =	sdelay $0x3  }
0x368: {  	v26 =	vld.idx.msk [tilespmem:v4+s15+$0x10 ss:$0x1], $0xffff;
	v14 =	vmax.f32 v14, v8  }
0x369: {  	v24 =	vmin.f32 v50, v6;
	v16 =	vmax.f32 v16, v7;
	v25 =	vmin.f32 v25, v9  }
0x36a: {  	v14 =	vsub.f32 v24, v14;
	v16 =	vsub.f32 v25, v16;
	_ =	sdelay $0x1  }
0x36b: {  	v14 =	vmax.f32 v14, $0.0e+00;
	v16 =	vmax.f32 v16, $0.0e+00  }
0x36c: {  	v14 =	vmul.f32 v16, v14;
	v16 =	vadd.f32 v26, v10;
	_ =	sdelay $0x1  }
0x36d: {  	v16 =	vsub.f32 v16, v14;
	_ =	sdelay $0x1  }
0x36e: {  	v16 =	vadd.f32 $9.999999710e-10, v16;
	_ =	sdelay $0x1  }
0x36f: {  	(erf) = vrcp.f32 v16;
	_ =	sdelay $0x8  }
0x370: {  	v16 =	vld [tilespmem:s15+$0xB990];
	v51 =	vpop (erf)  }
0x371: {  	s30 =	sadd.s32 $0x50, s23;
	v24 =	vmul.f32 v51, v14  }
0x372: {  	v14 =	vor.u32 s30, v5  }
0x373: {  	vm3 =	veq.s32 v14, v11;
	vm2 =	vgt.f32 v24, $5.000000000e-01  }
0x374: {  	vm2 =	vmor vm3, vm2  }
0x375: {  	v52 =	vsel vm2, $0xBF800000, v16  }
0x376: {  	[tilespmem:s15+$0xB990] =	vst v52  }
0x377: {  	v16 =	vld.idx.msk [tilespmem:v1+s15+$0x20 ss:$0x1], $0xffff  }
0x378: {  	v53 =	vld.idx.msk [tilespmem:v0+s15+$0x20 ss:$0x1], $0xffff  }
0x379: {  	v54 =	vld.idx.msk [tilespmem:v3+s15+$0x20 ss:$0x1], $0xffff  }
0x37a: {  	v27 =	vld.idx.msk [tilespmem:v2+s15+$0x20 ss:$0x1], $0xffff;
	_ =	sdelay $0x3  }
0x37b: {  	v28 =	vld.idx.msk [tilespmem:v4+s15+$0x20 ss:$0x1], $0xffff;
	v25 =	vmin.f32 v53, v6  }
0x37c: {  	v16 =	vmax.f32 v16, v8;
	v26 =	vmax.f32 v54, v7;
	v27 =	vmin.f32 v27, v9  }
0x37d: {  	v16 =	vsub.f32 v25, v16;
	v55 =	vsub.f32 v27, v26;
	_ =	sdelay $0x1  }
0x37e: {  	v16 =	vmax.f32 v16, $0.0e+00;
	v25 =	vmax.f32 v55, $0.0e+00  }
0x37f: {  	v56 =	vadd.f32 v28, v10;
	v16 =	vmul.f32 v25, v16;
	_ =	sdelay $0x1  }
0x380: {  	v25 =	vsub.f32 v56, v16;
	_ =	sdelay $0x1  }
0x381: {  	v25 =	vadd.f32 $9.999999710e-10, v25;
	_ =	sdelay $0x1  }
0x382: {  	(erf) = vrcp.f32 v25;
	_ =	sdelay $0x8  }
0x383: {  	v57 =	vld [tilespmem:s15+$0xB9A0];
	v58 =	vpop (erf)  }
0x384: {  	s31 =	sadd.s32 $0x60, s23;
	v26 =	vmul.f32 v58, v16  }
0x385: {  	v59 =	vimm.f32 $-2.000000000e+00;
	v16 =	vor.u32 s31, v5  }
0x386: {  	vm2 =	vgt.f32 v15, v59;
	vm4 =	veq.s32 v16, v11;
	vm3 =	vgt.f32 v26, $5.000000000e-01  }
0x387: {  	v60 =	vsel vm2, v15, v59;
	vm3 =	vmor vm4, vm3  }
0x388: {  	vm4 =	vgt.f32 v18, v60;
	v15 =	vsel vm3, $0xBF800000, v57  }
0x389: {  	v18 =	vsel vm4, v18, v60;
	[tilespmem:s15+$0xB9A0] =	vst v15  }
0x38a: {  	vm3 =	vgt.f32 v20, v18;
	v61 =	vld.idx.msk [tilespmem:v0+s15+$0x30 ss:$0x1], $0xffff  }
0x38b: {  	v18 =	vsel vm3, v20, v18;
	v20 =	vld.idx.msk [tilespmem:v3+s15+$0x30 ss:$0x1], $0xffff  }
0x38c: {  	v63 =	vimm.s32 $0x0;
	v62 =	vld.idx.msk [tilespmem:v1+s15+$0x30 ss:$0x1], $0xffff;
	vm5 =	vgt.f32 v22, v18  }
0x38d: {  	v13 =	vsel vm2, v13, v63;
	v18 =	vsel vm5, v22, v18;
	v22 =	vld.idx.msk [tilespmem:v2+s15+$0x30 ss:$0x1], $0xffff  }
0x38e: {  	v13 =	vsel vm4, v17, v13  }
0x38f: {  	v13 =	vsel vm3, v19, v13;
	vm2 =	vgt.f32 v23, v18  }
0x390: {  	v13 =	vsel vm5, v21, v13;
	v17 =	vsel vm2, v23, v18  }
0x391: {  	v18 =	vld.idx.msk [tilespmem:v4+s15+$0x30 ss:$0x1], $0xffff;
	vm3 =	vgt.f32 v52, v17;
	v19 =	vmax.f32 v20, v7;
	v20 =	vmin.f32 v61, v6  }
0x392: {  	v21 =	vmax.f32 v62, v8;
	v17 =	vsel vm3, v52, v17;
	v22 =	vmin.f32 v22, v9  }
0x393: {  	s17 =	simm.s32 $0x80;
	s18 =	sadd.s32 $0x70, s23;
	s16 =	simm.s32 $0x0;
	v20 =	vsub.f32 v20, v21;
	vm4 =	vgt.f32 v15, v17;
	v19 =	vsub.f32 v22, v19  }
.LBB2_7:
0x394: {  	p1 =	sne.s32 s17, $0x200  }
0x395: {  	v20 =	vmax.f32 v20, $0.0e+00;
	s16 =	sadd.s32 $0x200, s16;
	s2 =	smov.u32 s17;
	s17 =	sadd.s32 $0x80, s17  }
0x396: {  	v18 =	vadd.f32 v18, v10;
	v19 =	vmax.f32 v19, $0.0e+00  }
0x397: {  	v19 =	vmul.f32 v19, v20;
	_ =	sdelay $0x1  }
0x398: {  	v18 =	vsub.f32 v18, v19;
	_ =	sdelay $0x1  }
0x399: {  	v18 =	vadd.f32 $9.999999710e-10, v18;
	_ =	sdelay $0x1  }
0x39a: {  	(erf) = vrcp.f32 v18;
	_ =	sdelay $0x7  }
0x39b: {  	v18 =	vld [tilespmem:s15+$0xB9B0]  }
0x39c: {  	v20 =	vpop (erf)  }
0x39d: {  	v19 =	vmul.f32 v20, v19;
	v20 =	vor.u32 s18, v5  }
0x39e: {  	vm5 =	veq.s32 v20, v11  }
0x39f: {  	v12 =	vsel vm2, v12, v13;
	vm2 =	vgt.f32 v19, $5.000000000e-01  }
0x3a0: {  	v13 =	vsel vm4, v15, v17;
	v12 =	vsel vm3, v14, v12;
	vm2 =	vmor vm5, vm2  }
0x3a1: {  	v14 =	vsel vm4, v16, v12;
	v12 =	vsel vm2, $0xBF800000, v18  }
0x3a2: {  	[tilespmem:s15+$0xB9B0] =	vst v12;
	s15 =	sshra.s32 s16, $0x2;
	vm2 =	vgt.f32 v12, v13  }
0x3a3: {  	v15 =	vld.idx.msk [tilespmem:v3+s15+$0xFFFFFFC0 ss:$0x1], $0xffff;
	v12 =	vsel vm2, v12, v13;
	v13 =	vsel vm2, v20, v14  }
0x3a4: {  	v14 =	vld.idx.msk [tilespmem:v2+s15+$0xFFFFFFC0 ss:$0x1], $0xffff  }
0x3a5: {  	v16 =	vld.idx.msk [tilespmem:v1+s15+$0xFFFFFFC0 ss:$0x1], $0xffff  }
0x3a6: {  	v17 =	vld.idx.msk [tilespmem:v0+s15+$0xFFFFFFC0 ss:$0x1], $0xffff;
	_ =	sdelay $0x2  }
0x3a7: {  	v15 =	vmax.f32 v15, v7  }
0x3a8: {  	v14 =	vmin.f32 v14, v9;
	v18 =	vld.idx.msk [tilespmem:v4+s15+$0xFFFFFFC0 ss:$0x1], $0xffff  }
0x3a9: {  	v16 =	vmax.f32 v16, v8;
	v14 =	vsub.f32 v14, v15  }
0x3aa: {  	v15 =	vmin.f32 v17, v6  }
0x3ab: {  	v15 =	vsub.f32 v15, v16;
	v14 =	vmax.f32 v14, $0.0e+00;
	_ =	sdelay $0x1  }
0x3ac: {  	v15 =	vmax.f32 v15, $0.0e+00  }
0x3ad: {  	v14 =	vmul.f32 v14, v15;
	v15 =	vadd.f32 v18, v10;
	_ =	sdelay $0x1  }
0x3ae: {  	v15 =	vsub.f32 v15, v14;
	_ =	sdelay $0x1  }
0x3af: {  	v15 =	vadd.f32 $9.999999710e-10, v15;
	_ =	sdelay $0x1  }
0x3b0: {  	(erf) = vrcp.f32 v15;
	_ =	sdelay $0x8  }
0x3b1: {  	v16 =	vld [tilespmem:s15+$0xB940];
	v15 =	vpop (erf)  }
0x3b2: {  	s1 =	sadd.s32 s2, s24;
	v14 =	vmul.f32 v15, v14  }
0x3b3: {  	s0 =	sadd.s32 $0x10, s1;
	s4 =	sadd.s32 $0x20, s1;
	s2 =	sadd.s32 $0x30, s1;
	v15 =	vor.u32 s1, v5  }
0x3b4: {  	s20 =	sadd.s32 $0x50, s1;
	s19 =	sadd.s32 $0x60, s1;
	vm3 =	veq.s32 v15, v11;
	vm2 =	vgt.f32 v14, $5.000000000e-01;
	v14 =	vor.u32 s2, v5;
	s2 =	sadd.s32 $0x40, s1  }
0x3b5: {  	s18 =	sadd.s32 $0x70, s1;
	vm2 =	vmor vm3, vm2  }
0x3b6: {  	v16 =	vsel vm2, $0xBF800000, v16  }
0x3b7: {  	[tilespmem:s15+$0xB940] =	vst v16  }
0x3b8: {  	v17 =	vld.idx.msk [tilespmem:v0+s15+$0xFFFFFFD0 ss:$0x1], $0xffff  }
0x3b9: {  	v18 =	vld.idx.msk [tilespmem:v2+s15+$0xFFFFFFD0 ss:$0x1], $0xffff  }
0x3ba: {  	v19 =	vld.idx.msk [tilespmem:v1+s15+$0xFFFFFFD0 ss:$0x1], $0xffff  }
0x3bb: {  	v20 =	vld.idx.msk [tilespmem:v3+s15+$0xFFFFFFD0 ss:$0x1], $0xffff;
	_ =	sdelay $0x3  }
0x3bc: {  	v17 =	vmin.f32 v17, v6;
	v21 =	vld.idx.msk [tilespmem:v4+s15+$0xFFFFFFD0 ss:$0x1], $0xffff  }
0x3bd: {  	v18 =	vmin.f32 v18, v9;
	v19 =	vmax.f32 v19, v8  }
0x3be: {  	v17 =	vsub.f32 v17, v19;
	v19 =	vmax.f32 v20, v7  }
0x3bf: {  	v18 =	vsub.f32 v18, v19;
	_ =	sdelay $0x1  }
0x3c0: {  	v17 =	vmax.f32 v17, $0.0e+00;
	v18 =	vmax.f32 v18, $0.0e+00  }
0x3c1: {  	v17 =	vmul.f32 v18, v17;
	v18 =	vadd.f32 v21, v10;
	_ =	sdelay $0x1  }
0x3c2: {  	v18 =	vsub.f32 v18, v17;
	_ =	sdelay $0x1  }
0x3c3: {  	v18 =	vadd.f32 $9.999999710e-10, v18;
	_ =	sdelay $0x1  }
0x3c4: {  	(erf) = vrcp.f32 v18;
	_ =	sdelay $0x8  }
0x3c5: {  	v18 =	vld [tilespmem:s15+$0xB950];
	v19 =	vpop (erf)  }
0x3c6: {  	v19 =	vmul.f32 v19, v17  }
0x3c7: {  	v17 =	vor.u32 s0, v5  }
0x3c8: {  	vm3 =	veq.s32 v17, v11;
	vm2 =	vgt.f32 v19, $5.000000000e-01  }
0x3c9: {  	vm2 =	vmor vm3, vm2  }
0x3ca: {  	v18 =	vsel vm2, $0xBF800000, v18  }
0x3cb: {  	[tilespmem:s15+$0xB950] =	vst v18  }
0x3cc: {  	v19 =	vld.idx.msk [tilespmem:v3+s15+$0xFFFFFFE0 ss:$0x1], $0xffff  }
0x3cd: {  	v20 =	vld.idx.msk [tilespmem:v1+s15+$0xFFFFFFE0 ss:$0x1], $0xffff  }
0x3ce: {  	v21 =	vld.idx.msk [tilespmem:v0+s15+$0xFFFFFFE0 ss:$0x1], $0xffff  }
0x3cf: {  	v22 =	vld.idx.msk [tilespmem:v2+s15+$0xFFFFFFE0 ss:$0x1], $0xffff;
	_ =	sdelay $0x3  }
0x3d0: {  	v20 =	vmax.f32 v20, v8;
	v23 =	vld.idx.msk [tilespmem:v4+s15+$0xFFFFFFE0 ss:$0x1], $0xffff  }
0x3d1: {  	v19 =	vmax.f32 v19, v7;
	v21 =	vmin.f32 v21, v6  }
0x3d2: {  	v20 =	vsub.f32 v21, v20;
	v21 =	vmin.f32 v22, v9  }
0x3d3: {  	v19 =	vsub.f32 v21, v19;
	_ =	sdelay $0x1  }
0x3d4: {  	v20 =	vmax.f32 v20, $0.0e+00;
	v19 =	vmax.f32 v19, $0.0e+00  }
0x3d5: {  	v19 =	vmul.f32 v19, v20;
	v20 =	vadd.f32 v23, v10;
	_ =	sdelay $0x1  }
0x3d6: {  	v20 =	vsub.f32 v20, v19;
	_ =	sdelay $0x1  }
0x3d7: {  	v20 =	vadd.f32 $9.999999710e-10, v20;
	_ =	sdelay $0x1  }
0x3d8: {  	(erf) = vrcp.f32 v20;
	_ =	sdelay $0x8  }
0x3d9: {  	v20 =	vld [tilespmem:s15+$0xB960];
	v21 =	vpop (erf)  }
0x3da: {  	v19 =	vmul.f32 v21, v19  }
0x3db: {  	v21 =	vor.u32 s4, v5  }
0x3dc: {  	vm3 =	veq.s32 v21, v11;
	vm2 =	vgt.f32 v19, $5.000000000e-01  }
0x3dd: {  	vm2 =	vmor vm3, vm2  }
0x3de: {  	v19 =	vsel vm2, $0xBF800000, v20  }
0x3df: {  	[tilespmem:s15+$0xB960] =	vst v19  }
0x3e0: {  	v20 =	vld.idx.msk [tilespmem:v2+s15+$0xFFFFFFF0 ss:$0x1], $0xffff  }
0x3e1: {  	v22 =	vld.idx.msk [tilespmem:v3+s15+$0xFFFFFFF0 ss:$0x1], $0xffff  }
0x3e2: {  	v23 =	vld.idx.msk [tilespmem:v0+s15+$0xFFFFFFF0 ss:$0x1], $0xffff  }
0x3e3: {  	v24 =	vld.idx.msk [tilespmem:v1+s15+$0xFFFFFFF0 ss:$0x1], $0xffff;
	_ =	sdelay $0x3  }
0x3e4: {  	v25 =	vld.idx.msk [tilespmem:v4+s15+$0xFFFFFFF0 ss:$0x1], $0xffff  }
0x3e5: {  	v20 =	vmin.f32 v20, v9;
	v22 =	vmax.f32 v22, v7;
	v23 =	vmin.f32 v23, v6  }
0x3e6: {  	v20 =	vsub.f32 v20, v22;
	v24 =	vmax.f32 v24, v8  }
0x3e7: {  	v22 =	vsub.f32 v23, v24  }
0x3e8: {  	v20 =	vmax.f32 v20, $0.0e+00  }
0x3e9: {  	v22 =	vmax.f32 v22, $0.0e+00  }
0x3ea: {  	v20 =	vmul.f32 v20, v22;
	v22 =	vadd.f32 v25, v10;
	_ =	sdelay $0x1  }
0x3eb: {  	v22 =	vsub.f32 v22, v20;
	_ =	sdelay $0x1  }
0x3ec: {  	v22 =	vadd.f32 $9.999999710e-10, v22;
	_ =	sdelay $0x1  }
0x3ed: {  	(erf) = vrcp.f32 v22;
	_ =	sdelay $0x8  }
0x3ee: {  	vm2 =	vgt.f32 v16, v12;
	v22 =	vld [tilespmem:s15+$0xB970];
	v23 =	vpop (erf)  }
0x3ef: {  	v12 =	vsel vm2, v16, v12;
	v13 =	vsel vm2, v15, v13;
	v15 =	vmul.f32 v23, v20  }
0x3f0: {  	vm2 =	vgt.f32 v18, v12  }
0x3f1: {  	vm4 =	veq.s32 v14, v11;
	v12 =	vsel vm2, v18, v12;
	vm3 =	vgt.f32 v15, $5.000000000e-01  }
0x3f2: {  	v13 =	vsel vm2, v17, v13;
	vm2 =	vgt.f32 v19, v12;
	vm3 =	vmor vm4, vm3  }
0x3f3: {  	v15 =	vsel vm2, v19, v12;
	v12 =	vsel vm2, v21, v13;
	v16 =	vsel vm3, $0xBF800000, v22  }
0x3f4: {  	[tilespmem:s15+$0xB970] =	vst v16;
	vm2 =	vgt.f32 v16, v15  }
0x3f5: {  	v13 =	vsel vm2, v14, v12;
	v12 =	vld.idx.msk [tilespmem:v3+s15+$0x0 ss:$0x1], $0xffff  }
0x3f6: {  	v14 =	vld.idx.msk [tilespmem:v0+s15+$0x0 ss:$0x1], $0xffff  }
0x3f7: {  	v17 =	vld.idx.msk [tilespmem:v1+s15+$0x0 ss:$0x1], $0xffff  }
0x3f8: {  	v18 =	vld.idx.msk [tilespmem:v2+s15+$0x0 ss:$0x1], $0xffff  }
0x3f9: {  	v19 =	vld.idx.msk [tilespmem:v4+s15+$0x0 ss:$0x1], $0xffff;
	_ =	sdelay $0x2  }
0x3fa: {  	v14 =	vmin.f32 v14, v6  }
0x3fb: {  	v17 =	vmax.f32 v17, v8  }
0x3fc: {  	v12 =	vmax.f32 v12, v7;
	v14 =	vsub.f32 v14, v17;
	v17 =	vmin.f32 v18, v9  }
0x3fd: {  	v12 =	vsub.f32 v17, v12;
	_ =	sdelay $0x1  }
0x3fe: {  	v14 =	vmax.f32 v14, $0.0e+00;
	v12 =	vmax.f32 v12, $0.0e+00  }
0x3ff: {  	v12 =	vmul.f32 v12, v14;
	v14 =	vadd.f32 v19, v10;
	_ =	sdelay $0x1  }
0x400: {  	v14 =	vsub.f32 v14, v12;
	_ =	sdelay $0x1  }
0x401: {  	v14 =	vadd.f32 $9.999999710e-10, v14;
	_ =	sdelay $0x1  }
0x402: {  	(erf) = vrcp.f32 v14;
	_ =	sdelay $0x8  }
0x403: {  	v14 =	vld [tilespmem:s15+$0xB980];
	v17 =	vpop (erf)  }
0x404: {  	v17 =	vmul.f32 v17, v12  }
0x405: {  	v12 =	vor.u32 s2, v5  }
0x406: {  	vm4 =	veq.s32 v12, v11;
	vm3 =	vgt.f32 v17, $5.000000000e-01  }
0x407: {  	vm3 =	vmor vm4, vm3  }
0x408: {  	v17 =	vsel vm3, $0xBF800000, v14  }
0x409: {  	[tilespmem:s15+$0xB980] =	vst v17  }
0x40a: {  	v14 =	vld.idx.msk [tilespmem:v1+s15+$0x10 ss:$0x1], $0xffff  }
0x40b: {  	v18 =	vld.idx.msk [tilespmem:v3+s15+$0x10 ss:$0x1], $0xffff  }
0x40c: {  	v19 =	vld.idx.msk [tilespmem:v0+s15+$0x10 ss:$0x1], $0xffff  }
0x40d: {  	v20 =	vld.idx.msk [tilespmem:v2+s15+$0x10 ss:$0x1], $0xffff  }
0x40e: {  	v21 =	vld.idx.msk [tilespmem:v4+s15+$0x10 ss:$0x1], $0xffff;
	_ =	sdelay $0x2  }
0x40f: {  	v14 =	vmax.f32 v14, v8  }
0x410: {  	v18 =	vmax.f32 v18, v7;
	v19 =	vmin.f32 v19, v6  }
0x411: {  	v14 =	vsub.f32 v19, v14;
	v19 =	vmin.f32 v20, v9  }
0x412: {  	v18 =	vsub.f32 v19, v18;
	_ =	sdelay $0x1  }
0x413: {  	v14 =	vmax.f32 v14, $0.0e+00;
	v18 =	vmax.f32 v18, $0.0e+00  }
0x414: {  	v14 =	vmul.f32 v18, v14;
	v18 =	vadd.f32 v21, v10;
	_ =	sdelay $0x1  }
0x415: {  	v18 =	vsub.f32 v18, v14;
	_ =	sdelay $0x1  }
0x416: {  	v18 =	vadd.f32 $9.999999710e-10, v18;
	_ =	sdelay $0x1  }
0x417: {  	(erf) = vrcp.f32 v18;
	_ =	sdelay $0x8  }
0x418: {  	v18 =	vld [tilespmem:s15+$0xB990];
	v19 =	vpop (erf)  }
0x419: {  	v19 =	vmul.f32 v19, v14  }
0x41a: {  	v14 =	vor.u32 s20, v5  }
0x41b: {  	v15 =	vsel vm2, v16, v15;
	vm4 =	veq.s32 v14, v11;
	vm3 =	vgt.f32 v19, $5.000000000e-01  }
0x41c: {  	vm2 =	vgt.f32 v17, v15;
	vm3 =	vmor vm4, vm3  }
0x41d: {  	v15 =	vsel vm2, v17, v15;
	v17 =	vsel vm3, $0xBF800000, v18  }
0x41e: {  	[tilespmem:s15+$0xB990] =	vst v17;
	vm3 =	vgt.f32 v17, v15  }
0x41f: {  	v16 =	vld.idx.msk [tilespmem:v1+s15+$0x20 ss:$0x1], $0xffff  }
0x420: {  	v18 =	vld.idx.msk [tilespmem:v0+s15+$0x20 ss:$0x1], $0xffff  }
0x421: {  	v19 =	vld.idx.msk [tilespmem:v3+s15+$0x20 ss:$0x1], $0xffff  }
0x422: {  	v20 =	vld.idx.msk [tilespmem:v2+s15+$0x20 ss:$0x1], $0xffff  }
0x423: {  	v21 =	vld.idx.msk [tilespmem:v4+s15+$0x20 ss:$0x1], $0xffff;
	_ =	sdelay $0x2  }
0x424: {  	v16 =	vmax.f32 v16, v8;
	v18 =	vmin.f32 v18, v6  }
0x425: {  	v16 =	vsub.f32 v18, v16;
	v18 =	vmax.f32 v19, v7  }
0x426: {  	v19 =	vmin.f32 v20, v9  }
0x427: {  	v18 =	vsub.f32 v19, v18  }
0x428: {  	v16 =	vmax.f32 v16, $0.0e+00  }
0x429: {  	v18 =	vmax.f32 v18, $0.0e+00  }
0x42a: {  	v16 =	vmul.f32 v18, v16;
	v18 =	vadd.f32 v21, v10;
	_ =	sdelay $0x1  }
0x42b: {  	v18 =	vsub.f32 v18, v16;
	_ =	sdelay $0x1  }
0x42c: {  	v18 =	vadd.f32 $9.999999710e-10, v18;
	_ =	sdelay $0x1  }
0x42d: {  	(erf) = vrcp.f32 v18;
	_ =	sdelay $0x8  }
0x42e: {  	v18 =	vld [tilespmem:s15+$0xB9A0];
	v19 =	vpop (erf)  }
0x42f: {  	v19 =	vmul.f32 v19, v16  }
0x430: {  	v16 =	vor.u32 s19, v5  }
0x431: {  	vm5 =	veq.s32 v16, v11;
	vm4 =	vgt.f32 v19, $5.000000000e-01  }
0x432: {  	vm4 =	vmor vm5, vm4  }
0x433: {  	v17 =	vsel vm3, v17, v15;
	v15 =	vsel vm4, $0xBF800000, v18  }
0x434: {  	[tilespmem:s15+$0xB9A0] =	vst v15;
	vm4 =	vgt.f32 v15, v17  }
0x435: {  	v19 =	vld.idx.msk [tilespmem:v0+s15+$0x30 ss:$0x1], $0xffff  }
0x436: {  	v20 =	vld.idx.msk [tilespmem:v3+s15+$0x30 ss:$0x1], $0xffff  }
0x437: {  	v21 =	vld.idx.msk [tilespmem:v1+s15+$0x30 ss:$0x1], $0xffff  }
0x438: {  	v22 =	vld.idx.msk [tilespmem:v2+s15+$0x30 ss:$0x1], $0xffff  }
0x439: {  	v18 =	vld.idx.msk [tilespmem:v4+s15+$0x30 ss:$0x1], $0xffff;
	_ =	sdelay $0x1  }
.Ltmp2:
0x43a: {  	(pc) =	sbr.rel @p1 .LBB2_7-.Ltmp2, $4  }
0x43b: {  	v23 =	vmax.f32 v20, v7  }
0x43c: {  	v19 =	vmin.f32 v19, v6;
	v20 =	vmax.f32 v21, v8  }
0x43d: {  	v20 =	vsub.f32 v19, v20;
	v19 =	vmin.f32 v22, v9  }
0x43e: {  	v19 =	vsub.f32 v19, v23  }
0x43f: {  	_ = 	snop  }
0x440: {  	v6 =	vmax.f32 v20, $0.0e+00;
	v7 =	vmax.f32 v19, $0.0e+00  }
0x441: {  	v8 =	vadd.f32 v18, v10;
	v6 =	vmul.f32 v7, v6;
	_ =	sdelay $0x1  }
0x442: {  	v7 =	vsub.f32 v8, v6;
	_ =	sdelay $0x1  }
0x443: {  	v7 =	vadd.f32 $9.999999710e-10, v7;
	_ =	sdelay $0x1  }
0x444: {  	(erf) = vrcp.f32 v7;
	_ =	sdelay $0x8  }
0x445: {  	v7 =	vld [tilespmem:s15+$0xB9B0];
	v8 =	vpop (erf)  }
0x446: {  	v6 =	vmul.f32 v8, v6  }
0x447: {  	v8 =	vor.u32 s18, v5  }
0x448: {  	vm5 =	veq.s32 v8, v11;
	vm6 =	vgt.f32 v6, $5.000000000e-01  }
0x449: {  	s30 =	rddreg [dreg:$0x18];
	vm5 =	vmor vm5, vm6  }
0x44a: {  	s1 =	rddreg [dreg:$0x1e];
	v6 =	vsel vm5, $0xBF800000, v7  }
0x44b: {  	s5 =	rddreg [dreg:$0x1d];
	s0 =	sand.u32 $0x70, s30;
	[tilespmem:s15+$0xB9B0] =	vst v6  }
0x44c: {  	s4 =	rddreg [dreg:$0x1c];
	s9 =	smov.u32 @p0 s1;
	v7 =	vld [tilespmem:s0+$0xBCC0]  }
0x44d: {  	s3 =	rddreg [dreg:$0x1b];
	p0 =	sge.f32 s9, $0.0e+00;
	v61 =	vld [tilespmem:s0+$0xBEC0]  }
0x44e: {  	s2 =	rddreg [dreg:$0x1a];
	s31 =	sand.u32 $0xF, s30;
	v9 =	vld [tilespmem:s0+$0xBD40]  }
0x44f: {  	s1 =	rddreg [dreg:$0x19];
	v59 =	vmov s31;
	s5 =	smov.u32 @p0 s11;
	v58 =	vld [tilespmem:s0+$0xBDC0]  }
0x450: {  	vm15 =	veq.s32 v59, v5;
	s4 =	smov.u32 @p0 s12;
	s3 =	smov.u32 @p0 s13;
	s15 =	sadd.s32 $0x1, s30;
	v60 =	vld [tilespmem:s0+$0xBE40]  }
0x451: {  	s2 =	smov.u32 @p0 s14;
	s1 =	smov.u32 @p0 s9;
	p0 =	sne.s32 s15, $0x64;
	v7 =	vsel vm15, s5, v7  }
.Ltmp3:
0x452: {  	v11 =	vsel vm15, s1, v61;
	[tilespmem:s0+$0xBCC0] =	vst v7;
	(pc) =	sbr.rel @p0 .LBB2_6-.Ltmp3, $4  }
0x453: {  	v62 =	vsel vm2, v12, v13;
	v7 =	vsel vm15, s4, v9;
	[tilespmem:s0+$0xBEC0] =	vst v11  }
0x454: {  	v63 =	vsel vm4, v15, v17;
	v9 =	vsel vm3, v14, v62;
	[tilespmem:s0+$0xBD40] =	vst v7;
	v7 =	vsel vm15, s3, v58  }
0x455: {  	vm2 =	vgt.f32 v6, v63;
	v9 =	vsel vm4, v16, v9;
	[tilespmem:s0+$0xBDC0] =	vst v7;
	v7 =	vsel vm15, s2, v60  }
0x456: {  	[tilespmem:s0+$0xBE40] =	vst v7;
	v7 =	vsel vm2, v6, v63;
	v6 =	vsel vm2, v8, v9  }
0x457: {  	s0 =	rddreg [dreg:$0x3]  }
0x458: {  	p0 =	sne.s32 s0, $0x0  }
0x459: {  	s2 =	rddreg [dreg:$0xe];
	s0 =	simm.s32 @!p0 $0x0;
	s1 =	simm.s32 @!p0 $0xBCC0  }
0x45a: {  	[hbm4b:s2+s0] =	stream.linear.scatter @!p0 [tilespmem:s1], [sflag:$0x1], $0x80, $0x38;
	[tilespmem:$0xBF40] =	vst v63  }
0x45b: {  	s1 =	simm.s32 @!p0 $0x1  }
0x45c: {  	_ =	swait.ge @!p0 [sflag:s1], $0x80  }
0x45d: {  	[sflag:s1] =	ssyncset.done @!p0 $0x0  }
0x45e: {  	s2 =	simm.s32 @!p0 $0xBD40;
	s3 =	rddreg [dreg:$0xf];
	[sflag:s1] =	ssyncadd.s32 @!p0 $0xFFFFFF80  }
0x45f: {  	[hbm4b:s3+s0] =	stream.linear.scatter @!p0 [tilespmem:s2], [sflag:$0x1], $0x80, $0x38;
	[tilespmem:$0xBF40] =	vst v63  }
0x460: {  	_ =	swait.ge @!p0 [sflag:s1], $0x80  }
0x461: {  	[sflag:s1] =	ssyncset.done @!p0 $0x0  }
0x462: {  	s2 =	simm.s32 @!p0 $0xBDC0;
	s3 =	rddreg [dreg:$0x10];
	[sflag:s1] =	ssyncadd.s32 @!p0 $0xFFFFFF80  }
0x463: {  	[hbm4b:s3+s0] =	stream.linear.scatter @!p0 [tilespmem:s2], [sflag:$0x1], $0x80, $0x38;
	[tilespmem:$0xBF40] =	vst v63  }
0x464: {  	_ =	swait.ge @!p0 [sflag:s1], $0x80  }
0x465: {  	[sflag:s1] =	ssyncset.done @!p0 $0x0  }
0x466: {  	s2 =	simm.s32 @!p0 $0xBE40;
	s3 =	rddreg [dreg:$0x11];
	[sflag:s1] =	ssyncadd.s32 @!p0 $0xFFFFFF80  }
0x467: {  	[hbm4b:s3+s0] =	stream.linear.scatter @!p0 [tilespmem:s2], [sflag:$0x1], $0x80, $0x38;
	[tilespmem:$0xBF40] =	vst v63  }
0x468: {  	_ =	swait.ge @!p0 [sflag:s1], $0x80  }
0x469: {  	[sflag:s1] =	ssyncset.done @!p0 $0x0  }
0x46a: {  	s2 =	simm.s32 @!p0 $0xBEC0;
	s3 =	rddreg [dreg:$0x12];
	[sflag:s1] =	ssyncadd.s32 @!p0 $0xFFFFFF80  }
0x46b: {  	[hbm4b:s3+s0] =	stream.linear.scatter @!p0 [tilespmem:s2], [sflag:$0x1], $0x80, $0x38;
	[tilespmem:$0xBF40] =	vst v63  }
0x46c: {  	_ =	swait.ge @!p0 [sflag:s1], $0x80  }
0x46d: {  	s30 =	rddreg [dreg:$0x17]  }
0x46e: {  	s31 =	rddreg [dreg:$0x13];
	s2 =	sadd.s32 $0x1, s30  }
0x46f: {  	p1 =	sne.s32 s2, s31  }
.Ltmp4:
0x470: {  	_ = 	snop;
	(pc) =	sbr.rel @p1 .LBB2_1-.Ltmp4, $3  }
0x471: {  	_ =	sdelay $0x1  }
0x472: {  	[sflag:s1] =	ssyncset.done @!p0 $0x0  }
0x473: {  	[sflag:s1] =	ssyncadd.s32 @!p0 $0xFFFFFF80  }
0x474: {  	_ =	sfence.sel $0x180000  }
0x475: {  	[bflag:$0x0] =	sbarrier.arrive $0xFFFF  }
0x476: {  	_ =	strace $0x90000047  }
0x477: {  	s0 =	stileid.u32;
	[bflag:$0x2] =	sbarrier.arrive $0xFFFF  }
0x478: {  	p0 =	sne.s32 s0, $0x0;
	s0 =	rddreg [dreg:$0x2]  }
0x479: {  	s0 =	sadd.s32 @!p0 $0x100000, s0  }
0x47a: {  	[sflag:s0] =	ssyncadd.tile.s32 @!p0 $0x1;
	_ =	shalt  }
.Lfunc_end2:
_tile_overlayer_lowered:
.L_overlay_start_2:
0x47b: {  	(tag) =	ssettag $0x2  }
0x47c: {  	s0 =	rddreg [dreg:$0x0];
	s2 =	stileid.u32  }
0x47d: {  	s1 =	rddreg [dreg:$0x1];
	p0 =	sne.s32 s2, $0x0  }
0x47e: {  	s3 =	rddreg [dreg:$0x2];
	[bflag:$0x3] =	sbarrier.arrive $0xFFFF;
	s2 =	simm.s32 @!p0 $0x1C01  }
0x47f: {  	[timem:s3], [sflag:s2] =	dma.local @!p0 [hbm:s0], s1  }
0x480: {  	s0 =	simm.s32 @!p0 $0x1  }
0x481: {  	_ =	swait.ge @!p0 [sflag:s0], s1  }
0x482: {  	s1 =	ssub.s32 @!p0 $0x0, s1;
	[sflag:s0] =	ssyncset.done @!p0 $0x0  }
0x483: {  	[sflag:s0] =	ssyncadd.s32 @!p0 s1  }
0x484: {  	[bflag:$0x3] =	sbarrier.arrive $0xFFFF  }
0x485: {  	_ =	shalt  }

</sc_bundles>
